<compile_context>
chip_gen: v7x
topology: tpu7x:2x2x1
jax: 0.10.2.dev20260603
libtpu: 0.0.44.dev20260713+nightly
codegen_flags: <defaults>
</compile_context>

<pallas_src>
import functools

import jax
import jax.numpy as jnp
from jax import lax
from jax.experimental import pallas as pl
from jax.experimental.pallas import tpu as pltpu
from jax.experimental.pallas import tpu_sc as plsc

B, L, F, D = 4096, 50, 5, 64
N = B * L

NC, NS = 2, 16
NW = NC * NS
RPW = N // NW
CH = 640
NB = RPW // CH


def _emb(idxT, t0, t1, t2, t3, t4):
    mesh = plsc.VectorSubcoreMesh(core_axis_name="c", subcore_axis_name="s")

    @functools.partial(
        pl.kernel,
        out_type=jax.ShapeDtypeStruct((N, F, D), jnp.float32),
        mesh=mesh,
        scratch_types=[
            pltpu.VMEM((F * RPW,), jnp.int32),
            pltpu.VMEM((CH, 1, D), jnp.float32),
            pltpu.VMEM((CH, 1, D), jnp.float32),
            pltpu.SemaphoreType.DMA,
            pltpu.SemaphoreType.DMA,
            pltpu.SemaphoreType.DMA,
            pltpu.SemaphoreType.DMA,
        ],
        compiler_params=pltpu.CompilerParams(use_tc_tiling_on_sc=False),
    )
    def body(idx_hbm, T0, T1, T2, T3, T4, out_hbm,
             idx_all, rows0, rows1, gs0, gs1, ss0, ss1):
        tables = [T0, T1, T2, T3, T4]
        bufs, gsem, ssem = [rows0, rows1], [gs0, gs1], [ss0, ss1]
        wid = lax.axis_index("s") * NC + lax.axis_index("c")
        wbase = pl.multiple_of(wid * RPW, 8)

        for f in range(F):
            pltpu.sync_copy(idx_hbm.at[pl.ds(f * N + wbase, RPW)],
                            idx_all.at[pl.ds(f * RPW, RPW)])

        T = F * NB
        gath, scat = [None, None], [None, None]

        def start_gather(t):
            f, i, b = t // NB, t % NB, t % 2
            idx = idx_all.at[pl.ds((f * NB + i) * CH, CH)]
            gath[b] = pltpu.async_copy(tables[f].at[idx], bufs[b].at[:, 0],
                                       gsem[b])

        def start_scatter(t):
            f, i, b = t // NB, t % NB, t % 2
            n0 = pl.multiple_of(wbase + i * CH, 8)
            scat[b] = pltpu.async_copy(
                bufs[b], out_hbm.at[pl.ds(n0, CH), pl.ds(f, 1)], ssem[b])

        start_gather(0)
        for t in range(T):
            b, nb = t % 2, (t + 1) % 2
            if t + 1 < T:
                if scat[nb] is not None:
                    scat[nb].wait()
                start_gather(t + 1)
            gath[b].wait()
            start_scatter(t)
        scat[0].wait()
        scat[1].wait()

    return body(idxT, t0, t1, t2, t3, t4)


def kernel(input, T0, T1, T2, T3, T4):
    idxT = jnp.transpose(input, (2, 1, 0)).reshape(-1)
    out = _emb(idxT, T0, T1, T2, T3, T4)
    return jnp.transpose(out.reshape(L, B, F, D), (1, 0, 2, 3))

# --- scband reference (transcript-rebuilt; emitter-appended) ---
"""Pipeline reference for scband-categorical-embedding-3564822856099 (READ-ONLY COPY).

The authoritative reference and input builder live on the scoring server;
editing this copy changes nothing except your own understanding.
"""

import jax, jax.numpy as jnp
import numpy as np

B, L, F, D = 4096, 50, 5, 64
VOCAB = 100000

def setup_inputs(seed: int = 0) -> dict:
    key = jax.random.key(seed)
    ks = jax.random.split(key, F + 1)
    inp = jax.random.randint(ks[0], (B, L, F), 0, VOCAB, dtype=jnp.int32)
    d = {"input": inp}
    for i in range(F):
        d[f"T{i}"] = 0.02 * jax.random.normal(ks[i + 1], (VOCAB, D), dtype=jnp.float32)
    return d

def reference(input, T0, T1, T2, T3, T4):
    tables = [T0, T1, T2, T3, T4]
    categorical_output = []
    for idx in range(F):
        # emb(input[:, :, idx:idx+1]) -> [B, L, 1, D]
        out = jnp.take(tables[idx], input[:, :, idx:idx + 1], axis=0)
        categorical_output.append(out)
    return jnp.concatenate(categorical_output, axis=2)

if __name__ == "__main__":
    import jax
    _d = setup_inputs()
    print(jax.jit(kernel)(*tuple(_d.values())))

</pallas_src>

<mosaic_0001>
#map = affine_map<(d0, d1) -> (0)>
#map1 = affine_map<(d0, d1) -> (0, 0)>
#map2 = affine_map<(d0, d1) -> (0, 0, 0)>
module attributes {stable_mosaic.version = 14 : i64} {
  func.func @body(%arg0: i32, %arg1: i32, %arg2: memref<1024000xi32, #tpu.memory_space<hbm>>, %arg3: memref<100000x64xf32, #tpu.memory_space<hbm>>, %arg4: memref<100000x64xf32, #tpu.memory_space<hbm>>, %arg5: memref<100000x64xf32, #tpu.memory_space<hbm>>, %arg6: memref<100000x64xf32, #tpu.memory_space<hbm>>, %arg7: memref<100000x64xf32, #tpu.memory_space<hbm>>, %arg8: memref<204800x5x64xf32, #tpu.memory_space<hbm>>, %arg9: memref<32000xi32, #tpu.memory_space<vmem>>, %arg10: memref<640x1x64xf32, #tpu.memory_space<vmem>>, %arg11: memref<640x1x64xf32, #tpu.memory_space<vmem>>, %arg12: memref<!tpu.dma_semaphore, #tpu.memory_space<semaphore_mem>>, %arg13: memref<!tpu.dma_semaphore, #tpu.memory_space<semaphore_mem>>, %arg14: memref<!tpu.dma_semaphore, #tpu.memory_space<semaphore_mem>>, %arg15: memref<!tpu.dma_semaphore, #tpu.memory_space<semaphore_mem>>) attributes {dimension_semantics = [#tpu.dimension_semantics<core_parallel>, #tpu.dimension_semantics<subcore_parallel>], iteration_bounds = array<i64: 2, 16>, scalar_prefetch = 0 : i64, scratch_operands = 7 : i64, tpu.core_type = #tpu.core_type<sc_vector_subcore>, window_params = [{transform_indices = #map}, {transform_indices = #map1}, {transform_indices = #map1}, {transform_indices = #map1}, {transform_indices = #map1}, {transform_indices = #map1}, {transform_indices = #map2}]} {
    %mul3A = arith.constant 2 : i32
    %mul3A_0 = arith.muli %arg1, %mul3A : i32
    %add3A = arith.addi %mul3A_0, %arg0 : i32
    %mul3A_1 = arith.constant 6400 : i32
    %mul3A_2 = arith.muli %add3A, %mul3A_1 : i32
    %multiple_of3A = tpu.assume_multiple %mul3A_2, 8 : i32
    %add3A_3 = arith.constant 0 : i32
    %add3A_4 = arith.addi %add3A_3, %multiple_of3A : i32
    "tpu.region"() ({
      %run_scoped3A = tpu.sem_alloc : memref<!tpu.dma_semaphore, #tpu.memory_space<semaphore_mem>>
      %dma_start3A_1761 = arith.constant 0 : i32
      %dma_start3A_1762 = tpu.memref_slice %arg9[%dma_start3A_1761] : memref<32000xi32, #tpu.memory_space<vmem>> -> memref<6400xi32, #tpu.memory_space<vmem>>
      %dma_start3A_1763 = tpu.memref_slice %arg2[%add3A_4] : memref<1024000xi32, #tpu.memory_space<hbm>> -> memref<6400xi32, #tpu.memory_space<hbm>>
      %dma_start3A_1764 = arith.constant 0 : i32
      %dma_start3A_1765 = tpu.memref_slice %arg9[%dma_start3A_1764] : memref<32000xi32, #tpu.memory_space<vmem>> -> memref<6400xi32, #tpu.memory_space<vmem>>
      %dma_start3A_1766 = tpu.memref_slice %arg2[%add3A_4] : memref<1024000xi32, #tpu.memory_space<hbm>> -> memref<6400xi32, #tpu.memory_space<hbm>>
      tpu.enqueue_dma source(%dma_start3A_1766 : memref<6400xi32, #tpu.memory_space<hbm>>) target(%dma_start3A_1765 : memref<6400xi32, #tpu.memory_space<vmem>>) target_semaphore(%run_scoped3A : memref<!tpu.dma_semaphore, #tpu.memory_space<semaphore_mem>>)
      %dma_wait3A_1767 = arith.constant 0 : i32
      %dma_wait3A_1768 = tpu.memref_slice %arg9[%dma_wait3A_1767] : memref<32000xi32, #tpu.memory_space<vmem>> -> memref<6400xi32, #tpu.memory_space<vmem>>
      %dma_wait3A_1769 = tpu.memref_slice %arg2[%add3A_4] : memref<1024000xi32, #tpu.memory_space<hbm>> -> memref<6400xi32, #tpu.memory_space<hbm>>
      %dma_wait3A_1770 = arith.constant 0 : i32
      %dma_wait3A_1771 = tpu.memref_slice %arg9[%dma_wait3A_1770] : memref<32000xi32, #tpu.memory_space<vmem>> -> memref<6400xi32, #tpu.memory_space<vmem>>
      %dma_wait3A_1772 = tpu.memref_slice %arg2[%add3A_4] : memref<1024000xi32, #tpu.memory_space<hbm>> -> memref<6400xi32, #tpu.memory_space<hbm>>
      tpu.wait_dma2 semaphore(%run_scoped3A : memref<!tpu.dma_semaphore, #tpu.memory_space<semaphore_mem>>) src(%dma_wait3A_1772 : memref<6400xi32, #tpu.memory_space<hbm>>) dst(%dma_wait3A_1771 : memref<6400xi32, #tpu.memory_space<vmem>>)
      tpu.yield
    }) : () -> ()
    %add3A_5 = arith.constant 204800 : i32
    %add3A_6 = arith.addi %add3A_5, %multiple_of3A : i32
    "tpu.region"() ({
      %run_scoped3A = tpu.sem_alloc : memref<!tpu.dma_semaphore, #tpu.memory_space<semaphore_mem>>
      %dma_start3A_1761 = arith.constant 6400 : i32
      %dma_start3A_1762 = tpu.memref_slice %arg9[%dma_start3A_1761] : memref<32000xi32, #tpu.memory_space<vmem>> -> memref<6400xi32, #tpu.memory_space<vmem>>
      %dma_start3A_1763 = tpu.memref_slice %arg2[%add3A_6] : memref<1024000xi32, #tpu.memory_space<hbm>> -> memref<6400xi32, #tpu.memory_space<hbm>>
      %dma_start3A_1764 = arith.constant 6400 : i32
      %dma_start3A_1765 = tpu.memref_slice %arg9[%dma_start3A_1764] : memref<32000xi32, #tpu.memory_space<vmem>> -> memref<6400xi32, #tpu.memory_space<vmem>>
      %dma_start3A_1766 = tpu.memref_slice %arg2[%add3A_6] : memref<1024000xi32, #tpu.memory_space<hbm>> -> memref<6400xi32, #tpu.memory_space<hbm>>
      tpu.enqueue_dma source(%dma_start3A_1766 : memref<6400xi32, #tpu.memory_space<hbm>>) target(%dma_start3A_1765 : memref<6400xi32, #tpu.memory_space<vmem>>) target_semaphore(%run_scoped3A : memref<!tpu.dma_semaphore, #tpu.memory_space<semaphore_mem>>)
      %dma_wait3A_1767 = arith.constant 6400 : i32
      %dma_wait3A_1768 = tpu.memref_slice %arg9[%dma_wait3A_1767] : memref<32000xi32, #tpu.memory_space<vmem>> -> memref<6400xi32, #tpu.memory_space<vmem>>
      %dma_wait3A_1769 = tpu.memref_slice %arg2[%add3A_6] : memref<1024000xi32, #tpu.memory_space<hbm>> -> memref<6400xi32, #tpu.memory_space<hbm>>
      %dma_wait3A_1770 = arith.constant 6400 : i32
      %dma_wait3A_1771 = tpu.memref_slice %arg9[%dma_wait3A_1770] : memref<32000xi32, #tpu.memory_space<vmem>> -> memref<6400xi32, #tpu.memory_space<vmem>>
      %dma_wait3A_1772 = tpu.memref_slice %arg2[%add3A_6] : memref<1024000xi32, #tpu.memory_space<hbm>> -> memref<6400xi32, #tpu.memory_space<hbm>>
      tpu.wait_dma2 semaphore(%run_scoped3A : memref<!tpu.dma_semaphore, #tpu.memory_space<semaphore_mem>>) src(%dma_wait3A_1772 : memref<6400xi32, #tpu.memory_space<hbm>>) dst(%dma_wait3A_1771 : memref<6400xi32, #tpu.memory_space<vmem>>)
      tpu.yield
    }) : () -> ()
    %add3A_7 = arith.constant 409600 : i32
    %add3A_8 = arith.addi %add3A_7, %multiple_of3A : i32
    "tpu.region"() ({
      %run_scoped3A = tpu.sem_alloc : memref<!tpu.dma_semaphore, #tpu.memory_space<semaphore_mem>>
      %dma_start3A_1761 = arith.constant 12800 : i32
      %dma_start3A_1762 = tpu.memref_slice %arg9[%dma_start3A_1761] : memref<32000xi32, #tpu.memory_space<vmem>> -> memref<6400xi32, #tpu.memory_space<vmem>>
      %dma_start3A_1763 = tpu.memref_slice %arg2[%add3A_8] : memref<1024000xi32, #tpu.memory_space<hbm>> -> memref<6400xi32, #tpu.memory_space<hbm>>
      %dma_start3A_1764 = arith.constant 12800 : i32
      %dma_start3A_1765 = tpu.memref_slice %arg9[%dma_start3A_1764] : memref<32000xi32, #tpu.memory_space<vmem>> -> memref<6400xi32, #tpu.memory_space<vmem>>
      %dma_start3A_1766 = tpu.memref_slice %arg2[%add3A_8] : memref<1024000xi32, #tpu.memory_space<hbm>> -> memref<6400xi32, #tpu.memory_space<hbm>>
      tpu.enqueue_dma source(%dma_start3A_1766 : memref<6400xi32, #tpu.memory_space<hbm>>) target(%dma_start3A_1765 : memref<6400xi32, #tpu.memory_space<vmem>>) target_semaphore(%run_scoped3A : memref<!tpu.dma_semaphore, #tpu.memory_space<semaphore_mem>>)
      %dma_wait3A_1767 = arith.constant 12800 : i32
      %dma_wait3A_1768 = tpu.memref_slice %arg9[%dma_wait3A_1767] : memref<32000xi32, #tpu.memory_space<vmem>> -> memref<6400xi32, #tpu.memory_space<vmem>>
      %dma_wait3A_1769 = tpu.memref_slice %arg2[%add3A_8] : memref<1024000xi32, #tpu.memory_space<hbm>> -> memref<6400xi32, #tpu.memory_space<hbm>>
      %dma_wait3A_1770 = arith.constant 12800 : i32
      %dma_wait3A_1771 = tpu.memref_slice %arg9[%dma_wait3A_1770] : memref<32000xi32, #tpu.memory_space<vmem>> -> memref<6400xi32, #tpu.memory_space<vmem>>
      %dma_wait3A_1772 = tpu.memref_slice %arg2[%add3A_8] : memref<1024000xi32, #tpu.memory_space<hbm>> -> memref<6400xi32, #tpu.memory_space<hbm>>
      tpu.wait_dma2 semaphore(%run_scoped3A : memref<!tpu.dma_semaphore, #tpu.memory_space<semaphore_mem>>) src(%dma_wait3A_1772 : memref<6400xi32, #tpu.memory_space<hbm>>) dst(%dma_wait3A_1771 : memref<6400xi32, #tpu.memory_space<vmem>>)
      tpu.yield
    }) : () -> ()
    %add3A_9 = arith.constant 614400 : i32
    %add3A_10 = arith.addi %add3A_9, %multiple_of3A : i32
    "tpu.region"() ({
      %run_scoped3A = tpu.sem_alloc : memref<!tpu.dma_semaphore, #tpu.memory_space<semaphore_mem>>
      %dma_start3A_1761 = arith.constant 19200 : i32
      %dma_start3A_1762 = tpu.memref_slice %arg9[%dma_start3A_1761] : memref<32000xi32, #tpu.memory_space<vmem>> -> memref<6400xi32, #tpu.memory_space<vmem>>
      %dma_start3A_1763 = tpu.memref_slice %arg2[%add3A_10] : memref<1024000xi32, #tpu.memory_space<hbm>> -> memref<6400xi32, #tpu.memory_space<hbm>>
      %dma_start3A_1764 = arith.constant 19200 : i32
      %dma_start3A_1765 = tpu.memref_slice %arg9[%dma_start3A_1764] : memref<32000xi32, #tpu.memory_space<vmem>> -> memref<6400xi32, #tpu.memory_space<vmem>>
      %dma_start3A_1766 = tpu.memref_slice %arg2[%add3A_10] : memref<1024000xi32, #tpu.memory_space<hbm>> -> memref<6400xi32, #tpu.memory_space<hbm>>
      tpu.enqueue_dma source(%dma_start3A_1766 : memref<6400xi32, #tpu.memory_space<hbm>>) target(%dma_start3A_1765 : memref<6400xi32, #tpu.memory_space<vmem>>) target_semaphore(%run_scoped3A : memref<!tpu.dma_semaphore, #tpu.memory_space<semaphore_mem>>)
      %dma_wait3A_1767 = arith.constant 19200 : i32
      %dma_wait3A_1768 = tpu.memref_slice %arg9[%dma_wait3A_1767] : memref<32000xi32, #tpu.memory_space<vmem>> -> memref<6400xi32, #tpu.memory_space<vmem>>
      %dma_wait3A_1769 = tpu.memref_slice %arg2[%add3A_10] : memref<1024000xi32, #tpu.memory_space<hbm>> -> memref<6400xi32, #tpu.memory_space<hbm>>
      %dma_wait3A_1770 = arith.constant 19200 : i32
      %dma_wait3A_1771 = tpu.memref_slice %arg9[%dma_wait3A_1770] : memref<32000xi32, #tpu.memory_space<vmem>> -> memref<6400xi32, #tpu.memory_space<vmem>>
      %dma_wait3A_1772 = tpu.memref_slice %arg2[%add3A_10] : memref<1024000xi32, #tpu.memory_space<hbm>> -> memref<6400xi32, #tpu.memory_space<hbm>>
      tpu.wait_dma2 semaphore(%run_scoped3A : memref<!tpu.dma_semaphore, #tpu.memory_space<semaphore_mem>>) src(%dma_wait3A_1772 : memref<6400xi32, #tpu.memory_space<hbm>>) dst(%dma_wait3A_1771 : memref<6400xi32, #tpu.memory_space<vmem>>)
      tpu.yield
    }) : () -> ()
    %add3A_11 = arith.constant 819200 : i32
    %add3A_12 = arith.addi %add3A_11, %multiple_of3A : i32
    "tpu.region"() ({
      %run_scoped3A = tpu.sem_alloc : memref<!tpu.dma_semaphore, #tpu.memory_space<semaphore_mem>>
      %dma_start3A_1761 = arith.constant 25600 : i32
      %dma_start3A_1762 = tpu.memref_slice %arg9[%dma_start3A_1761] : memref<32000xi32, #tpu.memory_space<vmem>> -> memref<6400xi32, #tpu.memory_space<vmem>>
      %dma_start3A_1763 = tpu.memref_slice %arg2[%add3A_12] : memref<1024000xi32, #tpu.memory_space<hbm>> -> memref<6400xi32, #tpu.memory_space<hbm>>
      %dma_start3A_1764 = arith.constant 25600 : i32
      %dma_start3A_1765 = tpu.memref_slice %arg9[%dma_start3A_1764] : memref<32000xi32, #tpu.memory_space<vmem>> -> memref<6400xi32, #tpu.memory_space<vmem>>
      %dma_start3A_1766 = tpu.memref_slice %arg2[%add3A_12] : memref<1024000xi32, #tpu.memory_space<hbm>> -> memref<6400xi32, #tpu.memory_space<hbm>>
      tpu.enqueue_dma source(%dma_start3A_1766 : memref<6400xi32, #tpu.memory_space<hbm>>) target(%dma_start3A_1765 : memref<6400xi32, #tpu.memory_space<vmem>>) target_semaphore(%run_scoped3A : memref<!tpu.dma_semaphore, #tpu.memory_space<semaphore_mem>>)
      %dma_wait3A_1767 = arith.constant 25600 : i32
      %dma_wait3A_1768 = tpu.memref_slice %arg9[%dma_wait3A_1767] : memref<32000xi32, #tpu.memory_space<vmem>> -> memref<6400xi32, #tpu.memory_space<vmem>>
      %dma_wait3A_1769 = tpu.memref_slice %arg2[%add3A_12] : memref<1024000xi32, #tpu.memory_space<hbm>> -> memref<6400xi32, #tpu.memory_space<hbm>>
      %dma_wait3A_1770 = arith.constant 25600 : i32
      %dma_wait3A_1771 = tpu.memref_slice %arg9[%dma_wait3A_1770] : memref<32000xi32, #tpu.memory_space<vmem>> -> memref<6400xi32, #tpu.memory_space<vmem>>
      %dma_wait3A_1772 = tpu.memref_slice %arg2[%add3A_12] : memref<1024000xi32, #tpu.memory_space<hbm>> -> memref<6400xi32, #tpu.memory_space<hbm>>
      tpu.wait_dma2 semaphore(%run_scoped3A : memref<!tpu.dma_semaphore, #tpu.memory_space<semaphore_mem>>) src(%dma_wait3A_1772 : memref<6400xi32, #tpu.memory_space<hbm>>) dst(%dma_wait3A_1771 : memref<6400xi32, #tpu.memory_space<vmem>>)
      tpu.yield
    }) : () -> ()
    %dma_start3A = arith.constant 0 : i32
    %dma_start3A_13 = arith.constant 0 : i32
    %dma_start3A_14 = arith.constant 0 : i32
    %dma_start3A_15 = tpu.memref_slice %arg10[%dma_start3A_13, %dma_start3A, %dma_start3A_14] : memref<640x1x64xf32, #tpu.memory_space<vmem>> -> memref<640x1x64xf32, #tpu.memory_space<vmem>>
    %dma_start3A_16 = tpu.memref_squeeze %dma_start3A_15 : memref<640x1x64xf32, #tpu.memory_space<vmem>> -> memref<640x64xf32, #tpu.memory_space<vmem>>
    %dma_start3A_17 = arith.constant 0 : i32
    %dma_start3A_18 = tpu.memref_slice %arg9[%dma_start3A_17] : memref<32000xi32, #tpu.memory_space<vmem>> -> memref<640xi32, #tpu.memory_space<vmem>>
    %dma_start3A_19 = arith.constant 0 : i32
    %dma_start3A_20 = arith.constant 0 : i32
    %dma_start3A_21 = tpu.memref_slice %arg3[%dma_start3A_19, %dma_start3A_20] : memref<100000x64xf32, #tpu.memory_space<hbm>> -> memref<100000x64xf32, #tpu.memory_space<hbm>>
    tpu.enqueue_indirect_dma source(%dma_start3A_21 : memref<100000x64xf32, #tpu.memory_space<hbm>>) target(%dma_start3A_16 : memref<640x64xf32, #tpu.memory_space<vmem>>) offsets(%dma_start3A_18 : memref<640xi32, #tpu.memory_space<vmem>>) semaphore(%arg12 : memref<!tpu.dma_semaphore, #tpu.memory_space<semaphore_mem>>)
    %dma_start3A_22 = arith.constant 0 : i32
    %dma_start3A_23 = arith.constant 0 : i32
    %dma_start3A_24 = arith.constant 0 : i32
    %dma_start3A_25 = tpu.memref_slice %arg11[%dma_start3A_23, %dma_start3A_22, %dma_start3A_24] : memref<640x1x64xf32, #tpu.memory_space<vmem>> -> memref<640x1x64xf32, #tpu.memory_space<vmem>>
    %dma_start3A_26 = tpu.memref_squeeze %dma_start3A_25 : memref<640x1x64xf32, #tpu.memory_space<vmem>> -> memref<640x64xf32, #tpu.memory_space<vmem>>
    %dma_start3A_27 = arith.constant 640 : i32
    %dma_start3A_28 = tpu.memref_slice %arg9[%dma_start3A_27] : memref<32000xi32, #tpu.memory_space<vmem>> -> memref<640xi32, #tpu.memory_space<vmem>>
    %dma_start3A_29 = arith.constant 0 : i32
    %dma_start3A_30 = arith.constant 0 : i32
    %dma_start3A_31 = tpu.memref_slice %arg3[%dma_start3A_29, %dma_start3A_30] : memref<100000x64xf32, #tpu.memory_space<hbm>> -> memref<100000x64xf32, #tpu.memory_space<hbm>>
    tpu.enqueue_indirect_dma source(%dma_start3A_31 : memref<100000x64xf32, #tpu.memory_space<hbm>>) target(%dma_start3A_26 : memref<640x64xf32, #tpu.memory_space<vmem>>) offsets(%dma_start3A_28 : memref<640xi32, #tpu.memory_space<vmem>>) semaphore(%arg13 : memref<!tpu.dma_semaphore, #tpu.memory_space<semaphore_mem>>)
    %dma_wait3A = arith.constant 0 : i32
    %dma_wait3A_32 = arith.constant 0 : i32
    %dma_wait3A_33 = arith.constant 0 : i32
    %dma_wait3A_34 = tpu.memref_slice %arg10[%dma_wait3A_32, %dma_wait3A, %dma_wait3A_33] : memref<640x1x64xf32, #tpu.memory_space<vmem>> -> memref<640x1x64xf32, #tpu.memory_space<vmem>>
    %dma_wait3A_35 = tpu.memref_squeeze %dma_wait3A_34 : memref<640x1x64xf32, #tpu.memory_space<vmem>> -> memref<640x64xf32, #tpu.memory_space<vmem>>
    %dma_wait3A_36 = arith.constant 0 : i32
    %dma_wait3A_37 = tpu.memref_slice %arg9[%dma_wait3A_36] : memref<32000xi32, #tpu.memory_space<vmem>> -> memref<640xi32, #tpu.memory_space<vmem>>
    %dma_wait3A_38 = arith.constant 0 : i32
    %dma_wait3A_39 = arith.constant 0 : i32
    %dma_wait3A_40 = tpu.memref_slice %arg3[%dma_wait3A_38, %dma_wait3A_39] : memref<100000x64xf32, #tpu.memory_space<hbm>> -> memref<100000x64xf32, #tpu.memory_space<hbm>>
    tpu.wait_indirect_dma semaphore(%arg12 : memref<!tpu.dma_semaphore, #tpu.memory_space<semaphore_mem>>) src(%dma_wait3A_40 : memref<100000x64xf32, #tpu.memory_space<hbm>>) dst(%dma_wait3A_35 : memref<640x64xf32, #tpu.memory_space<vmem>>)
    %add3A_41 = arith.constant 0 : i32
    %add3A_42 = arith.addi %multiple_of3A, %add3A_41 : i32
    %multiple_of3A_43 = tpu.assume_multiple %add3A_42, 8 : i32
    %dma_start3A_44 = arith.constant 0 : i32
    %dma_start3A_45 = arith.constant 0 : i32
    %dma_start3A_46 = tpu.memref_slice %arg8[%multiple_of3A_43, %dma_start3A_44, %dma_start3A_45] : memref<204800x5x64xf32, #tpu.memory_space<hbm>> -> memref<640x1x64xf32, #tpu.memory_space<hbm>>
    %dma_start3A_47 = arith.constant 0 : i32
    %dma_start3A_48 = arith.constant 0 : i32
    %dma_start3A_49 = tpu.memref_slice %arg8[%multiple_of3A_43, %dma_start3A_47, %dma_start3A_48] : memref<204800x5x64xf32, #tpu.memory_space<hbm>> -> memref<640x1x64xf32, #tpu.memory_space<hbm>>
    tpu.enqueue_dma source(%arg10 : memref<640x1x64xf32, #tpu.memory_space<vmem>>) target(%dma_start3A_49 : memref<640x1x64xf32, #tpu.memory_space<hbm>>) target_semaphore(%arg14 : memref<!tpu.dma_semaphore, #tpu.memory_space<semaphore_mem>>)
    %dma_wait3A_50 = arith.constant 0 : i32
    %dma_wait3A_51 = arith.constant 0 : i32
    %dma_wait3A_52 = tpu.memref_slice %arg8[%multiple_of3A_43, %dma_wait3A_50, %dma_wait3A_51] : memref<204800x5x64xf32, #tpu.memory_space<hbm>> -> memref<640x1x64xf32, #tpu.memory_space<hbm>>
    %dma_wait3A_53 = arith.constant 0 : i32
    %dma_wait3A_54 = arith.constant 0 : i32
    %dma_wait3A_55 = tpu.memref_slice %arg8[%multiple_of3A_43, %dma_wait3A_53, %dma_wait3A_54] : memref<204800x5x64xf32, #tpu.memory_space<hbm>> -> memref<640x1x64xf32, #tpu.memory_space<hbm>>
    tpu.wait_dma2 semaphore(%arg14 : memref<!tpu.dma_semaphore, #tpu.memory_space<semaphore_mem>>) src(%arg10 : memref<640x1x64xf32, #tpu.memory_space<vmem>>) dst(%dma_wait3A_55 : memref<640x1x64xf32, #tpu.memory_space<hbm>>)
    %dma_start3A_56 = arith.constant 0 : i32
    %dma_start3A_57 = arith.constant 0 : i32
    %dma_start3A_58 = arith.constant 0 : i32
    %dma_start3A_59 = tpu.memref_slice %arg10[%dma_start3A_57, %dma_start3A_56, %dma_start3A_58] : memref<640x1x64xf32, #tpu.memory_space<vmem>> -> memref<640x1x64xf32, #tpu.memory_space<vmem>>
    %dma_start3A_60 = tpu.memref_squeeze %dma_start3A_59 : memref<640x1x64xf32, #tpu.memory_space<vmem>> -> memref<640x64xf32, #tpu.memory_space<vmem>>
    %dma_start3A_61 = arith.constant 1280 : i32
    %dma_start3A_62 = tpu.memref_slice %arg9[%dma_start3A_61] : memref<32000xi32, #tpu.memory_space<vmem>> -> memref<640xi32, #tpu.memory_space<vmem>>
    %dma_start3A_63 = arith.constant 0 : i32
    %dma_start3A_64 = arith.constant 0 : i32
    %dma_start3A_65 = tpu.memref_slice %arg3[%dma_start3A_63, %dma_start3A_64] : memref<100000x64xf32, #tpu.memory_space<hbm>> -> memref<100000x64xf32, #tpu.memory_space<hbm>>
    tpu.enqueue_indirect_dma source(%dma_start3A_65 : memref<100000x64xf32, #tpu.memory_space<hbm>>) target(%dma_start3A_60 : memref<640x64xf32, #tpu.memory_space<vmem>>) offsets(%dma_start3A_62 : memref<640xi32, #tpu.memory_space<vmem>>) semaphore(%arg12 : memref<!tpu.dma_semaphore, #tpu.memory_space<semaphore_mem>>)
    %dma_wait3A_66 = arith.constant 0 : i32
    %dma_wait3A_67 = arith.constant 0 : i32
    %dma_wait3A_68 = arith.constant 0 : i32
    %dma_wait3A_69 = tpu.memref_slice %arg11[%dma_wait3A_67, %dma_wait3A_66, %dma_wait3A_68] : memref<640x1x64xf32, #tpu.memory_space<vmem>> -> memref<640x1x64xf32, #tpu.memory_space<vmem>>
    %dma_wait3A_70 = tpu.memref_squeeze %dma_wait3A_69 : memref<640x1x64xf32, #tpu.memory_space<vmem>> -> memref<640x64xf32, #tpu.memory_space<vmem>>
    %dma_wait3A_71 = arith.constant 640 : i32
    %dma_wait3A_72 = tpu.memref_slice %arg9[%dma_wait3A_71] : memref<32000xi32, #tpu.memory_space<vmem>> -> memref<640xi32, #tpu.memory_space<vmem>>
    %dma_wait3A_73 = arith.constant 0 : i32
    %dma_wait3A_74 = arith.constant 0 : i32
    %dma_wait3A_75 = tpu.memref_slice %arg3[%dma_wait3A_73, %dma_wait3A_74] : memref<100000x64xf32, #tpu.memory_space<hbm>> -> memref<100000x64xf32, #tpu.memory_space<hbm>>
    tpu.wait_indirect_dma semaphore(%arg13 : memref<!tpu.dma_semaphore, #tpu.memory_space<semaphore_mem>>) src(%dma_wait3A_75 : memref<100000x64xf32, #tpu.memory_space<hbm>>) dst(%dma_wait3A_70 : memref<640x64xf32, #tpu.memory_space<vmem>>)
    %add3A_76 = arith.constant 640 : i32
    %add3A_77 = arith.addi %multiple_of3A, %add3A_76 : i32
    %multiple_of3A_78 = tpu.assume_multiple %add3A_77, 8 : i32
    %dma_start3A_79 = arith.constant 0 : i32
    %dma_start3A_80 = arith.constant 0 : i32
    %dma_start3A_81 = tpu.memref_slice %arg8[%multiple_of3A_78, %dma_start3A_79, %dma_start3A_80] : memref<204800x5x64xf32, #tpu.memory_space<hbm>> -> memref<640x1x64xf32, #tpu.memory_space<hbm>>
    %dma_start3A_82 = arith.constant 0 : i32
    %dma_start3A_83 = arith.constant 0 : i32
    %dma_start3A_84 = tpu.memref_slice %arg8[%multiple_of3A_78, %dma_start3A_82, %dma_start3A_83] : memref<204800x5x64xf32, #tpu.memory_space<hbm>> -> memref<640x1x64xf32, #tpu.memory_space<hbm>>
    tpu.enqueue_dma source(%arg11 : memref<640x1x64xf32, #tpu.memory_space<vmem>>) target(%dma_start3A_84 : memref<640x1x64xf32, #tpu.memory_space<hbm>>) target_semaphore(%arg15 : memref<!tpu.dma_semaphore, #tpu.memory_space<semaphore_mem>>)
    %dma_wait3A_85 = arith.constant 0 : i32
    %dma_wait3A_86 = arith.constant 0 : i32
    %dma_wait3A_87 = tpu.memref_slice %arg8[%multiple_of3A_78, %dma_wait3A_85, %dma_wait3A_86] : memref<204800x5x64xf32, #tpu.memory_space<hbm>> -> memref<640x1x64xf32, #tpu.memory_space<hbm>>
    %dma_wait3A_88 = arith.constant 0 : i32
    %dma_wait3A_89 = arith.constant 0 : i32
    %dma_wait3A_90 = tpu.memref_slice %arg8[%multiple_of3A_78, %dma_wait3A_88, %dma_wait3A_89] : memref<204800x5x64xf32, #tpu.memory_space<hbm>> -> memref<640x1x64xf32, #tpu.memory_space<hbm>>
    tpu.wait_dma2 semaphore(%arg15 : memref<!tpu.dma_semaphore, #tpu.memory_space<semaphore_mem>>) src(%arg11 : memref<640x1x64xf32, #tpu.memory_space<vmem>>) dst(%dma_wait3A_90 : memref<640x1x64xf32, #tpu.memory_space<hbm>>)
    %dma_start3A_91 = arith.constant 0 : i32
    %dma_start3A_92 = arith.constant 0 : i32
    %dma_start3A_93 = arith.constant 0 : i32
    %dma_start3A_94 = tpu.memref_slice %arg11[%dma_start3A_92, %dma_start3A_91, %dma_start3A_93] : memref<640x1x64xf32, #tpu.memory_space<vmem>> -> memref<640x1x64xf32, #tpu.memory_space<vmem>>
    %dma_start3A_95 = tpu.memref_squeeze %dma_start3A_94 : memref<640x1x64xf32, #tpu.memory_space<vmem>> -> memref<640x64xf32, #tpu.memory_space<vmem>>
    %dma_start3A_96 = arith.constant 1920 : i32
    %dma_start3A_97 = tpu.memref_slice %arg9[%dma_start3A_96] : memref<32000xi32, #tpu.memory_space<vmem>> -> memref<640xi32, #tpu.memory_space<vmem>>
    %dma_start3A_98 = arith.constant 0 : i32
    %dma_start3A_99 = arith.constant 0 : i32
    %dma_start3A_100 = tpu.memref_slice %arg3[%dma_start3A_98, %dma_start3A_99] : memref<100000x64xf32, #tpu.memory_space<hbm>> -> memref<100000x64xf32, #tpu.memory_space<hbm>>
    tpu.enqueue_indirect_dma source(%dma_start3A_100 : memref<100000x64xf32, #tpu.memory_space<hbm>>) target(%dma_start3A_95 : memref<640x64xf32, #tpu.memory_space<vmem>>) offsets(%dma_start3A_97 : memref<640xi32, #tpu.memory_space<vmem>>) semaphore(%arg13 : memref<!tpu.dma_semaphore, #tpu.memory_space<semaphore_mem>>)
    %dma_wait3A_101 = arith.constant 0 : i32
    %dma_wait3A_102 = arith.constant 0 : i32
    %dma_wait3A_103 = arith.constant 0 : i32
    %dma_wait3A_104 = tpu.memref_slice %arg10[%dma_wait3A_102, %dma_wait3A_101, %dma_wait3A_103] : memref<640x1x64xf32, #tpu.memory_space<vmem>> -> memref<640x1x64xf32, #tpu.memory_space<vmem>>
    %dma_wait3A_105 = tpu.memref_squeeze %dma_wait3A_104 : memref<640x1x64xf32, #tpu.memory_space<vmem>> -> memref<640x64xf32, #tpu.memory_space<vmem>>
    %dma_wait3A_106 = arith.constant 1280 : i32
    %dma_wait3A_107 = tpu.memref_slice %arg9[%dma_wait3A_106] : memref<32000xi32, #tpu.memory_space<vmem>> -> memref<640xi32, #tpu.memory_space<vmem>>
    %dma_wait3A_108 = arith.constant 0 : i32
    %dma_wait3A_109 = arith.constant 0 : i32
    %dma_wait3A_110 = tpu.memref_slice %arg3[%dma_wait3A_108, %dma_wait3A_109] : memref<100000x64xf32, #tpu.memory_space<hbm>> -> memref<100000x64xf32, #tpu.memory_space<hbm>>
    tpu.wait_indirect_dma semaphore(%arg12 : memref<!tpu.dma_semaphore, #tpu.memory_space<semaphore_mem>>) src(%dma_wait3A_110 : memref<100000x64xf32, #tpu.memory_space<hbm>>) dst(%dma_wait3A_105 : memref<640x64xf32, #tpu.memory_space<vmem>>)
    %add3A_111 = arith.constant 1280 : i32
    %add3A_112 = arith.addi %multiple_of3A, %add3A_111 : i32
    %multiple_of3A_113 = tpu.assume_multiple %add3A_112, 8 : i32
    %dma_start3A_114 = arith.constant 0 : i32
    %dma_start3A_115 = arith.constant 0 : i32
    %dma_start3A_116 = tpu.memref_slice %arg8[%multiple_of3A_113, %dma_start3A_114, %dma_start3A_115] : memref<204800x5x64xf32, #tpu.memory_space<hbm>> -> memref<640x1x64xf32, #tpu.memory_space<hbm>>
    %dma_start3A_117 = arith.constant 0 : i32
    %dma_start3A_118 = arith.constant 0 : i32
    %dma_start3A_119 = tpu.memref_slice %arg8[%multiple_of3A_113, %dma_start3A_117, %dma_start3A_118] : memref<204800x5x64xf32, #tpu.memory_space<hbm>> -> memref<640x1x64xf32, #tpu.memory_space<hbm>>
    tpu.enqueue_dma source(%arg10 : memref<640x1x64xf32, #tpu.memory_space<vmem>>) target(%dma_start3A_119 : memref<640x1x64xf32, #tpu.memory_space<hbm>>) target_semaphore(%arg14 : memref<!tpu.dma_semaphore, #tpu.memory_space<semaphore_mem>>)
    %dma_wait3A_120 = arith.constant 0 : i32
    %dma_wait3A_121 = arith.constant 0 : i32
    %dma_wait3A_122 = tpu.memref_slice %arg8[%multiple_of3A_113, %dma_wait3A_120, %dma_wait3A_121] : memref<204800x5x64xf32, #tpu.memory_space<hbm>> -> memref<640x1x64xf32, #tpu.memory_space<hbm>>
    %dma_wait3A_123 = arith.constant 0 : i32
    %dma_wait3A_124 = arith.constant 0 : i32
    %dma_wait3A_125 = tpu.memref_slice %arg8[%multiple_of3A_113, %dma_wait3A_123, %dma_wait3A_124] : memref<204800x5x64xf32, #tpu.memory_space<hbm>> -> memref<640x1x64xf32, #tpu.memory_space<hbm>>
    tpu.wait_dma2 semaphore(%arg14 : memref<!tpu.dma_semaphore, #tpu.memory_space<semaphore_mem>>) src(%arg10 : memref<640x1x64xf32, #tpu.memory_space<vmem>>) dst(%dma_wait3A_125 : memref<640x1x64xf32, #tpu.memory_space<hbm>>)
    %dma_start3A_126 = arith.constant 0 : i32
    %dma_start3A_127 = arith.constant 0 : i32
    %dma_start3A_128 = arith.constant 0 : i32
    %dma_start3A_129 = tpu.memref_slice %arg10[%dma_start3A_127, %dma_start3A_126, %dma_start3A_128] : memref<640x1x64xf32, #tpu.memory_space<vmem>> -> memref<640x1x64xf32, #tpu.memory_space<vmem>>
    %dma_start3A_130 = tpu.memref_squeeze %dma_start3A_129 : memref<640x1x64xf32, #tpu.memory_space<vmem>> -> memref<640x64xf32, #tpu.memory_space<vmem>>
    %dma_start3A_131 = arith.constant 2560 : i32
    %dma_start3A_132 = tpu.memref_slice %arg9[%dma_start3A_131] : memref<32000xi32, #tpu.memory_space<vmem>> -> memref<640xi32, #tpu.memory_space<vmem>>
    %dma_start3A_133 = arith.constant 0 : i32
    %dma_start3A_134 = arith.constant 0 : i32
    %dma_start3A_135 = tpu.memref_slice %arg3[%dma_start3A_133, %dma_start3A_134] : memref<100000x64xf32, #tpu.memory_space<hbm>> -> memref<100000x64xf32, #tpu.memory_space<hbm>>
    tpu.enqueue_indirect_dma source(%dma_start3A_135 : memref<100000x64xf32, #tpu.memory_space<hbm>>) target(%dma_start3A_130 : memref<640x64xf32, #tpu.memory_space<vmem>>) offsets(%dma_start3A_132 : memref<640xi32, #tpu.memory_space<vmem>>) semaphore(%arg12 : memref<!tpu.dma_semaphore, #tpu.memory_space<semaphore_mem>>)
    %dma_wait3A_136 = arith.constant 0 : i32
    %dma_wait3A_137 = arith.constant 0 : i32
    %dma_wait3A_138 = arith.constant 0 : i32
    %dma_wait3A_139 = tpu.memref_slice %arg11[%dma_wait3A_137, %dma_wait3A_136, %dma_wait3A_138] : memref<640x1x64xf32, #tpu.memory_space<vmem>> -> memref<640x1x64xf32, #tpu.memory_space<vmem>>
    %dma_wait3A_140 = tpu.memref_squeeze %dma_wait3A_139 : memref<640x1x64xf32, #tpu.memory_space<vmem>> -> memref<640x64xf32, #tpu.memory_space<vmem>>
    %dma_wait3A_141 = arith.constant 1920 : i32
    %dma_wait3A_142 = tpu.memref_slice %arg9[%dma_wait3A_141] : memref<32000xi32, #tpu.memory_space<vmem>> -> memref<640xi32, #tpu.memory_space<vmem>>
    %dma_wait3A_143 = arith.constant 0 : i32
    %dma_wait3A_144 = arith.constant 0 : i32
    %dma_wait3A_145 = tpu.memref_slice %arg3[%dma_wait3A_143, %dma_wait3A_144] : memref<100000x64xf32, #tpu.memory_space<hbm>> -> memref<100000x64xf32, #tpu.memory_space<hbm>>
    tpu.wait_indirect_dma semaphore(%arg13 : memref<!tpu.dma_semaphore, #tpu.memory_space<semaphore_mem>>) src(%dma_wait3A_145 : memref<100000x64xf32, #tpu.memory_space<hbm>>) dst(%dma_wait3A_140 : memref<640x64xf32, #tpu.memory_space<vmem>>)
    %add3A_146 = arith.constant 1920 : i32
    %add3A_147 = arith.addi %multiple_of3A, %add3A_146 : i32
    %multiple_of3A_148 = tpu.assume_multiple %add3A_147, 8 : i32
    %dma_start3A_149 = arith.constant 0 : i32
    %dma_start3A_150 = arith.constant 0 : i32
    %dma_start3A_151 = tpu.memref_slice %arg8[%multiple_of3A_148, %dma_start3A_149, %dma_start3A_150] : memref<204800x5x64xf32, #tpu.memory_space<hbm>> -> memref<640x1x64xf32, #tpu.memory_space<hbm>>
    %dma_start3A_152 = arith.constant 0 : i32
    %dma_start3A_153 = arith.constant 0 : i32
    %dma_start3A_154 = tpu.memref_slice %arg8[%multiple_of3A_148, %dma_start3A_152, %dma_start3A_153] : memref<204800x5x64xf32, #tpu.memory_space<hbm>> -> memref<640x1x64xf32, #tpu.memory_space<hbm>>
    tpu.enqueue_dma source(%arg11 : memref<640x1x64xf32, #tpu.memory_space<vmem>>) target(%dma_start3A_154 : memref<640x1x64xf32, #tpu.memory_space<hbm>>) target_semaphore(%arg15 : memref<!tpu.dma_semaphore, #tpu.memory_space<semaphore_mem>>)
    %dma_wait3A_155 = arith.constant 0 : i32
    %dma_wait3A_156 = arith.constant 0 : i32
    %dma_wait3A_157 = tpu.memref_slice %arg8[%multiple_of3A_148, %dma_wait3A_155, %dma_wait3A_156] : memref<204800x5x64xf32, #tpu.memory_space<hbm>> -> memref<640x1x64xf32, #tpu.memory_space<hbm>>
    %dma_wait3A_158 = arith.constant 0 : i32
    %dma_wait3A_159 = arith.constant 0 : i32
    %dma_wait3A_160 = tpu.memref_slice %arg8[%multiple_of3A_148, %dma_wait3A_158, %dma_wait3A_159] : memref<204800x5x64xf32, #tpu.memory_space<hbm>> -> memref<640x1x64xf32, #tpu.memory_space<hbm>>
    tpu.wait_dma2 semaphore(%arg15 : memref<!tpu.dma_semaphore, #tpu.memory_space<semaphore_mem>>) src(%arg11 : memref<640x1x64xf32, #tpu.memory_space<vmem>>) dst(%dma_wait3A_160 : memref<640x1x64xf32, #tpu.memory_space<hbm>>)
    %dma_start3A_161 = arith.constant 0 : i32
    %dma_start3A_162 = arith.constant 0 : i32
    %dma_start3A_163 = arith.constant 0 : i32
    %dma_start3A_164 = tpu.memref_slice %arg11[%dma_start3A_162, %dma_start3A_161, %dma_start3A_163] : memref<640x1x64xf32, #tpu.memory_space<vmem>> -> memref<640x1x64xf32, #tpu.memory_space<vmem>>
    %dma_start3A_165 = tpu.memref_squeeze %dma_start3A_164 : memref<640x1x64xf32, #tpu.memory_space<vmem>> -> memref<640x64xf32, #tpu.memory_space<vmem>>
    %dma_start3A_166 = arith.constant 3200 : i32
    %dma_start3A_167 = tpu.memref_slice %arg9[%dma_start3A_166] : memref<32000xi32, #tpu.memory_space<vmem>> -> memref<640xi32, #tpu.memory_space<vmem>>
    %dma_start3A_168 = arith.constant 0 : i32
    %dma_start3A_169 = arith.constant 0 : i32
    %dma_start3A_170 = tpu.memref_slice %arg3[%dma_start3A_168, %dma_start3A_169] : memref<100000x64xf32, #tpu.memory_space<hbm>> -> memref<100000x64xf32, #tpu.memory_space<hbm>>
    tpu.enqueue_indirect_dma source(%dma_start3A_170 : memref<100000x64xf32, #tpu.memory_space<hbm>>) target(%dma_start3A_165 : memref<640x64xf32, #tpu.memory_space<vmem>>) offsets(%dma_start3A_167 : memref<640xi32, #tpu.memory_space<vmem>>) semaphore(%arg13 : memref<!tpu.dma_semaphore, #tpu.memory_space<semaphore_mem>>)
    %dma_wait3A_171 = arith.constant 0 : i32
    %dma_wait3A_172 = arith.constant 0 : i32
    %dma_wait3A_173 = arith.constant 0 : i32
    %dma_wait3A_174 = tpu.memref_slice %arg10[%dma_wait3A_172, %dma_wait3A_171, %dma_wait3A_173] : memref<640x1x64xf32, #tpu.memory_space<vmem>> -> memref<640x1x64xf32, #tpu.memory_space<vmem>>
    %dma_wait3A_175 = tpu.memref_squeeze %dma_wait3A_174 : memref<640x1x64xf32, #tpu.memory_space<vmem>> -> memref<640x64xf32, #tpu.memory_space<vmem>>
    %dma_wait3A_176 = arith.constant 2560 : i32
    %dma_wait3A_177 = tpu.memref_slice %arg9[%dma_wait3A_176] : memref<32000xi32, #tpu.memory_space<vmem>> -> memref<640xi32, #tpu.memory_space<vmem>>
    %dma_wait3A_178 = arith.constant 0 : i32
    %dma_wait3A_179 = arith.constant 0 : i32
    %dma_wait3A_180 = tpu.memref_slice %arg3[%dma_wait3A_178, %dma_wait3A_179] : memref<100000x64xf32, #tpu.memory_space<hbm>> -> memref<100000x64xf32, #tpu.memory_space<hbm>>
    tpu.wait_indirect_dma semaphore(%arg12 : memref<!tpu.dma_semaphore, #tpu.memory_space<semaphore_mem>>) src(%dma_wait3A_180 : memref<100000x64xf32, #tpu.memory_space<hbm>>) dst(%dma_wait3A_175 : memref<640x64xf32, #tpu.memory_space<vmem>>)
    %add3A_181 = arith.constant 2560 : i32
    %add3A_182 = arith.addi %multiple_of3A, %add3A_181 : i32
    %multiple_of3A_183 = tpu.assume_multiple %add3A_182, 8 : i32
    %dma_start3A_184 = arith.constant 0 : i32
    %dma_start3A_185 = arith.constant 0 : i32
    %dma_start3A_186 = tpu.memref_slice %arg8[%multiple_of3A_183, %dma_start3A_184, %dma_start3A_185] : memref<204800x5x64xf32, #tpu.memory_space<hbm>> -> memref<640x1x64xf32, #tpu.memory_space<hbm>>
    %dma_start3A_187 = arith.constant 0 : i32
    %dma_start3A_188 = arith.constant 0 : i32
    %dma_start3A_189 = tpu.memref_slice %arg8[%multiple_of3A_183, %dma_start3A_187, %dma_start3A_188] : memref<204800x5x64xf32, #tpu.memory_space<hbm>> -> memref<640x1x64xf32, #tpu.memory_space<hbm>>
    tpu.enqueue_dma source(%arg10 : memref<640x1x64xf32, #tpu.memory_space<vmem>>) target(%dma_start3A_189 : memref<640x1x64xf32, #tpu.memory_space<hbm>>) target_semaphore(%arg14 : memref<!tpu.dma_semaphore, #tpu.memory_space<semaphore_mem>>)
    %dma_wait3A_190 = arith.constant 0 : i32
    %dma_wait3A_191 = arith.constant 0 : i32
    %dma_wait3A_192 = tpu.memref_slice %arg8[%multiple_of3A_183, %dma_wait3A_190, %dma_wait3A_191] : memref<204800x5x64xf32, #tpu.memory_space<hbm>> -> memref<640x1x64xf32, #tpu.memory_space<hbm>>
    %dma_wait3A_193 = arith.constant 0 : i32
    %dma_wait3A_194 = arith.constant 0 : i32
    %dma_wait3A_195 = tpu.memref_slice %arg8[%multiple_of3A_183, %dma_wait3A_193, %dma_wait3A_194] : memref<204800x5x64xf32, #tpu.memory_space<hbm>> -> memref<640x1x64xf32, #tpu.memory_space<hbm>>
    tpu.wait_dma2 semaphore(%arg14 : memref<!tpu.dma_semaphore, #tpu.memory_space<semaphore_mem>>) src(%arg10 : memref<640x1x64xf32, #tpu.memory_space<vmem>>) dst(%dma_wait3A_195 : memref<640x1x64xf32, #tpu.memory_space<hbm>>)
    %dma_start3A_196 = arith.constant 0 : i32
    %dma_start3A_197 = arith.constant 0 : i32
    %dma_start3A_198 = arith.constant 0 : i32
    %dma_start3A_199 = tpu.memref_slice %arg10[%dma_start3A_197, %dma_start3A_196, %dma_start3A_198] : memref<640x1x64xf32, #tpu.memory_space<vmem>> -> memref<640x1x64xf32, #tpu.memory_space<vmem>>
    %dma_start3A_200 = tpu.memref_squeeze %dma_start3A_199 : memref<640x1x64xf32, #tpu.memory_space<vmem>> -> memref<640x64xf32, #tpu.memory_space<vmem>>
    %dma_start3A_201 = arith.constant 3840 : i32
    %dma_start3A_202 = tpu.memref_slice %arg9[%dma_start3A_201] : memref<32000xi32, #tpu.memory_space<vmem>> -> memref<640xi32, #tpu.memory_space<vmem>>
    %dma_start3A_203 = arith.constant 0 : i32
    %dma_start3A_204 = arith.constant 0 : i32
    %dma_start3A_205 = tpu.memref_slice %arg3[%dma_start3A_203, %dma_start3A_204] : memref<100000x64xf32, #tpu.memory_space<hbm>> -> memref<100000x64xf32, #tpu.memory_space<hbm>>
    tpu.enqueue_indirect_dma source(%dma_start3A_205 : memref<100000x64xf32, #tpu.memory_space<hbm>>) target(%dma_start3A_200 : memref<640x64xf32, #tpu.memory_space<vmem>>) offsets(%dma_start3A_202 : memref<640xi32, #tpu.memory_space<vmem>>) semaphore(%arg12 : memref<!tpu.dma_semaphore, #tpu.memory_space<semaphore_mem>>)
    %dma_wait3A_206 = arith.constant 0 : i32
    %dma_wait3A_207 = arith.constant 0 : i32
    %dma_wait3A_208 = arith.constant 0 : i32
    %dma_wait3A_209 = tpu.memref_slice %arg11[%dma_wait3A_207, %dma_wait3A_206, %dma_wait3A_208] : memref<640x1x64xf32, #tpu.memory_space<vmem>> -> memref<640x1x64xf32, #tpu.memory_space<vmem>>
    %dma_wait3A_210 = tpu.memref_squeeze %dma_wait3A_209 : memref<640x1x64xf32, #tpu.memory_space<vmem>> -> memref<640x64xf32, #tpu.memory_space<vmem>>
    %dma_wait3A_211 = arith.constant 3200 : i32
    %dma_wait3A_212 = tpu.memref_slice %arg9[%dma_wait3A_211] : memref<32000xi32, #tpu.memory_space<vmem>> -> memref<640xi32, #tpu.memory_space<vmem>>
    %dma_wait3A_213 = arith.constant 0 : i32
    %dma_wait3A_214 = arith.constant 0 : i32
    %dma_wait3A_215 = tpu.memref_slice %arg3[%dma_wait3A_213, %dma_wait3A_214] : memref<100000x64xf32, #tpu.memory_space<hbm>> -> memref<100000x64xf32, #tpu.memory_space<hbm>>
    tpu.wait_indirect_dma semaphore(%arg13 : memref<!tpu.dma_semaphore, #tpu.memory_space<semaphore_mem>>) src(%dma_wait3A_215 : memref<100000x64xf32, #tpu.memory_space<hbm>>) dst(%dma_wait3A_210 : memref<640x64xf32, #tpu.memory_space<vmem>>)
    %add3A_216 = arith.constant 3200 : i32
    %add3A_217 = arith.addi %multiple_of3A, %add3A_216 : i32
    %multiple_of3A_218 = tpu.assume_multiple %add3A_217, 8 : i32
    %dma_start3A_219 = arith.constant 0 : i32
    %dma_start3A_220 = arith.constant 0 : i32
    %dma_start3A_221 = tpu.memref_slice %arg8[%multiple_of3A_218, %dma_start3A_219, %dma_start3A_220] : memref<204800x5x64xf32, #tpu.memory_space<hbm>> -> memref<640x1x64xf32, #tpu.memory_space<hbm>>
    %dma_start3A_222 = arith.constant 0 : i32
    %dma_start3A_223 = arith.constant 0 : i32
    %dma_start3A_224 = tpu.memref_slice %arg8[%multiple_of3A_218, %dma_start3A_222, %dma_start3A_223] : memref<204800x5x64xf32, #tpu.memory_space<hbm>> -> memref<640x1x64xf32, #tpu.memory_space<hbm>>
    tpu.enqueue_dma source(%arg11 : memref<640x1x64xf32, #tpu.memory_space<vmem>>) target(%dma_start3A_224 : memref<640x1x64xf32, #tpu.memory_space<hbm>>) target_semaphore(%arg15 : memref<!tpu.dma_semaphore, #tpu.memory_space<semaphore_mem>>)
    %dma_wait3A_225 = arith.constant 0 : i32
    %dma_wait3A_226 = arith.constant 0 : i32
    %dma_wait3A_227 = tpu.memref_slice %arg8[%multiple_of3A_218, %dma_wait3A_225, %dma_wait3A_226] : memref<204800x5x64xf32, #tpu.memory_space<hbm>> -> memref<640x1x64xf32, #tpu.memory_space<hbm>>
    %dma_wait3A_228 = arith.constant 0 : i32
    %dma_wait3A_229 = arith.constant 0 : i32
    %dma_wait3A_230 = tpu.memref_slice %arg8[%multiple_of3A_218, %dma_wait3A_228, %dma_wait3A_229] : memref<204800x5x64xf32, #tpu.memory_space<hbm>> -> memref<640x1x64xf32, #tpu.memory_space<hbm>>
    tpu.wait_dma2 semaphore(%arg15 : memref<!tpu.dma_semaphore, #tpu.memory_space<semaphore_mem>>) src(%arg11 : memref<640x1x64xf32, #tpu.memory_space<vmem>>) dst(%dma_wait3A_230 : memref<640x1x64xf32, #tpu.memory_space<hbm>>)
    %dma_start3A_231 = arith.constant 0 : i32
    %dma_start3A_232 = arith.constant 0 : i32
    %dma_start3A_233 = arith.constant 0 : i32
    %dma_start3A_234 = tpu.memref_slice %arg11[%dma_start3A_232, %dma_start3A_231, %dma_start3A_233] : memref<640x1x64xf32, #tpu.memory_space<vmem>> -> memref<640x1x64xf32, #tpu.memory_space<vmem>>
    %dma_start3A_235 = tpu.memref_squeeze %dma_start3A_234 : memref<640x1x64xf32, #tpu.memory_space<vmem>> -> memref<640x64xf32, #tpu.memory_space<vmem>>
    %dma_start3A_236 = arith.constant 4480 : i32
    %dma_start3A_237 = tpu.memref_slice %arg9[%dma_start3A_236] : memref<32000xi32, #tpu.memory_space<vmem>> -> memref<640xi32, #tpu.memory_space<vmem>>
    %dma_start3A_238 = arith.constant 0 : i32
    %dma_start3A_239 = arith.constant 0 : i32
    %dma_start3A_240 = tpu.memref_slice %arg3[%dma_start3A_238, %dma_start3A_239] : memref<100000x64xf32, #tpu.memory_space<hbm>> -> memref<100000x64xf32, #tpu.memory_space<hbm>>
    tpu.enqueue_indirect_dma source(%dma_start3A_240 : memref<100000x64xf32, #tpu.memory_space<hbm>>) target(%dma_start3A_235 : memref<640x64xf32, #tpu.memory_space<vmem>>) offsets(%dma_start3A_237 : memref<640xi32, #tpu.memory_space<vmem>>) semaphore(%arg13 : memref<!tpu.dma_semaphore, #tpu.memory_space<semaphore_mem>>)
    %dma_wait3A_241 = arith.constant 0 : i32
    %dma_wait3A_242 = arith.constant 0 : i32
    %dma_wait3A_243 = arith.constant 0 : i32
    %dma_wait3A_244 = tpu.memref_slice %arg10[%dma_wait3A_242, %dma_wait3A_241, %dma_wait3A_243] : memref<640x1x64xf32, #tpu.memory_space<vmem>> -> memref<640x1x64xf32, #tpu.memory_space<vmem>>
    %dma_wait3A_245 = tpu.memref_squeeze %dma_wait3A_244 : memref<640x1x64xf32, #tpu.memory_space<vmem>> -> memref<640x64xf32, #tpu.memory_space<vmem>>
    %dma_wait3A_246 = arith.constant 3840 : i32
    %dma_wait3A_247 = tpu.memref_slice %arg9[%dma_wait3A_246] : memref<32000xi32, #tpu.memory_space<vmem>> -> memref<640xi32, #tpu.memory_space<vmem>>
    %dma_wait3A_248 = arith.constant 0 : i32
    %dma_wait3A_249 = arith.constant 0 : i32
    %dma_wait3A_250 = tpu.memref_slice %arg3[%dma_wait3A_248, %dma_wait3A_249] : memref<100000x64xf32, #tpu.memory_space<hbm>> -> memref<100000x64xf32, #tpu.memory_space<hbm>>
    tpu.wait_indirect_dma semaphore(%arg12 : memref<!tpu.dma_semaphore, #tpu.memory_space<semaphore_mem>>) src(%dma_wait3A_250 : memref<100000x64xf32, #tpu.memory_space<hbm>>) dst(%dma_wait3A_245 : memref<640x64xf32, #tpu.memory_space<vmem>>)
    %add3A_251 = arith.constant 3840 : i32
    %add3A_252 = arith.addi %multiple_of3A, %add3A_251 : i32
    %multiple_of3A_253 = tpu.assume_multiple %add3A_252, 8 : i32
    %dma_start3A_254 = arith.constant 0 : i32
    %dma_start3A_255 = arith.constant 0 : i32
    %dma_start3A_256 = tpu.memref_slice %arg8[%multiple_of3A_253, %dma_start3A_254, %dma_start3A_255] : memref<204800x5x64xf32, #tpu.memory_space<hbm>> -> memref<640x1x64xf32, #tpu.memory_space<hbm>>
    %dma_start3A_257 = arith.constant 0 : i32
    %dma_start3A_258 = arith.constant 0 : i32
    %dma_start3A_259 = tpu.memref_slice %arg8[%multiple_of3A_253, %dma_start3A_257, %dma_start3A_258] : memref<204800x5x64xf32, #tpu.memory_space<hbm>> -> memref<640x1x64xf32, #tpu.memory_space<hbm>>
    tpu.enqueue_dma source(%arg10 : memref<640x1x64xf32, #tpu.memory_space<vmem>>) target(%dma_start3A_259 : memref<640x1x64xf32, #tpu.memory_space<hbm>>) target_semaphore(%arg14 : memref<!tpu.dma_semaphore, #tpu.memory_space<semaphore_mem>>)
    %dma_wait3A_260 = arith.constant 0 : i32
    %dma_wait3A_261 = arith.constant 0 : i32
    %dma_wait3A_262 = tpu.memref_slice %arg8[%multiple_of3A_253, %dma_wait3A_260, %dma_wait3A_261] : memref<204800x5x64xf32, #tpu.memory_space<hbm>> -> memref<640x1x64xf32, #tpu.memory_space<hbm>>
    %dma_wait3A_263 = arith.constant 0 : i32
    %dma_wait3A_264 = arith.constant 0 : i32
    %dma_wait3A_265 = tpu.memref_slice %arg8[%multiple_of3A_253, %dma_wait3A_263, %dma_wait3A_264] : memref<204800x5x64xf32, #tpu.memory_space<hbm>> -> memref<640x1x64xf32, #tpu.memory_space<hbm>>
    tpu.wait_dma2 semaphore(%arg14 : memref<!tpu.dma_semaphore, #tpu.memory_space<semaphore_mem>>) src(%arg10 : memref<640x1x64xf32, #tpu.memory_space<vmem>>) dst(%dma_wait3A_265 : memref<640x1x64xf32, #tpu.memory_space<hbm>>)
    %dma_start3A_266 = arith.constant 0 : i32
    %dma_start3A_267 = arith.constant 0 : i32
    %dma_start3A_268 = arith.constant 0 : i32
    %dma_start3A_269 = tpu.memref_slice %arg10[%dma_start3A_267, %dma_start3A_266, %dma_start3A_268] : memref<640x1x64xf32, #tpu.memory_space<vmem>> -> memref<640x1x64xf32, #tpu.memory_space<vmem>>
    %dma_start3A_270 = tpu.memref_squeeze %dma_start3A_269 : memref<640x1x64xf32, #tpu.memory_space<vmem>> -> memref<640x64xf32, #tpu.memory_space<vmem>>
    %dma_start3A_271 = arith.constant 5120 : i32
    %dma_start3A_272 = tpu.memref_slice %arg9[%dma_start3A_271] : memref<32000xi32, #tpu.memory_space<vmem>> -> memref<640xi32, #tpu.memory_space<vmem>>
    %dma_start3A_273 = arith.constant 0 : i32
    %dma_start3A_274 = arith.constant 0 : i32
    %dma_start3A_275 = tpu.memref_slice %arg3[%dma_start3A_273, %dma_start3A_274] : memref<100000x64xf32, #tpu.memory_space<hbm>> -> memref<100000x64xf32, #tpu.memory_space<hbm>>
    tpu.enqueue_indirect_dma source(%dma_start3A_275 : memref<100000x64xf32, #tpu.memory_space<hbm>>) target(%dma_start3A_270 : memref<640x64xf32, #tpu.memory_space<vmem>>) offsets(%dma_start3A_272 : memref<640xi32, #tpu.memory_space<vmem>>) semaphore(%arg12 : memref<!tpu.dma_semaphore, #tpu.memory_space<semaphore_mem>>)
    %dma_wait3A_276 = arith.constant 0 : i32
    %dma_wait3A_277 = arith.constant 0 : i32
    %dma_wait3A_278 = arith.constant 0 : i32
    %dma_wait3A_279 = tpu.memref_slice %arg11[%dma_wait3A_277, %dma_wait3A_276, %dma_wait3A_278] : memref<640x1x64xf32, #tpu.memory_space<vmem>> -> memref<640x1x64xf32, #tpu.memory_space<vmem>>
    %dma_wait3A_280 = tpu.memref_squeeze %dma_wait3A_279 : memref<640x1x64xf32, #tpu.memory_space<vmem>> -> memref<640x64xf32, #tpu.memory_space<vmem>>
    %dma_wait3A_281 = arith.constant 4480 : i32
    %dma_wait3A_282 = tpu.memref_slice %arg9[%dma_wait3A_281] : memref<32000xi32, #tpu.memory_space<vmem>> -> memref<640xi32, #tpu.memory_space<vmem>>
    %dma_wait3A_283 = arith.constant 0 : i32
    %dma_wait3A_284 = arith.constant 0 : i32
    %dma_wait3A_285 = tpu.memref_slice %arg3[%dma_wait3A_283, %dma_wait3A_284] : memref<100000x64xf32, #tpu.memory_space<hbm>> -> memref<100000x64xf32, #tpu.memory_space<hbm>>
    tpu.wait_indirect_dma semaphore(%arg13 : memref<!tpu.dma_semaphore, #tpu.memory_space<semaphore_mem>>) src(%dma_wait3A_285 : memref<100000x64xf32, #tpu.memory_space<hbm>>) dst(%dma_wait3A_280 : memref<640x64xf32, #tpu.memory_space<vmem>>)
    %add3A_286 = arith.constant 4480 : i32
    %add3A_287 = arith.addi %multiple_of3A, %add3A_286 : i32
    %multiple_of3A_288 = tpu.assume_multiple %add3A_287, 8 : i32
    %dma_start3A_289 = arith.constant 0 : i32
    %dma_start3A_290 = arith.constant 0 : i32
    %dma_start3A_291 = tpu.memref_slice %arg8[%multiple_of3A_288, %dma_start3A_289, %dma_start3A_290] : memref<204800x5x64xf32, #tpu.memory_space<hbm>> -> memref<640x1x64xf32, #tpu.memory_space<hbm>>
    %dma_start3A_292 = arith.constant 0 : i32
    %dma_start3A_293 = arith.constant 0 : i32
    %dma_start3A_294 = tpu.memref_slice %arg8[%multiple_of3A_288, %dma_start3A_292, %dma_start3A_293] : memref<204800x5x64xf32, #tpu.memory_space<hbm>> -> memref<640x1x64xf32, #tpu.memory_space<hbm>>
    tpu.enqueue_dma source(%arg11 : memref<640x1x64xf32, #tpu.memory_space<vmem>>) target(%dma_start3A_294 : memref<640x1x64xf32, #tpu.memory_space<hbm>>) target_semaphore(%arg15 : memref<!tpu.dma_semaphore, #tpu.memory_space<semaphore_mem>>)
    %dma_wait3A_295 = arith.constant 0 : i32
    %dma_wait3A_296 = arith.constant 0 : i32
    %dma_wait3A_297 = tpu.memref_slice %arg8[%multiple_of3A_288, %dma_wait3A_295, %dma_wait3A_296] : memref<204800x5x64xf32, #tpu.memory_space<hbm>> -> memref<640x1x64xf32, #tpu.memory_space<hbm>>
    %dma_wait3A_298 = arith.constant 0 : i32
    %dma_wait3A_299 = arith.constant 0 : i32
    %dma_wait3A_300 = tpu.memref_slice %arg8[%multiple_of3A_288, %dma_wait3A_298, %dma_wait3A_299] : memref<204800x5x64xf32, #tpu.memory_space<hbm>> -> memref<640x1x64xf32, #tpu.memory_space<hbm>>
    tpu.wait_dma2 semaphore(%arg15 : memref<!tpu.dma_semaphore, #tpu.memory_space<semaphore_mem>>) src(%arg11 : memref<640x1x64xf32, #tpu.memory_space<vmem>>) dst(%dma_wait3A_300 : memref<640x1x64xf32, #tpu.memory_space<hbm>>)
    %dma_start3A_301 = arith.constant 0 : i32
    %dma_start3A_302 = arith.constant 0 : i32
    %dma_start3A_303 = arith.constant 0 : i32
    %dma_start3A_304 = tpu.memref_slice %arg11[%dma_start3A_302, %dma_start3A_301, %dma_start3A_303] : memref<640x1x64xf32, #tpu.memory_space<vmem>> -> memref<640x1x64xf32, #tpu.memory_space<vmem>>
    %dma_start3A_305 = tpu.memref_squeeze %dma_start3A_304 : memref<640x1x64xf32, #tpu.memory_space<vmem>> -> memref<640x64xf32, #tpu.memory_space<vmem>>
    %dma_start3A_306 = arith.constant 5760 : i32
    %dma_start3A_307 = tpu.memref_slice %arg9[%dma_start3A_306] : memref<32000xi32, #tpu.memory_space<vmem>> -> memref<640xi32, #tpu.memory_space<vmem>>
    %dma_start3A_308 = arith.constant 0 : i32
    %dma_start3A_309 = arith.constant 0 : i32
    %dma_start3A_310 = tpu.memref_slice %arg3[%dma_start3A_308, %dma_start3A_309] : memref<100000x64xf32, #tpu.memory_space<hbm>> -> memref<100000x64xf32, #tpu.memory_space<hbm>>
    tpu.enqueue_indirect_dma source(%dma_start3A_310 : memref<100000x64xf32, #tpu.memory_space<hbm>>) target(%dma_start3A_305 : memref<640x64xf32, #tpu.memory_space<vmem>>) offsets(%dma_start3A_307 : memref<640xi32, #tpu.memory_space<vmem>>) semaphore(%arg13 : memref<!tpu.dma_semaphore, #tpu.memory_space<semaphore_mem>>)
    %dma_wait3A_311 = arith.constant 0 : i32
    %dma_wait3A_312 = arith.constant 0 : i32
    %dma_wait3A_313 = arith.constant 0 : i32
    %dma_wait3A_314 = tpu.memref_slice %arg10[%dma_wait3A_312, %dma_wait3A_311, %dma_wait3A_313] : memref<640x1x64xf32, #tpu.memory_space<vmem>> -> memref<640x1x64xf32, #tpu.memory_space<vmem>>
    %dma_wait3A_315 = tpu.memref_squeeze %dma_wait3A_314 : memref<640x1x64xf32, #tpu.memory_space<vmem>> -> memref<640x64xf32, #tpu.memory_space<vmem>>
    %dma_wait3A_316 = arith.constant 5120 : i32
    %dma_wait3A_317 = tpu.memref_slice %arg9[%dma_wait3A_316] : memref<32000xi32, #tpu.memory_space<vmem>> -> memref<640xi32, #tpu.memory_space<vmem>>
    %dma_wait3A_318 = arith.constant 0 : i32
    %dma_wait3A_319 = arith.constant 0 : i32
    %dma_wait3A_320 = tpu.memref_slice %arg3[%dma_wait3A_318, %dma_wait3A_319] : memref<100000x64xf32, #tpu.memory_space<hbm>> -> memref<100000x64xf32, #tpu.memory_space<hbm>>
    tpu.wait_indirect_dma semaphore(%arg12 : memref<!tpu.dma_semaphore, #tpu.memory_space<semaphore_mem>>) src(%dma_wait3A_320 : memref<100000x64xf32, #tpu.memory_space<hbm>>) dst(%dma_wait3A_315 : memref<640x64xf32, #tpu.memory_space<vmem>>)
    %add3A_321 = arith.constant 5120 : i32
    %add3A_322 = arith.addi %multiple_of3A, %add3A_321 : i32
    %multiple_of3A_323 = tpu.assume_multiple %add3A_322, 8 : i32
    %dma_start3A_324 = arith.constant 0 : i32
    %dma_start3A_325 = arith.constant 0 : i32
    %dma_start3A_326 = tpu.memref_slice %arg8[%multiple_of3A_323, %dma_start3A_324, %dma_start3A_325] : memref<204800x5x64xf32, #tpu.memory_space<hbm>> -> memref<640x1x64xf32, #tpu.memory_space<hbm>>
    %dma_start3A_327 = arith.constant 0 : i32
    %dma_start3A_328 = arith.constant 0 : i32
    %dma_start3A_329 = tpu.memref_slice %arg8[%multiple_of3A_323, %dma_start3A_327, %dma_start3A_328] : memref<204800x5x64xf32, #tpu.memory_space<hbm>> -> memref<640x1x64xf32, #tpu.memory_space<hbm>>
    tpu.enqueue_dma source(%arg10 : memref<640x1x64xf32, #tpu.memory_space<vmem>>) target(%dma_start3A_329 : memref<640x1x64xf32, #tpu.memory_space<hbm>>) target_semaphore(%arg14 : memref<!tpu.dma_semaphore, #tpu.memory_space<semaphore_mem>>)
    %dma_wait3A_330 = arith.constant 0 : i32
    %dma_wait3A_331 = arith.constant 0 : i32
    %dma_wait3A_332 = tpu.memref_slice %arg8[%multiple_of3A_323, %dma_wait3A_330, %dma_wait3A_331] : memref<204800x5x64xf32, #tpu.memory_space<hbm>> -> memref<640x1x64xf32, #tpu.memory_space<hbm>>
    %dma_wait3A_333 = arith.constant 0 : i32
    %dma_wait3A_334 = arith.constant 0 : i32
    %dma_wait3A_335 = tpu.memref_slice %arg8[%multiple_of3A_323, %dma_wait3A_333, %dma_wait3A_334] : memref<204800x5x64xf32, #tpu.memory_space<hbm>> -> memref<640x1x64xf32, #tpu.memory_space<hbm>>
    tpu.wait_dma2 semaphore(%arg14 : memref<!tpu.dma_semaphore, #tpu.memory_space<semaphore_mem>>) src(%arg10 : memref<640x1x64xf32, #tpu.memory_space<vmem>>) dst(%dma_wait3A_335 : memref<640x1x64xf32, #tpu.memory_space<hbm>>)
    %dma_start3A_336 = arith.constant 0 : i32
    %dma_start3A_337 = arith.constant 0 : i32
    %dma_start3A_338 = arith.constant 0 : i32
    %dma_start3A_339 = tpu.memref_slice %arg10[%dma_start3A_337, %dma_start3A_336, %dma_start3A_338] : memref<640x1x64xf32, #tpu.memory_space<vmem>> -> memref<640x1x64xf32, #tpu.memory_space<vmem>>
    %dma_start3A_340 = tpu.memref_squeeze %dma_start3A_339 : memref<640x1x64xf32, #tpu.memory_space<vmem>> -> memref<640x64xf32, #tpu.memory_space<vmem>>
    %dma_start3A_341 = arith.constant 6400 : i32
    %dma_start3A_342 = tpu.memref_slice %arg9[%dma_start3A_341] : memref<32000xi32, #tpu.memory_space<vmem>> -> memref<640xi32, #tpu.memory_space<vmem>>
    %dma_start3A_343 = arith.constant 0 : i32
    %dma_start3A_344 = arith.constant 0 : i32
    %dma_start3A_345 = tpu.memref_slice %arg4[%dma_start3A_343, %dma_start3A_344] : memref<100000x64xf32, #tpu.memory_space<hbm>> -> memref<100000x64xf32, #tpu.memory_space<hbm>>
    tpu.enqueue_indirect_dma source(%dma_start3A_345 : memref<100000x64xf32, #tpu.memory_space<hbm>>) target(%dma_start3A_340 : memref<640x64xf32, #tpu.memory_space<vmem>>) offsets(%dma_start3A_342 : memref<640xi32, #tpu.memory_space<vmem>>) semaphore(%arg12 : memref<!tpu.dma_semaphore, #tpu.memory_space<semaphore_mem>>)
    %dma_wait3A_346 = arith.constant 0 : i32
    %dma_wait3A_347 = arith.constant 0 : i32
    %dma_wait3A_348 = arith.constant 0 : i32
    %dma_wait3A_349 = tpu.memref_slice %arg11[%dma_wait3A_347, %dma_wait3A_346, %dma_wait3A_348] : memref<640x1x64xf32, #tpu.memory_space<vmem>> -> memref<640x1x64xf32, #tpu.memory_space<vmem>>
    %dma_wait3A_350 = tpu.memref_squeeze %dma_wait3A_349 : memref<640x1x64xf32, #tpu.memory_space<vmem>> -> memref<640x64xf32, #tpu.memory_space<vmem>>
    %dma_wait3A_351 = arith.constant 5760 : i32
    %dma_wait3A_352 = tpu.memref_slice %arg9[%dma_wait3A_351] : memref<32000xi32, #tpu.memory_space<vmem>> -> memref<640xi32, #tpu.memory_space<vmem>>
    %dma_wait3A_353 = arith.constant 0 : i32
    %dma_wait3A_354 = arith.constant 0 : i32
    %dma_wait3A_355 = tpu.memref_slice %arg3[%dma_wait3A_353, %dma_wait3A_354] : memref<100000x64xf32, #tpu.memory_space<hbm>> -> memref<100000x64xf32, #tpu.memory_space<hbm>>
    tpu.wait_indirect_dma semaphore(%arg13 : memref<!tpu.dma_semaphore, #tpu.memory_space<semaphore_mem>>) src(%dma_wait3A_355 : memref<100000x64xf32, #tpu.memory_space<hbm>>) dst(%dma_wait3A_350 : memref<640x64xf32, #tpu.memory_space<vmem>>)
    %add3A_356 = arith.constant 5760 : i32
    %add3A_357 = arith.addi %multiple_of3A, %add3A_356 : i32
    %multiple_of3A_358 = tpu.assume_multiple %add3A_357, 8 : i32
    %dma_start3A_359 = arith.constant 0 : i32
    %dma_start3A_360 = arith.constant 0 : i32
    %dma_start3A_361 = tpu.memref_slice %arg8[%multiple_of3A_358, %dma_start3A_359, %dma_start3A_360] : memref<204800x5x64xf32, #tpu.memory_space<hbm>> -> memref<640x1x64xf32, #tpu.memory_space<hbm>>
    %dma_start3A_362 = arith.constant 0 : i32
    %dma_start3A_363 = arith.constant 0 : i32
    %dma_start3A_364 = tpu.memref_slice %arg8[%multiple_of3A_358, %dma_start3A_362, %dma_start3A_363] : memref<204800x5x64xf32, #tpu.memory_space<hbm>> -> memref<640x1x64xf32, #tpu.memory_space<hbm>>
    tpu.enqueue_dma source(%arg11 : memref<640x1x64xf32, #tpu.memory_space<vmem>>) target(%dma_start3A_364 : memref<640x1x64xf32, #tpu.memory_space<hbm>>) target_semaphore(%arg15 : memref<!tpu.dma_semaphore, #tpu.memory_space<semaphore_mem>>)
    %dma_wait3A_365 = arith.constant 0 : i32
    %dma_wait3A_366 = arith.constant 0 : i32
    %dma_wait3A_367 = tpu.memref_slice %arg8[%multiple_of3A_358, %dma_wait3A_365, %dma_wait3A_366] : memref<204800x5x64xf32, #tpu.memory_space<hbm>> -> memref<640x1x64xf32, #tpu.memory_space<hbm>>
    %dma_wait3A_368 = arith.constant 0 : i32
    %dma_wait3A_369 = arith.constant 0 : i32
    %dma_wait3A_370 = tpu.memref_slice %arg8[%multiple_of3A_358, %dma_wait3A_368, %dma_wait3A_369] : memref<204800x5x64xf32, #tpu.memory_space<hbm>> -> memref<640x1x64xf32, #tpu.memory_space<hbm>>
    tpu.wait_dma2 semaphore(%arg15 : memref<!tpu.dma_semaphore, #tpu.memory_space<semaphore_mem>>) src(%arg11 : memref<640x1x64xf32, #tpu.memory_space<vmem>>) dst(%dma_wait3A_370 : memref<640x1x64xf32, #tpu.memory_space<hbm>>)
    %dma_start3A_371 = arith.constant 0 : i32
    %dma_start3A_372 = arith.constant 0 : i32
    %dma_start3A_373 = arith.constant 0 : i32
    %dma_start3A_374 = tpu.memref_slice %arg11[%dma_start3A_372, %dma_start3A_371, %dma_start3A_373] : memref<640x1x64xf32, #tpu.memory_space<vmem>> -> memref<640x1x64xf32, #tpu.memory_space<vmem>>
    %dma_start3A_375 = tpu.memref_squeeze %dma_start3A_374 : memref<640x1x64xf32, #tpu.memory_space<vmem>> -> memref<640x64xf32, #tpu.memory_space<vmem>>
    %dma_start3A_376 = arith.constant 7040 : i32
    %dma_start3A_377 = tpu.memref_slice %arg9[%dma_start3A_376] : memref<32000xi32, #tpu.memory_space<vmem>> -> memref<640xi32, #tpu.memory_space<vmem>>
    %dma_start3A_378 = arith.constant 0 : i32
    %dma_start3A_379 = arith.constant 0 : i32
    %dma_start3A_380 = tpu.memref_slice %arg4[%dma_start3A_378, %dma_start3A_379] : memref<100000x64xf32, #tpu.memory_space<hbm>> -> memref<100000x64xf32, #tpu.memory_space<hbm>>
    tpu.enqueue_indirect_dma source(%dma_start3A_380 : memref<100000x64xf32, #tpu.memory_space<hbm>>) target(%dma_start3A_375 : memref<640x64xf32, #tpu.memory_space<vmem>>) offsets(%dma_start3A_377 : memref<640xi32, #tpu.memory_space<vmem>>) semaphore(%arg13 : memref<!tpu.dma_semaphore, #tpu.memory_space<semaphore_mem>>)
    %dma_wait3A_381 = arith.constant 0 : i32
    %dma_wait3A_382 = arith.constant 0 : i32
    %dma_wait3A_383 = arith.constant 0 : i32
    %dma_wait3A_384 = tpu.memref_slice %arg10[%dma_wait3A_382, %dma_wait3A_381, %dma_wait3A_383] : memref<640x1x64xf32, #tpu.memory_space<vmem>> -> memref<640x1x64xf32, #tpu.memory_space<vmem>>
    %dma_wait3A_385 = tpu.memref_squeeze %dma_wait3A_384 : memref<640x1x64xf32, #tpu.memory_space<vmem>> -> memref<640x64xf32, #tpu.memory_space<vmem>>
    %dma_wait3A_386 = arith.constant 6400 : i32
    %dma_wait3A_387 = tpu.memref_slice %arg9[%dma_wait3A_386] : memref<32000xi32, #tpu.memory_space<vmem>> -> memref<640xi32, #tpu.memory_space<vmem>>
    %dma_wait3A_388 = arith.constant 0 : i32
    %dma_wait3A_389 = arith.constant 0 : i32
    %dma_wait3A_390 = tpu.memref_slice %arg4[%dma_wait3A_388, %dma_wait3A_389] : memref<100000x64xf32, #tpu.memory_space<hbm>> -> memref<100000x64xf32, #tpu.memory_space<hbm>>
    tpu.wait_indirect_dma semaphore(%arg12 : memref<!tpu.dma_semaphore, #tpu.memory_space<semaphore_mem>>) src(%dma_wait3A_390 : memref<100000x64xf32, #tpu.memory_space<hbm>>) dst(%dma_wait3A_385 : memref<640x64xf32, #tpu.memory_space<vmem>>)
    %add3A_391 = arith.constant 0 : i32
    %add3A_392 = arith.addi %multiple_of3A, %add3A_391 : i32
    %multiple_of3A_393 = tpu.assume_multiple %add3A_392, 8 : i32
    %dma_start3A_394 = arith.constant 1 : i32
    %dma_start3A_395 = arith.constant 0 : i32
    %dma_start3A_396 = tpu.memref_slice %arg8[%multiple_of3A_393, %dma_start3A_394, %dma_start3A_395] : memref<204800x5x64xf32, #tpu.memory_space<hbm>> -> memref<640x1x64xf32, #tpu.memory_space<hbm>>
    %dma_start3A_397 = arith.constant 1 : i32
    %dma_start3A_398 = arith.constant 0 : i32
    %dma_start3A_399 = tpu.memref_slice %arg8[%multiple_of3A_393, %dma_start3A_397, %dma_start3A_398] : memref<204800x5x64xf32, #tpu.memory_space<hbm>> -> memref<640x1x64xf32, #tpu.memory_space<hbm>>
    tpu.enqueue_dma source(%arg10 : memref<640x1x64xf32, #tpu.memory_space<vmem>>) target(%dma_start3A_399 : memref<640x1x64xf32, #tpu.memory_space<hbm>>) target_semaphore(%arg14 : memref<!tpu.dma_semaphore, #tpu.memory_space<semaphore_mem>>)
    %dma_wait3A_400 = arith.constant 1 : i32
    %dma_wait3A_401 = arith.constant 0 : i32
    %dma_wait3A_402 = tpu.memref_slice %arg8[%multiple_of3A_393, %dma_wait3A_400, %dma_wait3A_401] : memref<204800x5x64xf32, #tpu.memory_space<hbm>> -> memref<640x1x64xf32, #tpu.memory_space<hbm>>
    %dma_wait3A_403 = arith.constant 1 : i32
    %dma_wait3A_404 = arith.constant 0 : i32
    %dma_wait3A_405 = tpu.memref_slice %arg8[%multiple_of3A_393, %dma_wait3A_403, %dma_wait3A_404] : memref<204800x5x64xf32, #tpu.memory_space<hbm>> -> memref<640x1x64xf32, #tpu.memory_space<hbm>>
    tpu.wait_dma2 semaphore(%arg14 : memref<!tpu.dma_semaphore, #tpu.memory_space<semaphore_mem>>) src(%arg10 : memref<640x1x64xf32, #tpu.memory_space<vmem>>) dst(%dma_wait3A_405 : memref<640x1x64xf32, #tpu.memory_space<hbm>>)
    %dma_start3A_406 = arith.constant 0 : i32
    %dma_start3A_407 = arith.constant 0 : i32
    %dma_start3A_408 = arith.constant 0 : i32
    %dma_start3A_409 = tpu.memref_slice %arg10[%dma_start3A_407, %dma_start3A_406, %dma_start3A_408] : memref<640x1x64xf32, #tpu.memory_space<vmem>> -> memref<640x1x64xf32, #tpu.memory_space<vmem>>
    %dma_start3A_410 = tpu.memref_squeeze %dma_start3A_409 : memref<640x1x64xf32, #tpu.memory_space<vmem>> -> memref<640x64xf32, #tpu.memory_space<vmem>>
    %dma_start3A_411 = arith.constant 7680 : i32
    %dma_start3A_412 = tpu.memref_slice %arg9[%dma_start3A_411] : memref<32000xi32, #tpu.memory_space<vmem>> -> memref<640xi32, #tpu.memory_space<vmem>>
    %dma_start3A_413 = arith.constant 0 : i32
    %dma_start3A_414 = arith.constant 0 : i32
    %dma_start3A_415 = tpu.memref_slice %arg4[%dma_start3A_413, %dma_start3A_414] : memref<100000x64xf32, #tpu.memory_space<hbm>> -> memref<100000x64xf32, #tpu.memory_space<hbm>>
    tpu.enqueue_indirect_dma source(%dma_start3A_415 : memref<100000x64xf32, #tpu.memory_space<hbm>>) target(%dma_start3A_410 : memref<640x64xf32, #tpu.memory_space<vmem>>) offsets(%dma_start3A_412 : memref<640xi32, #tpu.memory_space<vmem>>) semaphore(%arg12 : memref<!tpu.dma_semaphore, #tpu.memory_space<semaphore_mem>>)
    %dma_wait3A_416 = arith.constant 0 : i32
    %dma_wait3A_417 = arith.constant 0 : i32
    %dma_wait3A_418 = arith.constant 0 : i32
    %dma_wait3A_419 = tpu.memref_slice %arg11[%dma_wait3A_417, %dma_wait3A_416, %dma_wait3A_418] : memref<640x1x64xf32, #tpu.memory_space<vmem>> -> memref<640x1x64xf32, #tpu.memory_space<vmem>>
    %dma_wait3A_420 = tpu.memref_squeeze %dma_wait3A_419 : memref<640x1x64xf32, #tpu.memory_space<vmem>> -> memref<640x64xf32, #tpu.memory_space<vmem>>
    %dma_wait3A_421 = arith.constant 7040 : i32
    %dma_wait3A_422 = tpu.memref_slice %arg9[%dma_wait3A_421] : memref<32000xi32, #tpu.memory_space<vmem>> -> memref<640xi32, #tpu.memory_space<vmem>>
    %dma_wait3A_423 = arith.constant 0 : i32
    %dma_wait3A_424 = arith.constant 0 : i32
    %dma_wait3A_425 = tpu.memref_slice %arg4[%dma_wait3A_423, %dma_wait3A_424] : memref<100000x64xf32, #tpu.memory_space<hbm>> -> memref<100000x64xf32, #tpu.memory_space<hbm>>
    tpu.wait_indirect_dma semaphore(%arg13 : memref<!tpu.dma_semaphore, #tpu.memory_space<semaphore_mem>>) src(%dma_wait3A_425 : memref<100000x64xf32, #tpu.memory_space<hbm>>) dst(%dma_wait3A_420 : memref<640x64xf32, #tpu.memory_space<vmem>>)
    %add3A_426 = arith.constant 640 : i32
    %add3A_427 = arith.addi %multiple_of3A, %add3A_426 : i32
    %multiple_of3A_428 = tpu.assume_multiple %add3A_427, 8 : i32
    %dma_start3A_429 = arith.constant 1 : i32
    %dma_start3A_430 = arith.constant 0 : i32
    %dma_start3A_431 = tpu.memref_slice %arg8[%multiple_of3A_428, %dma_start3A_429, %dma_start3A_430] : memref<204800x5x64xf32, #tpu.memory_space<hbm>> -> memref<640x1x64xf32, #tpu.memory_space<hbm>>
    %dma_start3A_432 = arith.constant 1 : i32
    %dma_start3A_433 = arith.constant 0 : i32
    %dma_start3A_434 = tpu.memref_slice %arg8[%multiple_of3A_428, %dma_start3A_432, %dma_start3A_433] : memref<204800x5x64xf32, #tpu.memory_space<hbm>> -> memref<640x1x64xf32, #tpu.memory_space<hbm>>
    tpu.enqueue_dma source(%arg11 : memref<640x1x64xf32, #tpu.memory_space<vmem>>) target(%dma_start3A_434 : memref<640x1x64xf32, #tpu.memory_space<hbm>>) target_semaphore(%arg15 : memref<!tpu.dma_semaphore, #tpu.memory_space<semaphore_mem>>)
    %dma_wait3A_435 = arith.constant 1 : i32
    %dma_wait3A_436 = arith.constant 0 : i32
    %dma_wait3A_437 = tpu.memref_slice %arg8[%multiple_of3A_428, %dma_wait3A_435, %dma_wait3A_436] : memref<204800x5x64xf32, #tpu.memory_space<hbm>> -> memref<640x1x64xf32, #tpu.memory_space<hbm>>
    %dma_wait3A_438 = arith.constant 1 : i32
    %dma_wait3A_439 = arith.constant 0 : i32
    %dma_wait3A_440 = tpu.memref_slice %arg8[%multiple_of3A_428, %dma_wait3A_438, %dma_wait3A_439] : memref<204800x5x64xf32, #tpu.memory_space<hbm>> -> memref<640x1x64xf32, #tpu.memory_space<hbm>>
    tpu.wait_dma2 semaphore(%arg15 : memref<!tpu.dma_semaphore, #tpu.memory_space<semaphore_mem>>) src(%arg11 : memref<640x1x64xf32, #tpu.memory_space<vmem>>) dst(%dma_wait3A_440 : memref<640x1x64xf32, #tpu.memory_space<hbm>>)
    %dma_start3A_441 = arith.constant 0 : i32
    %dma_start3A_442 = arith.constant 0 : i32
    %dma_start3A_443 = arith.constant 0 : i32
    %dma_start3A_444 = tpu.memref_slice %arg11[%dma_start3A_442, %dma_start3A_441, %dma_start3A_443] : memref<640x1x64xf32, #tpu.memory_space<vmem>> -> memref<640x1x64xf32, #tpu.memory_space<vmem>>
    %dma_start3A_445 = tpu.memref_squeeze %dma_start3A_444 : memref<640x1x64xf32, #tpu.memory_space<vmem>> -> memref<640x64xf32, #tpu.memory_space<vmem>>
    %dma_start3A_446 = arith.constant 8320 : i32
    %dma_start3A_447 = tpu.memref_slice %arg9[%dma_start3A_446] : memref<32000xi32, #tpu.memory_space<vmem>> -> memref<640xi32, #tpu.memory_space<vmem>>
    %dma_start3A_448 = arith.constant 0 : i32
    %dma_start3A_449 = arith.constant 0 : i32
    %dma_start3A_450 = tpu.memref_slice %arg4[%dma_start3A_448, %dma_start3A_449] : memref<100000x64xf32, #tpu.memory_space<hbm>> -> memref<100000x64xf32, #tpu.memory_space<hbm>>
    tpu.enqueue_indirect_dma source(%dma_start3A_450 : memref<100000x64xf32, #tpu.memory_space<hbm>>) target(%dma_start3A_445 : memref<640x64xf32, #tpu.memory_space<vmem>>) offsets(%dma_start3A_447 : memref<640xi32, #tpu.memory_space<vmem>>) semaphore(%arg13 : memref<!tpu.dma_semaphore, #tpu.memory_space<semaphore_mem>>)
    %dma_wait3A_451 = arith.constant 0 : i32
    %dma_wait3A_452 = arith.constant 0 : i32
    %dma_wait3A_453 = arith.constant 0 : i32
    %dma_wait3A_454 = tpu.memref_slice %arg10[%dma_wait3A_452, %dma_wait3A_451, %dma_wait3A_453] : memref<640x1x64xf32, #tpu.memory_space<vmem>> -> memref<640x1x64xf32, #tpu.memory_space<vmem>>
    %dma_wait3A_455 = tpu.memref_squeeze %dma_wait3A_454 : memref<640x1x64xf32, #tpu.memory_space<vmem>> -> memref<640x64xf32, #tpu.memory_space<vmem>>
    %dma_wait3A_456 = arith.constant 7680 : i32
    %dma_wait3A_457 = tpu.memref_slice %arg9[%dma_wait3A_456] : memref<32000xi32, #tpu.memory_space<vmem>> -> memref<640xi32, #tpu.memory_space<vmem>>
    %dma_wait3A_458 = arith.constant 0 : i32
    %dma_wait3A_459 = arith.constant 0 : i32
    %dma_wait3A_460 = tpu.memref_slice %arg4[%dma_wait3A_458, %dma_wait3A_459] : memref<100000x64xf32, #tpu.memory_space<hbm>> -> memref<100000x64xf32, #tpu.memory_space<hbm>>
    tpu.wait_indirect_dma semaphore(%arg12 : memref<!tpu.dma_semaphore, #tpu.memory_space<semaphore_mem>>) src(%dma_wait3A_460 : memref<100000x64xf32, #tpu.memory_space<hbm>>) dst(%dma_wait3A_455 : memref<640x64xf32, #tpu.memory_space<vmem>>)
    %add3A_461 = arith.constant 1280 : i32
    %add3A_462 = arith.addi %multiple_of3A, %add3A_461 : i32
    %multiple_of3A_463 = tpu.assume_multiple %add3A_462, 8 : i32
    %dma_start3A_464 = arith.constant 1 : i32
    %dma_start3A_465 = arith.constant 0 : i32
    %dma_start3A_466 = tpu.memref_slice %arg8[%multiple_of3A_463, %dma_start3A_464, %dma_start3A_465] : memref<204800x5x64xf32, #tpu.memory_space<hbm>> -> memref<640x1x64xf32, #tpu.memory_space<hbm>>
    %dma_start3A_467 = arith.constant 1 : i32
    %dma_start3A_468 = arith.constant 0 : i32
    %dma_start3A_469 = tpu.memref_slice %arg8[%multiple_of3A_463, %dma_start3A_467, %dma_start3A_468] : memref<204800x5x64xf32, #tpu.memory_space<hbm>> -> memref<640x1x64xf32, #tpu.memory_space<hbm>>
    tpu.enqueue_dma source(%arg10 : memref<640x1x64xf32, #tpu.memory_space<vmem>>) target(%dma_start3A_469 : memref<640x1x64xf32, #tpu.memory_space<hbm>>) target_semaphore(%arg14 : memref<!tpu.dma_semaphore, #tpu.memory_space<semaphore_mem>>)
    %dma_wait3A_470 = arith.constant 1 : i32
    %dma_wait3A_471 = arith.constant 0 : i32
    %dma_wait3A_472 = tpu.memref_slice %arg8[%multiple_of3A_463, %dma_wait3A_470, %dma_wait3A_471] : memref<204800x5x64xf32, #tpu.memory_space<hbm>> -> memref<640x1x64xf32, #tpu.memory_space<hbm>>
    %dma_wait3A_473 = arith.constant 1 : i32
    %dma_wait3A_474 = arith.constant 0 : i32
    %dma_wait3A_475 = tpu.memref_slice %arg8[%multiple_of3A_463, %dma_wait3A_473, %dma_wait3A_474] : memref<204800x5x64xf32, #tpu.memory_space<hbm>> -> memref<640x1x64xf32, #tpu.memory_space<hbm>>
    tpu.wait_dma2 semaphore(%arg14 : memref<!tpu.dma_semaphore, #tpu.memory_space<semaphore_mem>>) src(%arg10 : memref<640x1x64xf32, #tpu.memory_space<vmem>>) dst(%dma_wait3A_475 : memref<640x1x64xf32, #tpu.memory_space<hbm>>)
    %dma_start3A_476 = arith.constant 0 : i32
    %dma_start3A_477 = arith.constant 0 : i32
    %dma_start3A_478 = arith.constant 0 : i32
    %dma_start3A_479 = tpu.memref_slice %arg10[%dma_start3A_477, %dma_start3A_476, %dma_start3A_478] : memref<640x1x64xf32, #tpu.memory_space<vmem>> -> memref<640x1x64xf32, #tpu.memory_space<vmem>>
    %dma_start3A_480 = tpu.memref_squeeze %dma_start3A_479 : memref<640x1x64xf32, #tpu.memory_space<vmem>> -> memref<640x64xf32, #tpu.memory_space<vmem>>
    %dma_start3A_481 = arith.constant 8960 : i32
    %dma_start3A_482 = tpu.memref_slice %arg9[%dma_start3A_481] : memref<32000xi32, #tpu.memory_space<vmem>> -> memref<640xi32, #tpu.memory_space<vmem>>
    %dma_start3A_483 = arith.constant 0 : i32
    %dma_start3A_484 = arith.constant 0 : i32
    %dma_start3A_485 = tpu.memref_slice %arg4[%dma_start3A_483, %dma_start3A_484] : memref<100000x64xf32, #tpu.memory_space<hbm>> -> memref<100000x64xf32, #tpu.memory_space<hbm>>
    tpu.enqueue_indirect_dma source(%dma_start3A_485 : memref<100000x64xf32, #tpu.memory_space<hbm>>) target(%dma_start3A_480 : memref<640x64xf32, #tpu.memory_space<vmem>>) offsets(%dma_start3A_482 : memref<640xi32, #tpu.memory_space<vmem>>) semaphore(%arg12 : memref<!tpu.dma_semaphore, #tpu.memory_space<semaphore_mem>>)
    %dma_wait3A_486 = arith.constant 0 : i32
    %dma_wait3A_487 = arith.constant 0 : i32
    %dma_wait3A_488 = arith.constant 0 : i32
    %dma_wait3A_489 = tpu.memref_slice %arg11[%dma_wait3A_487, %dma_wait3A_486, %dma_wait3A_488] : memref<640x1x64xf32, #tpu.memory_space<vmem>> -> memref<640x1x64xf32, #tpu.memory_space<vmem>>
    %dma_wait3A_490 = tpu.memref_squeeze %dma_wait3A_489 : memref<640x1x64xf32, #tpu.memory_space<vmem>> -> memref<640x64xf32, #tpu.memory_space<vmem>>
    %dma_wait3A_491 = arith.constant 8320 : i32
    %dma_wait3A_492 = tpu.memref_slice %arg9[%dma_wait3A_491] : memref<32000xi32, #tpu.memory_space<vmem>> -> memref<640xi32, #tpu.memory_space<vmem>>
    %dma_wait3A_493 = arith.constant 0 : i32
    %dma_wait3A_494 = arith.constant 0 : i32
    %dma_wait3A_495 = tpu.memref_slice %arg4[%dma_wait3A_493, %dma_wait3A_494] : memref<100000x64xf32, #tpu.memory_space<hbm>> -> memref<100000x64xf32, #tpu.memory_space<hbm>>
    tpu.wait_indirect_dma semaphore(%arg13 : memref<!tpu.dma_semaphore, #tpu.memory_space<semaphore_mem>>) src(%dma_wait3A_495 : memref<100000x64xf32, #tpu.memory_space<hbm>>) dst(%dma_wait3A_490 : memref<640x64xf32, #tpu.memory_space<vmem>>)
    %add3A_496 = arith.constant 1920 : i32
    %add3A_497 = arith.addi %multiple_of3A, %add3A_496 : i32
    %multiple_of3A_498 = tpu.assume_multiple %add3A_497, 8 : i32
    %dma_start3A_499 = arith.constant 1 : i32
    %dma_start3A_500 = arith.constant 0 : i32
    %dma_start3A_501 = tpu.memref_slice %arg8[%multiple_of3A_498, %dma_start3A_499, %dma_start3A_500] : memref<204800x5x64xf32, #tpu.memory_space<hbm>> -> memref<640x1x64xf32, #tpu.memory_space<hbm>>
    %dma_start3A_502 = arith.constant 1 : i32
    %dma_start3A_503 = arith.constant 0 : i32
    %dma_start3A_504 = tpu.memref_slice %arg8[%multiple_of3A_498, %dma_start3A_502, %dma_start3A_503] : memref<204800x5x64xf32, #tpu.memory_space<hbm>> -> memref<640x1x64xf32, #tpu.memory_space<hbm>>
    tpu.enqueue_dma source(%arg11 : memref<640x1x64xf32, #tpu.memory_space<vmem>>) target(%dma_start3A_504 : memref<640x1x64xf32, #tpu.memory_space<hbm>>) target_semaphore(%arg15 : memref<!tpu.dma_semaphore, #tpu.memory_space<semaphore_mem>>)
    %dma_wait3A_505 = arith.constant 1 : i32
    %dma_wait3A_506 = arith.constant 0 : i32
    %dma_wait3A_507 = tpu.memref_slice %arg8[%multiple_of3A_498, %dma_wait3A_505, %dma_wait3A_506] : memref<204800x5x64xf32, #tpu.memory_space<hbm>> -> memref<640x1x64xf32, #tpu.memory_space<hbm>>
    %dma_wait3A_508 = arith.constant 1 : i32
    %dma_wait3A_509 = arith.constant 0 : i32
    %dma_wait3A_510 = tpu.memref_slice %arg8[%multiple_of3A_498, %dma_wait3A_508, %dma_wait3A_509] : memref<204800x5x64xf32, #tpu.memory_space<hbm>> -> memref<640x1x64xf32, #tpu.memory_space<hbm>>
    tpu.wait_dma2 semaphore(%arg15 : memref<!tpu.dma_semaphore, #tpu.memory_space<semaphore_mem>>) src(%arg11 : memref<640x1x64xf32, #tpu.memory_space<vmem>>) dst(%dma_wait3A_510 : memref<640x1x64xf32, #tpu.memory_space<hbm>>)
    %dma_start3A_511 = arith.constant 0 : i32
    %dma_start3A_512 = arith.constant 0 : i32
    %dma_start3A_513 = arith.constant 0 : i32
    %dma_start3A_514 = tpu.memref_slice %arg11[%dma_start3A_512, %dma_start3A_511, %dma_start3A_513] : memref<640x1x64xf32, #tpu.memory_space<vmem>> -> memref<640x1x64xf32, #tpu.memory_space<vmem>>
    %dma_start3A_515 = tpu.memref_squeeze %dma_start3A_514 : memref<640x1x64xf32, #tpu.memory_space<vmem>> -> memref<640x64xf32, #tpu.memory_space<vmem>>
    %dma_start3A_516 = arith.constant 9600 : i32
    %dma_start3A_517 = tpu.memref_slice %arg9[%dma_start3A_516] : memref<32000xi32, #tpu.memory_space<vmem>> -> memref<640xi32, #tpu.memory_space<vmem>>
    %dma_start3A_518 = arith.constant 0 : i32
    %dma_start3A_519 = arith.constant 0 : i32
    %dma_start3A_520 = tpu.memref_slice %arg4[%dma_start3A_518, %dma_start3A_519] : memref<100000x64xf32, #tpu.memory_space<hbm>> -> memref<100000x64xf32, #tpu.memory_space<hbm>>
    tpu.enqueue_indirect_dma source(%dma_start3A_520 : memref<100000x64xf32, #tpu.memory_space<hbm>>) target(%dma_start3A_515 : memref<640x64xf32, #tpu.memory_space<vmem>>) offsets(%dma_start3A_517 : memref<640xi32, #tpu.memory_space<vmem>>) semaphore(%arg13 : memref<!tpu.dma_semaphore, #tpu.memory_space<semaphore_mem>>)
    %dma_wait3A_521 = arith.constant 0 : i32
    %dma_wait3A_522 = arith.constant 0 : i32
    %dma_wait3A_523 = arith.constant 0 : i32
    %dma_wait3A_524 = tpu.memref_slice %arg10[%dma_wait3A_522, %dma_wait3A_521, %dma_wait3A_523] : memref<640x1x64xf32, #tpu.memory_space<vmem>> -> memref<640x1x64xf32, #tpu.memory_space<vmem>>
    %dma_wait3A_525 = tpu.memref_squeeze %dma_wait3A_524 : memref<640x1x64xf32, #tpu.memory_space<vmem>> -> memref<640x64xf32, #tpu.memory_space<vmem>>
    %dma_wait3A_526 = arith.constant 8960 : i32
    %dma_wait3A_527 = tpu.memref_slice %arg9[%dma_wait3A_526] : memref<32000xi32, #tpu.memory_space<vmem>> -> memref<640xi32, #tpu.memory_space<vmem>>
    %dma_wait3A_528 = arith.constant 0 : i32
    %dma_wait3A_529 = arith.constant 0 : i32
    %dma_wait3A_530 = tpu.memref_slice %arg4[%dma_wait3A_528, %dma_wait3A_529] : memref<100000x64xf32, #tpu.memory_space<hbm>> -> memref<100000x64xf32, #tpu.memory_space<hbm>>
    tpu.wait_indirect_dma semaphore(%arg12 : memref<!tpu.dma_semaphore, #tpu.memory_space<semaphore_mem>>) src(%dma_wait3A_530 : memref<100000x64xf32, #tpu.memory_space<hbm>>) dst(%dma_wait3A_525 : memref<640x64xf32, #tpu.memory_space<vmem>>)
    %add3A_531 = arith.constant 2560 : i32
    %add3A_532 = arith.addi %multiple_of3A, %add3A_531 : i32
    %multiple_of3A_533 = tpu.assume_multiple %add3A_532, 8 : i32
    %dma_start3A_534 = arith.constant 1 : i32
    %dma_start3A_535 = arith.constant 0 : i32
    %dma_start3A_536 = tpu.memref_slice %arg8[%multiple_of3A_533, %dma_start3A_534, %dma_start3A_535] : memref<204800x5x64xf32, #tpu.memory_space<hbm>> -> memref<640x1x64xf32, #tpu.memory_space<hbm>>
    %dma_start3A_537 = arith.constant 1 : i32
    %dma_start3A_538 = arith.constant 0 : i32
    %dma_start3A_539 = tpu.memref_slice %arg8[%multiple_of3A_533, %dma_start3A_537, %dma_start3A_538] : memref<204800x5x64xf32, #tpu.memory_space<hbm>> -> memref<640x1x64xf32, #tpu.memory_space<hbm>>
    tpu.enqueue_dma source(%arg10 : memref<640x1x64xf32, #tpu.memory_space<vmem>>) target(%dma_start3A_539 : memref<640x1x64xf32, #tpu.memory_space<hbm>>) target_semaphore(%arg14 : memref<!tpu.dma_semaphore, #tpu.memory_space<semaphore_mem>>)
    %dma_wait3A_540 = arith.constant 1 : i32
    %dma_wait3A_541 = arith.constant 0 : i32
    %dma_wait3A_542 = tpu.memref_slice %arg8[%multiple_of3A_533, %dma_wait3A_540, %dma_wait3A_541] : memref<204800x5x64xf32, #tpu.memory_space<hbm>> -> memref<640x1x64xf32, #tpu.memory_space<hbm>>
    %dma_wait3A_543 = arith.constant 1 : i32
    %dma_wait3A_544 = arith.constant 0 : i32
    %dma_wait3A_545 = tpu.memref_slice %arg8[%multiple_of3A_533, %dma_wait3A_543, %dma_wait3A_544] : memref<204800x5x64xf32, #tpu.memory_space<hbm>> -> memref<640x1x64xf32, #tpu.memory_space<hbm>>
    tpu.wait_dma2 semaphore(%arg14 : memref<!tpu.dma_semaphore, #tpu.memory_space<semaphore_mem>>) src(%arg10 : memref<640x1x64xf32, #tpu.memory_space<vmem>>) dst(%dma_wait3A_545 : memref<640x1x64xf32, #tpu.memory_space<hbm>>)
    %dma_start3A_546 = arith.constant 0 : i32
    %dma_start3A_547 = arith.constant 0 : i32
    %dma_start3A_548 = arith.constant 0 : i32
    %dma_start3A_549 = tpu.memref_slice %arg10[%dma_start3A_547, %dma_start3A_546, %dma_start3A_548] : memref<640x1x64xf32, #tpu.memory_space<vmem>> -> memref<640x1x64xf32, #tpu.memory_space<vmem>>
    %dma_start3A_550 = tpu.memref_squeeze %dma_start3A_549 : memref<640x1x64xf32, #tpu.memory_space<vmem>> -> memref<640x64xf32, #tpu.memory_space<vmem>>
    %dma_start3A_551 = arith.constant 10240 : i32
    %dma_start3A_552 = tpu.memref_slice %arg9[%dma_start3A_551] : memref<32000xi32, #tpu.memory_space<vmem>> -> memref<640xi32, #tpu.memory_space<vmem>>
    %dma_start3A_553 = arith.constant 0 : i32
    %dma_start3A_554 = arith.constant 0 : i32
    %dma_start3A_555 = tpu.memref_slice %arg4[%dma_start3A_553, %dma_start3A_554] : memref<100000x64xf32, #tpu.memory_space<hbm>> -> memref<100000x64xf32, #tpu.memory_space<hbm>>
    tpu.enqueue_indirect_dma source(%dma_start3A_555 : memref<100000x64xf32, #tpu.memory_space<hbm>>) target(%dma_start3A_550 : memref<640x64xf32, #tpu.memory_space<vmem>>) offsets(%dma_start3A_552 : memref<640xi32, #tpu.memory_space<vmem>>) semaphore(%arg12 : memref<!tpu.dma_semaphore, #tpu.memory_space<semaphore_mem>>)
    %dma_wait3A_556 = arith.constant 0 : i32
    %dma_wait3A_557 = arith.constant 0 : i32
    %dma_wait3A_558 = arith.constant 0 : i32
    %dma_wait3A_559 = tpu.memref_slice %arg11[%dma_wait3A_557, %dma_wait3A_556, %dma_wait3A_558] : memref<640x1x64xf32, #tpu.memory_space<vmem>> -> memref<640x1x64xf32, #tpu.memory_space<vmem>>
    %dma_wait3A_560 = tpu.memref_squeeze %dma_wait3A_559 : memref<640x1x64xf32, #tpu.memory_space<vmem>> -> memref<640x64xf32, #tpu.memory_space<vmem>>
    %dma_wait3A_561 = arith.constant 9600 : i32
    %dma_wait3A_562 = tpu.memref_slice %arg9[%dma_wait3A_561] : memref<32000xi32, #tpu.memory_space<vmem>> -> memref<640xi32, #tpu.memory_space<vmem>>
    %dma_wait3A_563 = arith.constant 0 : i32
    %dma_wait3A_564 = arith.constant 0 : i32
    %dma_wait3A_565 = tpu.memref_slice %arg4[%dma_wait3A_563, %dma_wait3A_564] : memref<100000x64xf32, #tpu.memory_space<hbm>> -> memref<100000x64xf32, #tpu.memory_space<hbm>>
    tpu.wait_indirect_dma semaphore(%arg13 : memref<!tpu.dma_semaphore, #tpu.memory_space<semaphore_mem>>) src(%dma_wait3A_565 : memref<100000x64xf32, #tpu.memory_space<hbm>>) dst(%dma_wait3A_560 : memref<640x64xf32, #tpu.memory_space<vmem>>)
    %add3A_566 = arith.constant 3200 : i32
    %add3A_567 = arith.addi %multiple_of3A, %add3A_566 : i32
    %multiple_of3A_568 = tpu.assume_multiple %add3A_567, 8 : i32
    %dma_start3A_569 = arith.constant 1 : i32
    %dma_start3A_570 = arith.constant 0 : i32
    %dma_start3A_571 = tpu.memref_slice %arg8[%multiple_of3A_568, %dma_start3A_569, %dma_start3A_570] : memref<204800x5x64xf32, #tpu.memory_space<hbm>> -> memref<640x1x64xf32, #tpu.memory_space<hbm>>
    %dma_start3A_572 = arith.constant 1 : i32
    %dma_start3A_573 = arith.constant 0 : i32
    %dma_start3A_574 = tpu.memref_slice %arg8[%multiple_of3A_568, %dma_start3A_572, %dma_start3A_573] : memref<204800x5x64xf32, #tpu.memory_space<hbm>> -> memref<640x1x64xf32, #tpu.memory_space<hbm>>
    tpu.enqueue_dma source(%arg11 : memref<640x1x64xf32, #tpu.memory_space<vmem>>) target(%dma_start3A_574 : memref<640x1x64xf32, #tpu.memory_space<hbm>>) target_semaphore(%arg15 : memref<!tpu.dma_semaphore, #tpu.memory_space<semaphore_mem>>)
    %dma_wait3A_575 = arith.constant 1 : i32
    %dma_wait3A_576 = arith.constant 0 : i32
    %dma_wait3A_577 = tpu.memref_slice %arg8[%multiple_of3A_568, %dma_wait3A_575, %dma_wait3A_576] : memref<204800x5x64xf32, #tpu.memory_space<hbm>> -> memref<640x1x64xf32, #tpu.memory_space<hbm>>
    %dma_wait3A_578 = arith.constant 1 : i32
    %dma_wait3A_579 = arith.constant 0 : i32
    %dma_wait3A_580 = tpu.memref_slice %arg8[%multiple_of3A_568, %dma_wait3A_578, %dma_wait3A_579] : memref<204800x5x64xf32, #tpu.memory_space<hbm>> -> memref<640x1x64xf32, #tpu.memory_space<hbm>>
    tpu.wait_dma2 semaphore(%arg15 : memref<!tpu.dma_semaphore, #tpu.memory_space<semaphore_mem>>) src(%arg11 : memref<640x1x64xf32, #tpu.memory_space<vmem>>) dst(%dma_wait3A_580 : memref<640x1x64xf32, #tpu.memory_space<hbm>>)
    %dma_start3A_581 = arith.constant 0 : i32
    %dma_start3A_582 = arith.constant 0 : i32
    %dma_start3A_583 = arith.constant 0 : i32
    %dma_start3A_584 = tpu.memref_slice %arg11[%dma_start3A_582, %dma_start3A_581, %dma_start3A_583] : memref<640x1x64xf32, #tpu.memory_space<vmem>> -> memref<640x1x64xf32, #tpu.memory_space<vmem>>
    %dma_start3A_585 = tpu.memref_squeeze %dma_start3A_584 : memref<640x1x64xf32, #tpu.memory_space<vmem>> -> memref<640x64xf32, #tpu.memory_space<vmem>>
    %dma_start3A_586 = arith.constant 10880 : i32
    %dma_start3A_587 = tpu.memref_slice %arg9[%dma_start3A_586] : memref<32000xi32, #tpu.memory_space<vmem>> -> memref<640xi32, #tpu.memory_space<vmem>>
    %dma_start3A_588 = arith.constant 0 : i32
    %dma_start3A_589 = arith.constant 0 : i32
    %dma_start3A_590 = tpu.memref_slice %arg4[%dma_start3A_588, %dma_start3A_589] : memref<100000x64xf32, #tpu.memory_space<hbm>> -> memref<100000x64xf32, #tpu.memory_space<hbm>>
    tpu.enqueue_indirect_dma source(%dma_start3A_590 : memref<100000x64xf32, #tpu.memory_space<hbm>>) target(%dma_start3A_585 : memref<640x64xf32, #tpu.memory_space<vmem>>) offsets(%dma_start3A_587 : memref<640xi32, #tpu.memory_space<vmem>>) semaphore(%arg13 : memref<!tpu.dma_semaphore, #tpu.memory_space<semaphore_mem>>)
    %dma_wait3A_591 = arith.constant 0 : i32
    %dma_wait3A_592 = arith.constant 0 : i32
    %dma_wait3A_593 = arith.constant 0 : i32
    %dma_wait3A_594 = tpu.memref_slice %arg10[%dma_wait3A_592, %dma_wait3A_591, %dma_wait3A_593] : memref<640x1x64xf32, #tpu.memory_space<vmem>> -> memref<640x1x64xf32, #tpu.memory_space<vmem>>
    %dma_wait3A_595 = tpu.memref_squeeze %dma_wait3A_594 : memref<640x1x64xf32, #tpu.memory_space<vmem>> -> memref<640x64xf32, #tpu.memory_space<vmem>>
    %dma_wait3A_596 = arith.constant 10240 : i32
    %dma_wait3A_597 = tpu.memref_slice %arg9[%dma_wait3A_596] : memref<32000xi32, #tpu.memory_space<vmem>> -> memref<640xi32, #tpu.memory_space<vmem>>
    %dma_wait3A_598 = arith.constant 0 : i32
    %dma_wait3A_599 = arith.constant 0 : i32
    %dma_wait3A_600 = tpu.memref_slice %arg4[%dma_wait3A_598, %dma_wait3A_599] : memref<100000x64xf32, #tpu.memory_space<hbm>> -> memref<100000x64xf32, #tpu.memory_space<hbm>>
    tpu.wait_indirect_dma semaphore(%arg12 : memref<!tpu.dma_semaphore, #tpu.memory_space<semaphore_mem>>) src(%dma_wait3A_600 : memref<100000x64xf32, #tpu.memory_space<hbm>>) dst(%dma_wait3A_595 : memref<640x64xf32, #tpu.memory_space<vmem>>)
    %add3A_601 = arith.constant 3840 : i32
    %add3A_602 = arith.addi %multiple_of3A, %add3A_601 : i32
    %multiple_of3A_603 = tpu.assume_multiple %add3A_602, 8 : i32
    %dma_start3A_604 = arith.constant 1 : i32
    %dma_start3A_605 = arith.constant 0 : i32
    %dma_start3A_606 = tpu.memref_slice %arg8[%multiple_of3A_603, %dma_start3A_604, %dma_start3A_605] : memref<204800x5x64xf32, #tpu.memory_space<hbm>> -> memref<640x1x64xf32, #tpu.memory_space<hbm>>
    %dma_start3A_607 = arith.constant 1 : i32
    %dma_start3A_608 = arith.constant 0 : i32
    %dma_start3A_609 = tpu.memref_slice %arg8[%multiple_of3A_603, %dma_start3A_607, %dma_start3A_608] : memref<204800x5x64xf32, #tpu.memory_space<hbm>> -> memref<640x1x64xf32, #tpu.memory_space<hbm>>
    tpu.enqueue_dma source(%arg10 : memref<640x1x64xf32, #tpu.memory_space<vmem>>) target(%dma_start3A_609 : memref<640x1x64xf32, #tpu.memory_space<hbm>>) target_semaphore(%arg14 : memref<!tpu.dma_semaphore, #tpu.memory_space<semaphore_mem>>)
    %dma_wait3A_610 = arith.constant 1 : i32
    %dma_wait3A_611 = arith.constant 0 : i32
    %dma_wait3A_612 = tpu.memref_slice %arg8[%multiple_of3A_603, %dma_wait3A_610, %dma_wait3A_611] : memref<204800x5x64xf32, #tpu.memory_space<hbm>> -> memref<640x1x64xf32, #tpu.memory_space<hbm>>
    %dma_wait3A_613 = arith.constant 1 : i32
    %dma_wait3A_614 = arith.constant 0 : i32
    %dma_wait3A_615 = tpu.memref_slice %arg8[%multiple_of3A_603, %dma_wait3A_613, %dma_wait3A_614] : memref<204800x5x64xf32, #tpu.memory_space<hbm>> -> memref<640x1x64xf32, #tpu.memory_space<hbm>>
    tpu.wait_dma2 semaphore(%arg14 : memref<!tpu.dma_semaphore, #tpu.memory_space<semaphore_mem>>) src(%arg10 : memref<640x1x64xf32, #tpu.memory_space<vmem>>) dst(%dma_wait3A_615 : memref<640x1x64xf32, #tpu.memory_space<hbm>>)
    %dma_start3A_616 = arith.constant 0 : i32
    %dma_start3A_617 = arith.constant 0 : i32
    %dma_start3A_618 = arith.constant 0 : i32
    %dma_start3A_619 = tpu.memref_slice %arg10[%dma_start3A_617, %dma_start3A_616, %dma_start3A_618] : memref<640x1x64xf32, #tpu.memory_space<vmem>> -> memref<640x1x64xf32, #tpu.memory_space<vmem>>
    %dma_start3A_620 = tpu.memref_squeeze %dma_start3A_619 : memref<640x1x64xf32, #tpu.memory_space<vmem>> -> memref<640x64xf32, #tpu.memory_space<vmem>>
    %dma_start3A_621 = arith.constant 11520 : i32
    %dma_start3A_622 = tpu.memref_slice %arg9[%dma_start3A_621] : memref<32000xi32, #tpu.memory_space<vmem>> -> memref<640xi32, #tpu.memory_space<vmem>>
    %dma_start3A_623 = arith.constant 0 : i32
    %dma_start3A_624 = arith.constant 0 : i32
    %dma_start3A_625 = tpu.memref_slice %arg4[%dma_start3A_623, %dma_start3A_624] : memref<100000x64xf32, #tpu.memory_space<hbm>> -> memref<100000x64xf32, #tpu.memory_space<hbm>>
    tpu.enqueue_indirect_dma source(%dma_start3A_625 : memref<100000x64xf32, #tpu.memory_space<hbm>>) target(%dma_start3A_620 : memref<640x64xf32, #tpu.memory_space<vmem>>) offsets(%dma_start3A_622 : memref<640xi32, #tpu.memory_space<vmem>>) semaphore(%arg12 : memref<!tpu.dma_semaphore, #tpu.memory_space<semaphore_mem>>)
    %dma_wait3A_626 = arith.constant 0 : i32
    %dma_wait3A_627 = arith.constant 0 : i32
    %dma_wait3A_628 = arith.constant 0 : i32
    %dma_wait3A_629 = tpu.memref_slice %arg11[%dma_wait3A_627, %dma_wait3A_626, %dma_wait3A_628] : memref<640x1x64xf32, #tpu.memory_space<vmem>> -> memref<640x1x64xf32, #tpu.memory_space<vmem>>
    %dma_wait3A_630 = tpu.memref_squeeze %dma_wait3A_629 : memref<640x1x64xf32, #tpu.memory_space<vmem>> -> memref<640x64xf32, #tpu.memory_space<vmem>>
    %dma_wait3A_631 = arith.constant 10880 : i32
    %dma_wait3A_632 = tpu.memref_slice %arg9[%dma_wait3A_631] : memref<32000xi32, #tpu.memory_space<vmem>> -> memref<640xi32, #tpu.memory_space<vmem>>
    %dma_wait3A_633 = arith.constant 0 : i32
    %dma_wait3A_634 = arith.constant 0 : i32
    %dma_wait3A_635 = tpu.memref_slice %arg4[%dma_wait3A_633, %dma_wait3A_634] : memref<100000x64xf32, #tpu.memory_space<hbm>> -> memref<100000x64xf32, #tpu.memory_space<hbm>>
    tpu.wait_indirect_dma semaphore(%arg13 : memref<!tpu.dma_semaphore, #tpu.memory_space<semaphore_mem>>) src(%dma_wait3A_635 : memref<100000x64xf32, #tpu.memory_space<hbm>>) dst(%dma_wait3A_630 : memref<640x64xf32, #tpu.memory_space<vmem>>)
    %add3A_636 = arith.constant 4480 : i32
    %add3A_637 = arith.addi %multiple_of3A, %add3A_636 : i32
    %multiple_of3A_638 = tpu.assume_multiple %add3A_637, 8 : i32
    %dma_start3A_639 = arith.constant 1 : i32
    %dma_start3A_640 = arith.constant 0 : i32
    %dma_start3A_641 = tpu.memref_slice %arg8[%multiple_of3A_638, %dma_start3A_639, %dma_start3A_640] : memref<204800x5x64xf32, #tpu.memory_space<hbm>> -> memref<640x1x64xf32, #tpu.memory_space<hbm>>
    %dma_start3A_642 = arith.constant 1 : i32
    %dma_start3A_643 = arith.constant 0 : i32
    %dma_start3A_644 = tpu.memref_slice %arg8[%multiple_of3A_638, %dma_start3A_642, %dma_start3A_643] : memref<204800x5x64xf32, #tpu.memory_space<hbm>> -> memref<640x1x64xf32, #tpu.memory_space<hbm>>
    tpu.enqueue_dma source(%arg11 : memref<640x1x64xf32, #tpu.memory_space<vmem>>) target(%dma_start3A_644 : memref<640x1x64xf32, #tpu.memory_space<hbm>>) target_semaphore(%arg15 : memref<!tpu.dma_semaphore, #tpu.memory_space<semaphore_mem>>)
    %dma_wait3A_645 = arith.constant 1 : i32
    %dma_wait3A_646 = arith.constant 0 : i32
    %dma_wait3A_647 = tpu.memref_slice %arg8[%multiple_of3A_638, %dma_wait3A_645, %dma_wait3A_646] : memref<204800x5x64xf32, #tpu.memory_space<hbm>> -> memref<640x1x64xf32, #tpu.memory_space<hbm>>
    %dma_wait3A_648 = arith.constant 1 : i32
    %dma_wait3A_649 = arith.constant 0 : i32
    %dma_wait3A_650 = tpu.memref_slice %arg8[%multiple_of3A_638, %dma_wait3A_648, %dma_wait3A_649] : memref<204800x5x64xf32, #tpu.memory_space<hbm>> -> memref<640x1x64xf32, #tpu.memory_space<hbm>>
    tpu.wait_dma2 semaphore(%arg15 : memref<!tpu.dma_semaphore, #tpu.memory_space<semaphore_mem>>) src(%arg11 : memref<640x1x64xf32, #tpu.memory_space<vmem>>) dst(%dma_wait3A_650 : memref<640x1x64xf32, #tpu.memory_space<hbm>>)
    %dma_start3A_651 = arith.constant 0 : i32
    %dma_start3A_652 = arith.constant 0 : i32
    %dma_start3A_653 = arith.constant 0 : i32
    %dma_start3A_654 = tpu.memref_slice %arg11[%dma_start3A_652, %dma_start3A_651, %dma_start3A_653] : memref<640x1x64xf32, #tpu.memory_space<vmem>> -> memref<640x1x64xf32, #tpu.memory_space<vmem>>
    %dma_start3A_655 = tpu.memref_squeeze %dma_start3A_654 : memref<640x1x64xf32, #tpu.memory_space<vmem>> -> memref<640x64xf32, #tpu.memory_space<vmem>>
    %dma_start3A_656 = arith.constant 12160 : i32
    %dma_start3A_657 = tpu.memref_slice %arg9[%dma_start3A_656] : memref<32000xi32, #tpu.memory_space<vmem>> -> memref<640xi32, #tpu.memory_space<vmem>>
    %dma_start3A_658 = arith.constant 0 : i32
    %dma_start3A_659 = arith.constant 0 : i32
    %dma_start3A_660 = tpu.memref_slice %arg4[%dma_start3A_658, %dma_start3A_659] : memref<100000x64xf32, #tpu.memory_space<hbm>> -> memref<100000x64xf32, #tpu.memory_space<hbm>>
    tpu.enqueue_indirect_dma source(%dma_start3A_660 : memref<100000x64xf32, #tpu.memory_space<hbm>>) target(%dma_start3A_655 : memref<640x64xf32, #tpu.memory_space<vmem>>) offsets(%dma_start3A_657 : memref<640xi32, #tpu.memory_space<vmem>>) semaphore(%arg13 : memref<!tpu.dma_semaphore, #tpu.memory_space<semaphore_mem>>)
    %dma_wait3A_661 = arith.constant 0 : i32
    %dma_wait3A_662 = arith.constant 0 : i32
    %dma_wait3A_663 = arith.constant 0 : i32
    %dma_wait3A_664 = tpu.memref_slice %arg10[%dma_wait3A_662, %dma_wait3A_661, %dma_wait3A_663] : memref<640x1x64xf32, #tpu.memory_space<vmem>> -> memref<640x1x64xf32, #tpu.memory_space<vmem>>
    %dma_wait3A_665 = tpu.memref_squeeze %dma_wait3A_664 : memref<640x1x64xf32, #tpu.memory_space<vmem>> -> memref<640x64xf32, #tpu.memory_space<vmem>>
    %dma_wait3A_666 = arith.constant 11520 : i32
    %dma_wait3A_667 = tpu.memref_slice %arg9[%dma_wait3A_666] : memref<32000xi32, #tpu.memory_space<vmem>> -> memref<640xi32, #tpu.memory_space<vmem>>
    %dma_wait3A_668 = arith.constant 0 : i32
    %dma_wait3A_669 = arith.constant 0 : i32
    %dma_wait3A_670 = tpu.memref_slice %arg4[%dma_wait3A_668, %dma_wait3A_669] : memref<100000x64xf32, #tpu.memory_space<hbm>> -> memref<100000x64xf32, #tpu.memory_space<hbm>>
    tpu.wait_indirect_dma semaphore(%arg12 : memref<!tpu.dma_semaphore, #tpu.memory_space<semaphore_mem>>) src(%dma_wait3A_670 : memref<100000x64xf32, #tpu.memory_space<hbm>>) dst(%dma_wait3A_665 : memref<640x64xf32, #tpu.memory_space<vmem>>)
    %add3A_671 = arith.constant 5120 : i32
    %add3A_672 = arith.addi %multiple_of3A, %add3A_671 : i32
    %multiple_of3A_673 = tpu.assume_multiple %add3A_672, 8 : i32
    %dma_start3A_674 = arith.constant 1 : i32
    %dma_start3A_675 = arith.constant 0 : i32
    %dma_start3A_676 = tpu.memref_slice %arg8[%multiple_of3A_673, %dma_start3A_674, %dma_start3A_675] : memref<204800x5x64xf32, #tpu.memory_space<hbm>> -> memref<640x1x64xf32, #tpu.memory_space<hbm>>
    %dma_start3A_677 = arith.constant 1 : i32
    %dma_start3A_678 = arith.constant 0 : i32
    %dma_start3A_679 = tpu.memref_slice %arg8[%multiple_of3A_673, %dma_start3A_677, %dma_start3A_678] : memref<204800x5x64xf32, #tpu.memory_space<hbm>> -> memref<640x1x64xf32, #tpu.memory_space<hbm>>
    tpu.enqueue_dma source(%arg10 : memref<640x1x64xf32, #tpu.memory_space<vmem>>) target(%dma_start3A_679 : memref<640x1x64xf32, #tpu.memory_space<hbm>>) target_semaphore(%arg14 : memref<!tpu.dma_semaphore, #tpu.memory_space<semaphore_mem>>)
    %dma_wait3A_680 = arith.constant 1 : i32
    %dma_wait3A_681 = arith.constant 0 : i32
    %dma_wait3A_682 = tpu.memref_slice %arg8[%multiple_of3A_673, %dma_wait3A_680, %dma_wait3A_681] : memref<204800x5x64xf32, #tpu.memory_space<hbm>> -> memref<640x1x64xf32, #tpu.memory_space<hbm>>
    %dma_wait3A_683 = arith.constant 1 : i32
    %dma_wait3A_684 = arith.constant 0 : i32
    %dma_wait3A_685 = tpu.memref_slice %arg8[%multiple_of3A_673, %dma_wait3A_683, %dma_wait3A_684] : memref<204800x5x64xf32, #tpu.memory_space<hbm>> -> memref<640x1x64xf32, #tpu.memory_space<hbm>>
    tpu.wait_dma2 semaphore(%arg14 : memref<!tpu.dma_semaphore, #tpu.memory_space<semaphore_mem>>) src(%arg10 : memref<640x1x64xf32, #tpu.memory_space<vmem>>) dst(%dma_wait3A_685 : memref<640x1x64xf32, #tpu.memory_space<hbm>>)
    %dma_start3A_686 = arith.constant 0 : i32
    %dma_start3A_687 = arith.constant 0 : i32
    %dma_start3A_688 = arith.constant 0 : i32
    %dma_start3A_689 = tpu.memref_slice %arg10[%dma_start3A_687, %dma_start3A_686, %dma_start3A_688] : memref<640x1x64xf32, #tpu.memory_space<vmem>> -> memref<640x1x64xf32, #tpu.memory_space<vmem>>
    %dma_start3A_690 = tpu.memref_squeeze %dma_start3A_689 : memref<640x1x64xf32, #tpu.memory_space<vmem>> -> memref<640x64xf32, #tpu.memory_space<vmem>>
    %dma_start3A_691 = arith.constant 12800 : i32
    %dma_start3A_692 = tpu.memref_slice %arg9[%dma_start3A_691] : memref<32000xi32, #tpu.memory_space<vmem>> -> memref<640xi32, #tpu.memory_space<vmem>>
    %dma_start3A_693 = arith.constant 0 : i32
    %dma_start3A_694 = arith.constant 0 : i32
    %dma_start3A_695 = tpu.memref_slice %arg5[%dma_start3A_693, %dma_start3A_694] : memref<100000x64xf32, #tpu.memory_space<hbm>> -> memref<100000x64xf32, #tpu.memory_space<hbm>>
    tpu.enqueue_indirect_dma source(%dma_start3A_695 : memref<100000x64xf32, #tpu.memory_space<hbm>>) target(%dma_start3A_690 : memref<640x64xf32, #tpu.memory_space<vmem>>) offsets(%dma_start3A_692 : memref<640xi32, #tpu.memory_space<vmem>>) semaphore(%arg12 : memref<!tpu.dma_semaphore, #tpu.memory_space<semaphore_mem>>)
    %dma_wait3A_696 = arith.constant 0 : i32
    %dma_wait3A_697 = arith.constant 0 : i32
    %dma_wait3A_698 = arith.constant 0 : i32
    %dma_wait3A_699 = tpu.memref_slice %arg11[%dma_wait3A_697, %dma_wait3A_696, %dma_wait3A_698] : memref<640x1x64xf32, #tpu.memory_space<vmem>> -> memref<640x1x64xf32, #tpu.memory_space<vmem>>
    %dma_wait3A_700 = tpu.memref_squeeze %dma_wait3A_699 : memref<640x1x64xf32, #tpu.memory_space<vmem>> -> memref<640x64xf32, #tpu.memory_space<vmem>>
    %dma_wait3A_701 = arith.constant 12160 : i32
    %dma_wait3A_702 = tpu.memref_slice %arg9[%dma_wait3A_701] : memref<32000xi32, #tpu.memory_space<vmem>> -> memref<640xi32, #tpu.memory_space<vmem>>
    %dma_wait3A_703 = arith.constant 0 : i32
    %dma_wait3A_704 = arith.constant 0 : i32
    %dma_wait3A_705 = tpu.memref_slice %arg4[%dma_wait3A_703, %dma_wait3A_704] : memref<100000x64xf32, #tpu.memory_space<hbm>> -> memref<100000x64xf32, #tpu.memory_space<hbm>>
    tpu.wait_indirect_dma semaphore(%arg13 : memref<!tpu.dma_semaphore, #tpu.memory_space<semaphore_mem>>) src(%dma_wait3A_705 : memref<100000x64xf32, #tpu.memory_space<hbm>>) dst(%dma_wait3A_700 : memref<640x64xf32, #tpu.memory_space<vmem>>)
    %add3A_706 = arith.constant 5760 : i32
    %add3A_707 = arith.addi %multiple_of3A, %add3A_706 : i32
    %multiple_of3A_708 = tpu.assume_multiple %add3A_707, 8 : i32
    %dma_start3A_709 = arith.constant 1 : i32
    %dma_start3A_710 = arith.constant 0 : i32
    %dma_start3A_711 = tpu.memref_slice %arg8[%multiple_of3A_708, %dma_start3A_709, %dma_start3A_710] : memref<204800x5x64xf32, #tpu.memory_space<hbm>> -> memref<640x1x64xf32, #tpu.memory_space<hbm>>
    %dma_start3A_712 = arith.constant 1 : i32
    %dma_start3A_713 = arith.constant 0 : i32
    %dma_start3A_714 = tpu.memref_slice %arg8[%multiple_of3A_708, %dma_start3A_712, %dma_start3A_713] : memref<204800x5x64xf32, #tpu.memory_space<hbm>> -> memref<640x1x64xf32, #tpu.memory_space<hbm>>
    tpu.enqueue_dma source(%arg11 : memref<640x1x64xf32, #tpu.memory_space<vmem>>) target(%dma_start3A_714 : memref<640x1x64xf32, #tpu.memory_space<hbm>>) target_semaphore(%arg15 : memref<!tpu.dma_semaphore, #tpu.memory_space<semaphore_mem>>)
    %dma_wait3A_715 = arith.constant 1 : i32
    %dma_wait3A_716 = arith.constant 0 : i32
    %dma_wait3A_717 = tpu.memref_slice %arg8[%multiple_of3A_708, %dma_wait3A_715, %dma_wait3A_716] : memref<204800x5x64xf32, #tpu.memory_space<hbm>> -> memref<640x1x64xf32, #tpu.memory_space<hbm>>
    %dma_wait3A_718 = arith.constant 1 : i32
    %dma_wait3A_719 = arith.constant 0 : i32
    %dma_wait3A_720 = tpu.memref_slice %arg8[%multiple_of3A_708, %dma_wait3A_718, %dma_wait3A_719] : memref<204800x5x64xf32, #tpu.memory_space<hbm>> -> memref<640x1x64xf32, #tpu.memory_space<hbm>>
    tpu.wait_dma2 semaphore(%arg15 : memref<!tpu.dma_semaphore, #tpu.memory_space<semaphore_mem>>) src(%arg11 : memref<640x1x64xf32, #tpu.memory_space<vmem>>) dst(%dma_wait3A_720 : memref<640x1x64xf32, #tpu.memory_space<hbm>>)
    %dma_start3A_721 = arith.constant 0 : i32
    %dma_start3A_722 = arith.constant 0 : i32
    %dma_start3A_723 = arith.constant 0 : i32
    %dma_start3A_724 = tpu.memref_slice %arg11[%dma_start3A_722, %dma_start3A_721, %dma_start3A_723] : memref<640x1x64xf32, #tpu.memory_space<vmem>> -> memref<640x1x64xf32, #tpu.memory_space<vmem>>
    %dma_start3A_725 = tpu.memref_squeeze %dma_start3A_724 : memref<640x1x64xf32, #tpu.memory_space<vmem>> -> memref<640x64xf32, #tpu.memory_space<vmem>>
    %dma_start3A_726 = arith.constant 13440 : i32
    %dma_start3A_727 = tpu.memref_slice %arg9[%dma_start3A_726] : memref<32000xi32, #tpu.memory_space<vmem>> -> memref<640xi32, #tpu.memory_space<vmem>>
    %dma_start3A_728 = arith.constant 0 : i32
    %dma_start3A_729 = arith.constant 0 : i32
    %dma_start3A_730 = tpu.memref_slice %arg5[%dma_start3A_728, %dma_start3A_729] : memref<100000x64xf32, #tpu.memory_space<hbm>> -> memref<100000x64xf32, #tpu.memory_space<hbm>>
    tpu.enqueue_indirect_dma source(%dma_start3A_730 : memref<100000x64xf32, #tpu.memory_space<hbm>>) target(%dma_start3A_725 : memref<640x64xf32, #tpu.memory_space<vmem>>) offsets(%dma_start3A_727 : memref<640xi32, #tpu.memory_space<vmem>>) semaphore(%arg13 : memref<!tpu.dma_semaphore, #tpu.memory_space<semaphore_mem>>)
    %dma_wait3A_731 = arith.constant 0 : i32
    %dma_wait3A_732 = arith.constant 0 : i32
    %dma_wait3A_733 = arith.constant 0 : i32
    %dma_wait3A_734 = tpu.memref_slice %arg10[%dma_wait3A_732, %dma_wait3A_731, %dma_wait3A_733] : memref<640x1x64xf32, #tpu.memory_space<vmem>> -> memref<640x1x64xf32, #tpu.memory_space<vmem>>
    %dma_wait3A_735 = tpu.memref_squeeze %dma_wait3A_734 : memref<640x1x64xf32, #tpu.memory_space<vmem>> -> memref<640x64xf32, #tpu.memory_space<vmem>>
    %dma_wait3A_736 = arith.constant 12800 : i32
    %dma_wait3A_737 = tpu.memref_slice %arg9[%dma_wait3A_736] : memref<32000xi32, #tpu.memory_space<vmem>> -> memref<640xi32, #tpu.memory_space<vmem>>
    %dma_wait3A_738 = arith.constant 0 : i32
    %dma_wait3A_739 = arith.constant 0 : i32
    %dma_wait3A_740 = tpu.memref_slice %arg5[%dma_wait3A_738, %dma_wait3A_739] : memref<100000x64xf32, #tpu.memory_space<hbm>> -> memref<100000x64xf32, #tpu.memory_space<hbm>>
    tpu.wait_indirect_dma semaphore(%arg12 : memref<!tpu.dma_semaphore, #tpu.memory_space<semaphore_mem>>) src(%dma_wait3A_740 : memref<100000x64xf32, #tpu.memory_space<hbm>>) dst(%dma_wait3A_735 : memref<640x64xf32, #tpu.memory_space<vmem>>)
    %add3A_741 = arith.constant 0 : i32
    %add3A_742 = arith.addi %multiple_of3A, %add3A_741 : i32
    %multiple_of3A_743 = tpu.assume_multiple %add3A_742, 8 : i32
    %dma_start3A_744 = arith.constant 2 : i32
    %dma_start3A_745 = arith.constant 0 : i32
    %dma_start3A_746 = tpu.memref_slice %arg8[%multiple_of3A_743, %dma_start3A_744, %dma_start3A_745] : memref<204800x5x64xf32, #tpu.memory_space<hbm>> -> memref<640x1x64xf32, #tpu.memory_space<hbm>>
    %dma_start3A_747 = arith.constant 2 : i32
    %dma_start3A_748 = arith.constant 0 : i32
    %dma_start3A_749 = tpu.memref_slice %arg8[%multiple_of3A_743, %dma_start3A_747, %dma_start3A_748] : memref<204800x5x64xf32, #tpu.memory_space<hbm>> -> memref<640x1x64xf32, #tpu.memory_space<hbm>>
    tpu.enqueue_dma source(%arg10 : memref<640x1x64xf32, #tpu.memory_space<vmem>>) target(%dma_start3A_749 : memref<640x1x64xf32, #tpu.memory_space<hbm>>) target_semaphore(%arg14 : memref<!tpu.dma_semaphore, #tpu.memory_space<semaphore_mem>>)
    %dma_wait3A_750 = arith.constant 2 : i32
    %dma_wait3A_751 = arith.constant 0 : i32
    %dma_wait3A_752 = tpu.memref_slice %arg8[%multiple_of3A_743, %dma_wait3A_750, %dma_wait3A_751] : memref<204800x5x64xf32, #tpu.memory_space<hbm>> -> memref<640x1x64xf32, #tpu.memory_space<hbm>>
    %dma_wait3A_753 = arith.constant 2 : i32
    %dma_wait3A_754 = arith.constant 0 : i32
    %dma_wait3A_755 = tpu.memref_slice %arg8[%multiple_of3A_743, %dma_wait3A_753, %dma_wait3A_754] : memref<204800x5x64xf32, #tpu.memory_space<hbm>> -> memref<640x1x64xf32, #tpu.memory_space<hbm>>
    tpu.wait_dma2 semaphore(%arg14 : memref<!tpu.dma_semaphore, #tpu.memory_space<semaphore_mem>>) src(%arg10 : memref<640x1x64xf32, #tpu.memory_space<vmem>>) dst(%dma_wait3A_755 : memref<640x1x64xf32, #tpu.memory_space<hbm>>)
    %dma_start3A_756 = arith.constant 0 : i32
    %dma_start3A_757 = arith.constant 0 : i32
    %dma_start3A_758 = arith.constant 0 : i32
    %dma_start3A_759 = tpu.memref_slice %arg10[%dma_start3A_757, %dma_start3A_756, %dma_start3A_758] : memref<640x1x64xf32, #tpu.memory_space<vmem>> -> memref<640x1x64xf32, #tpu.memory_space<vmem>>
    %dma_start3A_760 = tpu.memref_squeeze %dma_start3A_759 : memref<640x1x64xf32, #tpu.memory_space<vmem>> -> memref<640x64xf32, #tpu.memory_space<vmem>>
    %dma_start3A_761 = arith.constant 14080 : i32
    %dma_start3A_762 = tpu.memref_slice %arg9[%dma_start3A_761] : memref<32000xi32, #tpu.memory_space<vmem>> -> memref<640xi32, #tpu.memory_space<vmem>>
    %dma_start3A_763 = arith.constant 0 : i32
    %dma_start3A_764 = arith.constant 0 : i32
    %dma_start3A_765 = tpu.memref_slice %arg5[%dma_start3A_763, %dma_start3A_764] : memref<100000x64xf32, #tpu.memory_space<hbm>> -> memref<100000x64xf32, #tpu.memory_space<hbm>>
    tpu.enqueue_indirect_dma source(%dma_start3A_765 : memref<100000x64xf32, #tpu.memory_space<hbm>>) target(%dma_start3A_760 : memref<640x64xf32, #tpu.memory_space<vmem>>) offsets(%dma_start3A_762 : memref<640xi32, #tpu.memory_space<vmem>>) semaphore(%arg12 : memref<!tpu.dma_semaphore, #tpu.memory_space<semaphore_mem>>)
    %dma_wait3A_766 = arith.constant 0 : i32
    %dma_wait3A_767 = arith.constant 0 : i32
    %dma_wait3A_768 = arith.constant 0 : i32
    %dma_wait3A_769 = tpu.memref_slice %arg11[%dma_wait3A_767, %dma_wait3A_766, %dma_wait3A_768] : memref<640x1x64xf32, #tpu.memory_space<vmem>> -> memref<640x1x64xf32, #tpu.memory_space<vmem>>
    %dma_wait3A_770 = tpu.memref_squeeze %dma_wait3A_769 : memref<640x1x64xf32, #tpu.memory_space<vmem>> -> memref<640x64xf32, #tpu.memory_space<vmem>>
    %dma_wait3A_771 = arith.constant 13440 : i32
    %dma_wait3A_772 = tpu.memref_slice %arg9[%dma_wait3A_771] : memref<32000xi32, #tpu.memory_space<vmem>> -> memref<640xi32, #tpu.memory_space<vmem>>
    %dma_wait3A_773 = arith.constant 0 : i32
    %dma_wait3A_774 = arith.constant 0 : i32
    %dma_wait3A_775 = tpu.memref_slice %arg5[%dma_wait3A_773, %dma_wait3A_774] : memref<100000x64xf32, #tpu.memory_space<hbm>> -> memref<100000x64xf32, #tpu.memory_space<hbm>>
    tpu.wait_indirect_dma semaphore(%arg13 : memref<!tpu.dma_semaphore, #tpu.memory_space<semaphore_mem>>) src(%dma_wait3A_775 : memref<100000x64xf32, #tpu.memory_space<hbm>>) dst(%dma_wait3A_770 : memref<640x64xf32, #tpu.memory_space<vmem>>)
    %add3A_776 = arith.constant 640 : i32
    %add3A_777 = arith.addi %multiple_of3A, %add3A_776 : i32
    %multiple_of3A_778 = tpu.assume_multiple %add3A_777, 8 : i32
    %dma_start3A_779 = arith.constant 2 : i32
    %dma_start3A_780 = arith.constant 0 : i32
    %dma_start3A_781 = tpu.memref_slice %arg8[%multiple_of3A_778, %dma_start3A_779, %dma_start3A_780] : memref<204800x5x64xf32, #tpu.memory_space<hbm>> -> memref<640x1x64xf32, #tpu.memory_space<hbm>>
    %dma_start3A_782 = arith.constant 2 : i32
    %dma_start3A_783 = arith.constant 0 : i32
    %dma_start3A_784 = tpu.memref_slice %arg8[%multiple_of3A_778, %dma_start3A_782, %dma_start3A_783] : memref<204800x5x64xf32, #tpu.memory_space<hbm>> -> memref<640x1x64xf32, #tpu.memory_space<hbm>>
    tpu.enqueue_dma source(%arg11 : memref<640x1x64xf32, #tpu.memory_space<vmem>>) target(%dma_start3A_784 : memref<640x1x64xf32, #tpu.memory_space<hbm>>) target_semaphore(%arg15 : memref<!tpu.dma_semaphore, #tpu.memory_space<semaphore_mem>>)
    %dma_wait3A_785 = arith.constant 2 : i32
    %dma_wait3A_786 = arith.constant 0 : i32
    %dma_wait3A_787 = tpu.memref_slice %arg8[%multiple_of3A_778, %dma_wait3A_785, %dma_wait3A_786] : memref<204800x5x64xf32, #tpu.memory_space<hbm>> -> memref<640x1x64xf32, #tpu.memory_space<hbm>>
    %dma_wait3A_788 = arith.constant 2 : i32
    %dma_wait3A_789 = arith.constant 0 : i32
    %dma_wait3A_790 = tpu.memref_slice %arg8[%multiple_of3A_778, %dma_wait3A_788, %dma_wait3A_789] : memref<204800x5x64xf32, #tpu.memory_space<hbm>> -> memref<640x1x64xf32, #tpu.memory_space<hbm>>
    tpu.wait_dma2 semaphore(%arg15 : memref<!tpu.dma_semaphore, #tpu.memory_space<semaphore_mem>>) src(%arg11 : memref<640x1x64xf32, #tpu.memory_space<vmem>>) dst(%dma_wait3A_790 : memref<640x1x64xf32, #tpu.memory_space<hbm>>)
    %dma_start3A_791 = arith.constant 0 : i32
    %dma_start3A_792 = arith.constant 0 : i32
    %dma_start3A_793 = arith.constant 0 : i32
    %dma_start3A_794 = tpu.memref_slice %arg11[%dma_start3A_792, %dma_start3A_791, %dma_start3A_793] : memref<640x1x64xf32, #tpu.memory_space<vmem>> -> memref<640x1x64xf32, #tpu.memory_space<vmem>>
    %dma_start3A_795 = tpu.memref_squeeze %dma_start3A_794 : memref<640x1x64xf32, #tpu.memory_space<vmem>> -> memref<640x64xf32, #tpu.memory_space<vmem>>
    %dma_start3A_796 = arith.constant 14720 : i32
    %dma_start3A_797 = tpu.memref_slice %arg9[%dma_start3A_796] : memref<32000xi32, #tpu.memory_space<vmem>> -> memref<640xi32, #tpu.memory_space<vmem>>
    %dma_start3A_798 = arith.constant 0 : i32
    %dma_start3A_799 = arith.constant 0 : i32
    %dma_start3A_800 = tpu.memref_slice %arg5[%dma_start3A_798, %dma_start3A_799] : memref<100000x64xf32, #tpu.memory_space<hbm>> -> memref<100000x64xf32, #tpu.memory_space<hbm>>
    tpu.enqueue_indirect_dma source(%dma_start3A_800 : memref<100000x64xf32, #tpu.memory_space<hbm>>) target(%dma_start3A_795 : memref<640x64xf32, #tpu.memory_space<vmem>>) offsets(%dma_start3A_797 : memref<640xi32, #tpu.memory_space<vmem>>) semaphore(%arg13 : memref<!tpu.dma_semaphore, #tpu.memory_space<semaphore_mem>>)
    %dma_wait3A_801 = arith.constant 0 : i32
    %dma_wait3A_802 = arith.constant 0 : i32
    %dma_wait3A_803 = arith.constant 0 : i32
    %dma_wait3A_804 = tpu.memref_slice %arg10[%dma_wait3A_802, %dma_wait3A_801, %dma_wait3A_803] : memref<640x1x64xf32, #tpu.memory_space<vmem>> -> memref<640x1x64xf32, #tpu.memory_space<vmem>>
    %dma_wait3A_805 = tpu.memref_squeeze %dma_wait3A_804 : memref<640x1x64xf32, #tpu.memory_space<vmem>> -> memref<640x64xf32, #tpu.memory_space<vmem>>
    %dma_wait3A_806 = arith.constant 14080 : i32
    %dma_wait3A_807 = tpu.memref_slice %arg9[%dma_wait3A_806] : memref<32000xi32, #tpu.memory_space<vmem>> -> memref<640xi32, #tpu.memory_space<vmem>>
    %dma_wait3A_808 = arith.constant 0 : i32
    %dma_wait3A_809 = arith.constant 0 : i32
    %dma_wait3A_810 = tpu.memref_slice %arg5[%dma_wait3A_808, %dma_wait3A_809] : memref<100000x64xf32, #tpu.memory_space<hbm>> -> memref<100000x64xf32, #tpu.memory_space<hbm>>
    tpu.wait_indirect_dma semaphore(%arg12 : memref<!tpu.dma_semaphore, #tpu.memory_space<semaphore_mem>>) src(%dma_wait3A_810 : memref<100000x64xf32, #tpu.memory_space<hbm>>) dst(%dma_wait3A_805 : memref<640x64xf32, #tpu.memory_space<vmem>>)
    %add3A_811 = arith.constant 1280 : i32
    %add3A_812 = arith.addi %multiple_of3A, %add3A_811 : i32
    %multiple_of3A_813 = tpu.assume_multiple %add3A_812, 8 : i32
    %dma_start3A_814 = arith.constant 2 : i32
    %dma_start3A_815 = arith.constant 0 : i32
    %dma_start3A_816 = tpu.memref_slice %arg8[%multiple_of3A_813, %dma_start3A_814, %dma_start3A_815] : memref<204800x5x64xf32, #tpu.memory_space<hbm>> -> memref<640x1x64xf32, #tpu.memory_space<hbm>>
    %dma_start3A_817 = arith.constant 2 : i32
    %dma_start3A_818 = arith.constant 0 : i32
    %dma_start3A_819 = tpu.memref_slice %arg8[%multiple_of3A_813, %dma_start3A_817, %dma_start3A_818] : memref<204800x5x64xf32, #tpu.memory_space<hbm>> -> memref<640x1x64xf32, #tpu.memory_space<hbm>>
    tpu.enqueue_dma source(%arg10 : memref<640x1x64xf32, #tpu.memory_space<vmem>>) target(%dma_start3A_819 : memref<640x1x64xf32, #tpu.memory_space<hbm>>) target_semaphore(%arg14 : memref<!tpu.dma_semaphore, #tpu.memory_space<semaphore_mem>>)
    %dma_wait3A_820 = arith.constant 2 : i32
    %dma_wait3A_821 = arith.constant 0 : i32
    %dma_wait3A_822 = tpu.memref_slice %arg8[%multiple_of3A_813, %dma_wait3A_820, %dma_wait3A_821] : memref<204800x5x64xf32, #tpu.memory_space<hbm>> -> memref<640x1x64xf32, #tpu.memory_space<hbm>>
    %dma_wait3A_823 = arith.constant 2 : i32
    %dma_wait3A_824 = arith.constant 0 : i32
    %dma_wait3A_825 = tpu.memref_slice %arg8[%multiple_of3A_813, %dma_wait3A_823, %dma_wait3A_824] : memref<204800x5x64xf32, #tpu.memory_space<hbm>> -> memref<640x1x64xf32, #tpu.memory_space<hbm>>
    tpu.wait_dma2 semaphore(%arg14 : memref<!tpu.dma_semaphore, #tpu.memory_space<semaphore_mem>>) src(%arg10 : memref<640x1x64xf32, #tpu.memory_space<vmem>>) dst(%dma_wait3A_825 : memref<640x1x64xf32, #tpu.memory_space<hbm>>)
    %dma_start3A_826 = arith.constant 0 : i32
    %dma_start3A_827 = arith.constant 0 : i32
    %dma_start3A_828 = arith.constant 0 : i32
    %dma_start3A_829 = tpu.memref_slice %arg10[%dma_start3A_827, %dma_start3A_826, %dma_start3A_828] : memref<640x1x64xf32, #tpu.memory_space<vmem>> -> memref<640x1x64xf32, #tpu.memory_space<vmem>>
    %dma_start3A_830 = tpu.memref_squeeze %dma_start3A_829 : memref<640x1x64xf32, #tpu.memory_space<vmem>> -> memref<640x64xf32, #tpu.memory_space<vmem>>
    %dma_start3A_831 = arith.constant 15360 : i32
    %dma_start3A_832 = tpu.memref_slice %arg9[%dma_start3A_831] : memref<32000xi32, #tpu.memory_space<vmem>> -> memref<640xi32, #tpu.memory_space<vmem>>
    %dma_start3A_833 = arith.constant 0 : i32
    %dma_start3A_834 = arith.constant 0 : i32
    %dma_start3A_835 = tpu.memref_slice %arg5[%dma_start3A_833, %dma_start3A_834] : memref<100000x64xf32, #tpu.memory_space<hbm>> -> memref<100000x64xf32, #tpu.memory_space<hbm>>
    tpu.enqueue_indirect_dma source(%dma_start3A_835 : memref<100000x64xf32, #tpu.memory_space<hbm>>) target(%dma_start3A_830 : memref<640x64xf32, #tpu.memory_space<vmem>>) offsets(%dma_start3A_832 : memref<640xi32, #tpu.memory_space<vmem>>) semaphore(%arg12 : memref<!tpu.dma_semaphore, #tpu.memory_space<semaphore_mem>>)
    %dma_wait3A_836 = arith.constant 0 : i32
    %dma_wait3A_837 = arith.constant 0 : i32
    %dma_wait3A_838 = arith.constant 0 : i32
    %dma_wait3A_839 = tpu.memref_slice %arg11[%dma_wait3A_837, %dma_wait3A_836, %dma_wait3A_838] : memref<640x1x64xf32, #tpu.memory_space<vmem>> -> memref<640x1x64xf32, #tpu.memory_space<vmem>>
    %dma_wait3A_840 = tpu.memref_squeeze %dma_wait3A_839 : memref<640x1x64xf32, #tpu.memory_space<vmem>> -> memref<640x64xf32, #tpu.memory_space<vmem>>
    %dma_wait3A_841 = arith.constant 14720 : i32
    %dma_wait3A_842 = tpu.memref_slice %arg9[%dma_wait3A_841] : memref<32000xi32, #tpu.memory_space<vmem>> -> memref<640xi32, #tpu.memory_space<vmem>>
    %dma_wait3A_843 = arith.constant 0 : i32
    %dma_wait3A_844 = arith.constant 0 : i32
    %dma_wait3A_845 = tpu.memref_slice %arg5[%dma_wait3A_843, %dma_wait3A_844] : memref<100000x64xf32, #tpu.memory_space<hbm>> -> memref<100000x64xf32, #tpu.memory_space<hbm>>
    tpu.wait_indirect_dma semaphore(%arg13 : memref<!tpu.dma_semaphore, #tpu.memory_space<semaphore_mem>>) src(%dma_wait3A_845 : memref<100000x64xf32, #tpu.memory_space<hbm>>) dst(%dma_wait3A_840 : memref<640x64xf32, #tpu.memory_space<vmem>>)
    %add3A_846 = arith.constant 1920 : i32
    %add3A_847 = arith.addi %multiple_of3A, %add3A_846 : i32
    %multiple_of3A_848 = tpu.assume_multiple %add3A_847, 8 : i32
    %dma_start3A_849 = arith.constant 2 : i32
    %dma_start3A_850 = arith.constant 0 : i32
    %dma_start3A_851 = tpu.memref_slice %arg8[%multiple_of3A_848, %dma_start3A_849, %dma_start3A_850] : memref<204800x5x64xf32, #tpu.memory_space<hbm>> -> memref<640x1x64xf32, #tpu.memory_space<hbm>>
    %dma_start3A_852 = arith.constant 2 : i32
    %dma_start3A_853 = arith.constant 0 : i32
    %dma_start3A_854 = tpu.memref_slice %arg8[%multiple_of3A_848, %dma_start3A_852, %dma_start3A_853] : memref<204800x5x64xf32, #tpu.memory_space<hbm>> -> memref<640x1x64xf32, #tpu.memory_space<hbm>>
    tpu.enqueue_dma source(%arg11 : memref<640x1x64xf32, #tpu.memory_space<vmem>>) target(%dma_start3A_854 : memref<640x1x64xf32, #tpu.memory_space<hbm>>) target_semaphore(%arg15 : memref<!tpu.dma_semaphore, #tpu.memory_space<semaphore_mem>>)
    %dma_wait3A_855 = arith.constant 2 : i32
    %dma_wait3A_856 = arith.constant 0 : i32
    %dma_wait3A_857 = tpu.memref_slice %arg8[%multiple_of3A_848, %dma_wait3A_855, %dma_wait3A_856] : memref<204800x5x64xf32, #tpu.memory_space<hbm>> -> memref<640x1x64xf32, #tpu.memory_space<hbm>>
    %dma_wait3A_858 = arith.constant 2 : i32
    %dma_wait3A_859 = arith.constant 0 : i32
    %dma_wait3A_860 = tpu.memref_slice %arg8[%multiple_of3A_848, %dma_wait3A_858, %dma_wait3A_859] : memref<204800x5x64xf32, #tpu.memory_space<hbm>> -> memref<640x1x64xf32, #tpu.memory_space<hbm>>
    tpu.wait_dma2 semaphore(%arg15 : memref<!tpu.dma_semaphore, #tpu.memory_space<semaphore_mem>>) src(%arg11 : memref<640x1x64xf32, #tpu.memory_space<vmem>>) dst(%dma_wait3A_860 : memref<640x1x64xf32, #tpu.memory_space<hbm>>)
    %dma_start3A_861 = arith.constant 0 : i32
    %dma_start3A_862 = arith.constant 0 : i32
    %dma_start3A_863 = arith.constant 0 : i32
    %dma_start3A_864 = tpu.memref_slice %arg11[%dma_start3A_862, %dma_start3A_861, %dma_start3A_863] : memref<640x1x64xf32, #tpu.memory_space<vmem>> -> memref<640x1x64xf32, #tpu.memory_space<vmem>>
    %dma_start3A_865 = tpu.memref_squeeze %dma_start3A_864 : memref<640x1x64xf32, #tpu.memory_space<vmem>> -> memref<640x64xf32, #tpu.memory_space<vmem>>
    %dma_start3A_866 = arith.constant 16000 : i32
    %dma_start3A_867 = tpu.memref_slice %arg9[%dma_start3A_866] : memref<32000xi32, #tpu.memory_space<vmem>> -> memref<640xi32, #tpu.memory_space<vmem>>
    %dma_start3A_868 = arith.constant 0 : i32
    %dma_start3A_869 = arith.constant 0 : i32
    %dma_start3A_870 = tpu.memref_slice %arg5[%dma_start3A_868, %dma_start3A_869] : memref<100000x64xf32, #tpu.memory_space<hbm>> -> memref<100000x64xf32, #tpu.memory_space<hbm>>
    tpu.enqueue_indirect_dma source(%dma_start3A_870 : memref<100000x64xf32, #tpu.memory_space<hbm>>) target(%dma_start3A_865 : memref<640x64xf32, #tpu.memory_space<vmem>>) offsets(%dma_start3A_867 : memref<640xi32, #tpu.memory_space<vmem>>) semaphore(%arg13 : memref<!tpu.dma_semaphore, #tpu.memory_space<semaphore_mem>>)
    %dma_wait3A_871 = arith.constant 0 : i32
    %dma_wait3A_872 = arith.constant 0 : i32
    %dma_wait3A_873 = arith.constant 0 : i32
    %dma_wait3A_874 = tpu.memref_slice %arg10[%dma_wait3A_872, %dma_wait3A_871, %dma_wait3A_873] : memref<640x1x64xf32, #tpu.memory_space<vmem>> -> memref<640x1x64xf32, #tpu.memory_space<vmem>>
    %dma_wait3A_875 = tpu.memref_squeeze %dma_wait3A_874 : memref<640x1x64xf32, #tpu.memory_space<vmem>> -> memref<640x64xf32, #tpu.memory_space<vmem>>
    %dma_wait3A_876 = arith.constant 15360 : i32
    %dma_wait3A_877 = tpu.memref_slice %arg9[%dma_wait3A_876] : memref<32000xi32, #tpu.memory_space<vmem>> -> memref<640xi32, #tpu.memory_space<vmem>>
    %dma_wait3A_878 = arith.constant 0 : i32
    %dma_wait3A_879 = arith.constant 0 : i32
    %dma_wait3A_880 = tpu.memref_slice %arg5[%dma_wait3A_878, %dma_wait3A_879] : memref<100000x64xf32, #tpu.memory_space<hbm>> -> memref<100000x64xf32, #tpu.memory_space<hbm>>
    tpu.wait_indirect_dma semaphore(%arg12 : memref<!tpu.dma_semaphore, #tpu.memory_space<semaphore_mem>>) src(%dma_wait3A_880 : memref<100000x64xf32, #tpu.memory_space<hbm>>) dst(%dma_wait3A_875 : memref<640x64xf32, #tpu.memory_space<vmem>>)
    %add3A_881 = arith.constant 2560 : i32
    %add3A_882 = arith.addi %multiple_of3A, %add3A_881 : i32
    %multiple_of3A_883 = tpu.assume_multiple %add3A_882, 8 : i32
    %dma_start3A_884 = arith.constant 2 : i32
    %dma_start3A_885 = arith.constant 0 : i32
    %dma_start3A_886 = tpu.memref_slice %arg8[%multiple_of3A_883, %dma_start3A_884, %dma_start3A_885] : memref<204800x5x64xf32, #tpu.memory_space<hbm>> -> memref<640x1x64xf32, #tpu.memory_space<hbm>>
    %dma_start3A_887 = arith.constant 2 : i32
    %dma_start3A_888 = arith.constant 0 : i32
    %dma_start3A_889 = tpu.memref_slice %arg8[%multiple_of3A_883, %dma_start3A_887, %dma_start3A_888] : memref<204800x5x64xf32, #tpu.memory_space<hbm>> -> memref<640x1x64xf32, #tpu.memory_space<hbm>>
    tpu.enqueue_dma source(%arg10 : memref<640x1x64xf32, #tpu.memory_space<vmem>>) target(%dma_start3A_889 : memref<640x1x64xf32, #tpu.memory_space<hbm>>) target_semaphore(%arg14 : memref<!tpu.dma_semaphore, #tpu.memory_space<semaphore_mem>>)
    %dma_wait3A_890 = arith.constant 2 : i32
    %dma_wait3A_891 = arith.constant 0 : i32
    %dma_wait3A_892 = tpu.memref_slice %arg8[%multiple_of3A_883, %dma_wait3A_890, %dma_wait3A_891] : memref<204800x5x64xf32, #tpu.memory_space<hbm>> -> memref<640x1x64xf32, #tpu.memory_space<hbm>>
    %dma_wait3A_893 = arith.constant 2 : i32
    %dma_wait3A_894 = arith.constant 0 : i32
    %dma_wait3A_895 = tpu.memref_slice %arg8[%multiple_of3A_883, %dma_wait3A_893, %dma_wait3A_894] : memref<204800x5x64xf32, #tpu.memory_space<hbm>> -> memref<640x1x64xf32, #tpu.memory_space<hbm>>
    tpu.wait_dma2 semaphore(%arg14 : memref<!tpu.dma_semaphore, #tpu.memory_space<semaphore_mem>>) src(%arg10 : memref<640x1x64xf32, #tpu.memory_space<vmem>>) dst(%dma_wait3A_895 : memref<640x1x64xf32, #tpu.memory_space<hbm>>)
    %dma_start3A_896 = arith.constant 0 : i32
    %dma_start3A_897 = arith.constant 0 : i32
    %dma_start3A_898 = arith.constant 0 : i32
    %dma_start3A_899 = tpu.memref_slice %arg10[%dma_start3A_897, %dma_start3A_896, %dma_start3A_898] : memref<640x1x64xf32, #tpu.memory_space<vmem>> -> memref<640x1x64xf32, #tpu.memory_space<vmem>>
    %dma_start3A_900 = tpu.memref_squeeze %dma_start3A_899 : memref<640x1x64xf32, #tpu.memory_space<vmem>> -> memref<640x64xf32, #tpu.memory_space<vmem>>
    %dma_start3A_901 = arith.constant 16640 : i32
    %dma_start3A_902 = tpu.memref_slice %arg9[%dma_start3A_901] : memref<32000xi32, #tpu.memory_space<vmem>> -> memref<640xi32, #tpu.memory_space<vmem>>
    %dma_start3A_903 = arith.constant 0 : i32
    %dma_start3A_904 = arith.constant 0 : i32
    %dma_start3A_905 = tpu.memref_slice %arg5[%dma_start3A_903, %dma_start3A_904] : memref<100000x64xf32, #tpu.memory_space<hbm>> -> memref<100000x64xf32, #tpu.memory_space<hbm>>
    tpu.enqueue_indirect_dma source(%dma_start3A_905 : memref<100000x64xf32, #tpu.memory_space<hbm>>) target(%dma_start3A_900 : memref<640x64xf32, #tpu.memory_space<vmem>>) offsets(%dma_start3A_902 : memref<640xi32, #tpu.memory_space<vmem>>) semaphore(%arg12 : memref<!tpu.dma_semaphore, #tpu.memory_space<semaphore_mem>>)
    %dma_wait3A_906 = arith.constant 0 : i32
    %dma_wait3A_907 = arith.constant 0 : i32
    %dma_wait3A_908 = arith.constant 0 : i32
    %dma_wait3A_909 = tpu.memref_slice %arg11[%dma_wait3A_907, %dma_wait3A_906, %dma_wait3A_908] : memref<640x1x64xf32, #tpu.memory_space<vmem>> -> memref<640x1x64xf32, #tpu.memory_space<vmem>>
    %dma_wait3A_910 = tpu.memref_squeeze %dma_wait3A_909 : memref<640x1x64xf32, #tpu.memory_space<vmem>> -> memref<640x64xf32, #tpu.memory_space<vmem>>
    %dma_wait3A_911 = arith.constant 16000 : i32
    %dma_wait3A_912 = tpu.memref_slice %arg9[%dma_wait3A_911] : memref<32000xi32, #tpu.memory_space<vmem>> -> memref<640xi32, #tpu.memory_space<vmem>>
    %dma_wait3A_913 = arith.constant 0 : i32
    %dma_wait3A_914 = arith.constant 0 : i32
    %dma_wait3A_915 = tpu.memref_slice %arg5[%dma_wait3A_913, %dma_wait3A_914] : memref<100000x64xf32, #tpu.memory_space<hbm>> -> memref<100000x64xf32, #tpu.memory_space<hbm>>
    tpu.wait_indirect_dma semaphore(%arg13 : memref<!tpu.dma_semaphore, #tpu.memory_space<semaphore_mem>>) src(%dma_wait3A_915 : memref<100000x64xf32, #tpu.memory_space<hbm>>) dst(%dma_wait3A_910 : memref<640x64xf32, #tpu.memory_space<vmem>>)
    %add3A_916 = arith.constant 3200 : i32
    %add3A_917 = arith.addi %multiple_of3A, %add3A_916 : i32
    %multiple_of3A_918 = tpu.assume_multiple %add3A_917, 8 : i32
    %dma_start3A_919 = arith.constant 2 : i32
    %dma_start3A_920 = arith.constant 0 : i32
    %dma_start3A_921 = tpu.memref_slice %arg8[%multiple_of3A_918, %dma_start3A_919, %dma_start3A_920] : memref<204800x5x64xf32, #tpu.memory_space<hbm>> -> memref<640x1x64xf32, #tpu.memory_space<hbm>>
    %dma_start3A_922 = arith.constant 2 : i32
    %dma_start3A_923 = arith.constant 0 : i32
    %dma_start3A_924 = tpu.memref_slice %arg8[%multiple_of3A_918, %dma_start3A_922, %dma_start3A_923] : memref<204800x5x64xf32, #tpu.memory_space<hbm>> -> memref<640x1x64xf32, #tpu.memory_space<hbm>>
    tpu.enqueue_dma source(%arg11 : memref<640x1x64xf32, #tpu.memory_space<vmem>>) target(%dma_start3A_924 : memref<640x1x64xf32, #tpu.memory_space<hbm>>) target_semaphore(%arg15 : memref<!tpu.dma_semaphore, #tpu.memory_space<semaphore_mem>>)
    %dma_wait3A_925 = arith.constant 2 : i32
    %dma_wait3A_926 = arith.constant 0 : i32
    %dma_wait3A_927 = tpu.memref_slice %arg8[%multiple_of3A_918, %dma_wait3A_925, %dma_wait3A_926] : memref<204800x5x64xf32, #tpu.memory_space<hbm>> -> memref<640x1x64xf32, #tpu.memory_space<hbm>>
    %dma_wait3A_928 = arith.constant 2 : i32
    %dma_wait3A_929 = arith.constant 0 : i32
    %dma_wait3A_930 = tpu.memref_slice %arg8[%multiple_of3A_918, %dma_wait3A_928, %dma_wait3A_929] : memref<204800x5x64xf32, #tpu.memory_space<hbm>> -> memref<640x1x64xf32, #tpu.memory_space<hbm>>
    tpu.wait_dma2 semaphore(%arg15 : memref<!tpu.dma_semaphore, #tpu.memory_space<semaphore_mem>>) src(%arg11 : memref<640x1x64xf32, #tpu.memory_space<vmem>>) dst(%dma_wait3A_930 : memref<640x1x64xf32, #tpu.memory_space<hbm>>)
    %dma_start3A_931 = arith.constant 0 : i32
    %dma_start3A_932 = arith.constant 0 : i32
    %dma_start3A_933 = arith.constant 0 : i32
    %dma_start3A_934 = tpu.memref_slice %arg11[%dma_start3A_932, %dma_start3A_931, %dma_start3A_933] : memref<640x1x64xf32, #tpu.memory_space<vmem>> -> memref<640x1x64xf32, #tpu.memory_space<vmem>>
    %dma_start3A_935 = tpu.memref_squeeze %dma_start3A_934 : memref<640x1x64xf32, #tpu.memory_space<vmem>> -> memref<640x64xf32, #tpu.memory_space<vmem>>
    %dma_start3A_936 = arith.constant 17280 : i32
    %dma_start3A_937 = tpu.memref_slice %arg9[%dma_start3A_936] : memref<32000xi32, #tpu.memory_space<vmem>> -> memref<640xi32, #tpu.memory_space<vmem>>
    %dma_start3A_938 = arith.constant 0 : i32
    %dma_start3A_939 = arith.constant 0 : i32
    %dma_start3A_940 = tpu.memref_slice %arg5[%dma_start3A_938, %dma_start3A_939] : memref<100000x64xf32, #tpu.memory_space<hbm>> -> memref<100000x64xf32, #tpu.memory_space<hbm>>
    tpu.enqueue_indirect_dma source(%dma_start3A_940 : memref<100000x64xf32, #tpu.memory_space<hbm>>) target(%dma_start3A_935 : memref<640x64xf32, #tpu.memory_space<vmem>>) offsets(%dma_start3A_937 : memref<640xi32, #tpu.memory_space<vmem>>) semaphore(%arg13 : memref<!tpu.dma_semaphore, #tpu.memory_space<semaphore_mem>>)
    %dma_wait3A_941 = arith.constant 0 : i32
    %dma_wait3A_942 = arith.constant 0 : i32
    %dma_wait3A_943 = arith.constant 0 : i32
    %dma_wait3A_944 = tpu.memref_slice %arg10[%dma_wait3A_942, %dma_wait3A_941, %dma_wait3A_943] : memref<640x1x64xf32, #tpu.memory_space<vmem>> -> memref<640x1x64xf32, #tpu.memory_space<vmem>>
    %dma_wait3A_945 = tpu.memref_squeeze %dma_wait3A_944 : memref<640x1x64xf32, #tpu.memory_space<vmem>> -> memref<640x64xf32, #tpu.memory_space<vmem>>
    %dma_wait3A_946 = arith.constant 16640 : i32
    %dma_wait3A_947 = tpu.memref_slice %arg9[%dma_wait3A_946] : memref<32000xi32, #tpu.memory_space<vmem>> -> memref<640xi32, #tpu.memory_space<vmem>>
    %dma_wait3A_948 = arith.constant 0 : i32
    %dma_wait3A_949 = arith.constant 0 : i32
    %dma_wait3A_950 = tpu.memref_slice %arg5[%dma_wait3A_948, %dma_wait3A_949] : memref<100000x64xf32, #tpu.memory_space<hbm>> -> memref<100000x64xf32, #tpu.memory_space<hbm>>
    tpu.wait_indirect_dma semaphore(%arg12 : memref<!tpu.dma_semaphore, #tpu.memory_space<semaphore_mem>>) src(%dma_wait3A_950 : memref<100000x64xf32, #tpu.memory_space<hbm>>) dst(%dma_wait3A_945 : memref<640x64xf32, #tpu.memory_space<vmem>>)
    %add3A_951 = arith.constant 3840 : i32
    %add3A_952 = arith.addi %multiple_of3A, %add3A_951 : i32
    %multiple_of3A_953 = tpu.assume_multiple %add3A_952, 8 : i32
    %dma_start3A_954 = arith.constant 2 : i32
    %dma_start3A_955 = arith.constant 0 : i32
    %dma_start3A_956 = tpu.memref_slice %arg8[%multiple_of3A_953, %dma_start3A_954, %dma_start3A_955] : memref<204800x5x64xf32, #tpu.memory_space<hbm>> -> memref<640x1x64xf32, #tpu.memory_space<hbm>>
    %dma_start3A_957 = arith.constant 2 : i32
    %dma_start3A_958 = arith.constant 0 : i32
    %dma_start3A_959 = tpu.memref_slice %arg8[%multiple_of3A_953, %dma_start3A_957, %dma_start3A_958] : memref<204800x5x64xf32, #tpu.memory_space<hbm>> -> memref<640x1x64xf32, #tpu.memory_space<hbm>>
    tpu.enqueue_dma source(%arg10 : memref<640x1x64xf32, #tpu.memory_space<vmem>>) target(%dma_start3A_959 : memref<640x1x64xf32, #tpu.memory_space<hbm>>) target_semaphore(%arg14 : memref<!tpu.dma_semaphore, #tpu.memory_space<semaphore_mem>>)
    %dma_wait3A_960 = arith.constant 2 : i32
    %dma_wait3A_961 = arith.constant 0 : i32
    %dma_wait3A_962 = tpu.memref_slice %arg8[%multiple_of3A_953, %dma_wait3A_960, %dma_wait3A_961] : memref<204800x5x64xf32, #tpu.memory_space<hbm>> -> memref<640x1x64xf32, #tpu.memory_space<hbm>>
    %dma_wait3A_963 = arith.constant 2 : i32
    %dma_wait3A_964 = arith.constant 0 : i32
    %dma_wait3A_965 = tpu.memref_slice %arg8[%multiple_of3A_953, %dma_wait3A_963, %dma_wait3A_964] : memref<204800x5x64xf32, #tpu.memory_space<hbm>> -> memref<640x1x64xf32, #tpu.memory_space<hbm>>
    tpu.wait_dma2 semaphore(%arg14 : memref<!tpu.dma_semaphore, #tpu.memory_space<semaphore_mem>>) src(%arg10 : memref<640x1x64xf32, #tpu.memory_space<vmem>>) dst(%dma_wait3A_965 : memref<640x1x64xf32, #tpu.memory_space<hbm>>)
    %dma_start3A_966 = arith.constant 0 : i32
    %dma_start3A_967 = arith.constant 0 : i32
    %dma_start3A_968 = arith.constant 0 : i32
    %dma_start3A_969 = tpu.memref_slice %arg10[%dma_start3A_967, %dma_start3A_966, %dma_start3A_968] : memref<640x1x64xf32, #tpu.memory_space<vmem>> -> memref<640x1x64xf32, #tpu.memory_space<vmem>>
    %dma_start3A_970 = tpu.memref_squeeze %dma_start3A_969 : memref<640x1x64xf32, #tpu.memory_space<vmem>> -> memref<640x64xf32, #tpu.memory_space<vmem>>
    %dma_start3A_971 = arith.constant 17920 : i32
    %dma_start3A_972 = tpu.memref_slice %arg9[%dma_start3A_971] : memref<32000xi32, #tpu.memory_space<vmem>> -> memref<640xi32, #tpu.memory_space<vmem>>
    %dma_start3A_973 = arith.constant 0 : i32
    %dma_start3A_974 = arith.constant 0 : i32
    %dma_start3A_975 = tpu.memref_slice %arg5[%dma_start3A_973, %dma_start3A_974] : memref<100000x64xf32, #tpu.memory_space<hbm>> -> memref<100000x64xf32, #tpu.memory_space<hbm>>
    tpu.enqueue_indirect_dma source(%dma_start3A_975 : memref<100000x64xf32, #tpu.memory_space<hbm>>) target(%dma_start3A_970 : memref<640x64xf32, #tpu.memory_space<vmem>>) offsets(%dma_start3A_972 : memref<640xi32, #tpu.memory_space<vmem>>) semaphore(%arg12 : memref<!tpu.dma_semaphore, #tpu.memory_space<semaphore_mem>>)
    %dma_wait3A_976 = arith.constant 0 : i32
    %dma_wait3A_977 = arith.constant 0 : i32
    %dma_wait3A_978 = arith.constant 0 : i32
    %dma_wait3A_979 = tpu.memref_slice %arg11[%dma_wait3A_977, %dma_wait3A_976, %dma_wait3A_978] : memref<640x1x64xf32, #tpu.memory_space<vmem>> -> memref<640x1x64xf32, #tpu.memory_space<vmem>>
    %dma_wait3A_980 = tpu.memref_squeeze %dma_wait3A_979 : memref<640x1x64xf32, #tpu.memory_space<vmem>> -> memref<640x64xf32, #tpu.memory_space<vmem>>
    %dma_wait3A_981 = arith.constant 17280 : i32
    %dma_wait3A_982 = tpu.memref_slice %arg9[%dma_wait3A_981] : memref<32000xi32, #tpu.memory_space<vmem>> -> memref<640xi32, #tpu.memory_space<vmem>>
    %dma_wait3A_983 = arith.constant 0 : i32
    %dma_wait3A_984 = arith.constant 0 : i32
    %dma_wait3A_985 = tpu.memref_slice %arg5[%dma_wait3A_983, %dma_wait3A_984] : memref<100000x64xf32, #tpu.memory_space<hbm>> -> memref<100000x64xf32, #tpu.memory_space<hbm>>
    tpu.wait_indirect_dma semaphore(%arg13 : memref<!tpu.dma_semaphore, #tpu.memory_space<semaphore_mem>>) src(%dma_wait3A_985 : memref<100000x64xf32, #tpu.memory_space<hbm>>) dst(%dma_wait3A_980 : memref<640x64xf32, #tpu.memory_space<vmem>>)
    %add3A_986 = arith.constant 4480 : i32
    %add3A_987 = arith.addi %multiple_of3A, %add3A_986 : i32
    %multiple_of3A_988 = tpu.assume_multiple %add3A_987, 8 : i32
    %dma_start3A_989 = arith.constant 2 : i32
    %dma_start3A_990 = arith.constant 0 : i32
    %dma_start3A_991 = tpu.memref_slice %arg8[%multiple_of3A_988, %dma_start3A_989, %dma_start3A_990] : memref<204800x5x64xf32, #tpu.memory_space<hbm>> -> memref<640x1x64xf32, #tpu.memory_space<hbm>>
    %dma_start3A_992 = arith.constant 2 : i32
    %dma_start3A_993 = arith.constant 0 : i32
    %dma_start3A_994 = tpu.memref_slice %arg8[%multiple_of3A_988, %dma_start3A_992, %dma_start3A_993] : memref<204800x5x64xf32, #tpu.memory_space<hbm>> -> memref<640x1x64xf32, #tpu.memory_space<hbm>>
    tpu.enqueue_dma source(%arg11 : memref<640x1x64xf32, #tpu.memory_space<vmem>>) target(%dma_start3A_994 : memref<640x1x64xf32, #tpu.memory_space<hbm>>) target_semaphore(%arg15 : memref<!tpu.dma_semaphore, #tpu.memory_space<semaphore_mem>>)
    %dma_wait3A_995 = arith.constant 2 : i32
    %dma_wait3A_996 = arith.constant 0 : i32
    %dma_wait3A_997 = tpu.memref_slice %arg8[%multiple_of3A_988, %dma_wait3A_995, %dma_wait3A_996] : memref<204800x5x64xf32, #tpu.memory_space<hbm>> -> memref<640x1x64xf32, #tpu.memory_space<hbm>>
    %dma_wait3A_998 = arith.constant 2 : i32
    %dma_wait3A_999 = arith.constant 0 : i32
    %dma_wait3A_1000 = tpu.memref_slice %arg8[%multiple_of3A_988, %dma_wait3A_998, %dma_wait3A_999] : memref<204800x5x64xf32, #tpu.memory_space<hbm>> -> memref<640x1x64xf32, #tpu.memory_space<hbm>>
    tpu.wait_dma2 semaphore(%arg15 : memref<!tpu.dma_semaphore, #tpu.memory_space<semaphore_mem>>) src(%arg11 : memref<640x1x64xf32, #tpu.memory_space<vmem>>) dst(%dma_wait3A_1000 : memref<640x1x64xf32, #tpu.memory_space<hbm>>)
    %dma_start3A_1001 = arith.constant 0 : i32
    %dma_start3A_1002 = arith.constant 0 : i32
    %dma_start3A_1003 = arith.constant 0 : i32
    %dma_start3A_1004 = tpu.memref_slice %arg11[%dma_start3A_1002, %dma_start3A_1001, %dma_start3A_1003] : memref<640x1x64xf32, #tpu.memory_space<vmem>> -> memref<640x1x64xf32, #tpu.memory_space<vmem>>
    %dma_start3A_1005 = tpu.memref_squeeze %dma_start3A_1004 : memref<640x1x64xf32, #tpu.memory_space<vmem>> -> memref<640x64xf32, #tpu.memory_space<vmem>>
    %dma_start3A_1006 = arith.constant 18560 : i32
    %dma_start3A_1007 = tpu.memref_slice %arg9[%dma_start3A_1006] : memref<32000xi32, #tpu.memory_space<vmem>> -> memref<640xi32, #tpu.memory_space<vmem>>
    %dma_start3A_1008 = arith.constant 0 : i32
    %dma_start3A_1009 = arith.constant 0 : i32
    %dma_start3A_1010 = tpu.memref_slice %arg5[%dma_start3A_1008, %dma_start3A_1009] : memref<100000x64xf32, #tpu.memory_space<hbm>> -> memref<100000x64xf32, #tpu.memory_space<hbm>>
    tpu.enqueue_indirect_dma source(%dma_start3A_1010 : memref<100000x64xf32, #tpu.memory_space<hbm>>) target(%dma_start3A_1005 : memref<640x64xf32, #tpu.memory_space<vmem>>) offsets(%dma_start3A_1007 : memref<640xi32, #tpu.memory_space<vmem>>) semaphore(%arg13 : memref<!tpu.dma_semaphore, #tpu.memory_space<semaphore_mem>>)
    %dma_wait3A_1011 = arith.constant 0 : i32
    %dma_wait3A_1012 = arith.constant 0 : i32
    %dma_wait3A_1013 = arith.constant 0 : i32
    %dma_wait3A_1014 = tpu.memref_slice %arg10[%dma_wait3A_1012, %dma_wait3A_1011, %dma_wait3A_1013] : memref<640x1x64xf32, #tpu.memory_space<vmem>> -> memref<640x1x64xf32, #tpu.memory_space<vmem>>
    %dma_wait3A_1015 = tpu.memref_squeeze %dma_wait3A_1014 : memref<640x1x64xf32, #tpu.memory_space<vmem>> -> memref<640x64xf32, #tpu.memory_space<vmem>>
    %dma_wait3A_1016 = arith.constant 17920 : i32
    %dma_wait3A_1017 = tpu.memref_slice %arg9[%dma_wait3A_1016] : memref<32000xi32, #tpu.memory_space<vmem>> -> memref<640xi32, #tpu.memory_space<vmem>>
    %dma_wait3A_1018 = arith.constant 0 : i32
    %dma_wait3A_1019 = arith.constant 0 : i32
    %dma_wait3A_1020 = tpu.memref_slice %arg5[%dma_wait3A_1018, %dma_wait3A_1019] : memref<100000x64xf32, #tpu.memory_space<hbm>> -> memref<100000x64xf32, #tpu.memory_space<hbm>>
    tpu.wait_indirect_dma semaphore(%arg12 : memref<!tpu.dma_semaphore, #tpu.memory_space<semaphore_mem>>) src(%dma_wait3A_1020 : memref<100000x64xf32, #tpu.memory_space<hbm>>) dst(%dma_wait3A_1015 : memref<640x64xf32, #tpu.memory_space<vmem>>)
    %add3A_1021 = arith.constant 5120 : i32
    %add3A_1022 = arith.addi %multiple_of3A, %add3A_1021 : i32
    %multiple_of3A_1023 = tpu.assume_multiple %add3A_1022, 8 : i32
    %dma_start3A_1024 = arith.constant 2 : i32
    %dma_start3A_1025 = arith.constant 0 : i32
    %dma_start3A_1026 = tpu.memref_slice %arg8[%multiple_of3A_1023, %dma_start3A_1024, %dma_start3A_1025] : memref<204800x5x64xf32, #tpu.memory_space<hbm>> -> memref<640x1x64xf32, #tpu.memory_space<hbm>>
    %dma_start3A_1027 = arith.constant 2 : i32
    %dma_start3A_1028 = arith.constant 0 : i32
    %dma_start3A_1029 = tpu.memref_slice %arg8[%multiple_of3A_1023, %dma_start3A_1027, %dma_start3A_1028] : memref<204800x5x64xf32, #tpu.memory_space<hbm>> -> memref<640x1x64xf32, #tpu.memory_space<hbm>>
    tpu.enqueue_dma source(%arg10 : memref<640x1x64xf32, #tpu.memory_space<vmem>>) target(%dma_start3A_1029 : memref<640x1x64xf32, #tpu.memory_space<hbm>>) target_semaphore(%arg14 : memref<!tpu.dma_semaphore, #tpu.memory_space<semaphore_mem>>)
    %dma_wait3A_1030 = arith.constant 2 : i32
    %dma_wait3A_1031 = arith.constant 0 : i32
    %dma_wait3A_1032 = tpu.memref_slice %arg8[%multiple_of3A_1023, %dma_wait3A_1030, %dma_wait3A_1031] : memref<204800x5x64xf32, #tpu.memory_space<hbm>> -> memref<640x1x64xf32, #tpu.memory_space<hbm>>
    %dma_wait3A_1033 = arith.constant 2 : i32
    %dma_wait3A_1034 = arith.constant 0 : i32
    %dma_wait3A_1035 = tpu.memref_slice %arg8[%multiple_of3A_1023, %dma_wait3A_1033, %dma_wait3A_1034] : memref<204800x5x64xf32, #tpu.memory_space<hbm>> -> memref<640x1x64xf32, #tpu.memory_space<hbm>>
    tpu.wait_dma2 semaphore(%arg14 : memref<!tpu.dma_semaphore, #tpu.memory_space<semaphore_mem>>) src(%arg10 : memref<640x1x64xf32, #tpu.memory_space<vmem>>) dst(%dma_wait3A_1035 : memref<640x1x64xf32, #tpu.memory_space<hbm>>)
    %dma_start3A_1036 = arith.constant 0 : i32
    %dma_start3A_1037 = arith.constant 0 : i32
    %dma_start3A_1038 = arith.constant 0 : i32
    %dma_start3A_1039 = tpu.memref_slice %arg10[%dma_start3A_1037, %dma_start3A_1036, %dma_start3A_1038] : memref<640x1x64xf32, #tpu.memory_space<vmem>> -> memref<640x1x64xf32, #tpu.memory_space<vmem>>
    %dma_start3A_1040 = tpu.memref_squeeze %dma_start3A_1039 : memref<640x1x64xf32, #tpu.memory_space<vmem>> -> memref<640x64xf32, #tpu.memory_space<vmem>>
    %dma_start3A_1041 = arith.constant 19200 : i32
    %dma_start3A_1042 = tpu.memref_slice %arg9[%dma_start3A_1041] : memref<32000xi32, #tpu.memory_space<vmem>> -> memref<640xi32, #tpu.memory_space<vmem>>
    %dma_start3A_1043 = arith.constant 0 : i32
    %dma_start3A_1044 = arith.constant 0 : i32
    %dma_start3A_1045 = tpu.memref_slice %arg6[%dma_start3A_1043, %dma_start3A_1044] : memref<100000x64xf32, #tpu.memory_space<hbm>> -> memref<100000x64xf32, #tpu.memory_space<hbm>>
    tpu.enqueue_indirect_dma source(%dma_start3A_1045 : memref<100000x64xf32, #tpu.memory_space<hbm>>) target(%dma_start3A_1040 : memref<640x64xf32, #tpu.memory_space<vmem>>) offsets(%dma_start3A_1042 : memref<640xi32, #tpu.memory_space<vmem>>) semaphore(%arg12 : memref<!tpu.dma_semaphore, #tpu.memory_space<semaphore_mem>>)
    %dma_wait3A_1046 = arith.constant 0 : i32
    %dma_wait3A_1047 = arith.constant 0 : i32
    %dma_wait3A_1048 = arith.constant 0 : i32
    %dma_wait3A_1049 = tpu.memref_slice %arg11[%dma_wait3A_1047, %dma_wait3A_1046, %dma_wait3A_1048] : memref<640x1x64xf32, #tpu.memory_space<vmem>> -> memref<640x1x64xf32, #tpu.memory_space<vmem>>
    %dma_wait3A_1050 = tpu.memref_squeeze %dma_wait3A_1049 : memref<640x1x64xf32, #tpu.memory_space<vmem>> -> memref<640x64xf32, #tpu.memory_space<vmem>>
    %dma_wait3A_1051 = arith.constant 18560 : i32
    %dma_wait3A_1052 = tpu.memref_slice %arg9[%dma_wait3A_1051] : memref<32000xi32, #tpu.memory_space<vmem>> -> memref<640xi32, #tpu.memory_space<vmem>>
    %dma_wait3A_1053 = arith.constant 0 : i32
    %dma_wait3A_1054 = arith.constant 0 : i32
    %dma_wait3A_1055 = tpu.memref_slice %arg5[%dma_wait3A_1053, %dma_wait3A_1054] : memref<100000x64xf32, #tpu.memory_space<hbm>> -> memref<100000x64xf32, #tpu.memory_space<hbm>>
    tpu.wait_indirect_dma semaphore(%arg13 : memref<!tpu.dma_semaphore, #tpu.memory_space<semaphore_mem>>) src(%dma_wait3A_1055 : memref<100000x64xf32, #tpu.memory_space<hbm>>) dst(%dma_wait3A_1050 : memref<640x64xf32, #tpu.memory_space<vmem>>)
    %add3A_1056 = arith.constant 5760 : i32
    %add3A_1057 = arith.addi %multiple_of3A, %add3A_1056 : i32
    %multiple_of3A_1058 = tpu.assume_multiple %add3A_1057, 8 : i32
    %dma_start3A_1059 = arith.constant 2 : i32
    %dma_start3A_1060 = arith.constant 0 : i32
    %dma_start3A_1061 = tpu.memref_slice %arg8[%multiple_of3A_1058, %dma_start3A_1059, %dma_start3A_1060] : memref<204800x5x64xf32, #tpu.memory_space<hbm>> -> memref<640x1x64xf32, #tpu.memory_space<hbm>>
    %dma_start3A_1062 = arith.constant 2 : i32
    %dma_start3A_1063 = arith.constant 0 : i32
    %dma_start3A_1064 = tpu.memref_slice %arg8[%multiple_of3A_1058, %dma_start3A_1062, %dma_start3A_1063] : memref<204800x5x64xf32, #tpu.memory_space<hbm>> -> memref<640x1x64xf32, #tpu.memory_space<hbm>>
    tpu.enqueue_dma source(%arg11 : memref<640x1x64xf32, #tpu.memory_space<vmem>>) target(%dma_start3A_1064 : memref<640x1x64xf32, #tpu.memory_space<hbm>>) target_semaphore(%arg15 : memref<!tpu.dma_semaphore, #tpu.memory_space<semaphore_mem>>)
    %dma_wait3A_1065 = arith.constant 2 : i32
    %dma_wait3A_1066 = arith.constant 0 : i32
    %dma_wait3A_1067 = tpu.memref_slice %arg8[%multiple_of3A_1058, %dma_wait3A_1065, %dma_wait3A_1066] : memref<204800x5x64xf32, #tpu.memory_space<hbm>> -> memref<640x1x64xf32, #tpu.memory_space<hbm>>
    %dma_wait3A_1068 = arith.constant 2 : i32
    %dma_wait3A_1069 = arith.constant 0 : i32
    %dma_wait3A_1070 = tpu.memref_slice %arg8[%multiple_of3A_1058, %dma_wait3A_1068, %dma_wait3A_1069] : memref<204800x5x64xf32, #tpu.memory_space<hbm>> -> memref<640x1x64xf32, #tpu.memory_space<hbm>>
    tpu.wait_dma2 semaphore(%arg15 : memref<!tpu.dma_semaphore, #tpu.memory_space<semaphore_mem>>) src(%arg11 : memref<640x1x64xf32, #tpu.memory_space<vmem>>) dst(%dma_wait3A_1070 : memref<640x1x64xf32, #tpu.memory_space<hbm>>)
    %dma_start3A_1071 = arith.constant 0 : i32
    %dma_start3A_1072 = arith.constant 0 : i32
    %dma_start3A_1073 = arith.constant 0 : i32
    %dma_start3A_1074 = tpu.memref_slice %arg11[%dma_start3A_1072, %dma_start3A_1071, %dma_start3A_1073] : memref<640x1x64xf32, #tpu.memory_space<vmem>> -> memref<640x1x64xf32, #tpu.memory_space<vmem>>
    %dma_start3A_1075 = tpu.memref_squeeze %dma_start3A_1074 : memref<640x1x64xf32, #tpu.memory_space<vmem>> -> memref<640x64xf32, #tpu.memory_space<vmem>>
    %dma_start3A_1076 = arith.constant 19840 : i32
    %dma_start3A_1077 = tpu.memref_slice %arg9[%dma_start3A_1076] : memref<32000xi32, #tpu.memory_space<vmem>> -> memref<640xi32, #tpu.memory_space<vmem>>
    %dma_start3A_1078 = arith.constant 0 : i32
    %dma_start3A_1079 = arith.constant 0 : i32
    %dma_start3A_1080 = tpu.memref_slice %arg6[%dma_start3A_1078, %dma_start3A_1079] : memref<100000x64xf32, #tpu.memory_space<hbm>> -> memref<100000x64xf32, #tpu.memory_space<hbm>>
    tpu.enqueue_indirect_dma source(%dma_start3A_1080 : memref<100000x64xf32, #tpu.memory_space<hbm>>) target(%dma_start3A_1075 : memref<640x64xf32, #tpu.memory_space<vmem>>) offsets(%dma_start3A_1077 : memref<640xi32, #tpu.memory_space<vmem>>) semaphore(%arg13 : memref<!tpu.dma_semaphore, #tpu.memory_space<semaphore_mem>>)
    %dma_wait3A_1081 = arith.constant 0 : i32
    %dma_wait3A_1082 = arith.constant 0 : i32
    %dma_wait3A_1083 = arith.constant 0 : i32
    %dma_wait3A_1084 = tpu.memref_slice %arg10[%dma_wait3A_1082, %dma_wait3A_1081, %dma_wait3A_1083] : memref<640x1x64xf32, #tpu.memory_space<vmem>> -> memref<640x1x64xf32, #tpu.memory_space<vmem>>
    %dma_wait3A_1085 = tpu.memref_squeeze %dma_wait3A_1084 : memref<640x1x64xf32, #tpu.memory_space<vmem>> -> memref<640x64xf32, #tpu.memory_space<vmem>>
    %dma_wait3A_1086 = arith.constant 19200 : i32
    %dma_wait3A_1087 = tpu.memref_slice %arg9[%dma_wait3A_1086] : memref<32000xi32, #tpu.memory_space<vmem>> -> memref<640xi32, #tpu.memory_space<vmem>>
    %dma_wait3A_1088 = arith.constant 0 : i32
    %dma_wait3A_1089 = arith.constant 0 : i32
    %dma_wait3A_1090 = tpu.memref_slice %arg6[%dma_wait3A_1088, %dma_wait3A_1089] : memref<100000x64xf32, #tpu.memory_space<hbm>> -> memref<100000x64xf32, #tpu.memory_space<hbm>>
    tpu.wait_indirect_dma semaphore(%arg12 : memref<!tpu.dma_semaphore, #tpu.memory_space<semaphore_mem>>) src(%dma_wait3A_1090 : memref<100000x64xf32, #tpu.memory_space<hbm>>) dst(%dma_wait3A_1085 : memref<640x64xf32, #tpu.memory_space<vmem>>)
    %add3A_1091 = arith.constant 0 : i32
    %add3A_1092 = arith.addi %multiple_of3A, %add3A_1091 : i32
    %multiple_of3A_1093 = tpu.assume_multiple %add3A_1092, 8 : i32
    %dma_start3A_1094 = arith.constant 3 : i32
    %dma_start3A_1095 = arith.constant 0 : i32
    %dma_start3A_1096 = tpu.memref_slice %arg8[%multiple_of3A_1093, %dma_start3A_1094, %dma_start3A_1095] : memref<204800x5x64xf32, #tpu.memory_space<hbm>> -> memref<640x1x64xf32, #tpu.memory_space<hbm>>
    %dma_start3A_1097 = arith.constant 3 : i32
    %dma_start3A_1098 = arith.constant 0 : i32
    %dma_start3A_1099 = tpu.memref_slice %arg8[%multiple_of3A_1093, %dma_start3A_1097, %dma_start3A_1098] : memref<204800x5x64xf32, #tpu.memory_space<hbm>> -> memref<640x1x64xf32, #tpu.memory_space<hbm>>
    tpu.enqueue_dma source(%arg10 : memref<640x1x64xf32, #tpu.memory_space<vmem>>) target(%dma_start3A_1099 : memref<640x1x64xf32, #tpu.memory_space<hbm>>) target_semaphore(%arg14 : memref<!tpu.dma_semaphore, #tpu.memory_space<semaphore_mem>>)
    %dma_wait3A_1100 = arith.constant 3 : i32
    %dma_wait3A_1101 = arith.constant 0 : i32
    %dma_wait3A_1102 = tpu.memref_slice %arg8[%multiple_of3A_1093, %dma_wait3A_1100, %dma_wait3A_1101] : memref<204800x5x64xf32, #tpu.memory_space<hbm>> -> memref<640x1x64xf32, #tpu.memory_space<hbm>>
    %dma_wait3A_1103 = arith.constant 3 : i32
    %dma_wait3A_1104 = arith.constant 0 : i32
    %dma_wait3A_1105 = tpu.memref_slice %arg8[%multiple_of3A_1093, %dma_wait3A_1103, %dma_wait3A_1104] : memref<204800x5x64xf32, #tpu.memory_space<hbm>> -> memref<640x1x64xf32, #tpu.memory_space<hbm>>
    tpu.wait_dma2 semaphore(%arg14 : memref<!tpu.dma_semaphore, #tpu.memory_space<semaphore_mem>>) src(%arg10 : memref<640x1x64xf32, #tpu.memory_space<vmem>>) dst(%dma_wait3A_1105 : memref<640x1x64xf32, #tpu.memory_space<hbm>>)
    %dma_start3A_1106 = arith.constant 0 : i32
    %dma_start3A_1107 = arith.constant 0 : i32
    %dma_start3A_1108 = arith.constant 0 : i32
    %dma_start3A_1109 = tpu.memref_slice %arg10[%dma_start3A_1107, %dma_start3A_1106, %dma_start3A_1108] : memref<640x1x64xf32, #tpu.memory_space<vmem>> -> memref<640x1x64xf32, #tpu.memory_space<vmem>>
    %dma_start3A_1110 = tpu.memref_squeeze %dma_start3A_1109 : memref<640x1x64xf32, #tpu.memory_space<vmem>> -> memref<640x64xf32, #tpu.memory_space<vmem>>
    %dma_start3A_1111 = arith.constant 20480 : i32
    %dma_start3A_1112 = tpu.memref_slice %arg9[%dma_start3A_1111] : memref<32000xi32, #tpu.memory_space<vmem>> -> memref<640xi32, #tpu.memory_space<vmem>>
    %dma_start3A_1113 = arith.constant 0 : i32
    %dma_start3A_1114 = arith.constant 0 : i32
    %dma_start3A_1115 = tpu.memref_slice %arg6[%dma_start3A_1113, %dma_start3A_1114] : memref<100000x64xf32, #tpu.memory_space<hbm>> -> memref<100000x64xf32, #tpu.memory_space<hbm>>
    tpu.enqueue_indirect_dma source(%dma_start3A_1115 : memref<100000x64xf32, #tpu.memory_space<hbm>>) target(%dma_start3A_1110 : memref<640x64xf32, #tpu.memory_space<vmem>>) offsets(%dma_start3A_1112 : memref<640xi32, #tpu.memory_space<vmem>>) semaphore(%arg12 : memref<!tpu.dma_semaphore, #tpu.memory_space<semaphore_mem>>)
    %dma_wait3A_1116 = arith.constant 0 : i32
    %dma_wait3A_1117 = arith.constant 0 : i32
    %dma_wait3A_1118 = arith.constant 0 : i32
    %dma_wait3A_1119 = tpu.memref_slice %arg11[%dma_wait3A_1117, %dma_wait3A_1116, %dma_wait3A_1118] : memref<640x1x64xf32, #tpu.memory_space<vmem>> -> memref<640x1x64xf32, #tpu.memory_space<vmem>>
    %dma_wait3A_1120 = tpu.memref_squeeze %dma_wait3A_1119 : memref<640x1x64xf32, #tpu.memory_space<vmem>> -> memref<640x64xf32, #tpu.memory_space<vmem>>
    %dma_wait3A_1121 = arith.constant 19840 : i32
    %dma_wait3A_1122 = tpu.memref_slice %arg9[%dma_wait3A_1121] : memref<32000xi32, #tpu.memory_space<vmem>> -> memref<640xi32, #tpu.memory_space<vmem>>
    %dma_wait3A_1123 = arith.constant 0 : i32
    %dma_wait3A_1124 = arith.constant 0 : i32
    %dma_wait3A_1125 = tpu.memref_slice %arg6[%dma_wait3A_1123, %dma_wait3A_1124] : memref<100000x64xf32, #tpu.memory_space<hbm>> -> memref<100000x64xf32, #tpu.memory_space<hbm>>
    tpu.wait_indirect_dma semaphore(%arg13 : memref<!tpu.dma_semaphore, #tpu.memory_space<semaphore_mem>>) src(%dma_wait3A_1125 : memref<100000x64xf32, #tpu.memory_space<hbm>>) dst(%dma_wait3A_1120 : memref<640x64xf32, #tpu.memory_space<vmem>>)
    %add3A_1126 = arith.constant 640 : i32
    %add3A_1127 = arith.addi %multiple_of3A, %add3A_1126 : i32
    %multiple_of3A_1128 = tpu.assume_multiple %add3A_1127, 8 : i32
    %dma_start3A_1129 = arith.constant 3 : i32
    %dma_start3A_1130 = arith.constant 0 : i32
    %dma_start3A_1131 = tpu.memref_slice %arg8[%multiple_of3A_1128, %dma_start3A_1129, %dma_start3A_1130] : memref<204800x5x64xf32, #tpu.memory_space<hbm>> -> memref<640x1x64xf32, #tpu.memory_space<hbm>>
    %dma_start3A_1132 = arith.constant 3 : i32
    %dma_start3A_1133 = arith.constant 0 : i32
    %dma_start3A_1134 = tpu.memref_slice %arg8[%multiple_of3A_1128, %dma_start3A_1132, %dma_start3A_1133] : memref<204800x5x64xf32, #tpu.memory_space<hbm>> -> memref<640x1x64xf32, #tpu.memory_space<hbm>>
    tpu.enqueue_dma source(%arg11 : memref<640x1x64xf32, #tpu.memory_space<vmem>>) target(%dma_start3A_1134 : memref<640x1x64xf32, #tpu.memory_space<hbm>>) target_semaphore(%arg15 : memref<!tpu.dma_semaphore, #tpu.memory_space<semaphore_mem>>)
    %dma_wait3A_1135 = arith.constant 3 : i32
    %dma_wait3A_1136 = arith.constant 0 : i32
    %dma_wait3A_1137 = tpu.memref_slice %arg8[%multiple_of3A_1128, %dma_wait3A_1135, %dma_wait3A_1136] : memref<204800x5x64xf32, #tpu.memory_space<hbm>> -> memref<640x1x64xf32, #tpu.memory_space<hbm>>
    %dma_wait3A_1138 = arith.constant 3 : i32
    %dma_wait3A_1139 = arith.constant 0 : i32
    %dma_wait3A_1140 = tpu.memref_slice %arg8[%multiple_of3A_1128, %dma_wait3A_1138, %dma_wait3A_1139] : memref<204800x5x64xf32, #tpu.memory_space<hbm>> -> memref<640x1x64xf32, #tpu.memory_space<hbm>>
    tpu.wait_dma2 semaphore(%arg15 : memref<!tpu.dma_semaphore, #tpu.memory_space<semaphore_mem>>) src(%arg11 : memref<640x1x64xf32, #tpu.memory_space<vmem>>) dst(%dma_wait3A_1140 : memref<640x1x64xf32, #tpu.memory_space<hbm>>)
    %dma_start3A_1141 = arith.constant 0 : i32
    %dma_start3A_1142 = arith.constant 0 : i32
    %dma_start3A_1143 = arith.constant 0 : i32
    %dma_start3A_1144 = tpu.memref_slice %arg11[%dma_start3A_1142, %dma_start3A_1141, %dma_start3A_1143] : memref<640x1x64xf32, #tpu.memory_space<vmem>> -> memref<640x1x64xf32, #tpu.memory_space<vmem>>
    %dma_start3A_1145 = tpu.memref_squeeze %dma_start3A_1144 : memref<640x1x64xf32, #tpu.memory_space<vmem>> -> memref<640x64xf32, #tpu.memory_space<vmem>>
    %dma_start3A_1146 = arith.constant 21120 : i32
    %dma_start3A_1147 = tpu.memref_slice %arg9[%dma_start3A_1146] : memref<32000xi32, #tpu.memory_space<vmem>> -> memref<640xi32, #tpu.memory_space<vmem>>
    %dma_start3A_1148 = arith.constant 0 : i32
    %dma_start3A_1149 = arith.constant 0 : i32
    %dma_start3A_1150 = tpu.memref_slice %arg6[%dma_start3A_1148, %dma_start3A_1149] : memref<100000x64xf32, #tpu.memory_space<hbm>> -> memref<100000x64xf32, #tpu.memory_space<hbm>>
    tpu.enqueue_indirect_dma source(%dma_start3A_1150 : memref<100000x64xf32, #tpu.memory_space<hbm>>) target(%dma_start3A_1145 : memref<640x64xf32, #tpu.memory_space<vmem>>) offsets(%dma_start3A_1147 : memref<640xi32, #tpu.memory_space<vmem>>) semaphore(%arg13 : memref<!tpu.dma_semaphore, #tpu.memory_space<semaphore_mem>>)
    %dma_wait3A_1151 = arith.constant 0 : i32
    %dma_wait3A_1152 = arith.constant 0 : i32
    %dma_wait3A_1153 = arith.constant 0 : i32
    %dma_wait3A_1154 = tpu.memref_slice %arg10[%dma_wait3A_1152, %dma_wait3A_1151, %dma_wait3A_1153] : memref<640x1x64xf32, #tpu.memory_space<vmem>> -> memref<640x1x64xf32, #tpu.memory_space<vmem>>
    %dma_wait3A_1155 = tpu.memref_squeeze %dma_wait3A_1154 : memref<640x1x64xf32, #tpu.memory_space<vmem>> -> memref<640x64xf32, #tpu.memory_space<vmem>>
    %dma_wait3A_1156 = arith.constant 20480 : i32
    %dma_wait3A_1157 = tpu.memref_slice %arg9[%dma_wait3A_1156] : memref<32000xi32, #tpu.memory_space<vmem>> -> memref<640xi32, #tpu.memory_space<vmem>>
    %dma_wait3A_1158 = arith.constant 0 : i32
    %dma_wait3A_1159 = arith.constant 0 : i32
    %dma_wait3A_1160 = tpu.memref_slice %arg6[%dma_wait3A_1158, %dma_wait3A_1159] : memref<100000x64xf32, #tpu.memory_space<hbm>> -> memref<100000x64xf32, #tpu.memory_space<hbm>>
    tpu.wait_indirect_dma semaphore(%arg12 : memref<!tpu.dma_semaphore, #tpu.memory_space<semaphore_mem>>) src(%dma_wait3A_1160 : memref<100000x64xf32, #tpu.memory_space<hbm>>) dst(%dma_wait3A_1155 : memref<640x64xf32, #tpu.memory_space<vmem>>)
    %add3A_1161 = arith.constant 1280 : i32
    %add3A_1162 = arith.addi %multiple_of3A, %add3A_1161 : i32
    %multiple_of3A_1163 = tpu.assume_multiple %add3A_1162, 8 : i32
    %dma_start3A_1164 = arith.constant 3 : i32
    %dma_start3A_1165 = arith.constant 0 : i32
    %dma_start3A_1166 = tpu.memref_slice %arg8[%multiple_of3A_1163, %dma_start3A_1164, %dma_start3A_1165] : memref<204800x5x64xf32, #tpu.memory_space<hbm>> -> memref<640x1x64xf32, #tpu.memory_space<hbm>>
    %dma_start3A_1167 = arith.constant 3 : i32
    %dma_start3A_1168 = arith.constant 0 : i32
    %dma_start3A_1169 = tpu.memref_slice %arg8[%multiple_of3A_1163, %dma_start3A_1167, %dma_start3A_1168] : memref<204800x5x64xf32, #tpu.memory_space<hbm>> -> memref<640x1x64xf32, #tpu.memory_space<hbm>>
    tpu.enqueue_dma source(%arg10 : memref<640x1x64xf32, #tpu.memory_space<vmem>>) target(%dma_start3A_1169 : memref<640x1x64xf32, #tpu.memory_space<hbm>>) target_semaphore(%arg14 : memref<!tpu.dma_semaphore, #tpu.memory_space<semaphore_mem>>)
    %dma_wait3A_1170 = arith.constant 3 : i32
    %dma_wait3A_1171 = arith.constant 0 : i32
    %dma_wait3A_1172 = tpu.memref_slice %arg8[%multiple_of3A_1163, %dma_wait3A_1170, %dma_wait3A_1171] : memref<204800x5x64xf32, #tpu.memory_space<hbm>> -> memref<640x1x64xf32, #tpu.memory_space<hbm>>
    %dma_wait3A_1173 = arith.constant 3 : i32
    %dma_wait3A_1174 = arith.constant 0 : i32
    %dma_wait3A_1175 = tpu.memref_slice %arg8[%multiple_of3A_1163, %dma_wait3A_1173, %dma_wait3A_1174] : memref<204800x5x64xf32, #tpu.memory_space<hbm>> -> memref<640x1x64xf32, #tpu.memory_space<hbm>>
    tpu.wait_dma2 semaphore(%arg14 : memref<!tpu.dma_semaphore, #tpu.memory_space<semaphore_mem>>) src(%arg10 : memref<640x1x64xf32, #tpu.memory_space<vmem>>) dst(%dma_wait3A_1175 : memref<640x1x64xf32, #tpu.memory_space<hbm>>)
    %dma_start3A_1176 = arith.constant 0 : i32
    %dma_start3A_1177 = arith.constant 0 : i32
    %dma_start3A_1178 = arith.constant 0 : i32
    %dma_start3A_1179 = tpu.memref_slice %arg10[%dma_start3A_1177, %dma_start3A_1176, %dma_start3A_1178] : memref<640x1x64xf32, #tpu.memory_space<vmem>> -> memref<640x1x64xf32, #tpu.memory_space<vmem>>
    %dma_start3A_1180 = tpu.memref_squeeze %dma_start3A_1179 : memref<640x1x64xf32, #tpu.memory_space<vmem>> -> memref<640x64xf32, #tpu.memory_space<vmem>>
    %dma_start3A_1181 = arith.constant 21760 : i32
    %dma_start3A_1182 = tpu.memref_slice %arg9[%dma_start3A_1181] : memref<32000xi32, #tpu.memory_space<vmem>> -> memref<640xi32, #tpu.memory_space<vmem>>
    %dma_start3A_1183 = arith.constant 0 : i32
    %dma_start3A_1184 = arith.constant 0 : i32
    %dma_start3A_1185 = tpu.memref_slice %arg6[%dma_start3A_1183, %dma_start3A_1184] : memref<100000x64xf32, #tpu.memory_space<hbm>> -> memref<100000x64xf32, #tpu.memory_space<hbm>>
    tpu.enqueue_indirect_dma source(%dma_start3A_1185 : memref<100000x64xf32, #tpu.memory_space<hbm>>) target(%dma_start3A_1180 : memref<640x64xf32, #tpu.memory_space<vmem>>) offsets(%dma_start3A_1182 : memref<640xi32, #tpu.memory_space<vmem>>) semaphore(%arg12 : memref<!tpu.dma_semaphore, #tpu.memory_space<semaphore_mem>>)
    %dma_wait3A_1186 = arith.constant 0 : i32
    %dma_wait3A_1187 = arith.constant 0 : i32
    %dma_wait3A_1188 = arith.constant 0 : i32
    %dma_wait3A_1189 = tpu.memref_slice %arg11[%dma_wait3A_1187, %dma_wait3A_1186, %dma_wait3A_1188] : memref<640x1x64xf32, #tpu.memory_space<vmem>> -> memref<640x1x64xf32, #tpu.memory_space<vmem>>
    %dma_wait3A_1190 = tpu.memref_squeeze %dma_wait3A_1189 : memref<640x1x64xf32, #tpu.memory_space<vmem>> -> memref<640x64xf32, #tpu.memory_space<vmem>>
    %dma_wait3A_1191 = arith.constant 21120 : i32
    %dma_wait3A_1192 = tpu.memref_slice %arg9[%dma_wait3A_1191] : memref<32000xi32, #tpu.memory_space<vmem>> -> memref<640xi32, #tpu.memory_space<vmem>>
    %dma_wait3A_1193 = arith.constant 0 : i32
    %dma_wait3A_1194 = arith.constant 0 : i32
    %dma_wait3A_1195 = tpu.memref_slice %arg6[%dma_wait3A_1193, %dma_wait3A_1194] : memref<100000x64xf32, #tpu.memory_space<hbm>> -> memref<100000x64xf32, #tpu.memory_space<hbm>>
    tpu.wait_indirect_dma semaphore(%arg13 : memref<!tpu.dma_semaphore, #tpu.memory_space<semaphore_mem>>) src(%dma_wait3A_1195 : memref<100000x64xf32, #tpu.memory_space<hbm>>) dst(%dma_wait3A_1190 : memref<640x64xf32, #tpu.memory_space<vmem>>)
    %add3A_1196 = arith.constant 1920 : i32
    %add3A_1197 = arith.addi %multiple_of3A, %add3A_1196 : i32
    %multiple_of3A_1198 = tpu.assume_multiple %add3A_1197, 8 : i32
    %dma_start3A_1199 = arith.constant 3 : i32
    %dma_start3A_1200 = arith.constant 0 : i32
    %dma_start3A_1201 = tpu.memref_slice %arg8[%multiple_of3A_1198, %dma_start3A_1199, %dma_start3A_1200] : memref<204800x5x64xf32, #tpu.memory_space<hbm>> -> memref<640x1x64xf32, #tpu.memory_space<hbm>>
    %dma_start3A_1202 = arith.constant 3 : i32
    %dma_start3A_1203 = arith.constant 0 : i32
    %dma_start3A_1204 = tpu.memref_slice %arg8[%multiple_of3A_1198, %dma_start3A_1202, %dma_start3A_1203] : memref<204800x5x64xf32, #tpu.memory_space<hbm>> -> memref<640x1x64xf32, #tpu.memory_space<hbm>>
    tpu.enqueue_dma source(%arg11 : memref<640x1x64xf32, #tpu.memory_space<vmem>>) target(%dma_start3A_1204 : memref<640x1x64xf32, #tpu.memory_space<hbm>>) target_semaphore(%arg15 : memref<!tpu.dma_semaphore, #tpu.memory_space<semaphore_mem>>)
    %dma_wait3A_1205 = arith.constant 3 : i32
    %dma_wait3A_1206 = arith.constant 0 : i32
    %dma_wait3A_1207 = tpu.memref_slice %arg8[%multiple_of3A_1198, %dma_wait3A_1205, %dma_wait3A_1206] : memref<204800x5x64xf32, #tpu.memory_space<hbm>> -> memref<640x1x64xf32, #tpu.memory_space<hbm>>
    %dma_wait3A_1208 = arith.constant 3 : i32
    %dma_wait3A_1209 = arith.constant 0 : i32
    %dma_wait3A_1210 = tpu.memref_slice %arg8[%multiple_of3A_1198, %dma_wait3A_1208, %dma_wait3A_1209] : memref<204800x5x64xf32, #tpu.memory_space<hbm>> -> memref<640x1x64xf32, #tpu.memory_space<hbm>>
    tpu.wait_dma2 semaphore(%arg15 : memref<!tpu.dma_semaphore, #tpu.memory_space<semaphore_mem>>) src(%arg11 : memref<640x1x64xf32, #tpu.memory_space<vmem>>) dst(%dma_wait3A_1210 : memref<640x1x64xf32, #tpu.memory_space<hbm>>)
    %dma_start3A_1211 = arith.constant 0 : i32
    %dma_start3A_1212 = arith.constant 0 : i32
    %dma_start3A_1213 = arith.constant 0 : i32
    %dma_start3A_1214 = tpu.memref_slice %arg11[%dma_start3A_1212, %dma_start3A_1211, %dma_start3A_1213] : memref<640x1x64xf32, #tpu.memory_space<vmem>> -> memref<640x1x64xf32, #tpu.memory_space<vmem>>
    %dma_start3A_1215 = tpu.memref_squeeze %dma_start3A_1214 : memref<640x1x64xf32, #tpu.memory_space<vmem>> -> memref<640x64xf32, #tpu.memory_space<vmem>>
    %dma_start3A_1216 = arith.constant 22400 : i32
    %dma_start3A_1217 = tpu.memref_slice %arg9[%dma_start3A_1216] : memref<32000xi32, #tpu.memory_space<vmem>> -> memref<640xi32, #tpu.memory_space<vmem>>
    %dma_start3A_1218 = arith.constant 0 : i32
    %dma_start3A_1219 = arith.constant 0 : i32
    %dma_start3A_1220 = tpu.memref_slice %arg6[%dma_start3A_1218, %dma_start3A_1219] : memref<100000x64xf32, #tpu.memory_space<hbm>> -> memref<100000x64xf32, #tpu.memory_space<hbm>>
    tpu.enqueue_indirect_dma source(%dma_start3A_1220 : memref<100000x64xf32, #tpu.memory_space<hbm>>) target(%dma_start3A_1215 : memref<640x64xf32, #tpu.memory_space<vmem>>) offsets(%dma_start3A_1217 : memref<640xi32, #tpu.memory_space<vmem>>) semaphore(%arg13 : memref<!tpu.dma_semaphore, #tpu.memory_space<semaphore_mem>>)
    %dma_wait3A_1221 = arith.constant 0 : i32
    %dma_wait3A_1222 = arith.constant 0 : i32
    %dma_wait3A_1223 = arith.constant 0 : i32
    %dma_wait3A_1224 = tpu.memref_slice %arg10[%dma_wait3A_1222, %dma_wait3A_1221, %dma_wait3A_1223] : memref<640x1x64xf32, #tpu.memory_space<vmem>> -> memref<640x1x64xf32, #tpu.memory_space<vmem>>
    %dma_wait3A_1225 = tpu.memref_squeeze %dma_wait3A_1224 : memref<640x1x64xf32, #tpu.memory_space<vmem>> -> memref<640x64xf32, #tpu.memory_space<vmem>>
    %dma_wait3A_1226 = arith.constant 21760 : i32
    %dma_wait3A_1227 = tpu.memref_slice %arg9[%dma_wait3A_1226] : memref<32000xi32, #tpu.memory_space<vmem>> -> memref<640xi32, #tpu.memory_space<vmem>>
    %dma_wait3A_1228 = arith.constant 0 : i32
    %dma_wait3A_1229 = arith.constant 0 : i32
    %dma_wait3A_1230 = tpu.memref_slice %arg6[%dma_wait3A_1228, %dma_wait3A_1229] : memref<100000x64xf32, #tpu.memory_space<hbm>> -> memref<100000x64xf32, #tpu.memory_space<hbm>>
    tpu.wait_indirect_dma semaphore(%arg12 : memref<!tpu.dma_semaphore, #tpu.memory_space<semaphore_mem>>) src(%dma_wait3A_1230 : memref<100000x64xf32, #tpu.memory_space<hbm>>) dst(%dma_wait3A_1225 : memref<640x64xf32, #tpu.memory_space<vmem>>)
    %add3A_1231 = arith.constant 2560 : i32
    %add3A_1232 = arith.addi %multiple_of3A, %add3A_1231 : i32
    %multiple_of3A_1233 = tpu.assume_multiple %add3A_1232, 8 : i32
    %dma_start3A_1234 = arith.constant 3 : i32
    %dma_start3A_1235 = arith.constant 0 : i32
    %dma_start3A_1236 = tpu.memref_slice %arg8[%multiple_of3A_1233, %dma_start3A_1234, %dma_start3A_1235] : memref<204800x5x64xf32, #tpu.memory_space<hbm>> -> memref<640x1x64xf32, #tpu.memory_space<hbm>>
    %dma_start3A_1237 = arith.constant 3 : i32
    %dma_start3A_1238 = arith.constant 0 : i32
    %dma_start3A_1239 = tpu.memref_slice %arg8[%multiple_of3A_1233, %dma_start3A_1237, %dma_start3A_1238] : memref<204800x5x64xf32, #tpu.memory_space<hbm>> -> memref<640x1x64xf32, #tpu.memory_space<hbm>>
    tpu.enqueue_dma source(%arg10 : memref<640x1x64xf32, #tpu.memory_space<vmem>>) target(%dma_start3A_1239 : memref<640x1x64xf32, #tpu.memory_space<hbm>>) target_semaphore(%arg14 : memref<!tpu.dma_semaphore, #tpu.memory_space<semaphore_mem>>)
    %dma_wait3A_1240 = arith.constant 3 : i32
    %dma_wait3A_1241 = arith.constant 0 : i32
    %dma_wait3A_1242 = tpu.memref_slice %arg8[%multiple_of3A_1233, %dma_wait3A_1240, %dma_wait3A_1241] : memref<204800x5x64xf32, #tpu.memory_space<hbm>> -> memref<640x1x64xf32, #tpu.memory_space<hbm>>
    %dma_wait3A_1243 = arith.constant 3 : i32
    %dma_wait3A_1244 = arith.constant 0 : i32
    %dma_wait3A_1245 = tpu.memref_slice %arg8[%multiple_of3A_1233, %dma_wait3A_1243, %dma_wait3A_1244] : memref<204800x5x64xf32, #tpu.memory_space<hbm>> -> memref<640x1x64xf32, #tpu.memory_space<hbm>>
    tpu.wait_dma2 semaphore(%arg14 : memref<!tpu.dma_semaphore, #tpu.memory_space<semaphore_mem>>) src(%arg10 : memref<640x1x64xf32, #tpu.memory_space<vmem>>) dst(%dma_wait3A_1245 : memref<640x1x64xf32, #tpu.memory_space<hbm>>)
    %dma_start3A_1246 = arith.constant 0 : i32
    %dma_start3A_1247 = arith.constant 0 : i32
    %dma_start3A_1248 = arith.constant 0 : i32
    %dma_start3A_1249 = tpu.memref_slice %arg10[%dma_start3A_1247, %dma_start3A_1246, %dma_start3A_1248] : memref<640x1x64xf32, #tpu.memory_space<vmem>> -> memref<640x1x64xf32, #tpu.memory_space<vmem>>
    %dma_start3A_1250 = tpu.memref_squeeze %dma_start3A_1249 : memref<640x1x64xf32, #tpu.memory_space<vmem>> -> memref<640x64xf32, #tpu.memory_space<vmem>>
    %dma_start3A_1251 = arith.constant 23040 : i32
    %dma_start3A_1252 = tpu.memref_slice %arg9[%dma_start3A_1251] : memref<32000xi32, #tpu.memory_space<vmem>> -> memref<640xi32, #tpu.memory_space<vmem>>
    %dma_start3A_1253 = arith.constant 0 : i32
    %dma_start3A_1254 = arith.constant 0 : i32
    %dma_start3A_1255 = tpu.memref_slice %arg6[%dma_start3A_1253, %dma_start3A_1254] : memref<100000x64xf32, #tpu.memory_space<hbm>> -> memref<100000x64xf32, #tpu.memory_space<hbm>>
    tpu.enqueue_indirect_dma source(%dma_start3A_1255 : memref<100000x64xf32, #tpu.memory_space<hbm>>) target(%dma_start3A_1250 : memref<640x64xf32, #tpu.memory_space<vmem>>) offsets(%dma_start3A_1252 : memref<640xi32, #tpu.memory_space<vmem>>) semaphore(%arg12 : memref<!tpu.dma_semaphore, #tpu.memory_space<semaphore_mem>>)
    %dma_wait3A_1256 = arith.constant 0 : i32
    %dma_wait3A_1257 = arith.constant 0 : i32
    %dma_wait3A_1258 = arith.constant 0 : i32
    %dma_wait3A_1259 = tpu.memref_slice %arg11[%dma_wait3A_1257, %dma_wait3A_1256, %dma_wait3A_1258] : memref<640x1x64xf32, #tpu.memory_space<vmem>> -> memref<640x1x64xf32, #tpu.memory_space<vmem>>
    %dma_wait3A_1260 = tpu.memref_squeeze %dma_wait3A_1259 : memref<640x1x64xf32, #tpu.memory_space<vmem>> -> memref<640x64xf32, #tpu.memory_space<vmem>>
    %dma_wait3A_1261 = arith.constant 22400 : i32
    %dma_wait3A_1262 = tpu.memref_slice %arg9[%dma_wait3A_1261] : memref<32000xi32, #tpu.memory_space<vmem>> -> memref<640xi32, #tpu.memory_space<vmem>>
    %dma_wait3A_1263 = arith.constant 0 : i32
    %dma_wait3A_1264 = arith.constant 0 : i32
    %dma_wait3A_1265 = tpu.memref_slice %arg6[%dma_wait3A_1263, %dma_wait3A_1264] : memref<100000x64xf32, #tpu.memory_space<hbm>> -> memref<100000x64xf32, #tpu.memory_space<hbm>>
    tpu.wait_indirect_dma semaphore(%arg13 : memref<!tpu.dma_semaphore, #tpu.memory_space<semaphore_mem>>) src(%dma_wait3A_1265 : memref<100000x64xf32, #tpu.memory_space<hbm>>) dst(%dma_wait3A_1260 : memref<640x64xf32, #tpu.memory_space<vmem>>)
    %add3A_1266 = arith.constant 3200 : i32
    %add3A_1267 = arith.addi %multiple_of3A, %add3A_1266 : i32
    %multiple_of3A_1268 = tpu.assume_multiple %add3A_1267, 8 : i32
    %dma_start3A_1269 = arith.constant 3 : i32
    %dma_start3A_1270 = arith.constant 0 : i32
    %dma_start3A_1271 = tpu.memref_slice %arg8[%multiple_of3A_1268, %dma_start3A_1269, %dma_start3A_1270] : memref<204800x5x64xf32, #tpu.memory_space<hbm>> -> memref<640x1x64xf32, #tpu.memory_space<hbm>>
    %dma_start3A_1272 = arith.constant 3 : i32
    %dma_start3A_1273 = arith.constant 0 : i32
    %dma_start3A_1274 = tpu.memref_slice %arg8[%multiple_of3A_1268, %dma_start3A_1272, %dma_start3A_1273] : memref<204800x5x64xf32, #tpu.memory_space<hbm>> -> memref<640x1x64xf32, #tpu.memory_space<hbm>>
    tpu.enqueue_dma source(%arg11 : memref<640x1x64xf32, #tpu.memory_space<vmem>>) target(%dma_start3A_1274 : memref<640x1x64xf32, #tpu.memory_space<hbm>>) target_semaphore(%arg15 : memref<!tpu.dma_semaphore, #tpu.memory_space<semaphore_mem>>)
    %dma_wait3A_1275 = arith.constant 3 : i32
    %dma_wait3A_1276 = arith.constant 0 : i32
    %dma_wait3A_1277 = tpu.memref_slice %arg8[%multiple_of3A_1268, %dma_wait3A_1275, %dma_wait3A_1276] : memref<204800x5x64xf32, #tpu.memory_space<hbm>> -> memref<640x1x64xf32, #tpu.memory_space<hbm>>
    %dma_wait3A_1278 = arith.constant 3 : i32
    %dma_wait3A_1279 = arith.constant 0 : i32
    %dma_wait3A_1280 = tpu.memref_slice %arg8[%multiple_of3A_1268, %dma_wait3A_1278, %dma_wait3A_1279] : memref<204800x5x64xf32, #tpu.memory_space<hbm>> -> memref<640x1x64xf32, #tpu.memory_space<hbm>>
    tpu.wait_dma2 semaphore(%arg15 : memref<!tpu.dma_semaphore, #tpu.memory_space<semaphore_mem>>) src(%arg11 : memref<640x1x64xf32, #tpu.memory_space<vmem>>) dst(%dma_wait3A_1280 : memref<640x1x64xf32, #tpu.memory_space<hbm>>)
    %dma_start3A_1281 = arith.constant 0 : i32
    %dma_start3A_1282 = arith.constant 0 : i32
    %dma_start3A_1283 = arith.constant 0 : i32
    %dma_start3A_1284 = tpu.memref_slice %arg11[%dma_start3A_1282, %dma_start3A_1281, %dma_start3A_1283] : memref<640x1x64xf32, #tpu.memory_space<vmem>> -> memref<640x1x64xf32, #tpu.memory_space<vmem>>
    %dma_start3A_1285 = tpu.memref_squeeze %dma_start3A_1284 : memref<640x1x64xf32, #tpu.memory_space<vmem>> -> memref<640x64xf32, #tpu.memory_space<vmem>>
    %dma_start3A_1286 = arith.constant 23680 : i32
    %dma_start3A_1287 = tpu.memref_slice %arg9[%dma_start3A_1286] : memref<32000xi32, #tpu.memory_space<vmem>> -> memref<640xi32, #tpu.memory_space<vmem>>
    %dma_start3A_1288 = arith.constant 0 : i32
    %dma_start3A_1289 = arith.constant 0 : i32
    %dma_start3A_1290 = tpu.memref_slice %arg6[%dma_start3A_1288, %dma_start3A_1289] : memref<100000x64xf32, #tpu.memory_space<hbm>> -> memref<100000x64xf32, #tpu.memory_space<hbm>>
    tpu.enqueue_indirect_dma source(%dma_start3A_1290 : memref<100000x64xf32, #tpu.memory_space<hbm>>) target(%dma_start3A_1285 : memref<640x64xf32, #tpu.memory_space<vmem>>) offsets(%dma_start3A_1287 : memref<640xi32, #tpu.memory_space<vmem>>) semaphore(%arg13 : memref<!tpu.dma_semaphore, #tpu.memory_space<semaphore_mem>>)
    %dma_wait3A_1291 = arith.constant 0 : i32
    %dma_wait3A_1292 = arith.constant 0 : i32
    %dma_wait3A_1293 = arith.constant 0 : i32
    %dma_wait3A_1294 = tpu.memref_slice %arg10[%dma_wait3A_1292, %dma_wait3A_1291, %dma_wait3A_1293] : memref<640x1x64xf32, #tpu.memory_space<vmem>> -> memref<640x1x64xf32, #tpu.memory_space<vmem>>
    %dma_wait3A_1295 = tpu.memref_squeeze %dma_wait3A_1294 : memref<640x1x64xf32, #tpu.memory_space<vmem>> -> memref<640x64xf32, #tpu.memory_space<vmem>>
    %dma_wait3A_1296 = arith.constant 23040 : i32
    %dma_wait3A_1297 = tpu.memref_slice %arg9[%dma_wait3A_1296] : memref<32000xi32, #tpu.memory_space<vmem>> -> memref<640xi32, #tpu.memory_space<vmem>>
    %dma_wait3A_1298 = arith.constant 0 : i32
    %dma_wait3A_1299 = arith.constant 0 : i32
    %dma_wait3A_1300 = tpu.memref_slice %arg6[%dma_wait3A_1298, %dma_wait3A_1299] : memref<100000x64xf32, #tpu.memory_space<hbm>> -> memref<100000x64xf32, #tpu.memory_space<hbm>>
    tpu.wait_indirect_dma semaphore(%arg12 : memref<!tpu.dma_semaphore, #tpu.memory_space<semaphore_mem>>) src(%dma_wait3A_1300 : memref<100000x64xf32, #tpu.memory_space<hbm>>) dst(%dma_wait3A_1295 : memref<640x64xf32, #tpu.memory_space<vmem>>)
    %add3A_1301 = arith.constant 3840 : i32
    %add3A_1302 = arith.addi %multiple_of3A, %add3A_1301 : i32
    %multiple_of3A_1303 = tpu.assume_multiple %add3A_1302, 8 : i32
    %dma_start3A_1304 = arith.constant 3 : i32
    %dma_start3A_1305 = arith.constant 0 : i32
    %dma_start3A_1306 = tpu.memref_slice %arg8[%multiple_of3A_1303, %dma_start3A_1304, %dma_start3A_1305] : memref<204800x5x64xf32, #tpu.memory_space<hbm>> -> memref<640x1x64xf32, #tpu.memory_space<hbm>>
    %dma_start3A_1307 = arith.constant 3 : i32
    %dma_start3A_1308 = arith.constant 0 : i32
    %dma_start3A_1309 = tpu.memref_slice %arg8[%multiple_of3A_1303, %dma_start3A_1307, %dma_start3A_1308] : memref<204800x5x64xf32, #tpu.memory_space<hbm>> -> memref<640x1x64xf32, #tpu.memory_space<hbm>>
    tpu.enqueue_dma source(%arg10 : memref<640x1x64xf32, #tpu.memory_space<vmem>>) target(%dma_start3A_1309 : memref<640x1x64xf32, #tpu.memory_space<hbm>>) target_semaphore(%arg14 : memref<!tpu.dma_semaphore, #tpu.memory_space<semaphore_mem>>)
    %dma_wait3A_1310 = arith.constant 3 : i32
    %dma_wait3A_1311 = arith.constant 0 : i32
    %dma_wait3A_1312 = tpu.memref_slice %arg8[%multiple_of3A_1303, %dma_wait3A_1310, %dma_wait3A_1311] : memref<204800x5x64xf32, #tpu.memory_space<hbm>> -> memref<640x1x64xf32, #tpu.memory_space<hbm>>
    %dma_wait3A_1313 = arith.constant 3 : i32
    %dma_wait3A_1314 = arith.constant 0 : i32
    %dma_wait3A_1315 = tpu.memref_slice %arg8[%multiple_of3A_1303, %dma_wait3A_1313, %dma_wait3A_1314] : memref<204800x5x64xf32, #tpu.memory_space<hbm>> -> memref<640x1x64xf32, #tpu.memory_space<hbm>>
    tpu.wait_dma2 semaphore(%arg14 : memref<!tpu.dma_semaphore, #tpu.memory_space<semaphore_mem>>) src(%arg10 : memref<640x1x64xf32, #tpu.memory_space<vmem>>) dst(%dma_wait3A_1315 : memref<640x1x64xf32, #tpu.memory_space<hbm>>)
    %dma_start3A_1316 = arith.constant 0 : i32
    %dma_start3A_1317 = arith.constant 0 : i32
    %dma_start3A_1318 = arith.constant 0 : i32
    %dma_start3A_1319 = tpu.memref_slice %arg10[%dma_start3A_1317, %dma_start3A_1316, %dma_start3A_1318] : memref<640x1x64xf32, #tpu.memory_space<vmem>> -> memref<640x1x64xf32, #tpu.memory_space<vmem>>
    %dma_start3A_1320 = tpu.memref_squeeze %dma_start3A_1319 : memref<640x1x64xf32, #tpu.memory_space<vmem>> -> memref<640x64xf32, #tpu.memory_space<vmem>>
    %dma_start3A_1321 = arith.constant 24320 : i32
    %dma_start3A_1322 = tpu.memref_slice %arg9[%dma_start3A_1321] : memref<32000xi32, #tpu.memory_space<vmem>> -> memref<640xi32, #tpu.memory_space<vmem>>
    %dma_start3A_1323 = arith.constant 0 : i32
    %dma_start3A_1324 = arith.constant 0 : i32
    %dma_start3A_1325 = tpu.memref_slice %arg6[%dma_start3A_1323, %dma_start3A_1324] : memref<100000x64xf32, #tpu.memory_space<hbm>> -> memref<100000x64xf32, #tpu.memory_space<hbm>>
    tpu.enqueue_indirect_dma source(%dma_start3A_1325 : memref<100000x64xf32, #tpu.memory_space<hbm>>) target(%dma_start3A_1320 : memref<640x64xf32, #tpu.memory_space<vmem>>) offsets(%dma_start3A_1322 : memref<640xi32, #tpu.memory_space<vmem>>) semaphore(%arg12 : memref<!tpu.dma_semaphore, #tpu.memory_space<semaphore_mem>>)
    %dma_wait3A_1326 = arith.constant 0 : i32
    %dma_wait3A_1327 = arith.constant 0 : i32
    %dma_wait3A_1328 = arith.constant 0 : i32
    %dma_wait3A_1329 = tpu.memref_slice %arg11[%dma_wait3A_1327, %dma_wait3A_1326, %dma_wait3A_1328] : memref<640x1x64xf32, #tpu.memory_space<vmem>> -> memref<640x1x64xf32, #tpu.memory_space<vmem>>
    %dma_wait3A_1330 = tpu.memref_squeeze %dma_wait3A_1329 : memref<640x1x64xf32, #tpu.memory_space<vmem>> -> memref<640x64xf32, #tpu.memory_space<vmem>>
    %dma_wait3A_1331 = arith.constant 23680 : i32
    %dma_wait3A_1332 = tpu.memref_slice %arg9[%dma_wait3A_1331] : memref<32000xi32, #tpu.memory_space<vmem>> -> memref<640xi32, #tpu.memory_space<vmem>>
    %dma_wait3A_1333 = arith.constant 0 : i32
    %dma_wait3A_1334 = arith.constant 0 : i32
    %dma_wait3A_1335 = tpu.memref_slice %arg6[%dma_wait3A_1333, %dma_wait3A_1334] : memref<100000x64xf32, #tpu.memory_space<hbm>> -> memref<100000x64xf32, #tpu.memory_space<hbm>>
    tpu.wait_indirect_dma semaphore(%arg13 : memref<!tpu.dma_semaphore, #tpu.memory_space<semaphore_mem>>) src(%dma_wait3A_1335 : memref<100000x64xf32, #tpu.memory_space<hbm>>) dst(%dma_wait3A_1330 : memref<640x64xf32, #tpu.memory_space<vmem>>)
    %add3A_1336 = arith.constant 4480 : i32
    %add3A_1337 = arith.addi %multiple_of3A, %add3A_1336 : i32
    %multiple_of3A_1338 = tpu.assume_multiple %add3A_1337, 8 : i32
    %dma_start3A_1339 = arith.constant 3 : i32
    %dma_start3A_1340 = arith.constant 0 : i32
    %dma_start3A_1341 = tpu.memref_slice %arg8[%multiple_of3A_1338, %dma_start3A_1339, %dma_start3A_1340] : memref<204800x5x64xf32, #tpu.memory_space<hbm>> -> memref<640x1x64xf32, #tpu.memory_space<hbm>>
    %dma_start3A_1342 = arith.constant 3 : i32
    %dma_start3A_1343 = arith.constant 0 : i32
    %dma_start3A_1344 = tpu.memref_slice %arg8[%multiple_of3A_1338, %dma_start3A_1342, %dma_start3A_1343] : memref<204800x5x64xf32, #tpu.memory_space<hbm>> -> memref<640x1x64xf32, #tpu.memory_space<hbm>>
    tpu.enqueue_dma source(%arg11 : memref<640x1x64xf32, #tpu.memory_space<vmem>>) target(%dma_start3A_1344 : memref<640x1x64xf32, #tpu.memory_space<hbm>>) target_semaphore(%arg15 : memref<!tpu.dma_semaphore, #tpu.memory_space<semaphore_mem>>)
    %dma_wait3A_1345 = arith.constant 3 : i32
    %dma_wait3A_1346 = arith.constant 0 : i32
    %dma_wait3A_1347 = tpu.memref_slice %arg8[%multiple_of3A_1338, %dma_wait3A_1345, %dma_wait3A_1346] : memref<204800x5x64xf32, #tpu.memory_space<hbm>> -> memref<640x1x64xf32, #tpu.memory_space<hbm>>
    %dma_wait3A_1348 = arith.constant 3 : i32
    %dma_wait3A_1349 = arith.constant 0 : i32
    %dma_wait3A_1350 = tpu.memref_slice %arg8[%multiple_of3A_1338, %dma_wait3A_1348, %dma_wait3A_1349] : memref<204800x5x64xf32, #tpu.memory_space<hbm>> -> memref<640x1x64xf32, #tpu.memory_space<hbm>>
    tpu.wait_dma2 semaphore(%arg15 : memref<!tpu.dma_semaphore, #tpu.memory_space<semaphore_mem>>) src(%arg11 : memref<640x1x64xf32, #tpu.memory_space<vmem>>) dst(%dma_wait3A_1350 : memref<640x1x64xf32, #tpu.memory_space<hbm>>)
    %dma_start3A_1351 = arith.constant 0 : i32
    %dma_start3A_1352 = arith.constant 0 : i32
    %dma_start3A_1353 = arith.constant 0 : i32
    %dma_start3A_1354 = tpu.memref_slice %arg11[%dma_start3A_1352, %dma_start3A_1351, %dma_start3A_1353] : memref<640x1x64xf32, #tpu.memory_space<vmem>> -> memref<640x1x64xf32, #tpu.memory_space<vmem>>
    %dma_start3A_1355 = tpu.memref_squeeze %dma_start3A_1354 : memref<640x1x64xf32, #tpu.memory_space<vmem>> -> memref<640x64xf32, #tpu.memory_space<vmem>>
    %dma_start3A_1356 = arith.constant 24960 : i32
    %dma_start3A_1357 = tpu.memref_slice %arg9[%dma_start3A_1356] : memref<32000xi32, #tpu.memory_space<vmem>> -> memref<640xi32, #tpu.memory_space<vmem>>
    %dma_start3A_1358 = arith.constant 0 : i32
    %dma_start3A_1359 = arith.constant 0 : i32
    %dma_start3A_1360 = tpu.memref_slice %arg6[%dma_start3A_1358, %dma_start3A_1359] : memref<100000x64xf32, #tpu.memory_space<hbm>> -> memref<100000x64xf32, #tpu.memory_space<hbm>>
    tpu.enqueue_indirect_dma source(%dma_start3A_1360 : memref<100000x64xf32, #tpu.memory_space<hbm>>) target(%dma_start3A_1355 : memref<640x64xf32, #tpu.memory_space<vmem>>) offsets(%dma_start3A_1357 : memref<640xi32, #tpu.memory_space<vmem>>) semaphore(%arg13 : memref<!tpu.dma_semaphore, #tpu.memory_space<semaphore_mem>>)
    %dma_wait3A_1361 = arith.constant 0 : i32
    %dma_wait3A_1362 = arith.constant 0 : i32
    %dma_wait3A_1363 = arith.constant 0 : i32
    %dma_wait3A_1364 = tpu.memref_slice %arg10[%dma_wait3A_1362, %dma_wait3A_1361, %dma_wait3A_1363] : memref<640x1x64xf32, #tpu.memory_space<vmem>> -> memref<640x1x64xf32, #tpu.memory_space<vmem>>
    %dma_wait3A_1365 = tpu.memref_squeeze %dma_wait3A_1364 : memref<640x1x64xf32, #tpu.memory_space<vmem>> -> memref<640x64xf32, #tpu.memory_space<vmem>>
    %dma_wait3A_1366 = arith.constant 24320 : i32
    %dma_wait3A_1367 = tpu.memref_slice %arg9[%dma_wait3A_1366] : memref<32000xi32, #tpu.memory_space<vmem>> -> memref<640xi32, #tpu.memory_space<vmem>>
    %dma_wait3A_1368 = arith.constant 0 : i32
    %dma_wait3A_1369 = arith.constant 0 : i32
    %dma_wait3A_1370 = tpu.memref_slice %arg6[%dma_wait3A_1368, %dma_wait3A_1369] : memref<100000x64xf32, #tpu.memory_space<hbm>> -> memref<100000x64xf32, #tpu.memory_space<hbm>>
    tpu.wait_indirect_dma semaphore(%arg12 : memref<!tpu.dma_semaphore, #tpu.memory_space<semaphore_mem>>) src(%dma_wait3A_1370 : memref<100000x64xf32, #tpu.memory_space<hbm>>) dst(%dma_wait3A_1365 : memref<640x64xf32, #tpu.memory_space<vmem>>)
    %add3A_1371 = arith.constant 5120 : i32
    %add3A_1372 = arith.addi %multiple_of3A, %add3A_1371 : i32
    %multiple_of3A_1373 = tpu.assume_multiple %add3A_1372, 8 : i32
    %dma_start3A_1374 = arith.constant 3 : i32
    %dma_start3A_1375 = arith.constant 0 : i32
    %dma_start3A_1376 = tpu.memref_slice %arg8[%multiple_of3A_1373, %dma_start3A_1374, %dma_start3A_1375] : memref<204800x5x64xf32, #tpu.memory_space<hbm>> -> memref<640x1x64xf32, #tpu.memory_space<hbm>>
    %dma_start3A_1377 = arith.constant 3 : i32
    %dma_start3A_1378 = arith.constant 0 : i32
    %dma_start3A_1379 = tpu.memref_slice %arg8[%multiple_of3A_1373, %dma_start3A_1377, %dma_start3A_1378] : memref<204800x5x64xf32, #tpu.memory_space<hbm>> -> memref<640x1x64xf32, #tpu.memory_space<hbm>>
    tpu.enqueue_dma source(%arg10 : memref<640x1x64xf32, #tpu.memory_space<vmem>>) target(%dma_start3A_1379 : memref<640x1x64xf32, #tpu.memory_space<hbm>>) target_semaphore(%arg14 : memref<!tpu.dma_semaphore, #tpu.memory_space<semaphore_mem>>)
    %dma_wait3A_1380 = arith.constant 3 : i32
    %dma_wait3A_1381 = arith.constant 0 : i32
    %dma_wait3A_1382 = tpu.memref_slice %arg8[%multiple_of3A_1373, %dma_wait3A_1380, %dma_wait3A_1381] : memref<204800x5x64xf32, #tpu.memory_space<hbm>> -> memref<640x1x64xf32, #tpu.memory_space<hbm>>
    %dma_wait3A_1383 = arith.constant 3 : i32
    %dma_wait3A_1384 = arith.constant 0 : i32
    %dma_wait3A_1385 = tpu.memref_slice %arg8[%multiple_of3A_1373, %dma_wait3A_1383, %dma_wait3A_1384] : memref<204800x5x64xf32, #tpu.memory_space<hbm>> -> memref<640x1x64xf32, #tpu.memory_space<hbm>>
    tpu.wait_dma2 semaphore(%arg14 : memref<!tpu.dma_semaphore, #tpu.memory_space<semaphore_mem>>) src(%arg10 : memref<640x1x64xf32, #tpu.memory_space<vmem>>) dst(%dma_wait3A_1385 : memref<640x1x64xf32, #tpu.memory_space<hbm>>)
    %dma_start3A_1386 = arith.constant 0 : i32
    %dma_start3A_1387 = arith.constant 0 : i32
    %dma_start3A_1388 = arith.constant 0 : i32
    %dma_start3A_1389 = tpu.memref_slice %arg10[%dma_start3A_1387, %dma_start3A_1386, %dma_start3A_1388] : memref<640x1x64xf32, #tpu.memory_space<vmem>> -> memref<640x1x64xf32, #tpu.memory_space<vmem>>
    %dma_start3A_1390 = tpu.memref_squeeze %dma_start3A_1389 : memref<640x1x64xf32, #tpu.memory_space<vmem>> -> memref<640x64xf32, #tpu.memory_space<vmem>>
    %dma_start3A_1391 = arith.constant 25600 : i32
    %dma_start3A_1392 = tpu.memref_slice %arg9[%dma_start3A_1391] : memref<32000xi32, #tpu.memory_space<vmem>> -> memref<640xi32, #tpu.memory_space<vmem>>
    %dma_start3A_1393 = arith.constant 0 : i32
    %dma_start3A_1394 = arith.constant 0 : i32
    %dma_start3A_1395 = tpu.memref_slice %arg7[%dma_start3A_1393, %dma_start3A_1394] : memref<100000x64xf32, #tpu.memory_space<hbm>> -> memref<100000x64xf32, #tpu.memory_space<hbm>>
    tpu.enqueue_indirect_dma source(%dma_start3A_1395 : memref<100000x64xf32, #tpu.memory_space<hbm>>) target(%dma_start3A_1390 : memref<640x64xf32, #tpu.memory_space<vmem>>) offsets(%dma_start3A_1392 : memref<640xi32, #tpu.memory_space<vmem>>) semaphore(%arg12 : memref<!tpu.dma_semaphore, #tpu.memory_space<semaphore_mem>>)
    %dma_wait3A_1396 = arith.constant 0 : i32
    %dma_wait3A_1397 = arith.constant 0 : i32
    %dma_wait3A_1398 = arith.constant 0 : i32
    %dma_wait3A_1399 = tpu.memref_slice %arg11[%dma_wait3A_1397, %dma_wait3A_1396, %dma_wait3A_1398] : memref<640x1x64xf32, #tpu.memory_space<vmem>> -> memref<640x1x64xf32, #tpu.memory_space<vmem>>
    %dma_wait3A_1400 = tpu.memref_squeeze %dma_wait3A_1399 : memref<640x1x64xf32, #tpu.memory_space<vmem>> -> memref<640x64xf32, #tpu.memory_space<vmem>>
    %dma_wait3A_1401 = arith.constant 24960 : i32
    %dma_wait3A_1402 = tpu.memref_slice %arg9[%dma_wait3A_1401] : memref<32000xi32, #tpu.memory_space<vmem>> -> memref<640xi32, #tpu.memory_space<vmem>>
    %dma_wait3A_1403 = arith.constant 0 : i32
    %dma_wait3A_1404 = arith.constant 0 : i32
    %dma_wait3A_1405 = tpu.memref_slice %arg6[%dma_wait3A_1403, %dma_wait3A_1404] : memref<100000x64xf32, #tpu.memory_space<hbm>> -> memref<100000x64xf32, #tpu.memory_space<hbm>>
    tpu.wait_indirect_dma semaphore(%arg13 : memref<!tpu.dma_semaphore, #tpu.memory_space<semaphore_mem>>) src(%dma_wait3A_1405 : memref<100000x64xf32, #tpu.memory_space<hbm>>) dst(%dma_wait3A_1400 : memref<640x64xf32, #tpu.memory_space<vmem>>)
    %add3A_1406 = arith.constant 5760 : i32
    %add3A_1407 = arith.addi %multiple_of3A, %add3A_1406 : i32
    %multiple_of3A_1408 = tpu.assume_multiple %add3A_1407, 8 : i32
    %dma_start3A_1409 = arith.constant 3 : i32
    %dma_start3A_1410 = arith.constant 0 : i32
    %dma_start3A_1411 = tpu.memref_slice %arg8[%multiple_of3A_1408, %dma_start3A_1409, %dma_start3A_1410] : memref<204800x5x64xf32, #tpu.memory_space<hbm>> -> memref<640x1x64xf32, #tpu.memory_space<hbm>>
    %dma_start3A_1412 = arith.constant 3 : i32
    %dma_start3A_1413 = arith.constant 0 : i32
    %dma_start3A_1414 = tpu.memref_slice %arg8[%multiple_of3A_1408, %dma_start3A_1412, %dma_start3A_1413] : memref<204800x5x64xf32, #tpu.memory_space<hbm>> -> memref<640x1x64xf32, #tpu.memory_space<hbm>>
    tpu.enqueue_dma source(%arg11 : memref<640x1x64xf32, #tpu.memory_space<vmem>>) target(%dma_start3A_1414 : memref<640x1x64xf32, #tpu.memory_space<hbm>>) target_semaphore(%arg15 : memref<!tpu.dma_semaphore, #tpu.memory_space<semaphore_mem>>)
    %dma_wait3A_1415 = arith.constant 3 : i32
    %dma_wait3A_1416 = arith.constant 0 : i32
    %dma_wait3A_1417 = tpu.memref_slice %arg8[%multiple_of3A_1408, %dma_wait3A_1415, %dma_wait3A_1416] : memref<204800x5x64xf32, #tpu.memory_space<hbm>> -> memref<640x1x64xf32, #tpu.memory_space<hbm>>
    %dma_wait3A_1418 = arith.constant 3 : i32
    %dma_wait3A_1419 = arith.constant 0 : i32
    %dma_wait3A_1420 = tpu.memref_slice %arg8[%multiple_of3A_1408, %dma_wait3A_1418, %dma_wait3A_1419] : memref<204800x5x64xf32, #tpu.memory_space<hbm>> -> memref<640x1x64xf32, #tpu.memory_space<hbm>>
    tpu.wait_dma2 semaphore(%arg15 : memref<!tpu.dma_semaphore, #tpu.memory_space<semaphore_mem>>) src(%arg11 : memref<640x1x64xf32, #tpu.memory_space<vmem>>) dst(%dma_wait3A_1420 : memref<640x1x64xf32, #tpu.memory_space<hbm>>)
    %dma_start3A_1421 = arith.constant 0 : i32
    %dma_start3A_1422 = arith.constant 0 : i32
    %dma_start3A_1423 = arith.constant 0 : i32
    %dma_start3A_1424 = tpu.memref_slice %arg11[%dma_start3A_1422, %dma_start3A_1421, %dma_start3A_1423] : memref<640x1x64xf32, #tpu.memory_space<vmem>> -> memref<640x1x64xf32, #tpu.memory_space<vmem>>
    %dma_start3A_1425 = tpu.memref_squeeze %dma_start3A_1424 : memref<640x1x64xf32, #tpu.memory_space<vmem>> -> memref<640x64xf32, #tpu.memory_space<vmem>>
    %dma_start3A_1426 = arith.constant 26240 : i32
    %dma_start3A_1427 = tpu.memref_slice %arg9[%dma_start3A_1426] : memref<32000xi32, #tpu.memory_space<vmem>> -> memref<640xi32, #tpu.memory_space<vmem>>
    %dma_start3A_1428 = arith.constant 0 : i32
    %dma_start3A_1429 = arith.constant 0 : i32
    %dma_start3A_1430 = tpu.memref_slice %arg7[%dma_start3A_1428, %dma_start3A_1429] : memref<100000x64xf32, #tpu.memory_space<hbm>> -> memref<100000x64xf32, #tpu.memory_space<hbm>>
    tpu.enqueue_indirect_dma source(%dma_start3A_1430 : memref<100000x64xf32, #tpu.memory_space<hbm>>) target(%dma_start3A_1425 : memref<640x64xf32, #tpu.memory_space<vmem>>) offsets(%dma_start3A_1427 : memref<640xi32, #tpu.memory_space<vmem>>) semaphore(%arg13 : memref<!tpu.dma_semaphore, #tpu.memory_space<semaphore_mem>>)
    %dma_wait3A_1431 = arith.constant 0 : i32
    %dma_wait3A_1432 = arith.constant 0 : i32
    %dma_wait3A_1433 = arith.constant 0 : i32
    %dma_wait3A_1434 = tpu.memref_slice %arg10[%dma_wait3A_1432, %dma_wait3A_1431, %dma_wait3A_1433] : memref<640x1x64xf32, #tpu.memory_space<vmem>> -> memref<640x1x64xf32, #tpu.memory_space<vmem>>
    %dma_wait3A_1435 = tpu.memref_squeeze %dma_wait3A_1434 : memref<640x1x64xf32, #tpu.memory_space<vmem>> -> memref<640x64xf32, #tpu.memory_space<vmem>>
    %dma_wait3A_1436 = arith.constant 25600 : i32
    %dma_wait3A_1437 = tpu.memref_slice %arg9[%dma_wait3A_1436] : memref<32000xi32, #tpu.memory_space<vmem>> -> memref<640xi32, #tpu.memory_space<vmem>>
    %dma_wait3A_1438 = arith.constant 0 : i32
    %dma_wait3A_1439 = arith.constant 0 : i32
    %dma_wait3A_1440 = tpu.memref_slice %arg7[%dma_wait3A_1438, %dma_wait3A_1439] : memref<100000x64xf32, #tpu.memory_space<hbm>> -> memref<100000x64xf32, #tpu.memory_space<hbm>>
    tpu.wait_indirect_dma semaphore(%arg12 : memref<!tpu.dma_semaphore, #tpu.memory_space<semaphore_mem>>) src(%dma_wait3A_1440 : memref<100000x64xf32, #tpu.memory_space<hbm>>) dst(%dma_wait3A_1435 : memref<640x64xf32, #tpu.memory_space<vmem>>)
    %add3A_1441 = arith.constant 0 : i32
    %add3A_1442 = arith.addi %multiple_of3A, %add3A_1441 : i32
    %multiple_of3A_1443 = tpu.assume_multiple %add3A_1442, 8 : i32
    %dma_start3A_1444 = arith.constant 4 : i32
    %dma_start3A_1445 = arith.constant 0 : i32
    %dma_start3A_1446 = tpu.memref_slice %arg8[%multiple_of3A_1443, %dma_start3A_1444, %dma_start3A_1445] : memref<204800x5x64xf32, #tpu.memory_space<hbm>> -> memref<640x1x64xf32, #tpu.memory_space<hbm>>
    %dma_start3A_1447 = arith.constant 4 : i32
    %dma_start3A_1448 = arith.constant 0 : i32
    %dma_start3A_1449 = tpu.memref_slice %arg8[%multiple_of3A_1443, %dma_start3A_1447, %dma_start3A_1448] : memref<204800x5x64xf32, #tpu.memory_space<hbm>> -> memref<640x1x64xf32, #tpu.memory_space<hbm>>
    tpu.enqueue_dma source(%arg10 : memref<640x1x64xf32, #tpu.memory_space<vmem>>) target(%dma_start3A_1449 : memref<640x1x64xf32, #tpu.memory_space<hbm>>) target_semaphore(%arg14 : memref<!tpu.dma_semaphore, #tpu.memory_space<semaphore_mem>>)
    %dma_wait3A_1450 = arith.constant 4 : i32
    %dma_wait3A_1451 = arith.constant 0 : i32
    %dma_wait3A_1452 = tpu.memref_slice %arg8[%multiple_of3A_1443, %dma_wait3A_1450, %dma_wait3A_1451] : memref<204800x5x64xf32, #tpu.memory_space<hbm>> -> memref<640x1x64xf32, #tpu.memory_space<hbm>>
    %dma_wait3A_1453 = arith.constant 4 : i32
    %dma_wait3A_1454 = arith.constant 0 : i32
    %dma_wait3A_1455 = tpu.memref_slice %arg8[%multiple_of3A_1443, %dma_wait3A_1453, %dma_wait3A_1454] : memref<204800x5x64xf32, #tpu.memory_space<hbm>> -> memref<640x1x64xf32, #tpu.memory_space<hbm>>
    tpu.wait_dma2 semaphore(%arg14 : memref<!tpu.dma_semaphore, #tpu.memory_space<semaphore_mem>>) src(%arg10 : memref<640x1x64xf32, #tpu.memory_space<vmem>>) dst(%dma_wait3A_1455 : memref<640x1x64xf32, #tpu.memory_space<hbm>>)
    %dma_start3A_1456 = arith.constant 0 : i32
    %dma_start3A_1457 = arith.constant 0 : i32
    %dma_start3A_1458 = arith.constant 0 : i32
    %dma_start3A_1459 = tpu.memref_slice %arg10[%dma_start3A_1457, %dma_start3A_1456, %dma_start3A_1458] : memref<640x1x64xf32, #tpu.memory_space<vmem>> -> memref<640x1x64xf32, #tpu.memory_space<vmem>>
    %dma_start3A_1460 = tpu.memref_squeeze %dma_start3A_1459 : memref<640x1x64xf32, #tpu.memory_space<vmem>> -> memref<640x64xf32, #tpu.memory_space<vmem>>
    %dma_start3A_1461 = arith.constant 26880 : i32
    %dma_start3A_1462 = tpu.memref_slice %arg9[%dma_start3A_1461] : memref<32000xi32, #tpu.memory_space<vmem>> -> memref<640xi32, #tpu.memory_space<vmem>>
    %dma_start3A_1463 = arith.constant 0 : i32
    %dma_start3A_1464 = arith.constant 0 : i32
    %dma_start3A_1465 = tpu.memref_slice %arg7[%dma_start3A_1463, %dma_start3A_1464] : memref<100000x64xf32, #tpu.memory_space<hbm>> -> memref<100000x64xf32, #tpu.memory_space<hbm>>
    tpu.enqueue_indirect_dma source(%dma_start3A_1465 : memref<100000x64xf32, #tpu.memory_space<hbm>>) target(%dma_start3A_1460 : memref<640x64xf32, #tpu.memory_space<vmem>>) offsets(%dma_start3A_1462 : memref<640xi32, #tpu.memory_space<vmem>>) semaphore(%arg12 : memref<!tpu.dma_semaphore, #tpu.memory_space<semaphore_mem>>)
    %dma_wait3A_1466 = arith.constant 0 : i32
    %dma_wait3A_1467 = arith.constant 0 : i32
    %dma_wait3A_1468 = arith.constant 0 : i32
    %dma_wait3A_1469 = tpu.memref_slice %arg11[%dma_wait3A_1467, %dma_wait3A_1466, %dma_wait3A_1468] : memref<640x1x64xf32, #tpu.memory_space<vmem>> -> memref<640x1x64xf32, #tpu.memory_space<vmem>>
    %dma_wait3A_1470 = tpu.memref_squeeze %dma_wait3A_1469 : memref<640x1x64xf32, #tpu.memory_space<vmem>> -> memref<640x64xf32, #tpu.memory_space<vmem>>
    %dma_wait3A_1471 = arith.constant 26240 : i32
    %dma_wait3A_1472 = tpu.memref_slice %arg9[%dma_wait3A_1471] : memref<32000xi32, #tpu.memory_space<vmem>> -> memref<640xi32, #tpu.memory_space<vmem>>
    %dma_wait3A_1473 = arith.constant 0 : i32
    %dma_wait3A_1474 = arith.constant 0 : i32
    %dma_wait3A_1475 = tpu.memref_slice %arg7[%dma_wait3A_1473, %dma_wait3A_1474] : memref<100000x64xf32, #tpu.memory_space<hbm>> -> memref<100000x64xf32, #tpu.memory_space<hbm>>
    tpu.wait_indirect_dma semaphore(%arg13 : memref<!tpu.dma_semaphore, #tpu.memory_space<semaphore_mem>>) src(%dma_wait3A_1475 : memref<100000x64xf32, #tpu.memory_space<hbm>>) dst(%dma_wait3A_1470 : memref<640x64xf32, #tpu.memory_space<vmem>>)
    %add3A_1476 = arith.constant 640 : i32
    %add3A_1477 = arith.addi %multiple_of3A, %add3A_1476 : i32
    %multiple_of3A_1478 = tpu.assume_multiple %add3A_1477, 8 : i32
    %dma_start3A_1479 = arith.constant 4 : i32
    %dma_start3A_1480 = arith.constant 0 : i32
    %dma_start3A_1481 = tpu.memref_slice %arg8[%multiple_of3A_1478, %dma_start3A_1479, %dma_start3A_1480] : memref<204800x5x64xf32, #tpu.memory_space<hbm>> -> memref<640x1x64xf32, #tpu.memory_space<hbm>>
    %dma_start3A_1482 = arith.constant 4 : i32
    %dma_start3A_1483 = arith.constant 0 : i32
    %dma_start3A_1484 = tpu.memref_slice %arg8[%multiple_of3A_1478, %dma_start3A_1482, %dma_start3A_1483] : memref<204800x5x64xf32, #tpu.memory_space<hbm>> -> memref<640x1x64xf32, #tpu.memory_space<hbm>>
    tpu.enqueue_dma source(%arg11 : memref<640x1x64xf32, #tpu.memory_space<vmem>>) target(%dma_start3A_1484 : memref<640x1x64xf32, #tpu.memory_space<hbm>>) target_semaphore(%arg15 : memref<!tpu.dma_semaphore, #tpu.memory_space<semaphore_mem>>)
    %dma_wait3A_1485 = arith.constant 4 : i32
    %dma_wait3A_1486 = arith.constant 0 : i32
    %dma_wait3A_1487 = tpu.memref_slice %arg8[%multiple_of3A_1478, %dma_wait3A_1485, %dma_wait3A_1486] : memref<204800x5x64xf32, #tpu.memory_space<hbm>> -> memref<640x1x64xf32, #tpu.memory_space<hbm>>
    %dma_wait3A_1488 = arith.constant 4 : i32
    %dma_wait3A_1489 = arith.constant 0 : i32
    %dma_wait3A_1490 = tpu.memref_slice %arg8[%multiple_of3A_1478, %dma_wait3A_1488, %dma_wait3A_1489] : memref<204800x5x64xf32, #tpu.memory_space<hbm>> -> memref<640x1x64xf32, #tpu.memory_space<hbm>>
    tpu.wait_dma2 semaphore(%arg15 : memref<!tpu.dma_semaphore, #tpu.memory_space<semaphore_mem>>) src(%arg11 : memref<640x1x64xf32, #tpu.memory_space<vmem>>) dst(%dma_wait3A_1490 : memref<640x1x64xf32, #tpu.memory_space<hbm>>)
    %dma_start3A_1491 = arith.constant 0 : i32
    %dma_start3A_1492 = arith.constant 0 : i32
    %dma_start3A_1493 = arith.constant 0 : i32
    %dma_start3A_1494 = tpu.memref_slice %arg11[%dma_start3A_1492, %dma_start3A_1491, %dma_start3A_1493] : memref<640x1x64xf32, #tpu.memory_space<vmem>> -> memref<640x1x64xf32, #tpu.memory_space<vmem>>
    %dma_start3A_1495 = tpu.memref_squeeze %dma_start3A_1494 : memref<640x1x64xf32, #tpu.memory_space<vmem>> -> memref<640x64xf32, #tpu.memory_space<vmem>>
    %dma_start3A_1496 = arith.constant 27520 : i32
    %dma_start3A_1497 = tpu.memref_slice %arg9[%dma_start3A_1496] : memref<32000xi32, #tpu.memory_space<vmem>> -> memref<640xi32, #tpu.memory_space<vmem>>
    %dma_start3A_1498 = arith.constant 0 : i32
    %dma_start3A_1499 = arith.constant 0 : i32
    %dma_start3A_1500 = tpu.memref_slice %arg7[%dma_start3A_1498, %dma_start3A_1499] : memref<100000x64xf32, #tpu.memory_space<hbm>> -> memref<100000x64xf32, #tpu.memory_space<hbm>>
    tpu.enqueue_indirect_dma source(%dma_start3A_1500 : memref<100000x64xf32, #tpu.memory_space<hbm>>) target(%dma_start3A_1495 : memref<640x64xf32, #tpu.memory_space<vmem>>) offsets(%dma_start3A_1497 : memref<640xi32, #tpu.memory_space<vmem>>) semaphore(%arg13 : memref<!tpu.dma_semaphore, #tpu.memory_space<semaphore_mem>>)
    %dma_wait3A_1501 = arith.constant 0 : i32
    %dma_wait3A_1502 = arith.constant 0 : i32
    %dma_wait3A_1503 = arith.constant 0 : i32
    %dma_wait3A_1504 = tpu.memref_slice %arg10[%dma_wait3A_1502, %dma_wait3A_1501, %dma_wait3A_1503] : memref<640x1x64xf32, #tpu.memory_space<vmem>> -> memref<640x1x64xf32, #tpu.memory_space<vmem>>
    %dma_wait3A_1505 = tpu.memref_squeeze %dma_wait3A_1504 : memref<640x1x64xf32, #tpu.memory_space<vmem>> -> memref<640x64xf32, #tpu.memory_space<vmem>>
    %dma_wait3A_1506 = arith.constant 26880 : i32
    %dma_wait3A_1507 = tpu.memref_slice %arg9[%dma_wait3A_1506] : memref<32000xi32, #tpu.memory_space<vmem>> -> memref<640xi32, #tpu.memory_space<vmem>>
    %dma_wait3A_1508 = arith.constant 0 : i32
    %dma_wait3A_1509 = arith.constant 0 : i32
    %dma_wait3A_1510 = tpu.memref_slice %arg7[%dma_wait3A_1508, %dma_wait3A_1509] : memref<100000x64xf32, #tpu.memory_space<hbm>> -> memref<100000x64xf32, #tpu.memory_space<hbm>>
    tpu.wait_indirect_dma semaphore(%arg12 : memref<!tpu.dma_semaphore, #tpu.memory_space<semaphore_mem>>) src(%dma_wait3A_1510 : memref<100000x64xf32, #tpu.memory_space<hbm>>) dst(%dma_wait3A_1505 : memref<640x64xf32, #tpu.memory_space<vmem>>)
    %add3A_1511 = arith.constant 1280 : i32
    %add3A_1512 = arith.addi %multiple_of3A, %add3A_1511 : i32
    %multiple_of3A_1513 = tpu.assume_multiple %add3A_1512, 8 : i32
    %dma_start3A_1514 = arith.constant 4 : i32
    %dma_start3A_1515 = arith.constant 0 : i32
    %dma_start3A_1516 = tpu.memref_slice %arg8[%multiple_of3A_1513, %dma_start3A_1514, %dma_start3A_1515] : memref<204800x5x64xf32, #tpu.memory_space<hbm>> -> memref<640x1x64xf32, #tpu.memory_space<hbm>>
    %dma_start3A_1517 = arith.constant 4 : i32
    %dma_start3A_1518 = arith.constant 0 : i32
    %dma_start3A_1519 = tpu.memref_slice %arg8[%multiple_of3A_1513, %dma_start3A_1517, %dma_start3A_1518] : memref<204800x5x64xf32, #tpu.memory_space<hbm>> -> memref<640x1x64xf32, #tpu.memory_space<hbm>>
    tpu.enqueue_dma source(%arg10 : memref<640x1x64xf32, #tpu.memory_space<vmem>>) target(%dma_start3A_1519 : memref<640x1x64xf32, #tpu.memory_space<hbm>>) target_semaphore(%arg14 : memref<!tpu.dma_semaphore, #tpu.memory_space<semaphore_mem>>)
    %dma_wait3A_1520 = arith.constant 4 : i32
    %dma_wait3A_1521 = arith.constant 0 : i32
    %dma_wait3A_1522 = tpu.memref_slice %arg8[%multiple_of3A_1513, %dma_wait3A_1520, %dma_wait3A_1521] : memref<204800x5x64xf32, #tpu.memory_space<hbm>> -> memref<640x1x64xf32, #tpu.memory_space<hbm>>
    %dma_wait3A_1523 = arith.constant 4 : i32
    %dma_wait3A_1524 = arith.constant 0 : i32
    %dma_wait3A_1525 = tpu.memref_slice %arg8[%multiple_of3A_1513, %dma_wait3A_1523, %dma_wait3A_1524] : memref<204800x5x64xf32, #tpu.memory_space<hbm>> -> memref<640x1x64xf32, #tpu.memory_space<hbm>>
    tpu.wait_dma2 semaphore(%arg14 : memref<!tpu.dma_semaphore, #tpu.memory_space<semaphore_mem>>) src(%arg10 : memref<640x1x64xf32, #tpu.memory_space<vmem>>) dst(%dma_wait3A_1525 : memref<640x1x64xf32, #tpu.memory_space<hbm>>)
    %dma_start3A_1526 = arith.constant 0 : i32
    %dma_start3A_1527 = arith.constant 0 : i32
    %dma_start3A_1528 = arith.constant 0 : i32
    %dma_start3A_1529 = tpu.memref_slice %arg10[%dma_start3A_1527, %dma_start3A_1526, %dma_start3A_1528] : memref<640x1x64xf32, #tpu.memory_space<vmem>> -> memref<640x1x64xf32, #tpu.memory_space<vmem>>
    %dma_start3A_1530 = tpu.memref_squeeze %dma_start3A_1529 : memref<640x1x64xf32, #tpu.memory_space<vmem>> -> memref<640x64xf32, #tpu.memory_space<vmem>>
    %dma_start3A_1531 = arith.constant 28160 : i32
    %dma_start3A_1532 = tpu.memref_slice %arg9[%dma_start3A_1531] : memref<32000xi32, #tpu.memory_space<vmem>> -> memref<640xi32, #tpu.memory_space<vmem>>
    %dma_start3A_1533 = arith.constant 0 : i32
    %dma_start3A_1534 = arith.constant 0 : i32
    %dma_start3A_1535 = tpu.memref_slice %arg7[%dma_start3A_1533, %dma_start3A_1534] : memref<100000x64xf32, #tpu.memory_space<hbm>> -> memref<100000x64xf32, #tpu.memory_space<hbm>>
    tpu.enqueue_indirect_dma source(%dma_start3A_1535 : memref<100000x64xf32, #tpu.memory_space<hbm>>) target(%dma_start3A_1530 : memref<640x64xf32, #tpu.memory_space<vmem>>) offsets(%dma_start3A_1532 : memref<640xi32, #tpu.memory_space<vmem>>) semaphore(%arg12 : memref<!tpu.dma_semaphore, #tpu.memory_space<semaphore_mem>>)
    %dma_wait3A_1536 = arith.constant 0 : i32
    %dma_wait3A_1537 = arith.constant 0 : i32
    %dma_wait3A_1538 = arith.constant 0 : i32
    %dma_wait3A_1539 = tpu.memref_slice %arg11[%dma_wait3A_1537, %dma_wait3A_1536, %dma_wait3A_1538] : memref<640x1x64xf32, #tpu.memory_space<vmem>> -> memref<640x1x64xf32, #tpu.memory_space<vmem>>
    %dma_wait3A_1540 = tpu.memref_squeeze %dma_wait3A_1539 : memref<640x1x64xf32, #tpu.memory_space<vmem>> -> memref<640x64xf32, #tpu.memory_space<vmem>>
    %dma_wait3A_1541 = arith.constant 27520 : i32
    %dma_wait3A_1542 = tpu.memref_slice %arg9[%dma_wait3A_1541] : memref<32000xi32, #tpu.memory_space<vmem>> -> memref<640xi32, #tpu.memory_space<vmem>>
    %dma_wait3A_1543 = arith.constant 0 : i32
    %dma_wait3A_1544 = arith.constant 0 : i32
    %dma_wait3A_1545 = tpu.memref_slice %arg7[%dma_wait3A_1543, %dma_wait3A_1544] : memref<100000x64xf32, #tpu.memory_space<hbm>> -> memref<100000x64xf32, #tpu.memory_space<hbm>>
    tpu.wait_indirect_dma semaphore(%arg13 : memref<!tpu.dma_semaphore, #tpu.memory_space<semaphore_mem>>) src(%dma_wait3A_1545 : memref<100000x64xf32, #tpu.memory_space<hbm>>) dst(%dma_wait3A_1540 : memref<640x64xf32, #tpu.memory_space<vmem>>)
    %add3A_1546 = arith.constant 1920 : i32
    %add3A_1547 = arith.addi %multiple_of3A, %add3A_1546 : i32
    %multiple_of3A_1548 = tpu.assume_multiple %add3A_1547, 8 : i32
    %dma_start3A_1549 = arith.constant 4 : i32
    %dma_start3A_1550 = arith.constant 0 : i32
    %dma_start3A_1551 = tpu.memref_slice %arg8[%multiple_of3A_1548, %dma_start3A_1549, %dma_start3A_1550] : memref<204800x5x64xf32, #tpu.memory_space<hbm>> -> memref<640x1x64xf32, #tpu.memory_space<hbm>>
    %dma_start3A_1552 = arith.constant 4 : i32
    %dma_start3A_1553 = arith.constant 0 : i32
    %dma_start3A_1554 = tpu.memref_slice %arg8[%multiple_of3A_1548, %dma_start3A_1552, %dma_start3A_1553] : memref<204800x5x64xf32, #tpu.memory_space<hbm>> -> memref<640x1x64xf32, #tpu.memory_space<hbm>>
    tpu.enqueue_dma source(%arg11 : memref<640x1x64xf32, #tpu.memory_space<vmem>>) target(%dma_start3A_1554 : memref<640x1x64xf32, #tpu.memory_space<hbm>>) target_semaphore(%arg15 : memref<!tpu.dma_semaphore, #tpu.memory_space<semaphore_mem>>)
    %dma_wait3A_1555 = arith.constant 4 : i32
    %dma_wait3A_1556 = arith.constant 0 : i32
    %dma_wait3A_1557 = tpu.memref_slice %arg8[%multiple_of3A_1548, %dma_wait3A_1555, %dma_wait3A_1556] : memref<204800x5x64xf32, #tpu.memory_space<hbm>> -> memref<640x1x64xf32, #tpu.memory_space<hbm>>
    %dma_wait3A_1558 = arith.constant 4 : i32
    %dma_wait3A_1559 = arith.constant 0 : i32
    %dma_wait3A_1560 = tpu.memref_slice %arg8[%multiple_of3A_1548, %dma_wait3A_1558, %dma_wait3A_1559] : memref<204800x5x64xf32, #tpu.memory_space<hbm>> -> memref<640x1x64xf32, #tpu.memory_space<hbm>>
    tpu.wait_dma2 semaphore(%arg15 : memref<!tpu.dma_semaphore, #tpu.memory_space<semaphore_mem>>) src(%arg11 : memref<640x1x64xf32, #tpu.memory_space<vmem>>) dst(%dma_wait3A_1560 : memref<640x1x64xf32, #tpu.memory_space<hbm>>)
    %dma_start3A_1561 = arith.constant 0 : i32
    %dma_start3A_1562 = arith.constant 0 : i32
    %dma_start3A_1563 = arith.constant 0 : i32
    %dma_start3A_1564 = tpu.memref_slice %arg11[%dma_start3A_1562, %dma_start3A_1561, %dma_start3A_1563] : memref<640x1x64xf32, #tpu.memory_space<vmem>> -> memref<640x1x64xf32, #tpu.memory_space<vmem>>
    %dma_start3A_1565 = tpu.memref_squeeze %dma_start3A_1564 : memref<640x1x64xf32, #tpu.memory_space<vmem>> -> memref<640x64xf32, #tpu.memory_space<vmem>>
    %dma_start3A_1566 = arith.constant 28800 : i32
    %dma_start3A_1567 = tpu.memref_slice %arg9[%dma_start3A_1566] : memref<32000xi32, #tpu.memory_space<vmem>> -> memref<640xi32, #tpu.memory_space<vmem>>
    %dma_start3A_1568 = arith.constant 0 : i32
    %dma_start3A_1569 = arith.constant 0 : i32
    %dma_start3A_1570 = tpu.memref_slice %arg7[%dma_start3A_1568, %dma_start3A_1569] : memref<100000x64xf32, #tpu.memory_space<hbm>> -> memref<100000x64xf32, #tpu.memory_space<hbm>>
    tpu.enqueue_indirect_dma source(%dma_start3A_1570 : memref<100000x64xf32, #tpu.memory_space<hbm>>) target(%dma_start3A_1565 : memref<640x64xf32, #tpu.memory_space<vmem>>) offsets(%dma_start3A_1567 : memref<640xi32, #tpu.memory_space<vmem>>) semaphore(%arg13 : memref<!tpu.dma_semaphore, #tpu.memory_space<semaphore_mem>>)
    %dma_wait3A_1571 = arith.constant 0 : i32
    %dma_wait3A_1572 = arith.constant 0 : i32
    %dma_wait3A_1573 = arith.constant 0 : i32
    %dma_wait3A_1574 = tpu.memref_slice %arg10[%dma_wait3A_1572, %dma_wait3A_1571, %dma_wait3A_1573] : memref<640x1x64xf32, #tpu.memory_space<vmem>> -> memref<640x1x64xf32, #tpu.memory_space<vmem>>
    %dma_wait3A_1575 = tpu.memref_squeeze %dma_wait3A_1574 : memref<640x1x64xf32, #tpu.memory_space<vmem>> -> memref<640x64xf32, #tpu.memory_space<vmem>>
    %dma_wait3A_1576 = arith.constant 28160 : i32
    %dma_wait3A_1577 = tpu.memref_slice %arg9[%dma_wait3A_1576] : memref<32000xi32, #tpu.memory_space<vmem>> -> memref<640xi32, #tpu.memory_space<vmem>>
    %dma_wait3A_1578 = arith.constant 0 : i32
    %dma_wait3A_1579 = arith.constant 0 : i32
    %dma_wait3A_1580 = tpu.memref_slice %arg7[%dma_wait3A_1578, %dma_wait3A_1579] : memref<100000x64xf32, #tpu.memory_space<hbm>> -> memref<100000x64xf32, #tpu.memory_space<hbm>>
    tpu.wait_indirect_dma semaphore(%arg12 : memref<!tpu.dma_semaphore, #tpu.memory_space<semaphore_mem>>) src(%dma_wait3A_1580 : memref<100000x64xf32, #tpu.memory_space<hbm>>) dst(%dma_wait3A_1575 : memref<640x64xf32, #tpu.memory_space<vmem>>)
    %add3A_1581 = arith.constant 2560 : i32
    %add3A_1582 = arith.addi %multiple_of3A, %add3A_1581 : i32
    %multiple_of3A_1583 = tpu.assume_multiple %add3A_1582, 8 : i32
    %dma_start3A_1584 = arith.constant 4 : i32
    %dma_start3A_1585 = arith.constant 0 : i32
    %dma_start3A_1586 = tpu.memref_slice %arg8[%multiple_of3A_1583, %dma_start3A_1584, %dma_start3A_1585] : memref<204800x5x64xf32, #tpu.memory_space<hbm>> -> memref<640x1x64xf32, #tpu.memory_space<hbm>>
    %dma_start3A_1587 = arith.constant 4 : i32
    %dma_start3A_1588 = arith.constant 0 : i32
    %dma_start3A_1589 = tpu.memref_slice %arg8[%multiple_of3A_1583, %dma_start3A_1587, %dma_start3A_1588] : memref<204800x5x64xf32, #tpu.memory_space<hbm>> -> memref<640x1x64xf32, #tpu.memory_space<hbm>>
    tpu.enqueue_dma source(%arg10 : memref<640x1x64xf32, #tpu.memory_space<vmem>>) target(%dma_start3A_1589 : memref<640x1x64xf32, #tpu.memory_space<hbm>>) target_semaphore(%arg14 : memref<!tpu.dma_semaphore, #tpu.memory_space<semaphore_mem>>)
    %dma_wait3A_1590 = arith.constant 4 : i32
    %dma_wait3A_1591 = arith.constant 0 : i32
    %dma_wait3A_1592 = tpu.memref_slice %arg8[%multiple_of3A_1583, %dma_wait3A_1590, %dma_wait3A_1591] : memref<204800x5x64xf32, #tpu.memory_space<hbm>> -> memref<640x1x64xf32, #tpu.memory_space<hbm>>
    %dma_wait3A_1593 = arith.constant 4 : i32
    %dma_wait3A_1594 = arith.constant 0 : i32
    %dma_wait3A_1595 = tpu.memref_slice %arg8[%multiple_of3A_1583, %dma_wait3A_1593, %dma_wait3A_1594] : memref<204800x5x64xf32, #tpu.memory_space<hbm>> -> memref<640x1x64xf32, #tpu.memory_space<hbm>>
    tpu.wait_dma2 semaphore(%arg14 : memref<!tpu.dma_semaphore, #tpu.memory_space<semaphore_mem>>) src(%arg10 : memref<640x1x64xf32, #tpu.memory_space<vmem>>) dst(%dma_wait3A_1595 : memref<640x1x64xf32, #tpu.memory_space<hbm>>)
    %dma_start3A_1596 = arith.constant 0 : i32
    %dma_start3A_1597 = arith.constant 0 : i32
    %dma_start3A_1598 = arith.constant 0 : i32
    %dma_start3A_1599 = tpu.memref_slice %arg10[%dma_start3A_1597, %dma_start3A_1596, %dma_start3A_1598] : memref<640x1x64xf32, #tpu.memory_space<vmem>> -> memref<640x1x64xf32, #tpu.memory_space<vmem>>
    %dma_start3A_1600 = tpu.memref_squeeze %dma_start3A_1599 : memref<640x1x64xf32, #tpu.memory_space<vmem>> -> memref<640x64xf32, #tpu.memory_space<vmem>>
    %dma_start3A_1601 = arith.constant 29440 : i32
    %dma_start3A_1602 = tpu.memref_slice %arg9[%dma_start3A_1601] : memref<32000xi32, #tpu.memory_space<vmem>> -> memref<640xi32, #tpu.memory_space<vmem>>
    %dma_start3A_1603 = arith.constant 0 : i32
    %dma_start3A_1604 = arith.constant 0 : i32
    %dma_start3A_1605 = tpu.memref_slice %arg7[%dma_start3A_1603, %dma_start3A_1604] : memref<100000x64xf32, #tpu.memory_space<hbm>> -> memref<100000x64xf32, #tpu.memory_space<hbm>>
    tpu.enqueue_indirect_dma source(%dma_start3A_1605 : memref<100000x64xf32, #tpu.memory_space<hbm>>) target(%dma_start3A_1600 : memref<640x64xf32, #tpu.memory_space<vmem>>) offsets(%dma_start3A_1602 : memref<640xi32, #tpu.memory_space<vmem>>) semaphore(%arg12 : memref<!tpu.dma_semaphore, #tpu.memory_space<semaphore_mem>>)
    %dma_wait3A_1606 = arith.constant 0 : i32
    %dma_wait3A_1607 = arith.constant 0 : i32
    %dma_wait3A_1608 = arith.constant 0 : i32
    %dma_wait3A_1609 = tpu.memref_slice %arg11[%dma_wait3A_1607, %dma_wait3A_1606, %dma_wait3A_1608] : memref<640x1x64xf32, #tpu.memory_space<vmem>> -> memref<640x1x64xf32, #tpu.memory_space<vmem>>
    %dma_wait3A_1610 = tpu.memref_squeeze %dma_wait3A_1609 : memref<640x1x64xf32, #tpu.memory_space<vmem>> -> memref<640x64xf32, #tpu.memory_space<vmem>>
    %dma_wait3A_1611 = arith.constant 28800 : i32
    %dma_wait3A_1612 = tpu.memref_slice %arg9[%dma_wait3A_1611] : memref<32000xi32, #tpu.memory_space<vmem>> -> memref<640xi32, #tpu.memory_space<vmem>>
    %dma_wait3A_1613 = arith.constant 0 : i32
    %dma_wait3A_1614 = arith.constant 0 : i32
    %dma_wait3A_1615 = tpu.memref_slice %arg7[%dma_wait3A_1613, %dma_wait3A_1614] : memref<100000x64xf32, #tpu.memory_space<hbm>> -> memref<100000x64xf32, #tpu.memory_space<hbm>>
    tpu.wait_indirect_dma semaphore(%arg13 : memref<!tpu.dma_semaphore, #tpu.memory_space<semaphore_mem>>) src(%dma_wait3A_1615 : memref<100000x64xf32, #tpu.memory_space<hbm>>) dst(%dma_wait3A_1610 : memref<640x64xf32, #tpu.memory_space<vmem>>)
    %add3A_1616 = arith.constant 3200 : i32
    %add3A_1617 = arith.addi %multiple_of3A, %add3A_1616 : i32
    %multiple_of3A_1618 = tpu.assume_multiple %add3A_1617, 8 : i32
    %dma_start3A_1619 = arith.constant 4 : i32
    %dma_start3A_1620 = arith.constant 0 : i32
    %dma_start3A_1621 = tpu.memref_slice %arg8[%multiple_of3A_1618, %dma_start3A_1619, %dma_start3A_1620] : memref<204800x5x64xf32, #tpu.memory_space<hbm>> -> memref<640x1x64xf32, #tpu.memory_space<hbm>>
    %dma_start3A_1622 = arith.constant 4 : i32
    %dma_start3A_1623 = arith.constant 0 : i32
    %dma_start3A_1624 = tpu.memref_slice %arg8[%multiple_of3A_1618, %dma_start3A_1622, %dma_start3A_1623] : memref<204800x5x64xf32, #tpu.memory_space<hbm>> -> memref<640x1x64xf32, #tpu.memory_space<hbm>>
    tpu.enqueue_dma source(%arg11 : memref<640x1x64xf32, #tpu.memory_space<vmem>>) target(%dma_start3A_1624 : memref<640x1x64xf32, #tpu.memory_space<hbm>>) target_semaphore(%arg15 : memref<!tpu.dma_semaphore, #tpu.memory_space<semaphore_mem>>)
    %dma_wait3A_1625 = arith.constant 4 : i32
    %dma_wait3A_1626 = arith.constant 0 : i32
    %dma_wait3A_1627 = tpu.memref_slice %arg8[%multiple_of3A_1618, %dma_wait3A_1625, %dma_wait3A_1626] : memref<204800x5x64xf32, #tpu.memory_space<hbm>> -> memref<640x1x64xf32, #tpu.memory_space<hbm>>
    %dma_wait3A_1628 = arith.constant 4 : i32
    %dma_wait3A_1629 = arith.constant 0 : i32
    %dma_wait3A_1630 = tpu.memref_slice %arg8[%multiple_of3A_1618, %dma_wait3A_1628, %dma_wait3A_1629] : memref<204800x5x64xf32, #tpu.memory_space<hbm>> -> memref<640x1x64xf32, #tpu.memory_space<hbm>>
    tpu.wait_dma2 semaphore(%arg15 : memref<!tpu.dma_semaphore, #tpu.memory_space<semaphore_mem>>) src(%arg11 : memref<640x1x64xf32, #tpu.memory_space<vmem>>) dst(%dma_wait3A_1630 : memref<640x1x64xf32, #tpu.memory_space<hbm>>)
    %dma_start3A_1631 = arith.constant 0 : i32
    %dma_start3A_1632 = arith.constant 0 : i32
    %dma_start3A_1633 = arith.constant 0 : i32
    %dma_start3A_1634 = tpu.memref_slice %arg11[%dma_start3A_1632, %dma_start3A_1631, %dma_start3A_1633] : memref<640x1x64xf32, #tpu.memory_space<vmem>> -> memref<640x1x64xf32, #tpu.memory_space<vmem>>
    %dma_start3A_1635 = tpu.memref_squeeze %dma_start3A_1634 : memref<640x1x64xf32, #tpu.memory_space<vmem>> -> memref<640x64xf32, #tpu.memory_space<vmem>>
    %dma_start3A_1636 = arith.constant 30080 : i32
    %dma_start3A_1637 = tpu.memref_slice %arg9[%dma_start3A_1636] : memref<32000xi32, #tpu.memory_space<vmem>> -> memref<640xi32, #tpu.memory_space<vmem>>
    %dma_start3A_1638 = arith.constant 0 : i32
    %dma_start3A_1639 = arith.constant 0 : i32
    %dma_start3A_1640 = tpu.memref_slice %arg7[%dma_start3A_1638, %dma_start3A_1639] : memref<100000x64xf32, #tpu.memory_space<hbm>> -> memref<100000x64xf32, #tpu.memory_space<hbm>>
    tpu.enqueue_indirect_dma source(%dma_start3A_1640 : memref<100000x64xf32, #tpu.memory_space<hbm>>) target(%dma_start3A_1635 : memref<640x64xf32, #tpu.memory_space<vmem>>) offsets(%dma_start3A_1637 : memref<640xi32, #tpu.memory_space<vmem>>) semaphore(%arg13 : memref<!tpu.dma_semaphore, #tpu.memory_space<semaphore_mem>>)
    %dma_wait3A_1641 = arith.constant 0 : i32
    %dma_wait3A_1642 = arith.constant 0 : i32
    %dma_wait3A_1643 = arith.constant 0 : i32
    %dma_wait3A_1644 = tpu.memref_slice %arg10[%dma_wait3A_1642, %dma_wait3A_1641, %dma_wait3A_1643] : memref<640x1x64xf32, #tpu.memory_space<vmem>> -> memref<640x1x64xf32, #tpu.memory_space<vmem>>
    %dma_wait3A_1645 = tpu.memref_squeeze %dma_wait3A_1644 : memref<640x1x64xf32, #tpu.memory_space<vmem>> -> memref<640x64xf32, #tpu.memory_space<vmem>>
    %dma_wait3A_1646 = arith.constant 29440 : i32
    %dma_wait3A_1647 = tpu.memref_slice %arg9[%dma_wait3A_1646] : memref<32000xi32, #tpu.memory_space<vmem>> -> memref<640xi32, #tpu.memory_space<vmem>>
    %dma_wait3A_1648 = arith.constant 0 : i32
    %dma_wait3A_1649 = arith.constant 0 : i32
    %dma_wait3A_1650 = tpu.memref_slice %arg7[%dma_wait3A_1648, %dma_wait3A_1649] : memref<100000x64xf32, #tpu.memory_space<hbm>> -> memref<100000x64xf32, #tpu.memory_space<hbm>>
    tpu.wait_indirect_dma semaphore(%arg12 : memref<!tpu.dma_semaphore, #tpu.memory_space<semaphore_mem>>) src(%dma_wait3A_1650 : memref<100000x64xf32, #tpu.memory_space<hbm>>) dst(%dma_wait3A_1645 : memref<640x64xf32, #tpu.memory_space<vmem>>)
    %add3A_1651 = arith.constant 3840 : i32
    %add3A_1652 = arith.addi %multiple_of3A, %add3A_1651 : i32
    %multiple_of3A_1653 = tpu.assume_multiple %add3A_1652, 8 : i32
    %dma_start3A_1654 = arith.constant 4 : i32
    %dma_start3A_1655 = arith.constant 0 : i32
    %dma_start3A_1656 = tpu.memref_slice %arg8[%multiple_of3A_1653, %dma_start3A_1654, %dma_start3A_1655] : memref<204800x5x64xf32, #tpu.memory_space<hbm>> -> memref<640x1x64xf32, #tpu.memory_space<hbm>>
    %dma_start3A_1657 = arith.constant 4 : i32
    %dma_start3A_1658 = arith.constant 0 : i32
    %dma_start3A_1659 = tpu.memref_slice %arg8[%multiple_of3A_1653, %dma_start3A_1657, %dma_start3A_1658] : memref<204800x5x64xf32, #tpu.memory_space<hbm>> -> memref<640x1x64xf32, #tpu.memory_space<hbm>>
    tpu.enqueue_dma source(%arg10 : memref<640x1x64xf32, #tpu.memory_space<vmem>>) target(%dma_start3A_1659 : memref<640x1x64xf32, #tpu.memory_space<hbm>>) target_semaphore(%arg14 : memref<!tpu.dma_semaphore, #tpu.memory_space<semaphore_mem>>)
    %dma_wait3A_1660 = arith.constant 4 : i32
    %dma_wait3A_1661 = arith.constant 0 : i32
    %dma_wait3A_1662 = tpu.memref_slice %arg8[%multiple_of3A_1653, %dma_wait3A_1660, %dma_wait3A_1661] : memref<204800x5x64xf32, #tpu.memory_space<hbm>> -> memref<640x1x64xf32, #tpu.memory_space<hbm>>
    %dma_wait3A_1663 = arith.constant 4 : i32
    %dma_wait3A_1664 = arith.constant 0 : i32
    %dma_wait3A_1665 = tpu.memref_slice %arg8[%multiple_of3A_1653, %dma_wait3A_1663, %dma_wait3A_1664] : memref<204800x5x64xf32, #tpu.memory_space<hbm>> -> memref<640x1x64xf32, #tpu.memory_space<hbm>>
    tpu.wait_dma2 semaphore(%arg14 : memref<!tpu.dma_semaphore, #tpu.memory_space<semaphore_mem>>) src(%arg10 : memref<640x1x64xf32, #tpu.memory_space<vmem>>) dst(%dma_wait3A_1665 : memref<640x1x64xf32, #tpu.memory_space<hbm>>)
    %dma_start3A_1666 = arith.constant 0 : i32
    %dma_start3A_1667 = arith.constant 0 : i32
    %dma_start3A_1668 = arith.constant 0 : i32
    %dma_start3A_1669 = tpu.memref_slice %arg10[%dma_start3A_1667, %dma_start3A_1666, %dma_start3A_1668] : memref<640x1x64xf32, #tpu.memory_space<vmem>> -> memref<640x1x64xf32, #tpu.memory_space<vmem>>
    %dma_start3A_1670 = tpu.memref_squeeze %dma_start3A_1669 : memref<640x1x64xf32, #tpu.memory_space<vmem>> -> memref<640x64xf32, #tpu.memory_space<vmem>>
    %dma_start3A_1671 = arith.constant 30720 : i32
    %dma_start3A_1672 = tpu.memref_slice %arg9[%dma_start3A_1671] : memref<32000xi32, #tpu.memory_space<vmem>> -> memref<640xi32, #tpu.memory_space<vmem>>
    %dma_start3A_1673 = arith.constant 0 : i32
    %dma_start3A_1674 = arith.constant 0 : i32
    %dma_start3A_1675 = tpu.memref_slice %arg7[%dma_start3A_1673, %dma_start3A_1674] : memref<100000x64xf32, #tpu.memory_space<hbm>> -> memref<100000x64xf32, #tpu.memory_space<hbm>>
    tpu.enqueue_indirect_dma source(%dma_start3A_1675 : memref<100000x64xf32, #tpu.memory_space<hbm>>) target(%dma_start3A_1670 : memref<640x64xf32, #tpu.memory_space<vmem>>) offsets(%dma_start3A_1672 : memref<640xi32, #tpu.memory_space<vmem>>) semaphore(%arg12 : memref<!tpu.dma_semaphore, #tpu.memory_space<semaphore_mem>>)
    %dma_wait3A_1676 = arith.constant 0 : i32
    %dma_wait3A_1677 = arith.constant 0 : i32
    %dma_wait3A_1678 = arith.constant 0 : i32
    %dma_wait3A_1679 = tpu.memref_slice %arg11[%dma_wait3A_1677, %dma_wait3A_1676, %dma_wait3A_1678] : memref<640x1x64xf32, #tpu.memory_space<vmem>> -> memref<640x1x64xf32, #tpu.memory_space<vmem>>
    %dma_wait3A_1680 = tpu.memref_squeeze %dma_wait3A_1679 : memref<640x1x64xf32, #tpu.memory_space<vmem>> -> memref<640x64xf32, #tpu.memory_space<vmem>>
    %dma_wait3A_1681 = arith.constant 30080 : i32
    %dma_wait3A_1682 = tpu.memref_slice %arg9[%dma_wait3A_1681] : memref<32000xi32, #tpu.memory_space<vmem>> -> memref<640xi32, #tpu.memory_space<vmem>>
    %dma_wait3A_1683 = arith.constant 0 : i32
    %dma_wait3A_1684 = arith.constant 0 : i32
    %dma_wait3A_1685 = tpu.memref_slice %arg7[%dma_wait3A_1683, %dma_wait3A_1684] : memref<100000x64xf32, #tpu.memory_space<hbm>> -> memref<100000x64xf32, #tpu.memory_space<hbm>>
    tpu.wait_indirect_dma semaphore(%arg13 : memref<!tpu.dma_semaphore, #tpu.memory_space<semaphore_mem>>) src(%dma_wait3A_1685 : memref<100000x64xf32, #tpu.memory_space<hbm>>) dst(%dma_wait3A_1680 : memref<640x64xf32, #tpu.memory_space<vmem>>)
    %add3A_1686 = arith.constant 4480 : i32
    %add3A_1687 = arith.addi %multiple_of3A, %add3A_1686 : i32
    %multiple_of3A_1688 = tpu.assume_multiple %add3A_1687, 8 : i32
    %dma_start3A_1689 = arith.constant 4 : i32
    %dma_start3A_1690 = arith.constant 0 : i32
    %dma_start3A_1691 = tpu.memref_slice %arg8[%multiple_of3A_1688, %dma_start3A_1689, %dma_start3A_1690] : memref<204800x5x64xf32, #tpu.memory_space<hbm>> -> memref<640x1x64xf32, #tpu.memory_space<hbm>>
    %dma_start3A_1692 = arith.constant 4 : i32
    %dma_start3A_1693 = arith.constant 0 : i32
    %dma_start3A_1694 = tpu.memref_slice %arg8[%multiple_of3A_1688, %dma_start3A_1692, %dma_start3A_1693] : memref<204800x5x64xf32, #tpu.memory_space<hbm>> -> memref<640x1x64xf32, #tpu.memory_space<hbm>>
    tpu.enqueue_dma source(%arg11 : memref<640x1x64xf32, #tpu.memory_space<vmem>>) target(%dma_start3A_1694 : memref<640x1x64xf32, #tpu.memory_space<hbm>>) target_semaphore(%arg15 : memref<!tpu.dma_semaphore, #tpu.memory_space<semaphore_mem>>)
    %dma_wait3A_1695 = arith.constant 4 : i32
    %dma_wait3A_1696 = arith.constant 0 : i32
    %dma_wait3A_1697 = tpu.memref_slice %arg8[%multiple_of3A_1688, %dma_wait3A_1695, %dma_wait3A_1696] : memref<204800x5x64xf32, #tpu.memory_space<hbm>> -> memref<640x1x64xf32, #tpu.memory_space<hbm>>
    %dma_wait3A_1698 = arith.constant 4 : i32
    %dma_wait3A_1699 = arith.constant 0 : i32
    %dma_wait3A_1700 = tpu.memref_slice %arg8[%multiple_of3A_1688, %dma_wait3A_1698, %dma_wait3A_1699] : memref<204800x5x64xf32, #tpu.memory_space<hbm>> -> memref<640x1x64xf32, #tpu.memory_space<hbm>>
    tpu.wait_dma2 semaphore(%arg15 : memref<!tpu.dma_semaphore, #tpu.memory_space<semaphore_mem>>) src(%arg11 : memref<640x1x64xf32, #tpu.memory_space<vmem>>) dst(%dma_wait3A_1700 : memref<640x1x64xf32, #tpu.memory_space<hbm>>)
    %dma_start3A_1701 = arith.constant 0 : i32
    %dma_start3A_1702 = arith.constant 0 : i32
    %dma_start3A_1703 = arith.constant 0 : i32
    %dma_start3A_1704 = tpu.memref_slice %arg11[%dma_start3A_1702, %dma_start3A_1701, %dma_start3A_1703] : memref<640x1x64xf32, #tpu.memory_space<vmem>> -> memref<640x1x64xf32, #tpu.memory_space<vmem>>
    %dma_start3A_1705 = tpu.memref_squeeze %dma_start3A_1704 : memref<640x1x64xf32, #tpu.memory_space<vmem>> -> memref<640x64xf32, #tpu.memory_space<vmem>>
    %dma_start3A_1706 = arith.constant 31360 : i32
    %dma_start3A_1707 = tpu.memref_slice %arg9[%dma_start3A_1706] : memref<32000xi32, #tpu.memory_space<vmem>> -> memref<640xi32, #tpu.memory_space<vmem>>
    %dma_start3A_1708 = arith.constant 0 : i32
    %dma_start3A_1709 = arith.constant 0 : i32
    %dma_start3A_1710 = tpu.memref_slice %arg7[%dma_start3A_1708, %dma_start3A_1709] : memref<100000x64xf32, #tpu.memory_space<hbm>> -> memref<100000x64xf32, #tpu.memory_space<hbm>>
    tpu.enqueue_indirect_dma source(%dma_start3A_1710 : memref<100000x64xf32, #tpu.memory_space<hbm>>) target(%dma_start3A_1705 : memref<640x64xf32, #tpu.memory_space<vmem>>) offsets(%dma_start3A_1707 : memref<640xi32, #tpu.memory_space<vmem>>) semaphore(%arg13 : memref<!tpu.dma_semaphore, #tpu.memory_space<semaphore_mem>>)
    %dma_wait3A_1711 = arith.constant 0 : i32
    %dma_wait3A_1712 = arith.constant 0 : i32
    %dma_wait3A_1713 = arith.constant 0 : i32
    %dma_wait3A_1714 = tpu.memref_slice %arg10[%dma_wait3A_1712, %dma_wait3A_1711, %dma_wait3A_1713] : memref<640x1x64xf32, #tpu.memory_space<vmem>> -> memref<640x1x64xf32, #tpu.memory_space<vmem>>
    %dma_wait3A_1715 = tpu.memref_squeeze %dma_wait3A_1714 : memref<640x1x64xf32, #tpu.memory_space<vmem>> -> memref<640x64xf32, #tpu.memory_space<vmem>>
    %dma_wait3A_1716 = arith.constant 30720 : i32
    %dma_wait3A_1717 = tpu.memref_slice %arg9[%dma_wait3A_1716] : memref<32000xi32, #tpu.memory_space<vmem>> -> memref<640xi32, #tpu.memory_space<vmem>>
    %dma_wait3A_1718 = arith.constant 0 : i32
    %dma_wait3A_1719 = arith.constant 0 : i32
    %dma_wait3A_1720 = tpu.memref_slice %arg7[%dma_wait3A_1718, %dma_wait3A_1719] : memref<100000x64xf32, #tpu.memory_space<hbm>> -> memref<100000x64xf32, #tpu.memory_space<hbm>>
    tpu.wait_indirect_dma semaphore(%arg12 : memref<!tpu.dma_semaphore, #tpu.memory_space<semaphore_mem>>) src(%dma_wait3A_1720 : memref<100000x64xf32, #tpu.memory_space<hbm>>) dst(%dma_wait3A_1715 : memref<640x64xf32, #tpu.memory_space<vmem>>)
    %add3A_1721 = arith.constant 5120 : i32
    %add3A_1722 = arith.addi %multiple_of3A, %add3A_1721 : i32
    %multiple_of3A_1723 = tpu.assume_multiple %add3A_1722, 8 : i32
    %dma_start3A_1724 = arith.constant 4 : i32
    %dma_start3A_1725 = arith.constant 0 : i32
    %dma_start3A_1726 = tpu.memref_slice %arg8[%multiple_of3A_1723, %dma_start3A_1724, %dma_start3A_1725] : memref<204800x5x64xf32, #tpu.memory_space<hbm>> -> memref<640x1x64xf32, #tpu.memory_space<hbm>>
    %dma_start3A_1727 = arith.constant 4 : i32
    %dma_start3A_1728 = arith.constant 0 : i32
    %dma_start3A_1729 = tpu.memref_slice %arg8[%multiple_of3A_1723, %dma_start3A_1727, %dma_start3A_1728] : memref<204800x5x64xf32, #tpu.memory_space<hbm>> -> memref<640x1x64xf32, #tpu.memory_space<hbm>>
    tpu.enqueue_dma source(%arg10 : memref<640x1x64xf32, #tpu.memory_space<vmem>>) target(%dma_start3A_1729 : memref<640x1x64xf32, #tpu.memory_space<hbm>>) target_semaphore(%arg14 : memref<!tpu.dma_semaphore, #tpu.memory_space<semaphore_mem>>)
    %dma_wait3A_1730 = arith.constant 0 : i32
    %dma_wait3A_1731 = arith.constant 0 : i32
    %dma_wait3A_1732 = arith.constant 0 : i32
    %dma_wait3A_1733 = tpu.memref_slice %arg11[%dma_wait3A_1731, %dma_wait3A_1730, %dma_wait3A_1732] : memref<640x1x64xf32, #tpu.memory_space<vmem>> -> memref<640x1x64xf32, #tpu.memory_space<vmem>>
    %dma_wait3A_1734 = tpu.memref_squeeze %dma_wait3A_1733 : memref<640x1x64xf32, #tpu.memory_space<vmem>> -> memref<640x64xf32, #tpu.memory_space<vmem>>
    %dma_wait3A_1735 = arith.constant 31360 : i32
    %dma_wait3A_1736 = tpu.memref_slice %arg9[%dma_wait3A_1735] : memref<32000xi32, #tpu.memory_space<vmem>> -> memref<640xi32, #tpu.memory_space<vmem>>
    %dma_wait3A_1737 = arith.constant 0 : i32
    %dma_wait3A_1738 = arith.constant 0 : i32
    %dma_wait3A_1739 = tpu.memref_slice %arg7[%dma_wait3A_1737, %dma_wait3A_1738] : memref<100000x64xf32, #tpu.memory_space<hbm>> -> memref<100000x64xf32, #tpu.memory_space<hbm>>
    tpu.wait_indirect_dma semaphore(%arg13 : memref<!tpu.dma_semaphore, #tpu.memory_space<semaphore_mem>>) src(%dma_wait3A_1739 : memref<100000x64xf32, #tpu.memory_space<hbm>>) dst(%dma_wait3A_1734 : memref<640x64xf32, #tpu.memory_space<vmem>>)
    %add3A_1740 = arith.constant 5760 : i32
    %add3A_1741 = arith.addi %multiple_of3A, %add3A_1740 : i32
    %multiple_of3A_1742 = tpu.assume_multiple %add3A_1741, 8 : i32
    %dma_start3A_1743 = arith.constant 4 : i32
    %dma_start3A_1744 = arith.constant 0 : i32
    %dma_start3A_1745 = tpu.memref_slice %arg8[%multiple_of3A_1742, %dma_start3A_1743, %dma_start3A_1744] : memref<204800x5x64xf32, #tpu.memory_space<hbm>> -> memref<640x1x64xf32, #tpu.memory_space<hbm>>
    %dma_start3A_1746 = arith.constant 4 : i32
    %dma_start3A_1747 = arith.constant 0 : i32
    %dma_start3A_1748 = tpu.memref_slice %arg8[%multiple_of3A_1742, %dma_start3A_1746, %dma_start3A_1747] : memref<204800x5x64xf32, #tpu.memory_space<hbm>> -> memref<640x1x64xf32, #tpu.memory_space<hbm>>
    tpu.enqueue_dma source(%arg11 : memref<640x1x64xf32, #tpu.memory_space<vmem>>) target(%dma_start3A_1748 : memref<640x1x64xf32, #tpu.memory_space<hbm>>) target_semaphore(%arg15 : memref<!tpu.dma_semaphore, #tpu.memory_space<semaphore_mem>>)
    %dma_wait3A_1749 = arith.constant 4 : i32
    %dma_wait3A_1750 = arith.constant 0 : i32
    %dma_wait3A_1751 = tpu.memref_slice %arg8[%multiple_of3A_1723, %dma_wait3A_1749, %dma_wait3A_1750] : memref<204800x5x64xf32, #tpu.memory_space<hbm>> -> memref<640x1x64xf32, #tpu.memory_space<hbm>>
    %dma_wait3A_1752 = arith.constant 4 : i32
    %dma_wait3A_1753 = arith.constant 0 : i32
    %dma_wait3A_1754 = tpu.memref_slice %arg8[%multiple_of3A_1723, %dma_wait3A_1752, %dma_wait3A_1753] : memref<204800x5x64xf32, #tpu.memory_space<hbm>> -> memref<640x1x64xf32, #tpu.memory_space<hbm>>
    tpu.wait_dma2 semaphore(%arg14 : memref<!tpu.dma_semaphore, #tpu.memory_space<semaphore_mem>>) src(%arg10 : memref<640x1x64xf32, #tpu.memory_space<vmem>>) dst(%dma_wait3A_1754 : memref<640x1x64xf32, #tpu.memory_space<hbm>>)
    %dma_wait3A_1755 = arith.constant 4 : i32
    %dma_wait3A_1756 = arith.constant 0 : i32
    %dma_wait3A_1757 = tpu.memref_slice %arg8[%multiple_of3A_1742, %dma_wait3A_1755, %dma_wait3A_1756] : memref<204800x5x64xf32, #tpu.memory_space<hbm>> -> memref<640x1x64xf32, #tpu.memory_space<hbm>>
    %dma_wait3A_1758 = arith.constant 4 : i32
    %dma_wait3A_1759 = arith.constant 0 : i32
    %dma_wait3A_1760 = tpu.memref_slice %arg8[%multiple_of3A_1742, %dma_wait3A_1758, %dma_wait3A_1759] : memref<204800x5x64xf32, #tpu.memory_space<hbm>> -> memref<640x1x64xf32, #tpu.memory_space<hbm>>
    tpu.wait_dma2 semaphore(%arg15 : memref<!tpu.dma_semaphore, #tpu.memory_space<semaphore_mem>>) src(%arg11 : memref<640x1x64xf32, #tpu.memory_space<vmem>>) dst(%dma_wait3A_1760 : memref<640x1x64xf32, #tpu.memory_space<hbm>>)
    return
  }
}

</mosaic_0001>

<sc_bundles>
// kernel: kernel.3.cloned.1.call-start
scs
__scs_entry_jumppad:
0x0: {  	(pc) =	sbr.rel $0x88, $3  }
0x1: {  	(tag) =	ssettag $0x0;
	lr =	simm.s32 $0x1  }
0x2: {  	[smem:$0x3F9B] =	sst lr;
	_ =	strace $0xD0000000  }
0x3: {  	_ = 	snop  }
0x4: {  	_ = 	snop  }
0x5: {  	_ = 	snop  }
0x6: {  	_ = 	snop  }
0x7: {  	_ = 	snop  }
__scs_overlays_trampoline_lowered:
0x8: {  	[smem:$0x3FAA] =	sst s0  }
0x9: {  	[smem:$0x3FAB] =	sst s1  }
0xa: {  	[smem:$0x3FAC] =	sst s2  }
0xb: {  	[smem:$0x3FAD] =	sst s3  }
0xc: {  	[smem:$0x3FAE] =	sst s4  }
0xd: {  	[smem:$0x3FAF] =	sst s5  }
0xe: {  	[smem:$0x3FB0] =	sst s6  }
0xf: {  	[smem:$0x3FB1] =	sst s7  }
0x10: {  	[smem:$0x3FB2] =	sst s8  }
0x11: {  	[smem:$0x3FB3] =	sst s9;
	s0 =	simm.s32 @!p0 $0x0  }
0x12: {  	s1 =	sld [smem:$0x3F99];
	s0 =	simm.s32 @p0 $0x1  }
0x13: {  	[smem:$0x3FB4] =	sst s0;
	s0 =	simm.s32 @!p1 $0x0  }
0x14: {  	s2 =	sld [smem:$0x3F98];
	s0 =	simm.s32 @p1 $0x1  }
0x15: {  	[smem:$0x3FB5] =	sst s0;
	s0 =	simm.s32 @!p2 $0x0  }
0x16: {  	s3 =	sld [smem:$0x3FDB];
	s0 =	simm.s32 @p2 $0x1  }
0x17: {  	s4 =	simm.s32 $0x1BF5;
	[smem:$0x3FB7] =	sst s0  }
0x18: {  	s0 =	sld [smem:$0x3F9A];
	_ =	swait.ge [sflag:s4], $0x0  }
0x19: {  	s7 =	sld [smem:$0x3F9B]  }
0x1a: {  	s8 =	sadd.s32 $0xFFFFE003, lr  }
0x1b: {  	s9 =	sadd.s32 $0xFFFFFEF7, lr;
	s5 =	simm.s32 $0xFFFFFFFF;
	p2 =	slt.u32 s8, $0xFFFFF086  }
0x1c: {  	p1 =	slt.u32 s9, $0xF7A;
	s5 =	simm.s32 @!p2 $0x0  }
0x1d: {  	s5 =	simm.s32 @p1 $0x1;
	p0 =	seq.s32 s7, s2  }
0x1e: {  	s7 =	smul.u32 @!p0 $0xF7A, s2;
	p2 =	seq.s32 @!p0 s5, $0x0  }
0x1f: {  	s9 =	smul.u32 $0xF7A, s1;
	s8 =	simm.s32 @!p0 $0x1BF5;
	p2 =	por !p2, p0  }
0x20: {  	[sflag:s8] =	ssyncset.s32 @!p0 $0xFFFFF086;
	s6 =	sadd.s32 @!p0 s3, s7;
	s7 =	simm.s32 @!p0 $0x108  }
0x21: {  	s3 =	sadd.s32 s3, s9;
	s6 =	sadd.s32 @!p0 $0x88, s6;
	s7 =	simm.s32 @p2 $0x1082  }
0x22: {  	[simem:s7], [sflag:s8] =	dma.local @!p0 [hbm:s6], $0xF7A  }
0x23: {  	s9 =	sor.u32 $0xD0000000, s2;
	s6 =	simm.s32 $0x108;
	_ =	swait.ge @!p0 [sflag:s8], $0x0  }
0x24: {  	s3 =	sadd.s32 $0x88, s3;
	s6 =	simm.s32 @!p1 $0x1082;
	[sflag:s4] =	ssyncset.s32 $0xFFFFF086  }
0x25: {  	[simem:s6], [sflag:s4] =	dma.local [hbm:s3], $0xF7A  }
0x26: {  	[smem:$0x3F9B] =	sst s1;
	(tag) =	ssettag s2;
	_ =	strace s9  }
0x27: {  	s1 =	sld [smem:$0x3FAB]  }
0x28: {  	s2 =	sld [smem:$0x3FAC]  }
0x29: {  	s4 =	sld [smem:$0x3FAE]  }
0x2a: {  	p0 =	seq.s32 s5, $0x0;
	s5 =	sld [smem:$0x3FAF]  }
0x2b: {  	s6 =	sld [smem:$0x3FB0]  }
0x2c: {  	s7 =	sld [smem:$0x3FB1]  }
0x2d: {  	s3 =	simm.s32 $0x108;
	s8 =	sld [smem:$0x3FB2]  }
0x2e: {  	s3 =	simm.s32 @!p0 $0x1082;
	s9 =	sld [smem:$0x3FB3]  }
0x2f: {  	lr =	sadd.s32 s0, s3;
	s0 =	sld [smem:$0x3FAA]  }
0x30: {  	s3 =	sld [smem:$0x3FAD]  }
0x31: {  	[smem:$0x3FB6] =	sst s10  }
0x32: {  	s10 =	sld [smem:$0x3FB4];
	_ =	sdelay $0x3  }
0x33: {  	p0 =	seq.s32 s10, $0x1;
	s10 =	sld [smem:$0x3FB6];
	_ =	sdelay $0x3  }
0x34: {  	[smem:$0x3FB6] =	sst s10  }
0x35: {  	s10 =	sld [smem:$0x3FB5];
	_ =	sdelay $0x3  }
0x36: {  	p1 =	seq.s32 s10, $0x1;
	s10 =	sld [smem:$0x3FB6];
	_ =	sdelay $0x3  }
0x37: {  	[smem:$0x3FB6] =	sst s10  }
0x38: {  	s10 =	sld [smem:$0x3FB7]  }
0x39: {  	_ = 	snop;
	(pc) =	sbr.ind lr, $3  }
0x3a: {  	_ = 	snop  }
0x3b: {  	_ = 	snop  }
0x3c: {  	p2 =	seq.s32 s10, $0x1;
	s10 =	sld [smem:$0x3FB6]  }
0x3d: {  	_ =	shalt  }
0x3e: {  	_ =	shalt  }
0x3f: {  	_ =	shalt  }
0x40: {  	_ =	shalt  }
0x41: {  	_ =	shalt  }
0x42: {  	_ =	shalt  }
0x43: {  	_ =	shalt  }
0x44: {  	_ =	shalt  }
0x45: {  	_ =	shalt  }
0x46: {  	_ =	shalt  }
0x47: {  	_ =	shalt  }
0x48: {  	_ =	shalt  }
0x49: {  	_ =	shalt  }
0x4a: {  	_ =	shalt  }
0x4b: {  	_ =	shalt  }
0x4c: {  	_ =	shalt  }
0x4d: {  	_ =	shalt  }
0x4e: {  	_ =	shalt  }
0x4f: {  	_ =	shalt  }
0x50: {  	_ =	shalt  }
0x51: {  	_ =	shalt  }
0x52: {  	_ =	shalt  }
0x53: {  	_ =	shalt  }
0x54: {  	_ =	shalt  }
0x55: {  	_ =	shalt  }
0x56: {  	_ =	shalt  }
0x57: {  	_ =	shalt  }
0x58: {  	_ =	shalt  }
0x59: {  	_ =	shalt  }
0x5a: {  	_ =	shalt  }
0x5b: {  	_ =	shalt  }
0x5c: {  	_ =	shalt  }
0x5d: {  	_ =	shalt  }
0x5e: {  	_ =	shalt  }
0x5f: {  	_ =	shalt  }
0x60: {  	_ =	shalt  }
0x61: {  	_ =	shalt  }
0x62: {  	_ =	shalt  }
0x63: {  	_ =	shalt  }
0x64: {  	_ =	shalt  }
0x65: {  	_ =	shalt  }
0x66: {  	_ =	shalt  }
0x67: {  	_ =	shalt  }
0x68: {  	_ =	shalt  }
0x69: {  	_ =	shalt  }
0x6a: {  	_ =	shalt  }
0x6b: {  	_ =	shalt  }
0x6c: {  	_ =	shalt  }
0x6d: {  	_ =	shalt  }
0x6e: {  	_ =	shalt  }
0x6f: {  	_ =	shalt  }
0x70: {  	_ =	shalt  }
0x71: {  	_ =	shalt  }
0x72: {  	_ =	shalt  }
0x73: {  	_ =	shalt  }
0x74: {  	_ =	shalt  }
0x75: {  	_ =	shalt  }
0x76: {  	_ =	shalt  }
0x77: {  	_ =	shalt  }
0x78: {  	_ =	shalt  }
0x79: {  	_ =	shalt  }
0x7a: {  	_ =	shalt  }
0x7b: {  	_ =	shalt  }
0x7c: {  	_ =	shalt  }
0x7d: {  	_ =	shalt  }
0x7e: {  	_ =	shalt  }
0x7f: {  	_ =	shalt  }
0x80: {  	_ =	shalt  }
0x81: {  	_ =	shalt  }
0x82: {  	_ =	shalt  }
0x83: {  	_ =	shalt  }
0x84: {  	_ =	shalt  }
0x85: {  	_ =	shalt  }
0x86: {  	_ =	shalt  }
0x87: {  	_ =	shalt  }
.Lfunc_end0:
.L_simem_size_0:
called_computation.1_lowered:
.L_overlay_start_0:
0x88: {  	s2 =	sld [smem:$0x3FD9]  }
0x89: {  	s3 =	sld [smem:$0x3FFE];
	_ =	sdelay $0x1  }
0x8a: {  	s1 =	srdreg.scid  }
0x8b: {  	s0 =	sand.u32 $0x1, s1  }
0x8c: {  	s17 =	sshll.u32 s0, $0xA;
	s2 =	sadd.s32 s3, s2  }
0x8d: {  	s2 =	sadd.s32 s2, s17  }
0x8e: {  	[smem:$0x3FC2] =	sst s2  }
0x8f: {  	_ = 	snop  }
0x90: {  	s2 =	sld [smem:$0x3FD0];
	(tm) =	ssettm $0x1  }
0x91: {  	s18 =	sld [smem:$0x3FFB];
	_ =	sdelay $0x3  }
0x92: {  	_ =	strace s18  }
0x93: {  	s3 =	sld [smem:$0x3FFC];
	_ =	sdelay $0x3  }
0x94: {  	_ =	strace s3  }
0x95: {  	s3 =	sld [smem:$0x3FFD];
	_ =	sdelay $0x3  }
0x96: {  	_ =	strace s3  }
0x97: {  	_ =	strace $0x8FFFFFFF  }
0x98: {  	s19 =	sld [smem:$0x3FDB];
	_ =	sdelay $0x1  }
0x99: {  	s4 =	simm.s32 $_scs_section_size  }
0x9a: {  	s5 =	simm.s32 $_size__tile_overlayer_lowered;
	s6 =	simm.s32 $_tile_overlayer_lowered  }
0x9b: {  	s22 =	simm.s32 $0x1BFF;
	s21 =	sshll.u32 s6, $0x1;
	s3 =	sadd.s32 s4, s19  }
0x9c: {  	s7 =	simm.s32 $0x0;
	s20 =	sshll.u32 s5, $0x1;
	s5 =	sadd.s32 s21, s3  }
0x9d: {  	[timem:s7], [sflag:s22] =	dma.local [hbm:s5], s20  }
0x9e: {  	_ =	swait.ge [sflag:s22], s20  }
0x9f: {  	s4 =	ssub.s32 $0x0, s20;
	[sflag:s22] =	ssyncset.done $0x0  }
0xa0: {  	[sflag:s22] =	ssyncadd.s32 s4;
	_ =	sdelay $0x1  }
0xa1: {  	s23 =	simm.s32 $0x1B8B  }
0xa2: {  	_ =	swait.ge [sflag:s23], $0x1  }
0xa3: {  	[sflag:s23] =	ssyncset.done $0x0  }
0xa4: {  	s25 =	simm.s32 $0x1B8E;
	s24 =	sld [smem:$0x3FFE];
	[sflag:s23] =	ssyncadd.s32 $0xFFFFFFFF  }
0xa5: {  	s26 =	simm.s32 $execute0_lowered;
	[smem:$0x3FD2] =	sst s25  }
0xa6: {  	s5 =	sshll.u32 s26, $0x1;
	_ =	strace $0x80000046;
	[dreg:$0x1] =	wrdreg $0xFFFFFFFF  }
0xa7: {  	s28 =	simm.s32 $_size_execute0_lowered;
	s3 =	sadd.s32 s3, s5;
	[dreg:$0x0] =	wrdreg $0x0  }
0xa8: {  	s5 =	sshll.u32 s28, $0x1;
	[dreg:$0x2] =	wrdreg s3  }
0xa9: {  	[dreg:$0x3] =	wrdreg s5  }
0xaa: {  	[dreg:$0x4] =	wrdreg $0xC0  }
0xab: {  	_ =	task [dreg:s7], $0x5FFFF  }
0xac: {  	[dreg:$0x1] =	wrdreg $0xFFFFFFFF  }
0xad: {  	[dreg:$0x0] =	wrdreg $0x60  }
0xae: {  	[dreg:$0x2] =	wrdreg s24  }
0xaf: {  	[dreg:$0x3] =	wrdreg s2  }
0xb0: {  	[dreg:$0x4] =	wrdreg $0x9  }
0xb1: {  	_ =	task.clear_ibuf [dreg:s7], $0x5FFFF;
	_ =	strace $0x90000046  }
0xb2: {  	s29 =	simm.s32 $0x9;
	_ =	strace $0x80000048  }
0xb3: {  	_ =	swait.ge [sflag:s29], $0x1  }
0xb4: {  	[sflag:s29] =	ssyncadd.s32 $0xFFFFFFFF  }
0xb5: {  	_ =	strace $0x90000048  }
0xb6: {  	_ =	sfence  }
0xb7: {  	s30 =	sld [smem:$0x0];
	_ =	sdelay $0x2  }
0xb8: {  	s31 =	sshll.u32 s1, $0xD;
	s1 =	sshrl.u32 s1, $0x2  }
0xb9: {  	s3 =	sand.u32 $0x4000, s31;
	s1 =	sadd.s32 s1, s30  }
0xba: {  	s0 =	sor.u32 s3, s0;
	s1 =	sshll.u32 s1, $0x11  }
0xbb: {  	s0 =	sor.u32 s1, s0  }
0xbc: {  	s0 =	sadd.s32 $0x8F2B, s0  }
0xbd: {  	[sflag:s0] =	ssyncadd.remote.s32 $0x1  }
0xbe: {  	_ =	sfence.sel $0xFFFF  }
0xbf: {  	[dreg:$0x0] =	wrdreg $0xFFFFFFFF;
	(pc) =	sbr.abs _section_cstart, $3  }
0xc0: {  	[dreg:$0x1] =	wrdreg $0xFFFFFFFF  }
0xc1: {  	_ =	task.clear_ibuf [dreg:s7], $0x2FFFF;
	_ =	strace $0x9FFFFFFF  }
0xc2: {  	(tm) =	ssettm $0x7FFFFFFF  }
0xc3: {  	_ =	shalt  }
tec
execute0_lowered:
.L_overlay_start_1:
0x0: {  	(tag) =	ssettag $0x1  }
0x1: {  	s0 =	srdreg.scid;
	s2 =	stileid.u32  }
0x2: {  	s1 =	sand.u32 $0x1, s0;
	s21 =	sshll.u32 s2, $0x1  }
0x3: {  	s0 =	sor.u32 s1, s21  }
0x4: {  	s3 =	smul.u32 $0x1900, s0;
	_ =	sdelay $0x1  }
0x5: {  	s26 =	simm.s32 $0x0;
	s2 =	rddreg [dreg:$0x0];
	s3 =	sshrl.u32 s3, $0x3  }
0x6: {  	[smem:$0x7FF] =	sst s26;
	s3 =	sadd.s32 s3, s2  }
0x7: {  	s4 =	rddreg [dreg:$0x1];
	_ =	strace $0x80000047;
	s5 =	sadd.s32 $0x4000, s3  }
0x8: {  	s0 =	smul.u32 $0x1F4000, s0;
	s22 =	sadd.s32 $0xA400, s3;
	[dreg:$0x3] =	wrdreg s5  }
0x9: {  	s23 =	sadd.s32 $0x10800, s3;
	[dreg:$0x4] =	wrdreg s22  }
0xa: {  	s0 =	sshrl.u32 s0, $0x3;
	s24 =	sadd.s32 $0x16C00, s3;
	[dreg:$0x5] =	wrdreg s23  }
0xb: {  	s28 =	sadd.s32 s4, s0;
	s3 =	sadd.s32 $0x1D000, s3;
	[dreg:$0x6] =	wrdreg s24  }
0xc: {  	s0 =	sadd.s32 $0x6400, s28;
	[dreg:$0x7] =	wrdreg s3  }
0xd: {  	s25 =	sadd.s32 $0xC800, s28;
	[dreg:$0x8] =	wrdreg s0  }
0xe: {  	s4 =	sadd.s32 $0x19000, s28;
	[dreg:$0x9] =	wrdreg s25  }
0xf: {  	s6 =	sadd.s32 $0x25800, s28;
	[dreg:$0xb] =	wrdreg s4  }
0x10: {  	s7 =	sadd.s32 $0x2BC00, s28;
	[dreg:$0xd] =	wrdreg s6  }
0x11: {  	s8 =	sadd.s32 $0x32000, s28;
	[dreg:$0xe] =	wrdreg s7  }
0x12: {  	s9 =	sadd.s32 $0x38400, s28;
	[dreg:$0xf] =	wrdreg s8  }
0x13: {  	s10 =	sadd.s32 $0x8, s28;
	[dreg:$0x10] =	wrdreg s9  }
0x14: {  	s11 =	sadd.s32 $0x6408, s28;
	[dreg:$0x11] =	wrdreg s10  }
0x15: {  	s12 =	sadd.s32 $0xC808, s28;
	[dreg:$0x12] =	wrdreg s11  }
0x16: {  	s13 =	sadd.s32 $0x12C08, s28;
	[dreg:$0x13] =	wrdreg s12  }
0x17: {  	s14 =	sadd.s32 $0x19008, s28;
	[dreg:$0x14] =	wrdreg s13  }
0x18: {  	s15 =	sadd.s32 $0x1F408, s28;
	[dreg:$0x15] =	wrdreg s14  }
0x19: {  	s16 =	sadd.s32 $0x25808, s28;
	[dreg:$0x16] =	wrdreg s15  }
0x1a: {  	s17 =	sadd.s32 $0x2BC08, s28;
	[dreg:$0x17] =	wrdreg s16  }
0x1b: {  	s18 =	sadd.s32 $0x32008, s28;
	[dreg:$0x18] =	wrdreg s17  }
0x1c: {  	s19 =	sadd.s32 $0x38408, s28;
	[dreg:$0x19] =	wrdreg s18  }
0x1d: {  	s20 =	sadd.s32 $0x10, s28;
	[dreg:$0x1a] =	wrdreg s19  }
0x1e: {  	s21 =	sadd.s32 $0x6410, s28;
	[dreg:$0x1b] =	wrdreg s20  }
0x1f: {  	s3 =	sadd.s32 $0x12C00, s28;
	[dreg:$0x1c] =	wrdreg s21  }
0x20: {  	s5 =	sadd.s32 $0x1F400, s28;
	[dreg:$0xa] =	wrdreg s3  }
0x21: {  	s22 =	sadd.s32 $0xC810, s28;
	[dreg:$0xc] =	wrdreg s5  }
0x22: {  	s23 =	sadd.s32 $0x12C10, s28;
	[dreg:$0x1d] =	wrdreg s22  }
0x23: {  	s24 =	sadd.s32 $0x19010, s28;
	[dreg:$0x1e] =	wrdreg s23  }
0x24: {  	s25 =	sadd.s32 $0x1F410, s28;
	[dreg:$0x1f] =	wrdreg s24  }
0x25: {  	s4 =	sadd.s32 $0x2BC10, s28;
	[smem:$0x7C1] =	sst s25  }
0x26: {  	s6 =	sadd.s32 $0x38410, s28;
	[smem:$0x7C3] =	sst s4  }
0x27: {  	s7 =	sadd.s32 $0x18, s28;
	[smem:$0x7C5] =	sst s6  }
0x28: {  	s8 =	sadd.s32 $0x6418, s28;
	[smem:$0x7C6] =	sst s7  }
0x29: {  	s9 =	sadd.s32 $0xC818, s28;
	[smem:$0x7C7] =	sst s8  }
0x2a: {  	s10 =	sadd.s32 $0x12C18, s28;
	[smem:$0x7C8] =	sst s9  }
0x2b: {  	s11 =	sadd.s32 $0x19018, s28;
	[smem:$0x7C9] =	sst s10  }
0x2c: {  	s12 =	sadd.s32 $0x1F418, s28;
	[smem:$0x7CA] =	sst s11  }
0x2d: {  	s13 =	sadd.s32 $0x25818, s28;
	[smem:$0x7CB] =	sst s12  }
0x2e: {  	s14 =	sadd.s32 $0x2BC18, s28;
	[smem:$0x7CC] =	sst s13  }
0x2f: {  	s15 =	sadd.s32 $0x32018, s28;
	[smem:$0x7CD] =	sst s14  }
0x30: {  	s16 =	sadd.s32 $0x38418, s28;
	[smem:$0x7CE] =	sst s15  }
0x31: {  	s17 =	sadd.s32 $0x20, s28;
	[smem:$0x7CF] =	sst s16  }
0x32: {  	s18 =	sadd.s32 $0x6420, s28;
	[smem:$0x7D0] =	sst s17  }
0x33: {  	s19 =	sadd.s32 $0xC820, s28;
	[smem:$0x7D1] =	sst s18  }
0x34: {  	s20 =	sadd.s32 $0x12C20, s28;
	[smem:$0x7D2] =	sst s19  }
0x35: {  	s21 =	sadd.s32 $0x19020, s28;
	[smem:$0x7D3] =	sst s20  }
0x36: {  	[smem:$0x7D4] =	sst s21  }
0x37: {  	s3 =	sadd.s32 $0x25810, s28;
	s0 =	rddreg [dreg:$0x3]  }
0x38: {  	s5 =	sadd.s32 $0x32010, s28;
	[smem:$0x7C2] =	sst s3  }
0x39: {  	s22 =	sadd.s32 $0x1F420, s28;
	[smem:$0x7C4] =	sst s5  }
0x3a: {  	s23 =	sadd.s32 $0x25820, s28;
	[smem:$0x7D5] =	sst s22  }
0x3b: {  	s24 =	sadd.s32 $0x2BC20, s28;
	[smem:$0x7D6] =	sst s23  }
0x3c: {  	s25 =	sadd.s32 $0x32020, s28;
	[smem:$0x7D7] =	sst s24  }
0x3d: {  	s4 =	simm.s32 $0x500;
	[smem:$0x7D8] =	sst s25  }
0x3e: {  	s6 =	simm.s32 $0xA00;
	[smem:$0x7DA] =	sst s4  }
0x3f: {  	s7 =	simm.s32 $0xC80;
	[smem:$0x7DC] =	sst s6  }
0x40: {  	s8 =	simm.s32 $0xF00;
	[smem:$0x7DD] =	sst s7  }
0x41: {  	s9 =	simm.s32 $0x1180;
	[smem:$0x7DE] =	sst s8  }
0x42: {  	s10 =	simm.s32 $0x1400;
	[smem:$0x7DF] =	sst s9  }
0x43: {  	s11 =	simm.s32 $0x1680;
	[smem:$0x7E0] =	sst s10  }
0x44: {  	s12 =	simm.s32 $0x1B80;
	[smem:$0x7E1] =	sst s11  }
0x45: {  	s13 =	simm.s32 $0x1E00;
	[smem:$0x7E2] =	sst s12  }
0x46: {  	s14 =	simm.s32 $0x2080;
	[smem:$0x7E3] =	sst s13  }
0x47: {  	s15 =	simm.s32 $0x2300;
	[smem:$0x7E4] =	sst s14  }
0x48: {  	s16 =	simm.s32 $0x2580;
	[smem:$0x7E5] =	sst s15  }
0x49: {  	s17 =	simm.s32 $0x2800;
	[smem:$0x7E6] =	sst s16  }
0x4a: {  	s31 =	simm.s32 $0x5;
	s18 =	simm.s32 $0x2A80;
	[smem:$0x7E7] =	sst s17  }
0x4b: {  	s30 =	simm.s32 $0x1900;
	s19 =	simm.s32 $0x2D00;
	[smem:$0x7E8] =	sst s18  }
0x4c: {  	p0 =	por $0x0, $0x0;
	s20 =	simm.s32 $0x2F80;
	[smem:$0x7E9] =	sst s19  }
0x4d: {  	s29 =	sadd.s32 $0x23400, s2;
	s21 =	simm.s32 $0x3480;
	[smem:$0x7EA] =	sst s20  }
0x4e: {  	s1 =	ssub.s32 $0x2, s1;
	s3 =	sadd.s32 $0x38420, s28;
	[smem:$0x7EB] =	sst s21  }
0x4f: {  	s5 =	simm.s32 $0x780;
	s24 =	sadd.s32 $0xE6A00, s2;
	[smem:$0x7D9] =	sst s3  }
0x50: {  	s22 =	sadd.s32 $0x1AA000, s2;
	s23 =	simm.s32 $0x3700;
	[smem:$0x7DB] =	sst s5  }
0x51: {  	s15 =	sadd.s32 $0x26D600, s2;
	s25 =	simm.s32 $0x3980;
	[smem:$0x7EC] =	sst s23  }
0x52: {  	s2 =	sadd.s32 $0x330C00, s2;
	s6 =	simm.s32 $0x4100;
	[smem:$0x7ED] =	sst s25  }
0x53: {  	s4 =	sshrl.u32 s1, $0x1;
	s7 =	simm.s32 $0x4380;
	[smem:$0x7F0] =	sst s6  }
0x54: {  	s8 =	simm.s32 $0x4600;
	s9 =	simm.s32 $0x4880;
	[smem:$0x7F1] =	sst s7  }
0x55: {  	s10 =	simm.s32 $0x4D80;
	s11 =	simm.s32 $0x5000;
	[smem:$0x7F2] =	sst s8  }
0x56: {  	s19 =	simm.s32 $0x6400;
	s12 =	simm.s32 $0x5280;
	[smem:$0x7F3] =	sst s9  }
0x57: {  	s13 =	simm.s32 $0x5500;
	s14 =	simm.s32 $0x5780;
	[smem:$0x7F4] =	sst s10  }
0x58: {  	s16 =	simm.s32 $0x5A00;
	s17 =	simm.s32 $0x5C80;
	[smem:$0x7F5] =	sst s11  }
0x59: {  	s18 =	simm.s32 $0x5F00;
	s20 =	simm.s32 $0x6180;
	[smem:$0x7F6] =	sst s12  }
0x5a: {  	s21 =	simm.s32 $0x6680;
	s3 =	simm.s32 $0x3C00;
	[smem:$0x7F7] =	sst s13  }
0x5b: {  	s5 =	simm.s32 $0x3E80;
	s1 =	ssub.s32 s1, s4;
	[smem:$0x7F8] =	sst s14  }
0x5c: {  	s25 =	simm.s32 $0x3200;
	s23 =	simm.s32 $0x4B00;
	[smem:$0x7F9] =	sst s16  }
0x5d: {  	s4 =	simm.s32 $0x7D00;
	s7 =	simm.s32 $0x1;
	[smem:$0x7FA] =	sst s17  }
0x5e: {  	s6 =	simm.s32 $0x40;
	s8 =	simm.s32 $0x140;
	[smem:$0x7FB] =	sst s18  }
0x5f: {  	s9 =	simm.s32 $0x3;
	[smem:$0x7FC] =	sst s20;
	s1 =	smax.u32 s1, $0x1  }
0x60: {  	s11 =	simm.s32 $0x2;
	s10 =	simm.s32 $0x4;
	p1 =	sne.s32 s1, $0x1  }
.Ltmp0:
0x61: {  	[smem:$0x7FD] =	sst s21;
	s21 =	simm.s32 $0x6900;
	(pc) =	sbr.rel @!p1 .LBB2_3-.Ltmp0, $4  }
0x62: {  	s20 =	simm.s32 $0x6B80;
	s18 =	simm.s32 $0x6E00;
	s17 =	simm.s32 $0x7080  }
0x63: {  	s16 =	simm.s32 $0x7300;
	s14 =	simm.s32 $0x7580;
	[smem:$0x7EE] =	sst s3  }
0x64: {  	s13 =	simm.s32 $0x7800;
	s12 =	simm.s32 $0x7A80;
	[smem:$0x7EF] =	sst s5  }
0x65: {  	s5 =	simm.s32 $0x280;
	s3 =	simm.s32 $0x11D00;
	s1 =	sadd.s32 $0xFFFFFFFF, s1  }
0x66: {  	[tilespmem:s26], [sflag:$0x5] =	stream.linear.gather [hbm4b:s0+s26], $0x1900, $0x38;
	[tilespmem:$0x1BD00] =	vst v63  }
0x67: {  	_ =	swait.ge [sflag:s31], $0x1900  }
0x68: {  	[sflag:s31] =	ssyncset.done $0x0  }
0x69: {  	s0 =	rddreg [dreg:$0x4];
	[sflag:s31] =	ssyncadd.s32 $0xFFFFE700  }
0x6a: {  	[tilespmem:s30], [sflag:$0x5] =	stream.linear.gather [hbm4b:s0+s26], $0x1900, $0x38;
	[tilespmem:$0x1BD00] =	vst v63  }
0x6b: {  	_ =	swait.ge [sflag:s31], $0x1900  }
0x6c: {  	[sflag:s31] =	ssyncset.done $0x0  }
0x6d: {  	s0 =	rddreg [dreg:$0x5];
	[sflag:s31] =	ssyncadd.s32 $0xFFFFE700  }
0x6e: {  	[tilespmem:s25], [sflag:$0x5] =	stream.linear.gather [hbm4b:s0+s26], $0x1900, $0x38;
	[tilespmem:$0x1BD00] =	vst v63  }
0x6f: {  	_ =	swait.ge [sflag:s31], $0x1900  }
0x70: {  	[sflag:s31] =	ssyncset.done $0x0  }
0x71: {  	s0 =	rddreg [dreg:$0x6];
	[sflag:s31] =	ssyncadd.s32 $0xFFFFE700  }
0x72: {  	[tilespmem:s23], [sflag:$0x5] =	stream.linear.gather [hbm4b:s0+s26], $0x1900, $0x38;
	[tilespmem:$0x1BD00] =	vst v63  }
0x73: {  	_ =	swait.ge [sflag:s31], $0x1900  }
0x74: {  	[sflag:s31] =	ssyncset.done $0x0  }
0x75: {  	s0 =	rddreg [dreg:$0x7];
	[sflag:s31] =	ssyncadd.s32 $0xFFFFE700  }
0x76: {  	[tilespmem:s19], [sflag:$0x5] =	stream.linear.gather [hbm4b:s0+s26], $0x1900, $0x38;
	[tilespmem:$0x1BD00] =	vst v63  }
0x77: {  	_ =	swait.ge [sflag:s31], $0x1900  }
0x78: {  	[sflag:s31] =	ssyncset.done $0x0  }
0x79: {  	[sflag:s31] =	ssyncadd.s32 $0xFFFFE700  }
0x7a: {  	[tilespmem:s4], [sflag:$0x1] =	stream.indirect.gather [hbm4b:s29+s5], $0x40, s26, s5, $0xb8;
	[tilespmem:$0x1BD00] =	vst v63  }
0x7b: {  	_ = 	snop  }
0x7c: {  	[tilespmem:s3], [sflag:$0x2] =	stream.indirect.gather [hbm4b:s29+s5], $0x40, s5, s5, $0xb8;
	[tilespmem:$0x1BD00] =	vst v63  }
0x7d: {  	_ =	swait.ge [sflag:s7], $0xA000  }
0x7e: {  	[sflag:s7] =	ssyncset.done $0x0  }
0x7f: {  	[sflag:s7] =	ssyncadd.s32 $0xFFFF6000  }
0x80: {  	[hbm4b:s28+s6] =	stream.strided.scatter [tilespmem:s4], [sflag:$0x3], $0xA000, s8, s6, $0x38;
	[tilespmem:$0x1BD00] =	vst v63  }
0x81: {  	_ =	swait.ge [sflag:s9], $0xA000  }
0x82: {  	s0 =	sld [smem:$0x7DA]  }
0x83: {  	[sflag:s9] =	ssyncset.done $0x0  }
0x84: {  	[sflag:s9] =	ssyncadd.s32 $0xFFFF6000  }
0x85: {  	[tilespmem:s4], [sflag:$0x1] =	stream.indirect.gather [hbm4b:s29+s5], $0x40, s0, s5, $0xb8;
	[tilespmem:$0x1BD00] =	vst v63  }
0x86: {  	_ =	swait.ge [sflag:s11], $0xA000  }
0x87: {  	[sflag:s11] =	ssyncset.done $0x0  }
0x88: {  	s0 =	rddreg [dreg:$0x8];
	[sflag:s11] =	ssyncadd.s32 $0xFFFF6000  }
0x89: {  	[hbm4b:s0+s6] =	stream.strided.scatter [tilespmem:s3], [sflag:$0x4], $0xA000, s8, s6, $0x38;
	[tilespmem:$0x1BD00] =	vst v63  }
0x8a: {  	_ =	swait.ge [sflag:s10], $0xA000  }
0x8b: {  	s0 =	sld [smem:$0x7DB]  }
0x8c: {  	[sflag:s10] =	ssyncset.done $0x0  }
0x8d: {  	[sflag:s10] =	ssyncadd.s32 $0xFFFF6000  }
0x8e: {  	[tilespmem:s3], [sflag:$0x2] =	stream.indirect.gather [hbm4b:s29+s5], $0x40, s0, s5, $0xb8;
	[tilespmem:$0x1BD00] =	vst v63  }
0x8f: {  	_ =	swait.ge [sflag:s7], $0xA000  }
0x90: {  	[sflag:s7] =	ssyncset.done $0x0  }
0x91: {  	s0 =	rddreg [dreg:$0x9];
	[sflag:s7] =	ssyncadd.s32 $0xFFFF6000  }
0x92: {  	[hbm4b:s0+s6] =	stream.strided.scatter [tilespmem:s4], [sflag:$0x3], $0xA000, s8, s6, $0x38;
	[tilespmem:$0x1BD00] =	vst v63  }
0x93: {  	_ =	swait.ge [sflag:s9], $0xA000  }
0x94: {  	s0 =	sld [smem:$0x7DC]  }
0x95: {  	[sflag:s9] =	ssyncset.done $0x0  }
0x96: {  	[sflag:s9] =	ssyncadd.s32 $0xFFFF6000  }
0x97: {  	[tilespmem:s4], [sflag:$0x1] =	stream.indirect.gather [hbm4b:s29+s5], $0x40, s0, s5, $0xb8;
	[tilespmem:$0x1BD00] =	vst v63  }
0x98: {  	_ =	swait.ge [sflag:s11], $0xA000  }
0x99: {  	[sflag:s11] =	ssyncset.done $0x0  }
0x9a: {  	s0 =	rddreg [dreg:$0xa];
	[sflag:s11] =	ssyncadd.s32 $0xFFFF6000  }
0x9b: {  	[hbm4b:s0+s6] =	stream.strided.scatter [tilespmem:s3], [sflag:$0x4], $0xA000, s8, s6, $0x38;
	[tilespmem:$0x1BD00] =	vst v63  }
0x9c: {  	_ =	swait.ge [sflag:s10], $0xA000  }
0x9d: {  	s0 =	sld [smem:$0x7DD]  }
0x9e: {  	[sflag:s10] =	ssyncset.done $0x0  }
0x9f: {  	[sflag:s10] =	ssyncadd.s32 $0xFFFF6000  }
0xa0: {  	[tilespmem:s3], [sflag:$0x2] =	stream.indirect.gather [hbm4b:s29+s5], $0x40, s0, s5, $0xb8;
	[tilespmem:$0x1BD00] =	vst v63  }
0xa1: {  	_ =	swait.ge [sflag:s7], $0xA000  }
0xa2: {  	[sflag:s7] =	ssyncset.done $0x0  }
0xa3: {  	s0 =	rddreg [dreg:$0xb];
	[sflag:s7] =	ssyncadd.s32 $0xFFFF6000  }
0xa4: {  	[hbm4b:s0+s6] =	stream.strided.scatter [tilespmem:s4], [sflag:$0x3], $0xA000, s8, s6, $0x38;
	[tilespmem:$0x1BD00] =	vst v63  }
0xa5: {  	_ =	swait.ge [sflag:s9], $0xA000  }
0xa6: {  	s0 =	sld [smem:$0x7DE]  }
0xa7: {  	[sflag:s9] =	ssyncset.done $0x0  }
0xa8: {  	[sflag:s9] =	ssyncadd.s32 $0xFFFF6000  }
0xa9: {  	[tilespmem:s4], [sflag:$0x1] =	stream.indirect.gather [hbm4b:s29+s5], $0x40, s0, s5, $0xb8;
	[tilespmem:$0x1BD00] =	vst v63  }
0xaa: {  	_ =	swait.ge [sflag:s11], $0xA000  }
0xab: {  	[sflag:s11] =	ssyncset.done $0x0  }
0xac: {  	s0 =	rddreg [dreg:$0xc];
	[sflag:s11] =	ssyncadd.s32 $0xFFFF6000  }
0xad: {  	[hbm4b:s0+s6] =	stream.strided.scatter [tilespmem:s3], [sflag:$0x4], $0xA000, s8, s6, $0x38;
	[tilespmem:$0x1BD00] =	vst v63  }
0xae: {  	_ =	swait.ge [sflag:s10], $0xA000  }
0xaf: {  	s0 =	sld [smem:$0x7DF]  }
0xb0: {  	[sflag:s10] =	ssyncset.done $0x0  }
0xb1: {  	[sflag:s10] =	ssyncadd.s32 $0xFFFF6000  }
0xb2: {  	[tilespmem:s3], [sflag:$0x2] =	stream.indirect.gather [hbm4b:s29+s5], $0x40, s0, s5, $0xb8;
	[tilespmem:$0x1BD00] =	vst v63  }
0xb3: {  	_ =	swait.ge [sflag:s7], $0xA000  }
0xb4: {  	[sflag:s7] =	ssyncset.done $0x0  }
0xb5: {  	s0 =	rddreg [dreg:$0xd];
	[sflag:s7] =	ssyncadd.s32 $0xFFFF6000  }
0xb6: {  	[hbm4b:s0+s6] =	stream.strided.scatter [tilespmem:s4], [sflag:$0x3], $0xA000, s8, s6, $0x38;
	[tilespmem:$0x1BD00] =	vst v63  }
0xb7: {  	_ =	swait.ge [sflag:s9], $0xA000  }
0xb8: {  	s0 =	sld [smem:$0x7E0]  }
0xb9: {  	[sflag:s9] =	ssyncset.done $0x0  }
0xba: {  	[sflag:s9] =	ssyncadd.s32 $0xFFFF6000  }
0xbb: {  	[tilespmem:s4], [sflag:$0x1] =	stream.indirect.gather [hbm4b:s29+s5], $0x40, s0, s5, $0xb8;
	[tilespmem:$0x1BD00] =	vst v63  }
0xbc: {  	_ =	swait.ge [sflag:s11], $0xA000  }
0xbd: {  	[sflag:s11] =	ssyncset.done $0x0  }
0xbe: {  	s0 =	rddreg [dreg:$0xe];
	[sflag:s11] =	ssyncadd.s32 $0xFFFF6000  }
0xbf: {  	[hbm4b:s0+s6] =	stream.strided.scatter [tilespmem:s3], [sflag:$0x4], $0xA000, s8, s6, $0x38;
	[tilespmem:$0x1BD00] =	vst v63  }
0xc0: {  	_ =	swait.ge [sflag:s10], $0xA000  }
0xc1: {  	s0 =	sld [smem:$0x7E1]  }
0xc2: {  	[sflag:s10] =	ssyncset.done $0x0  }
0xc3: {  	[sflag:s10] =	ssyncadd.s32 $0xFFFF6000  }
0xc4: {  	[tilespmem:s3], [sflag:$0x2] =	stream.indirect.gather [hbm4b:s29+s5], $0x40, s0, s5, $0xb8;
	[tilespmem:$0x1BD00] =	vst v63  }
0xc5: {  	_ =	swait.ge [sflag:s7], $0xA000  }
0xc6: {  	[sflag:s7] =	ssyncset.done $0x0  }
0xc7: {  	s0 =	rddreg [dreg:$0xf];
	[sflag:s7] =	ssyncadd.s32 $0xFFFF6000  }
0xc8: {  	[hbm4b:s0+s6] =	stream.strided.scatter [tilespmem:s4], [sflag:$0x3], $0xA000, s8, s6, $0x38;
	[tilespmem:$0x1BD00] =	vst v63  }
0xc9: {  	_ =	swait.ge [sflag:s9], $0xA000  }
0xca: {  	[sflag:s9] =	ssyncset.done $0x0  }
0xcb: {  	[sflag:s9] =	ssyncadd.s32 $0xFFFF6000  }
0xcc: {  	[tilespmem:s4], [sflag:$0x1] =	stream.indirect.gather [hbm4b:s24+s5], $0x40, s30, s5, $0xb8;
	[tilespmem:$0x1BD00] =	vst v63  }
0xcd: {  	_ =	swait.ge [sflag:s11], $0xA000  }
0xce: {  	[sflag:s11] =	ssyncset.done $0x0  }
0xcf: {  	s0 =	rddreg [dreg:$0x10];
	[sflag:s11] =	ssyncadd.s32 $0xFFFF6000  }
0xd0: {  	[hbm4b:s0+s6] =	stream.strided.scatter [tilespmem:s3], [sflag:$0x4], $0xA000, s8, s6, $0x38;
	[tilespmem:$0x1BD00] =	vst v63  }
0xd1: {  	_ =	swait.ge [sflag:s10], $0xA000  }
0xd2: {  	s0 =	sld [smem:$0x7E2]  }
0xd3: {  	[sflag:s10] =	ssyncset.done $0x0  }
0xd4: {  	[sflag:s10] =	ssyncadd.s32 $0xFFFF6000  }
0xd5: {  	[tilespmem:s3], [sflag:$0x2] =	stream.indirect.gather [hbm4b:s24+s5], $0x40, s0, s5, $0xb8;
	[tilespmem:$0x1BD00] =	vst v63  }
0xd6: {  	_ =	swait.ge [sflag:s7], $0xA000  }
0xd7: {  	[sflag:s7] =	ssyncset.done $0x0  }
0xd8: {  	s0 =	rddreg [dreg:$0x11];
	[sflag:s7] =	ssyncadd.s32 $0xFFFF6000  }
0xd9: {  	[hbm4b:s0+s6] =	stream.strided.scatter [tilespmem:s4], [sflag:$0x3], $0xA000, s8, s6, $0x38;
	[tilespmem:$0x1BD00] =	vst v63  }
0xda: {  	_ =	swait.ge [sflag:s9], $0xA000  }
0xdb: {  	s0 =	sld [smem:$0x7E3]  }
0xdc: {  	[sflag:s9] =	ssyncset.done $0x0  }
0xdd: {  	[sflag:s9] =	ssyncadd.s32 $0xFFFF6000  }
0xde: {  	[tilespmem:s4], [sflag:$0x1] =	stream.indirect.gather [hbm4b:s24+s5], $0x40, s0, s5, $0xb8;
	[tilespmem:$0x1BD00] =	vst v63  }
0xdf: {  	_ =	swait.ge [sflag:s11], $0xA000  }
0xe0: {  	[sflag:s11] =	ssyncset.done $0x0  }
0xe1: {  	s0 =	rddreg [dreg:$0x12];
	[sflag:s11] =	ssyncadd.s32 $0xFFFF6000  }
0xe2: {  	[hbm4b:s0+s6] =	stream.strided.scatter [tilespmem:s3], [sflag:$0x4], $0xA000, s8, s6, $0x38;
	[tilespmem:$0x1BD00] =	vst v63  }
0xe3: {  	_ =	swait.ge [sflag:s10], $0xA000  }
0xe4: {  	s0 =	sld [smem:$0x7E4]  }
0xe5: {  	[sflag:s10] =	ssyncset.done $0x0  }
0xe6: {  	[sflag:s10] =	ssyncadd.s32 $0xFFFF6000  }
0xe7: {  	[tilespmem:s3], [sflag:$0x2] =	stream.indirect.gather [hbm4b:s24+s5], $0x40, s0, s5, $0xb8;
	[tilespmem:$0x1BD00] =	vst v63  }
0xe8: {  	_ =	swait.ge [sflag:s7], $0xA000  }
0xe9: {  	[sflag:s7] =	ssyncset.done $0x0  }
0xea: {  	s0 =	rddreg [dreg:$0x13];
	[sflag:s7] =	ssyncadd.s32 $0xFFFF6000  }
0xeb: {  	[hbm4b:s0+s6] =	stream.strided.scatter [tilespmem:s4], [sflag:$0x3], $0xA000, s8, s6, $0x38;
	[tilespmem:$0x1BD00] =	vst v63  }
0xec: {  	_ =	swait.ge [sflag:s9], $0xA000  }
0xed: {  	s0 =	sld [smem:$0x7E5]  }
0xee: {  	[sflag:s9] =	ssyncset.done $0x0  }
0xef: {  	[sflag:s9] =	ssyncadd.s32 $0xFFFF6000  }
0xf0: {  	[tilespmem:s4], [sflag:$0x1] =	stream.indirect.gather [hbm4b:s24+s5], $0x40, s0, s5, $0xb8;
	[tilespmem:$0x1BD00] =	vst v63  }
0xf1: {  	_ =	swait.ge [sflag:s11], $0xA000  }
0xf2: {  	[sflag:s11] =	ssyncset.done $0x0  }
0xf3: {  	s0 =	rddreg [dreg:$0x14];
	[sflag:s11] =	ssyncadd.s32 $0xFFFF6000  }
0xf4: {  	[hbm4b:s0+s6] =	stream.strided.scatter [tilespmem:s3], [sflag:$0x4], $0xA000, s8, s6, $0x38;
	[tilespmem:$0x1BD00] =	vst v63  }
0xf5: {  	_ =	swait.ge [sflag:s10], $0xA000  }
0xf6: {  	s0 =	sld [smem:$0x7E6]  }
0xf7: {  	[sflag:s10] =	ssyncset.done $0x0  }
0xf8: {  	[sflag:s10] =	ssyncadd.s32 $0xFFFF6000  }
0xf9: {  	[tilespmem:s3], [sflag:$0x2] =	stream.indirect.gather [hbm4b:s24+s5], $0x40, s0, s5, $0xb8;
	[tilespmem:$0x1BD00] =	vst v63  }
0xfa: {  	_ =	swait.ge [sflag:s7], $0xA000  }
0xfb: {  	[sflag:s7] =	ssyncset.done $0x0  }
0xfc: {  	s0 =	rddreg [dreg:$0x15];
	[sflag:s7] =	ssyncadd.s32 $0xFFFF6000  }
0xfd: {  	[hbm4b:s0+s6] =	stream.strided.scatter [tilespmem:s4], [sflag:$0x3], $0xA000, s8, s6, $0x38;
	[tilespmem:$0x1BD00] =	vst v63  }
0xfe: {  	_ =	swait.ge [sflag:s9], $0xA000  }
0xff: {  	s0 =	sld [smem:$0x7E7]  }
0x100: {  	[sflag:s9] =	ssyncset.done $0x0  }
0x101: {  	[sflag:s9] =	ssyncadd.s32 $0xFFFF6000  }
0x102: {  	[tilespmem:s4], [sflag:$0x1] =	stream.indirect.gather [hbm4b:s24+s5], $0x40, s0, s5, $0xb8;
	[tilespmem:$0x1BD00] =	vst v63  }
0x103: {  	_ =	swait.ge [sflag:s11], $0xA000  }
0x104: {  	[sflag:s11] =	ssyncset.done $0x0  }
0x105: {  	s0 =	rddreg [dreg:$0x16];
	[sflag:s11] =	ssyncadd.s32 $0xFFFF6000  }
0x106: {  	[hbm4b:s0+s6] =	stream.strided.scatter [tilespmem:s3], [sflag:$0x4], $0xA000, s8, s6, $0x38;
	[tilespmem:$0x1BD00] =	vst v63  }
0x107: {  	_ =	swait.ge [sflag:s10], $0xA000  }
0x108: {  	s0 =	sld [smem:$0x7E8]  }
0x109: {  	[sflag:s10] =	ssyncset.done $0x0  }
0x10a: {  	[sflag:s10] =	ssyncadd.s32 $0xFFFF6000  }
0x10b: {  	[tilespmem:s3], [sflag:$0x2] =	stream.indirect.gather [hbm4b:s24+s5], $0x40, s0, s5, $0xb8;
	[tilespmem:$0x1BD00] =	vst v63  }
0x10c: {  	_ =	swait.ge [sflag:s7], $0xA000  }
0x10d: {  	[sflag:s7] =	ssyncset.done $0x0  }
0x10e: {  	s0 =	rddreg [dreg:$0x17];
	[sflag:s7] =	ssyncadd.s32 $0xFFFF6000  }
0x10f: {  	[hbm4b:s0+s6] =	stream.strided.scatter [tilespmem:s4], [sflag:$0x3], $0xA000, s8, s6, $0x38;
	[tilespmem:$0x1BD00] =	vst v63  }
0x110: {  	_ =	swait.ge [sflag:s9], $0xA000  }
0x111: {  	s0 =	sld [smem:$0x7E9]  }
0x112: {  	[sflag:s9] =	ssyncset.done $0x0  }
0x113: {  	[sflag:s9] =	ssyncadd.s32 $0xFFFF6000  }
0x114: {  	[tilespmem:s4], [sflag:$0x1] =	stream.indirect.gather [hbm4b:s24+s5], $0x40, s0, s5, $0xb8;
	[tilespmem:$0x1BD00] =	vst v63  }
0x115: {  	_ =	swait.ge [sflag:s11], $0xA000  }
0x116: {  	[sflag:s11] =	ssyncset.done $0x0  }
0x117: {  	s0 =	rddreg [dreg:$0x18];
	[sflag:s11] =	ssyncadd.s32 $0xFFFF6000  }
0x118: {  	[hbm4b:s0+s6] =	stream.strided.scatter [tilespmem:s3], [sflag:$0x4], $0xA000, s8, s6, $0x38;
	[tilespmem:$0x1BD00] =	vst v63  }
0x119: {  	_ =	swait.ge [sflag:s10], $0xA000  }
0x11a: {  	s0 =	sld [smem:$0x7EA]  }
0x11b: {  	[sflag:s10] =	ssyncset.done $0x0  }
0x11c: {  	[sflag:s10] =	ssyncadd.s32 $0xFFFF6000  }
0x11d: {  	[tilespmem:s3], [sflag:$0x2] =	stream.indirect.gather [hbm4b:s24+s5], $0x40, s0, s5, $0xb8;
	[tilespmem:$0x1BD00] =	vst v63  }
0x11e: {  	_ =	swait.ge [sflag:s7], $0xA000  }
0x11f: {  	[sflag:s7] =	ssyncset.done $0x0  }
0x120: {  	s0 =	rddreg [dreg:$0x19];
	[sflag:s7] =	ssyncadd.s32 $0xFFFF6000  }
0x121: {  	[hbm4b:s0+s6] =	stream.strided.scatter [tilespmem:s4], [sflag:$0x3], $0xA000, s8, s6, $0x38;
	[tilespmem:$0x1BD00] =	vst v63  }
0x122: {  	_ =	swait.ge [sflag:s9], $0xA000  }
0x123: {  	[sflag:s9] =	ssyncset.done $0x0  }
0x124: {  	[sflag:s9] =	ssyncadd.s32 $0xFFFF6000  }
0x125: {  	[tilespmem:s4], [sflag:$0x1] =	stream.indirect.gather [hbm4b:s22+s5], $0x40, s25, s5, $0xb8;
	[tilespmem:$0x1BD00] =	vst v63  }
0x126: {  	_ =	swait.ge [sflag:s11], $0xA000  }
0x127: {  	[sflag:s11] =	ssyncset.done $0x0  }
0x128: {  	s0 =	rddreg [dreg:$0x1a];
	[sflag:s11] =	ssyncadd.s32 $0xFFFF6000  }
0x129: {  	[hbm4b:s0+s6] =	stream.strided.scatter [tilespmem:s3], [sflag:$0x4], $0xA000, s8, s6, $0x38;
	[tilespmem:$0x1BD00] =	vst v63  }
0x12a: {  	_ =	swait.ge [sflag:s10], $0xA000  }
0x12b: {  	s0 =	sld [smem:$0x7EB]  }
0x12c: {  	[sflag:s10] =	ssyncset.done $0x0  }
0x12d: {  	[sflag:s10] =	ssyncadd.s32 $0xFFFF6000  }
0x12e: {  	[tilespmem:s3], [sflag:$0x2] =	stream.indirect.gather [hbm4b:s22+s5], $0x40, s0, s5, $0xb8;
	[tilespmem:$0x1BD00] =	vst v63  }
0x12f: {  	_ =	swait.ge [sflag:s7], $0xA000  }
0x130: {  	[sflag:s7] =	ssyncset.done $0x0  }
0x131: {  	s0 =	rddreg [dreg:$0x1b];
	[sflag:s7] =	ssyncadd.s32 $0xFFFF6000  }
0x132: {  	[hbm4b:s0+s6] =	stream.strided.scatter [tilespmem:s4], [sflag:$0x3], $0xA000, s8, s6, $0x38;
	[tilespmem:$0x1BD00] =	vst v63  }
0x133: {  	_ =	swait.ge [sflag:s9], $0xA000  }
0x134: {  	s0 =	sld [smem:$0x7EC]  }
0x135: {  	[sflag:s9] =	ssyncset.done $0x0  }
0x136: {  	[sflag:s9] =	ssyncadd.s32 $0xFFFF6000  }
0x137: {  	[tilespmem:s4], [sflag:$0x1] =	stream.indirect.gather [hbm4b:s22+s5], $0x40, s0, s5, $0xb8;
	[tilespmem:$0x1BD00] =	vst v63  }
0x138: {  	_ =	swait.ge [sflag:s11], $0xA000  }
0x139: {  	[sflag:s11] =	ssyncset.done $0x0  }
0x13a: {  	s0 =	rddreg [dreg:$0x1c];
	[sflag:s11] =	ssyncadd.s32 $0xFFFF6000  }
0x13b: {  	[hbm4b:s0+s6] =	stream.strided.scatter [tilespmem:s3], [sflag:$0x4], $0xA000, s8, s6, $0x38;
	[tilespmem:$0x1BD00] =	vst v63  }
0x13c: {  	_ =	swait.ge [sflag:s10], $0xA000  }
0x13d: {  	s0 =	sld [smem:$0x7ED]  }
0x13e: {  	[sflag:s10] =	ssyncset.done $0x0  }
0x13f: {  	[sflag:s10] =	ssyncadd.s32 $0xFFFF6000  }
0x140: {  	[tilespmem:s3], [sflag:$0x2] =	stream.indirect.gather [hbm4b:s22+s5], $0x40, s0, s5, $0xb8;
	[tilespmem:$0x1BD00] =	vst v63  }
0x141: {  	_ =	swait.ge [sflag:s7], $0xA000  }
0x142: {  	[sflag:s7] =	ssyncset.done $0x0  }
0x143: {  	s0 =	rddreg [dreg:$0x1d];
	[sflag:s7] =	ssyncadd.s32 $0xFFFF6000  }
0x144: {  	[hbm4b:s0+s6] =	stream.strided.scatter [tilespmem:s4], [sflag:$0x3], $0xA000, s8, s6, $0x38;
	[tilespmem:$0x1BD00] =	vst v63  }
0x145: {  	_ =	swait.ge [sflag:s9], $0xA000  }
0x146: {  	s0 =	sld [smem:$0x7EE]  }
0x147: {  	[sflag:s9] =	ssyncset.done $0x0  }
0x148: {  	[sflag:s9] =	ssyncadd.s32 $0xFFFF6000  }
0x149: {  	[tilespmem:s4], [sflag:$0x1] =	stream.indirect.gather [hbm4b:s22+s5], $0x40, s0, s5, $0xb8;
	[tilespmem:$0x1BD00] =	vst v63  }
0x14a: {  	_ =	swait.ge [sflag:s11], $0xA000  }
0x14b: {  	[sflag:s11] =	ssyncset.done $0x0  }
0x14c: {  	s0 =	rddreg [dreg:$0x1e];
	[sflag:s11] =	ssyncadd.s32 $0xFFFF6000  }
0x14d: {  	[hbm4b:s0+s6] =	stream.strided.scatter [tilespmem:s3], [sflag:$0x4], $0xA000, s8, s6, $0x38;
	[tilespmem:$0x1BD00] =	vst v63  }
0x14e: {  	_ =	swait.ge [sflag:s10], $0xA000  }
0x14f: {  	s0 =	sld [smem:$0x7EF]  }
0x150: {  	[sflag:s10] =	ssyncset.done $0x0  }
0x151: {  	[sflag:s10] =	ssyncadd.s32 $0xFFFF6000  }
0x152: {  	[tilespmem:s3], [sflag:$0x2] =	stream.indirect.gather [hbm4b:s22+s5], $0x40, s0, s5, $0xb8;
	[tilespmem:$0x1BD00] =	vst v63  }
0x153: {  	_ =	swait.ge [sflag:s7], $0xA000  }
0x154: {  	[sflag:s7] =	ssyncset.done $0x0  }
0x155: {  	s0 =	rddreg [dreg:$0x1f];
	[sflag:s7] =	ssyncadd.s32 $0xFFFF6000  }
0x156: {  	[hbm4b:s0+s6] =	stream.strided.scatter [tilespmem:s4], [sflag:$0x3], $0xA000, s8, s6, $0x38;
	[tilespmem:$0x1BD00] =	vst v63  }
0x157: {  	_ =	swait.ge [sflag:s9], $0xA000  }
0x158: {  	s0 =	sld [smem:$0x7F0]  }
0x159: {  	[sflag:s9] =	ssyncset.done $0x0  }
0x15a: {  	[sflag:s9] =	ssyncadd.s32 $0xFFFF6000  }
0x15b: {  	[tilespmem:s4], [sflag:$0x1] =	stream.indirect.gather [hbm4b:s22+s5], $0x40, s0, s5, $0xb8;
	[tilespmem:$0x1BD00] =	vst v63  }
0x15c: {  	_ =	swait.ge [sflag:s11], $0xA000  }
0x15d: {  	s0 =	sld [smem:$0x7C1]  }
0x15e: {  	[sflag:s11] =	ssyncset.done $0x0  }
0x15f: {  	[sflag:s11] =	ssyncadd.s32 $0xFFFF6000  }
0x160: {  	[hbm4b:s0+s6] =	stream.strided.scatter [tilespmem:s3], [sflag:$0x4], $0xA000, s8, s6, $0x38;
	[tilespmem:$0x1BD00] =	vst v63  }
0x161: {  	_ =	swait.ge [sflag:s10], $0xA000  }
0x162: {  	s0 =	sld [smem:$0x7F1]  }
0x163: {  	[sflag:s10] =	ssyncset.done $0x0  }
0x164: {  	[sflag:s10] =	ssyncadd.s32 $0xFFFF6000  }
0x165: {  	[tilespmem:s3], [sflag:$0x2] =	stream.indirect.gather [hbm4b:s22+s5], $0x40, s0, s5, $0xb8;
	[tilespmem:$0x1BD00] =	vst v63  }
0x166: {  	_ =	swait.ge [sflag:s7], $0xA000  }
0x167: {  	s0 =	sld [smem:$0x7C2]  }
0x168: {  	[sflag:s7] =	ssyncset.done $0x0  }
0x169: {  	[sflag:s7] =	ssyncadd.s32 $0xFFFF6000  }
0x16a: {  	[hbm4b:s0+s6] =	stream.strided.scatter [tilespmem:s4], [sflag:$0x3], $0xA000, s8, s6, $0x38;
	[tilespmem:$0x1BD00] =	vst v63  }
0x16b: {  	_ =	swait.ge [sflag:s9], $0xA000  }
0x16c: {  	s0 =	sld [smem:$0x7F2]  }
0x16d: {  	[sflag:s9] =	ssyncset.done $0x0  }
0x16e: {  	[sflag:s9] =	ssyncadd.s32 $0xFFFF6000  }
0x16f: {  	[tilespmem:s4], [sflag:$0x1] =	stream.indirect.gather [hbm4b:s22+s5], $0x40, s0, s5, $0xb8;
	[tilespmem:$0x1BD00] =	vst v63  }
0x170: {  	_ =	swait.ge [sflag:s11], $0xA000  }
0x171: {  	s0 =	sld [smem:$0x7C3]  }
0x172: {  	[sflag:s11] =	ssyncset.done $0x0  }
0x173: {  	[sflag:s11] =	ssyncadd.s32 $0xFFFF6000  }
0x174: {  	[hbm4b:s0+s6] =	stream.strided.scatter [tilespmem:s3], [sflag:$0x4], $0xA000, s8, s6, $0x38;
	[tilespmem:$0x1BD00] =	vst v63  }
0x175: {  	_ =	swait.ge [sflag:s10], $0xA000  }
0x176: {  	s0 =	sld [smem:$0x7F3]  }
0x177: {  	[sflag:s10] =	ssyncset.done $0x0  }
0x178: {  	[sflag:s10] =	ssyncadd.s32 $0xFFFF6000  }
0x179: {  	[tilespmem:s3], [sflag:$0x2] =	stream.indirect.gather [hbm4b:s22+s5], $0x40, s0, s5, $0xb8;
	[tilespmem:$0x1BD00] =	vst v63  }
0x17a: {  	_ =	swait.ge [sflag:s7], $0xA000  }
0x17b: {  	s0 =	sld [smem:$0x7C4]  }
0x17c: {  	[sflag:s7] =	ssyncset.done $0x0  }
0x17d: {  	[sflag:s7] =	ssyncadd.s32 $0xFFFF6000  }
0x17e: {  	[hbm4b:s0+s6] =	stream.strided.scatter [tilespmem:s4], [sflag:$0x3], $0xA000, s8, s6, $0x38;
	[tilespmem:$0x1BD00] =	vst v63  }
0x17f: {  	_ =	swait.ge [sflag:s9], $0xA000  }
0x180: {  	[sflag:s9] =	ssyncset.done $0x0  }
0x181: {  	[sflag:s9] =	ssyncadd.s32 $0xFFFF6000  }
0x182: {  	[tilespmem:s4], [sflag:$0x1] =	stream.indirect.gather [hbm4b:s15+s5], $0x40, s23, s5, $0xb8;
	[tilespmem:$0x1BD00] =	vst v63  }
0x183: {  	_ =	swait.ge [sflag:s11], $0xA000  }
0x184: {  	s0 =	sld [smem:$0x7C5]  }
0x185: {  	[sflag:s11] =	ssyncset.done $0x0  }
0x186: {  	[sflag:s11] =	ssyncadd.s32 $0xFFFF6000  }
0x187: {  	[hbm4b:s0+s6] =	stream.strided.scatter [tilespmem:s3], [sflag:$0x4], $0xA000, s8, s6, $0x38;
	[tilespmem:$0x1BD00] =	vst v63  }
0x188: {  	_ =	swait.ge [sflag:s10], $0xA000  }
0x189: {  	s0 =	sld [smem:$0x7F4]  }
0x18a: {  	[sflag:s10] =	ssyncset.done $0x0  }
0x18b: {  	[sflag:s10] =	ssyncadd.s32 $0xFFFF6000  }
0x18c: {  	[tilespmem:s3], [sflag:$0x2] =	stream.indirect.gather [hbm4b:s15+s5], $0x40, s0, s5, $0xb8;
	[tilespmem:$0x1BD00] =	vst v63  }
0x18d: {  	_ =	swait.ge [sflag:s7], $0xA000  }
0x18e: {  	s0 =	sld [smem:$0x7C6]  }
0x18f: {  	[sflag:s7] =	ssyncset.done $0x0  }
0x190: {  	[sflag:s7] =	ssyncadd.s32 $0xFFFF6000  }
0x191: {  	[hbm4b:s0+s6] =	stream.strided.scatter [tilespmem:s4], [sflag:$0x3], $0xA000, s8, s6, $0x38;
	[tilespmem:$0x1BD00] =	vst v63  }
0x192: {  	_ =	swait.ge [sflag:s9], $0xA000  }
0x193: {  	s0 =	sld [smem:$0x7F5]  }
0x194: {  	[sflag:s9] =	ssyncset.done $0x0  }
0x195: {  	[sflag:s9] =	ssyncadd.s32 $0xFFFF6000  }
0x196: {  	[tilespmem:s4], [sflag:$0x1] =	stream.indirect.gather [hbm4b:s15+s5], $0x40, s0, s5, $0xb8;
	[tilespmem:$0x1BD00] =	vst v63  }
0x197: {  	_ =	swait.ge [sflag:s11], $0xA000  }
0x198: {  	s0 =	sld [smem:$0x7C7]  }
0x199: {  	[sflag:s11] =	ssyncset.done $0x0  }
0x19a: {  	[sflag:s11] =	ssyncadd.s32 $0xFFFF6000  }
0x19b: {  	[hbm4b:s0+s6] =	stream.strided.scatter [tilespmem:s3], [sflag:$0x4], $0xA000, s8, s6, $0x38;
	[tilespmem:$0x1BD00] =	vst v63  }
0x19c: {  	_ =	swait.ge [sflag:s10], $0xA000  }
0x19d: {  	s0 =	sld [smem:$0x7F6]  }
0x19e: {  	[sflag:s10] =	ssyncset.done $0x0  }
0x19f: {  	[sflag:s10] =	ssyncadd.s32 $0xFFFF6000  }
0x1a0: {  	[tilespmem:s3], [sflag:$0x2] =	stream.indirect.gather [hbm4b:s15+s5], $0x40, s0, s5, $0xb8;
	[tilespmem:$0x1BD00] =	vst v63  }
0x1a1: {  	_ =	swait.ge [sflag:s7], $0xA000  }
0x1a2: {  	s0 =	sld [smem:$0x7C8]  }
0x1a3: {  	[sflag:s7] =	ssyncset.done $0x0  }
0x1a4: {  	[sflag:s7] =	ssyncadd.s32 $0xFFFF6000  }
0x1a5: {  	[hbm4b:s0+s6] =	stream.strided.scatter [tilespmem:s4], [sflag:$0x3], $0xA000, s8, s6, $0x38;
	[tilespmem:$0x1BD00] =	vst v63  }
0x1a6: {  	_ =	swait.ge [sflag:s9], $0xA000  }
0x1a7: {  	s0 =	sld [smem:$0x7F7]  }
0x1a8: {  	[sflag:s9] =	ssyncset.done $0x0  }
0x1a9: {  	[sflag:s9] =	ssyncadd.s32 $0xFFFF6000  }
0x1aa: {  	[tilespmem:s4], [sflag:$0x1] =	stream.indirect.gather [hbm4b:s15+s5], $0x40, s0, s5, $0xb8;
	[tilespmem:$0x1BD00] =	vst v63  }
0x1ab: {  	_ =	swait.ge [sflag:s11], $0xA000  }
0x1ac: {  	s0 =	sld [smem:$0x7C9]  }
0x1ad: {  	[sflag:s11] =	ssyncset.done $0x0  }
0x1ae: {  	[sflag:s11] =	ssyncadd.s32 $0xFFFF6000  }
0x1af: {  	[hbm4b:s0+s6] =	stream.strided.scatter [tilespmem:s3], [sflag:$0x4], $0xA000, s8, s6, $0x38;
	[tilespmem:$0x1BD00] =	vst v63  }
0x1b0: {  	_ =	swait.ge [sflag:s10], $0xA000  }
0x1b1: {  	s0 =	sld [smem:$0x7F8]  }
0x1b2: {  	[sflag:s10] =	ssyncset.done $0x0  }
0x1b3: {  	[sflag:s10] =	ssyncadd.s32 $0xFFFF6000  }
0x1b4: {  	[tilespmem:s3], [sflag:$0x2] =	stream.indirect.gather [hbm4b:s15+s5], $0x40, s0, s5, $0xb8;
	[tilespmem:$0x1BD00] =	vst v63  }
0x1b5: {  	_ =	swait.ge [sflag:s7], $0xA000  }
0x1b6: {  	s0 =	sld [smem:$0x7CA]  }
0x1b7: {  	[sflag:s7] =	ssyncset.done $0x0  }
0x1b8: {  	[sflag:s7] =	ssyncadd.s32 $0xFFFF6000  }
0x1b9: {  	[hbm4b:s0+s6] =	stream.strided.scatter [tilespmem:s4], [sflag:$0x3], $0xA000, s8, s6, $0x38;
	[tilespmem:$0x1BD00] =	vst v63  }
0x1ba: {  	_ =	swait.ge [sflag:s9], $0xA000  }
0x1bb: {  	s0 =	sld [smem:$0x7F9]  }
0x1bc: {  	[sflag:s9] =	ssyncset.done $0x0  }
0x1bd: {  	[sflag:s9] =	ssyncadd.s32 $0xFFFF6000  }
0x1be: {  	[tilespmem:s4], [sflag:$0x1] =	stream.indirect.gather [hbm4b:s15+s5], $0x40, s0, s5, $0xb8;
	[tilespmem:$0x1BD00] =	vst v63  }
0x1bf: {  	_ =	swait.ge [sflag:s11], $0xA000  }
0x1c0: {  	s0 =	sld [smem:$0x7CB]  }
0x1c1: {  	[sflag:s11] =	ssyncset.done $0x0  }
0x1c2: {  	[sflag:s11] =	ssyncadd.s32 $0xFFFF6000  }
0x1c3: {  	[hbm4b:s0+s6] =	stream.strided.scatter [tilespmem:s3], [sflag:$0x4], $0xA000, s8, s6, $0x38;
	[tilespmem:$0x1BD00] =	vst v63  }
0x1c4: {  	_ =	swait.ge [sflag:s10], $0xA000  }
0x1c5: {  	s0 =	sld [smem:$0x7FA]  }
0x1c6: {  	[sflag:s10] =	ssyncset.done $0x0  }
0x1c7: {  	[sflag:s10] =	ssyncadd.s32 $0xFFFF6000  }
0x1c8: {  	[tilespmem:s3], [sflag:$0x2] =	stream.indirect.gather [hbm4b:s15+s5], $0x40, s0, s5, $0xb8;
	[tilespmem:$0x1BD00] =	vst v63  }
0x1c9: {  	_ =	swait.ge [sflag:s7], $0xA000  }
0x1ca: {  	s0 =	sld [smem:$0x7CC]  }
0x1cb: {  	[sflag:s7] =	ssyncset.done $0x0  }
0x1cc: {  	[sflag:s7] =	ssyncadd.s32 $0xFFFF6000  }
0x1cd: {  	[hbm4b:s0+s6] =	stream.strided.scatter [tilespmem:s4], [sflag:$0x3], $0xA000, s8, s6, $0x38;
	[tilespmem:$0x1BD00] =	vst v63  }
0x1ce: {  	_ =	swait.ge [sflag:s9], $0xA000  }
0x1cf: {  	s0 =	sld [smem:$0x7FB]  }
0x1d0: {  	[sflag:s9] =	ssyncset.done $0x0  }
0x1d1: {  	[sflag:s9] =	ssyncadd.s32 $0xFFFF6000  }
0x1d2: {  	[tilespmem:s4], [sflag:$0x1] =	stream.indirect.gather [hbm4b:s15+s5], $0x40, s0, s5, $0xb8;
	[tilespmem:$0x1BD00] =	vst v63  }
0x1d3: {  	_ =	swait.ge [sflag:s11], $0xA000  }
0x1d4: {  	s0 =	sld [smem:$0x7CD]  }
0x1d5: {  	[sflag:s11] =	ssyncset.done $0x0  }
0x1d6: {  	[sflag:s11] =	ssyncadd.s32 $0xFFFF6000  }
0x1d7: {  	[hbm4b:s0+s6] =	stream.strided.scatter [tilespmem:s3], [sflag:$0x4], $0xA000, s8, s6, $0x38;
	[tilespmem:$0x1BD00] =	vst v63  }
0x1d8: {  	_ =	swait.ge [sflag:s10], $0xA000  }
0x1d9: {  	s0 =	sld [smem:$0x7FC]  }
0x1da: {  	[sflag:s10] =	ssyncset.done $0x0  }
0x1db: {  	[sflag:s10] =	ssyncadd.s32 $0xFFFF6000  }
0x1dc: {  	[tilespmem:s3], [sflag:$0x2] =	stream.indirect.gather [hbm4b:s15+s5], $0x40, s0, s5, $0xb8;
	[tilespmem:$0x1BD00] =	vst v63  }
0x1dd: {  	_ =	swait.ge [sflag:s7], $0xA000  }
0x1de: {  	s0 =	sld [smem:$0x7CE]  }
0x1df: {  	[sflag:s7] =	ssyncset.done $0x0  }
0x1e0: {  	[sflag:s7] =	ssyncadd.s32 $0xFFFF6000  }
0x1e1: {  	[hbm4b:s0+s6] =	stream.strided.scatter [tilespmem:s4], [sflag:$0x3], $0xA000, s8, s6, $0x38;
	[tilespmem:$0x1BD00] =	vst v63  }
0x1e2: {  	_ =	swait.ge [sflag:s9], $0xA000  }
0x1e3: {  	[sflag:s9] =	ssyncset.done $0x0  }
0x1e4: {  	[sflag:s9] =	ssyncadd.s32 $0xFFFF6000  }
0x1e5: {  	[tilespmem:s4], [sflag:$0x1] =	stream.indirect.gather [hbm4b:s2+s5], $0x40, s19, s5, $0xb8;
	[tilespmem:$0x1BD00] =	vst v63  }
0x1e6: {  	_ =	swait.ge [sflag:s11], $0xA000  }
0x1e7: {  	s0 =	sld [smem:$0x7CF]  }
0x1e8: {  	[sflag:s11] =	ssyncset.done $0x0  }
0x1e9: {  	[sflag:s11] =	ssyncadd.s32 $0xFFFF6000  }
0x1ea: {  	[hbm4b:s0+s6] =	stream.strided.scatter [tilespmem:s3], [sflag:$0x4], $0xA000, s8, s6, $0x38;
	[tilespmem:$0x1BD00] =	vst v63  }
0x1eb: {  	_ =	swait.ge [sflag:s10], $0xA000  }
0x1ec: {  	s0 =	sld [smem:$0x7FD]  }
0x1ed: {  	[sflag:s10] =	ssyncset.done $0x0  }
0x1ee: {  	[sflag:s10] =	ssyncadd.s32 $0xFFFF6000  }
0x1ef: {  	[tilespmem:s3], [sflag:$0x2] =	stream.indirect.gather [hbm4b:s2+s5], $0x40, s0, s5, $0xb8;
	[tilespmem:$0x1BD00] =	vst v63  }
0x1f0: {  	_ =	swait.ge [sflag:s7], $0xA000  }
0x1f1: {  	s0 =	sld [smem:$0x7D0]  }
0x1f2: {  	[sflag:s7] =	ssyncset.done $0x0  }
0x1f3: {  	[sflag:s7] =	ssyncadd.s32 $0xFFFF6000  }
0x1f4: {  	[hbm4b:s0+s6] =	stream.strided.scatter [tilespmem:s4], [sflag:$0x3], $0xA000, s8, s6, $0x38;
	[tilespmem:$0x1BD00] =	vst v63  }
0x1f5: {  	_ =	swait.ge [sflag:s9], $0xA000  }
0x1f6: {  	[sflag:s9] =	ssyncset.done $0x0  }
0x1f7: {  	[sflag:s9] =	ssyncadd.s32 $0xFFFF6000  }
0x1f8: {  	[tilespmem:s4], [sflag:$0x1] =	stream.indirect.gather [hbm4b:s2+s5], $0x40, s21, s5, $0xb8;
	[tilespmem:$0x1BD00] =	vst v63  }
0x1f9: {  	_ =	swait.ge [sflag:s11], $0xA000  }
0x1fa: {  	s0 =	sld [smem:$0x7D1]  }
0x1fb: {  	[sflag:s11] =	ssyncset.done $0x0  }
0x1fc: {  	[sflag:s11] =	ssyncadd.s32 $0xFFFF6000  }
0x1fd: {  	[hbm4b:s0+s6] =	stream.strided.scatter [tilespmem:s3], [sflag:$0x4], $0xA000, s8, s6, $0x38;
	[tilespmem:$0x1BD00] =	vst v63  }
0x1fe: {  	_ =	swait.ge [sflag:s10], $0xA000  }
0x1ff: {  	[sflag:s10] =	ssyncset.done $0x0  }
0x200: {  	[sflag:s10] =	ssyncadd.s32 $0xFFFF6000  }
0x201: {  	[tilespmem:s3], [sflag:$0x2] =	stream.indirect.gather [hbm4b:s2+s5], $0x40, s20, s5, $0xb8;
	[tilespmem:$0x1BD00] =	vst v63  }
0x202: {  	_ =	swait.ge [sflag:s7], $0xA000  }
0x203: {  	s0 =	sld [smem:$0x7D2]  }
0x204: {  	[sflag:s7] =	ssyncset.done $0x0  }
0x205: {  	[sflag:s7] =	ssyncadd.s32 $0xFFFF6000  }
0x206: {  	[hbm4b:s0+s6] =	stream.strided.scatter [tilespmem:s4], [sflag:$0x3], $0xA000, s8, s6, $0x38;
	[tilespmem:$0x1BD00] =	vst v63  }
0x207: {  	_ =	swait.ge [sflag:s9], $0xA000  }
0x208: {  	[sflag:s9] =	ssyncset.done $0x0  }
0x209: {  	[sflag:s9] =	ssyncadd.s32 $0xFFFF6000  }
0x20a: {  	[tilespmem:s4], [sflag:$0x1] =	stream.indirect.gather [hbm4b:s2+s5], $0x40, s18, s5, $0xb8;
	[tilespmem:$0x1BD00] =	vst v63  }
0x20b: {  	_ =	swait.ge [sflag:s11], $0xA000  }
0x20c: {  	s0 =	sld [smem:$0x7D3]  }
0x20d: {  	[sflag:s11] =	ssyncset.done $0x0  }
0x20e: {  	[sflag:s11] =	ssyncadd.s32 $0xFFFF6000  }
0x20f: {  	[hbm4b:s0+s6] =	stream.strided.scatter [tilespmem:s3], [sflag:$0x4], $0xA000, s8, s6, $0x38;
	[tilespmem:$0x1BD00] =	vst v63  }
0x210: {  	_ =	swait.ge [sflag:s10], $0xA000  }
0x211: {  	[sflag:s10] =	ssyncset.done $0x0  }
0x212: {  	[sflag:s10] =	ssyncadd.s32 $0xFFFF6000  }
0x213: {  	[tilespmem:s3], [sflag:$0x2] =	stream.indirect.gather [hbm4b:s2+s5], $0x40, s17, s5, $0xb8;
	[tilespmem:$0x1BD00] =	vst v63  }
0x214: {  	_ =	swait.ge [sflag:s7], $0xA000  }
0x215: {  	s0 =	sld [smem:$0x7D4]  }
0x216: {  	[sflag:s7] =	ssyncset.done $0x0  }
0x217: {  	[sflag:s7] =	ssyncadd.s32 $0xFFFF6000  }
0x218: {  	[hbm4b:s0+s6] =	stream.strided.scatter [tilespmem:s4], [sflag:$0x3], $0xA000, s8, s6, $0x38;
	[tilespmem:$0x1BD00] =	vst v63  }
0x219: {  	_ =	swait.ge [sflag:s9], $0xA000  }
0x21a: {  	[sflag:s9] =	ssyncset.done $0x0  }
0x21b: {  	[sflag:s9] =	ssyncadd.s32 $0xFFFF6000  }
0x21c: {  	[tilespmem:s4], [sflag:$0x1] =	stream.indirect.gather [hbm4b:s2+s5], $0x40, s16, s5, $0xb8;
	[tilespmem:$0x1BD00] =	vst v63  }
0x21d: {  	_ =	swait.ge [sflag:s11], $0xA000  }
0x21e: {  	s0 =	sld [smem:$0x7D5]  }
0x21f: {  	[sflag:s11] =	ssyncset.done $0x0  }
0x220: {  	[sflag:s11] =	ssyncadd.s32 $0xFFFF6000  }
0x221: {  	[hbm4b:s0+s6] =	stream.strided.scatter [tilespmem:s3], [sflag:$0x4], $0xA000, s8, s6, $0x38;
	[tilespmem:$0x1BD00] =	vst v63  }
0x222: {  	_ =	swait.ge [sflag:s10], $0xA000  }
0x223: {  	[sflag:s10] =	ssyncset.done $0x0  }
0x224: {  	[sflag:s10] =	ssyncadd.s32 $0xFFFF6000  }
0x225: {  	[tilespmem:s3], [sflag:$0x2] =	stream.indirect.gather [hbm4b:s2+s5], $0x40, s14, s5, $0xb8;
	[tilespmem:$0x1BD00] =	vst v63  }
0x226: {  	_ =	swait.ge [sflag:s7], $0xA000  }
0x227: {  	s0 =	sld [smem:$0x7D6]  }
0x228: {  	[sflag:s7] =	ssyncset.done $0x0  }
0x229: {  	[sflag:s7] =	ssyncadd.s32 $0xFFFF6000  }
0x22a: {  	[hbm4b:s0+s6] =	stream.strided.scatter [tilespmem:s4], [sflag:$0x3], $0xA000, s8, s6, $0x38;
	[tilespmem:$0x1BD00] =	vst v63  }
0x22b: {  	_ =	swait.ge [sflag:s9], $0xA000  }
0x22c: {  	[sflag:s9] =	ssyncset.done $0x0  }
0x22d: {  	[sflag:s9] =	ssyncadd.s32 $0xFFFF6000  }
0x22e: {  	[tilespmem:s4], [sflag:$0x1] =	stream.indirect.gather [hbm4b:s2+s5], $0x40, s13, s5, $0xb8;
	[tilespmem:$0x1BD00] =	vst v63  }
0x22f: {  	_ =	swait.ge [sflag:s11], $0xA000  }
0x230: {  	s0 =	sld [smem:$0x7D7]  }
0x231: {  	[sflag:s11] =	ssyncset.done $0x0  }
0x232: {  	[sflag:s11] =	ssyncadd.s32 $0xFFFF6000  }
0x233: {  	[hbm4b:s0+s6] =	stream.strided.scatter [tilespmem:s3], [sflag:$0x4], $0xA000, s8, s6, $0x38;
	[tilespmem:$0x1BD00] =	vst v63  }
0x234: {  	_ =	swait.ge [sflag:s10], $0xA000  }
0x235: {  	[sflag:s10] =	ssyncset.done $0x0  }
0x236: {  	[sflag:s10] =	ssyncadd.s32 $0xFFFF6000  }
0x237: {  	[tilespmem:s3], [sflag:$0x2] =	stream.indirect.gather [hbm4b:s2+s5], $0x40, s12, s5, $0xb8;
	[tilespmem:$0x1BD00] =	vst v63  }
0x238: {  	_ =	swait.ge [sflag:s7], $0xA000  }
0x239: {  	s0 =	sld [smem:$0x7D8]  }
0x23a: {  	[sflag:s7] =	ssyncset.done $0x0  }
0x23b: {  	[sflag:s7] =	ssyncadd.s32 $0xFFFF6000  }
0x23c: {  	[hbm4b:s0+s6] =	stream.strided.scatter [tilespmem:s4], [sflag:$0x3], $0xA000, s8, s6, $0x38;
	[tilespmem:$0x1BD00] =	vst v63  }
0x23d: {  	_ =	swait.ge [sflag:s11], $0xA000  }
0x23e: {  	s0 =	sld [smem:$0x7D9]  }
0x23f: {  	[sflag:s11] =	ssyncset.done $0x0  }
0x240: {  	p1 =	sne.s32 s1, $0x1;
	[sflag:s11] =	ssyncadd.s32 $0xFFFF6000  }
0x241: {  	[hbm4b:s0+s6] =	stream.strided.scatter [tilespmem:s3], [sflag:$0x4], $0xA000, s8, s6, $0x38;
	[tilespmem:$0x1BD00] =	vst v63  }
.Ltmp1:
0x242: {  	_ =	swait.ge [sflag:s9], $0xA000;
	(pc) =	sbr.rel @!p1 .LBB2_3-.Ltmp1, $4  }
0x243: {  	[sflag:s9] =	ssyncset.done $0x0  }
0x244: {  	[sflag:s9] =	ssyncadd.s32 $0xFFFF6000  }
0x245: {  	s1 =	sadd.s32 $0xFFFFFFFF, s1;
	_ =	swait.ge [sflag:s10], $0xA000  }
0x246: {  	p0 =	por $0x1, $0x1;
	s0 =	rddreg [dreg:$0x3];
	[sflag:s10] =	ssyncset.done $0x0  }
.LBB2_2:
0x247: {  	[sflag:s10] =	ssyncadd.s32 $0xFFFF6000  }
0x248: {  	[tilespmem:s26], [sflag:$0x5] =	stream.linear.gather [hbm4b:s0+s26], $0x1900, $0x38;
	[tilespmem:$0x1BD00] =	vst v63  }
0x249: {  	_ =	swait.ge [sflag:s31], $0x1900  }
0x24a: {  	[sflag:s31] =	ssyncset.done $0x0  }
0x24b: {  	s0 =	rddreg [dreg:$0x4];
	[sflag:s31] =	ssyncadd.s32 $0xFFFFE700  }
0x24c: {  	[tilespmem:s30], [sflag:$0x5] =	stream.linear.gather [hbm4b:s0+s26], $0x1900, $0x38;
	[tilespmem:$0x1BD00] =	vst v63  }
0x24d: {  	_ =	swait.ge [sflag:s31], $0x1900  }
0x24e: {  	[sflag:s31] =	ssyncset.done $0x0  }
0x24f: {  	s0 =	rddreg [dreg:$0x5];
	[sflag:s31] =	ssyncadd.s32 $0xFFFFE700  }
0x250: {  	[tilespmem:s25], [sflag:$0x5] =	stream.linear.gather [hbm4b:s0+s26], $0x1900, $0x38;
	[tilespmem:$0x1BD00] =	vst v63  }
0x251: {  	_ =	swait.ge [sflag:s31], $0x1900  }
0x252: {  	[sflag:s31] =	ssyncset.done $0x0  }
0x253: {  	s0 =	rddreg [dreg:$0x6];
	[sflag:s31] =	ssyncadd.s32 $0xFFFFE700  }
0x254: {  	[tilespmem:s23], [sflag:$0x5] =	stream.linear.gather [hbm4b:s0+s26], $0x1900, $0x38;
	[tilespmem:$0x1BD00] =	vst v63  }
0x255: {  	_ =	swait.ge [sflag:s31], $0x1900  }
0x256: {  	[sflag:s31] =	ssyncset.done $0x0  }
0x257: {  	s0 =	rddreg [dreg:$0x7];
	[sflag:s31] =	ssyncadd.s32 $0xFFFFE700  }
0x258: {  	[tilespmem:s19], [sflag:$0x5] =	stream.linear.gather [hbm4b:s0+s26], $0x1900, $0x38;
	[tilespmem:$0x1BD00] =	vst v63  }
0x259: {  	_ =	swait.ge [sflag:s31], $0x1900  }
0x25a: {  	[sflag:s31] =	ssyncset.done $0x0  }
0x25b: {  	[sflag:s31] =	ssyncadd.s32 $0xFFFFE700  }
0x25c: {  	[tilespmem:s4], [sflag:$0x1] =	stream.indirect.gather [hbm4b:s29+s5], $0x40, s26, s5, $0xb8;
	[tilespmem:$0x1BD00] =	vst v63  }
0x25d: {  	_ = 	snop  }
0x25e: {  	[tilespmem:s3], [sflag:$0x2] =	stream.indirect.gather [hbm4b:s29+s5], $0x40, s5, s5, $0xb8;
	[tilespmem:$0x1BD00] =	vst v63  }
0x25f: {  	_ =	swait.ge [sflag:s7], $0xA000  }
0x260: {  	[sflag:s7] =	ssyncset.done $0x0  }
0x261: {  	[sflag:s7] =	ssyncadd.s32 $0xFFFF6000  }
0x262: {  	[hbm4b:s28+s6] =	stream.strided.scatter [tilespmem:s4], [sflag:$0x3], $0xA000, s8, s6, $0x38;
	[tilespmem:$0x1BD00] =	vst v63  }
0x263: {  	_ =	swait.ge [sflag:s9], $0xA000  }
0x264: {  	s0 =	sld [smem:$0x7DA]  }
0x265: {  	[sflag:s9] =	ssyncset.done $0x0  }
0x266: {  	[sflag:s9] =	ssyncadd.s32 $0xFFFF6000  }
0x267: {  	[tilespmem:s4], [sflag:$0x1] =	stream.indirect.gather [hbm4b:s29+s5], $0x40, s0, s5, $0xb8;
	[tilespmem:$0x1BD00] =	vst v63  }
0x268: {  	_ =	swait.ge [sflag:s11], $0xA000  }
0x269: {  	[sflag:s11] =	ssyncset.done $0x0  }
0x26a: {  	s0 =	rddreg [dreg:$0x8];
	[sflag:s11] =	ssyncadd.s32 $0xFFFF6000  }
0x26b: {  	[hbm4b:s0+s6] =	stream.strided.scatter [tilespmem:s3], [sflag:$0x4], $0xA000, s8, s6, $0x38;
	[tilespmem:$0x1BD00] =	vst v63  }
0x26c: {  	_ =	swait.ge [sflag:s10], $0xA000  }
0x26d: {  	s0 =	sld [smem:$0x7DB]  }
0x26e: {  	[sflag:s10] =	ssyncset.done $0x0  }
0x26f: {  	[sflag:s10] =	ssyncadd.s32 $0xFFFF6000  }
0x270: {  	[tilespmem:s3], [sflag:$0x2] =	stream.indirect.gather [hbm4b:s29+s5], $0x40, s0, s5, $0xb8;
	[tilespmem:$0x1BD00] =	vst v63  }
0x271: {  	_ =	swait.ge [sflag:s7], $0xA000  }
0x272: {  	[sflag:s7] =	ssyncset.done $0x0  }
0x273: {  	s0 =	rddreg [dreg:$0x9];
	[sflag:s7] =	ssyncadd.s32 $0xFFFF6000  }
0x274: {  	[hbm4b:s0+s6] =	stream.strided.scatter [tilespmem:s4], [sflag:$0x3], $0xA000, s8, s6, $0x38;
	[tilespmem:$0x1BD00] =	vst v63  }
0x275: {  	_ =	swait.ge [sflag:s9], $0xA000  }
0x276: {  	s0 =	sld [smem:$0x7DC]  }
0x277: {  	[sflag:s9] =	ssyncset.done $0x0  }
0x278: {  	[sflag:s9] =	ssyncadd.s32 $0xFFFF6000  }
0x279: {  	[tilespmem:s4], [sflag:$0x1] =	stream.indirect.gather [hbm4b:s29+s5], $0x40, s0, s5, $0xb8;
	[tilespmem:$0x1BD00] =	vst v63  }
0x27a: {  	_ =	swait.ge [sflag:s11], $0xA000  }
0x27b: {  	[sflag:s11] =	ssyncset.done $0x0  }
0x27c: {  	s0 =	rddreg [dreg:$0xa];
	[sflag:s11] =	ssyncadd.s32 $0xFFFF6000  }
0x27d: {  	[hbm4b:s0+s6] =	stream.strided.scatter [tilespmem:s3], [sflag:$0x4], $0xA000, s8, s6, $0x38;
	[tilespmem:$0x1BD00] =	vst v63  }
0x27e: {  	_ =	swait.ge [sflag:s10], $0xA000  }
0x27f: {  	s0 =	sld [smem:$0x7DD]  }
0x280: {  	[sflag:s10] =	ssyncset.done $0x0  }
0x281: {  	[sflag:s10] =	ssyncadd.s32 $0xFFFF6000  }
0x282: {  	[tilespmem:s3], [sflag:$0x2] =	stream.indirect.gather [hbm4b:s29+s5], $0x40, s0, s5, $0xb8;
	[tilespmem:$0x1BD00] =	vst v63  }
0x283: {  	_ =	swait.ge [sflag:s7], $0xA000  }
0x284: {  	[sflag:s7] =	ssyncset.done $0x0  }
0x285: {  	s0 =	rddreg [dreg:$0xb];
	[sflag:s7] =	ssyncadd.s32 $0xFFFF6000  }
0x286: {  	[hbm4b:s0+s6] =	stream.strided.scatter [tilespmem:s4], [sflag:$0x3], $0xA000, s8, s6, $0x38;
	[tilespmem:$0x1BD00] =	vst v63  }
0x287: {  	_ =	swait.ge [sflag:s9], $0xA000  }
0x288: {  	s0 =	sld [smem:$0x7DE]  }
0x289: {  	[sflag:s9] =	ssyncset.done $0x0  }
0x28a: {  	[sflag:s9] =	ssyncadd.s32 $0xFFFF6000  }
0x28b: {  	[tilespmem:s4], [sflag:$0x1] =	stream.indirect.gather [hbm4b:s29+s5], $0x40, s0, s5, $0xb8;
	[tilespmem:$0x1BD00] =	vst v63  }
0x28c: {  	_ =	swait.ge [sflag:s11], $0xA000  }
0x28d: {  	[sflag:s11] =	ssyncset.done $0x0  }
0x28e: {  	s0 =	rddreg [dreg:$0xc];
	[sflag:s11] =	ssyncadd.s32 $0xFFFF6000  }
0x28f: {  	[hbm4b:s0+s6] =	stream.strided.scatter [tilespmem:s3], [sflag:$0x4], $0xA000, s8, s6, $0x38;
	[tilespmem:$0x1BD00] =	vst v63  }
0x290: {  	_ =	swait.ge [sflag:s10], $0xA000  }
0x291: {  	s0 =	sld [smem:$0x7DF]  }
0x292: {  	[sflag:s10] =	ssyncset.done $0x0  }
0x293: {  	[sflag:s10] =	ssyncadd.s32 $0xFFFF6000  }
0x294: {  	[tilespmem:s3], [sflag:$0x2] =	stream.indirect.gather [hbm4b:s29+s5], $0x40, s0, s5, $0xb8;
	[tilespmem:$0x1BD00] =	vst v63  }
0x295: {  	_ =	swait.ge [sflag:s7], $0xA000  }
0x296: {  	[sflag:s7] =	ssyncset.done $0x0  }
0x297: {  	s0 =	rddreg [dreg:$0xd];
	[sflag:s7] =	ssyncadd.s32 $0xFFFF6000  }
0x298: {  	[hbm4b:s0+s6] =	stream.strided.scatter [tilespmem:s4], [sflag:$0x3], $0xA000, s8, s6, $0x38;
	[tilespmem:$0x1BD00] =	vst v63  }
0x299: {  	_ =	swait.ge [sflag:s9], $0xA000  }
0x29a: {  	s0 =	sld [smem:$0x7E0]  }
0x29b: {  	[sflag:s9] =	ssyncset.done $0x0  }
0x29c: {  	[sflag:s9] =	ssyncadd.s32 $0xFFFF6000  }
0x29d: {  	[tilespmem:s4], [sflag:$0x1] =	stream.indirect.gather [hbm4b:s29+s5], $0x40, s0, s5, $0xb8;
	[tilespmem:$0x1BD00] =	vst v63  }
0x29e: {  	_ =	swait.ge [sflag:s11], $0xA000  }
0x29f: {  	[sflag:s11] =	ssyncset.done $0x0  }
0x2a0: {  	s0 =	rddreg [dreg:$0xe];
	[sflag:s11] =	ssyncadd.s32 $0xFFFF6000  }
0x2a1: {  	[hbm4b:s0+s6] =	stream.strided.scatter [tilespmem:s3], [sflag:$0x4], $0xA000, s8, s6, $0x38;
	[tilespmem:$0x1BD00] =	vst v63  }
0x2a2: {  	_ =	swait.ge [sflag:s10], $0xA000  }
0x2a3: {  	s0 =	sld [smem:$0x7E1]  }
0x2a4: {  	[sflag:s10] =	ssyncset.done $0x0  }
0x2a5: {  	[sflag:s10] =	ssyncadd.s32 $0xFFFF6000  }
0x2a6: {  	[tilespmem:s3], [sflag:$0x2] =	stream.indirect.gather [hbm4b:s29+s5], $0x40, s0, s5, $0xb8;
	[tilespmem:$0x1BD00] =	vst v63  }
0x2a7: {  	_ =	swait.ge [sflag:s7], $0xA000  }
0x2a8: {  	[sflag:s7] =	ssyncset.done $0x0  }
0x2a9: {  	s0 =	rddreg [dreg:$0xf];
	[sflag:s7] =	ssyncadd.s32 $0xFFFF6000  }
0x2aa: {  	[hbm4b:s0+s6] =	stream.strided.scatter [tilespmem:s4], [sflag:$0x3], $0xA000, s8, s6, $0x38;
	[tilespmem:$0x1BD00] =	vst v63  }
0x2ab: {  	_ =	swait.ge [sflag:s9], $0xA000  }
0x2ac: {  	[sflag:s9] =	ssyncset.done $0x0  }
0x2ad: {  	[sflag:s9] =	ssyncadd.s32 $0xFFFF6000  }
0x2ae: {  	[tilespmem:s4], [sflag:$0x1] =	stream.indirect.gather [hbm4b:s24+s5], $0x40, s30, s5, $0xb8;
	[tilespmem:$0x1BD00] =	vst v63  }
0x2af: {  	_ =	swait.ge [sflag:s11], $0xA000  }
0x2b0: {  	[sflag:s11] =	ssyncset.done $0x0  }
0x2b1: {  	s0 =	rddreg [dreg:$0x10];
	[sflag:s11] =	ssyncadd.s32 $0xFFFF6000  }
0x2b2: {  	[hbm4b:s0+s6] =	stream.strided.scatter [tilespmem:s3], [sflag:$0x4], $0xA000, s8, s6, $0x38;
	[tilespmem:$0x1BD00] =	vst v63  }
0x2b3: {  	_ =	swait.ge [sflag:s10], $0xA000  }
0x2b4: {  	s0 =	sld [smem:$0x7E2]  }
0x2b5: {  	[sflag:s10] =	ssyncset.done $0x0  }
0x2b6: {  	[sflag:s10] =	ssyncadd.s32 $0xFFFF6000  }
0x2b7: {  	[tilespmem:s3], [sflag:$0x2] =	stream.indirect.gather [hbm4b:s24+s5], $0x40, s0, s5, $0xb8;
	[tilespmem:$0x1BD00] =	vst v63  }
0x2b8: {  	_ =	swait.ge [sflag:s7], $0xA000  }
0x2b9: {  	[sflag:s7] =	ssyncset.done $0x0  }
0x2ba: {  	s0 =	rddreg [dreg:$0x11];
	[sflag:s7] =	ssyncadd.s32 $0xFFFF6000  }
0x2bb: {  	[hbm4b:s0+s6] =	stream.strided.scatter [tilespmem:s4], [sflag:$0x3], $0xA000, s8, s6, $0x38;
	[tilespmem:$0x1BD00] =	vst v63  }
0x2bc: {  	_ =	swait.ge [sflag:s9], $0xA000  }
0x2bd: {  	s0 =	sld [smem:$0x7E3]  }
0x2be: {  	[sflag:s9] =	ssyncset.done $0x0  }
0x2bf: {  	[sflag:s9] =	ssyncadd.s32 $0xFFFF6000  }
0x2c0: {  	[tilespmem:s4], [sflag:$0x1] =	stream.indirect.gather [hbm4b:s24+s5], $0x40, s0, s5, $0xb8;
	[tilespmem:$0x1BD00] =	vst v63  }
0x2c1: {  	_ =	swait.ge [sflag:s11], $0xA000  }
0x2c2: {  	[sflag:s11] =	ssyncset.done $0x0  }
0x2c3: {  	s0 =	rddreg [dreg:$0x12];
	[sflag:s11] =	ssyncadd.s32 $0xFFFF6000  }
0x2c4: {  	[hbm4b:s0+s6] =	stream.strided.scatter [tilespmem:s3], [sflag:$0x4], $0xA000, s8, s6, $0x38;
	[tilespmem:$0x1BD00] =	vst v63  }
0x2c5: {  	_ =	swait.ge [sflag:s10], $0xA000  }
0x2c6: {  	s0 =	sld [smem:$0x7E4]  }
0x2c7: {  	[sflag:s10] =	ssyncset.done $0x0  }
0x2c8: {  	[sflag:s10] =	ssyncadd.s32 $0xFFFF6000  }
0x2c9: {  	[tilespmem:s3], [sflag:$0x2] =	stream.indirect.gather [hbm4b:s24+s5], $0x40, s0, s5, $0xb8;
	[tilespmem:$0x1BD00] =	vst v63  }
0x2ca: {  	_ =	swait.ge [sflag:s7], $0xA000  }
0x2cb: {  	[sflag:s7] =	ssyncset.done $0x0  }
0x2cc: {  	s0 =	rddreg [dreg:$0x13];
	[sflag:s7] =	ssyncadd.s32 $0xFFFF6000  }
0x2cd: {  	[hbm4b:s0+s6] =	stream.strided.scatter [tilespmem:s4], [sflag:$0x3], $0xA000, s8, s6, $0x38;
	[tilespmem:$0x1BD00] =	vst v63  }
0x2ce: {  	_ =	swait.ge [sflag:s9], $0xA000  }
0x2cf: {  	s0 =	sld [smem:$0x7E5]  }
0x2d0: {  	[sflag:s9] =	ssyncset.done $0x0  }
0x2d1: {  	[sflag:s9] =	ssyncadd.s32 $0xFFFF6000  }
0x2d2: {  	[tilespmem:s4], [sflag:$0x1] =	stream.indirect.gather [hbm4b:s24+s5], $0x40, s0, s5, $0xb8;
	[tilespmem:$0x1BD00] =	vst v63  }
0x2d3: {  	_ =	swait.ge [sflag:s11], $0xA000  }
0x2d4: {  	[sflag:s11] =	ssyncset.done $0x0  }
0x2d5: {  	s0 =	rddreg [dreg:$0x14];
	[sflag:s11] =	ssyncadd.s32 $0xFFFF6000  }
0x2d6: {  	[hbm4b:s0+s6] =	stream.strided.scatter [tilespmem:s3], [sflag:$0x4], $0xA000, s8, s6, $0x38;
	[tilespmem:$0x1BD00] =	vst v63  }
0x2d7: {  	_ =	swait.ge [sflag:s10], $0xA000  }
0x2d8: {  	s0 =	sld [smem:$0x7E6]  }
0x2d9: {  	[sflag:s10] =	ssyncset.done $0x0  }
0x2da: {  	[sflag:s10] =	ssyncadd.s32 $0xFFFF6000  }
0x2db: {  	[tilespmem:s3], [sflag:$0x2] =	stream.indirect.gather [hbm4b:s24+s5], $0x40, s0, s5, $0xb8;
	[tilespmem:$0x1BD00] =	vst v63  }
0x2dc: {  	_ =	swait.ge [sflag:s7], $0xA000  }
0x2dd: {  	[sflag:s7] =	ssyncset.done $0x0  }
0x2de: {  	s0 =	rddreg [dreg:$0x15];
	[sflag:s7] =	ssyncadd.s32 $0xFFFF6000  }
0x2df: {  	[hbm4b:s0+s6] =	stream.strided.scatter [tilespmem:s4], [sflag:$0x3], $0xA000, s8, s6, $0x38;
	[tilespmem:$0x1BD00] =	vst v63  }
0x2e0: {  	_ =	swait.ge [sflag:s9], $0xA000  }
0x2e1: {  	s0 =	sld [smem:$0x7E7]  }
0x2e2: {  	[sflag:s9] =	ssyncset.done $0x0  }
0x2e3: {  	[sflag:s9] =	ssyncadd.s32 $0xFFFF6000  }
0x2e4: {  	[tilespmem:s4], [sflag:$0x1] =	stream.indirect.gather [hbm4b:s24+s5], $0x40, s0, s5, $0xb8;
	[tilespmem:$0x1BD00] =	vst v63  }
0x2e5: {  	_ =	swait.ge [sflag:s11], $0xA000  }
0x2e6: {  	[sflag:s11] =	ssyncset.done $0x0  }
0x2e7: {  	s0 =	rddreg [dreg:$0x16];
	[sflag:s11] =	ssyncadd.s32 $0xFFFF6000  }
0x2e8: {  	[hbm4b:s0+s6] =	stream.strided.scatter [tilespmem:s3], [sflag:$0x4], $0xA000, s8, s6, $0x38;
	[tilespmem:$0x1BD00] =	vst v63  }
0x2e9: {  	_ =	swait.ge [sflag:s10], $0xA000  }
0x2ea: {  	s0 =	sld [smem:$0x7E8]  }
0x2eb: {  	[sflag:s10] =	ssyncset.done $0x0  }
0x2ec: {  	[sflag:s10] =	ssyncadd.s32 $0xFFFF6000  }
0x2ed: {  	[tilespmem:s3], [sflag:$0x2] =	stream.indirect.gather [hbm4b:s24+s5], $0x40, s0, s5, $0xb8;
	[tilespmem:$0x1BD00] =	vst v63  }
0x2ee: {  	_ =	swait.ge [sflag:s7], $0xA000  }
0x2ef: {  	[sflag:s7] =	ssyncset.done $0x0  }
0x2f0: {  	s0 =	rddreg [dreg:$0x17];
	[sflag:s7] =	ssyncadd.s32 $0xFFFF6000  }
0x2f1: {  	[hbm4b:s0+s6] =	stream.strided.scatter [tilespmem:s4], [sflag:$0x3], $0xA000, s8, s6, $0x38;
	[tilespmem:$0x1BD00] =	vst v63  }
0x2f2: {  	_ =	swait.ge [sflag:s9], $0xA000  }
0x2f3: {  	s0 =	sld [smem:$0x7E9]  }
0x2f4: {  	[sflag:s9] =	ssyncset.done $0x0  }
0x2f5: {  	[sflag:s9] =	ssyncadd.s32 $0xFFFF6000  }
0x2f6: {  	[tilespmem:s4], [sflag:$0x1] =	stream.indirect.gather [hbm4b:s24+s5], $0x40, s0, s5, $0xb8;
	[tilespmem:$0x1BD00] =	vst v63  }
0x2f7: {  	_ =	swait.ge [sflag:s11], $0xA000  }
0x2f8: {  	[sflag:s11] =	ssyncset.done $0x0  }
0x2f9: {  	s0 =	rddreg [dreg:$0x18];
	[sflag:s11] =	ssyncadd.s32 $0xFFFF6000  }
0x2fa: {  	[hbm4b:s0+s6] =	stream.strided.scatter [tilespmem:s3], [sflag:$0x4], $0xA000, s8, s6, $0x38;
	[tilespmem:$0x1BD00] =	vst v63  }
0x2fb: {  	_ =	swait.ge [sflag:s10], $0xA000  }
0x2fc: {  	s0 =	sld [smem:$0x7EA]  }
0x2fd: {  	[sflag:s10] =	ssyncset.done $0x0  }
0x2fe: {  	[sflag:s10] =	ssyncadd.s32 $0xFFFF6000  }
0x2ff: {  	[tilespmem:s3], [sflag:$0x2] =	stream.indirect.gather [hbm4b:s24+s5], $0x40, s0, s5, $0xb8;
	[tilespmem:$0x1BD00] =	vst v63  }
0x300: {  	_ =	swait.ge [sflag:s7], $0xA000  }
0x301: {  	[sflag:s7] =	ssyncset.done $0x0  }
0x302: {  	s0 =	rddreg [dreg:$0x19];
	[sflag:s7] =	ssyncadd.s32 $0xFFFF6000  }
0x303: {  	[hbm4b:s0+s6] =	stream.strided.scatter [tilespmem:s4], [sflag:$0x3], $0xA000, s8, s6, $0x38;
	[tilespmem:$0x1BD00] =	vst v63  }
0x304: {  	_ =	swait.ge [sflag:s9], $0xA000  }
0x305: {  	[sflag:s9] =	ssyncset.done $0x0  }
0x306: {  	[sflag:s9] =	ssyncadd.s32 $0xFFFF6000  }
0x307: {  	[tilespmem:s4], [sflag:$0x1] =	stream.indirect.gather [hbm4b:s22+s5], $0x40, s25, s5, $0xb8;
	[tilespmem:$0x1BD00] =	vst v63  }
0x308: {  	_ =	swait.ge [sflag:s11], $0xA000  }
0x309: {  	[sflag:s11] =	ssyncset.done $0x0  }
0x30a: {  	s0 =	rddreg [dreg:$0x1a];
	[sflag:s11] =	ssyncadd.s32 $0xFFFF6000  }
0x30b: {  	[hbm4b:s0+s6] =	stream.strided.scatter [tilespmem:s3], [sflag:$0x4], $0xA000, s8, s6, $0x38;
	[tilespmem:$0x1BD00] =	vst v63  }
0x30c: {  	_ =	swait.ge [sflag:s10], $0xA000  }
0x30d: {  	s0 =	sld [smem:$0x7EB]  }
0x30e: {  	[sflag:s10] =	ssyncset.done $0x0  }
0x30f: {  	[sflag:s10] =	ssyncadd.s32 $0xFFFF6000  }
0x310: {  	[tilespmem:s3], [sflag:$0x2] =	stream.indirect.gather [hbm4b:s22+s5], $0x40, s0, s5, $0xb8;
	[tilespmem:$0x1BD00] =	vst v63  }
0x311: {  	_ =	swait.ge [sflag:s7], $0xA000  }
0x312: {  	[sflag:s7] =	ssyncset.done $0x0  }
0x313: {  	s0 =	rddreg [dreg:$0x1b];
	[sflag:s7] =	ssyncadd.s32 $0xFFFF6000  }
0x314: {  	[hbm4b:s0+s6] =	stream.strided.scatter [tilespmem:s4], [sflag:$0x3], $0xA000, s8, s6, $0x38;
	[tilespmem:$0x1BD00] =	vst v63  }
0x315: {  	_ =	swait.ge [sflag:s9], $0xA000  }
0x316: {  	s0 =	sld [smem:$0x7EC]  }
0x317: {  	[sflag:s9] =	ssyncset.done $0x0  }
0x318: {  	[sflag:s9] =	ssyncadd.s32 $0xFFFF6000  }
0x319: {  	[tilespmem:s4], [sflag:$0x1] =	stream.indirect.gather [hbm4b:s22+s5], $0x40, s0, s5, $0xb8;
	[tilespmem:$0x1BD00] =	vst v63  }
0x31a: {  	_ =	swait.ge [sflag:s11], $0xA000  }
0x31b: {  	[sflag:s11] =	ssyncset.done $0x0  }
0x31c: {  	s0 =	rddreg [dreg:$0x1c];
	[sflag:s11] =	ssyncadd.s32 $0xFFFF6000  }
0x31d: {  	[hbm4b:s0+s6] =	stream.strided.scatter [tilespmem:s3], [sflag:$0x4], $0xA000, s8, s6, $0x38;
	[tilespmem:$0x1BD00] =	vst v63  }
0x31e: {  	_ =	swait.ge [sflag:s10], $0xA000  }
0x31f: {  	s0 =	sld [smem:$0x7ED]  }
0x320: {  	[sflag:s10] =	ssyncset.done $0x0  }
0x321: {  	[sflag:s10] =	ssyncadd.s32 $0xFFFF6000  }
0x322: {  	[tilespmem:s3], [sflag:$0x2] =	stream.indirect.gather [hbm4b:s22+s5], $0x40, s0, s5, $0xb8;
	[tilespmem:$0x1BD00] =	vst v63  }
0x323: {  	_ =	swait.ge [sflag:s7], $0xA000  }
0x324: {  	[sflag:s7] =	ssyncset.done $0x0  }
0x325: {  	s0 =	rddreg [dreg:$0x1d];
	[sflag:s7] =	ssyncadd.s32 $0xFFFF6000  }
0x326: {  	[hbm4b:s0+s6] =	stream.strided.scatter [tilespmem:s4], [sflag:$0x3], $0xA000, s8, s6, $0x38;
	[tilespmem:$0x1BD00] =	vst v63  }
0x327: {  	_ =	swait.ge [sflag:s9], $0xA000  }
0x328: {  	s0 =	sld [smem:$0x7EE]  }
0x329: {  	[sflag:s9] =	ssyncset.done $0x0  }
0x32a: {  	[sflag:s9] =	ssyncadd.s32 $0xFFFF6000  }
0x32b: {  	[tilespmem:s4], [sflag:$0x1] =	stream.indirect.gather [hbm4b:s22+s5], $0x40, s0, s5, $0xb8;
	[tilespmem:$0x1BD00] =	vst v63  }
0x32c: {  	_ =	swait.ge [sflag:s11], $0xA000  }
0x32d: {  	[sflag:s11] =	ssyncset.done $0x0  }
0x32e: {  	s0 =	rddreg [dreg:$0x1e];
	[sflag:s11] =	ssyncadd.s32 $0xFFFF6000  }
0x32f: {  	[hbm4b:s0+s6] =	stream.strided.scatter [tilespmem:s3], [sflag:$0x4], $0xA000, s8, s6, $0x38;
	[tilespmem:$0x1BD00] =	vst v63  }
0x330: {  	_ =	swait.ge [sflag:s10], $0xA000  }
0x331: {  	s0 =	sld [smem:$0x7EF]  }
0x332: {  	[sflag:s10] =	ssyncset.done $0x0  }
0x333: {  	[sflag:s10] =	ssyncadd.s32 $0xFFFF6000  }
0x334: {  	[tilespmem:s3], [sflag:$0x2] =	stream.indirect.gather [hbm4b:s22+s5], $0x40, s0, s5, $0xb8;
	[tilespmem:$0x1BD00] =	vst v63  }
0x335: {  	_ =	swait.ge [sflag:s7], $0xA000  }
0x336: {  	[sflag:s7] =	ssyncset.done $0x0  }
0x337: {  	s0 =	rddreg [dreg:$0x1f];
	[sflag:s7] =	ssyncadd.s32 $0xFFFF6000  }
0x338: {  	[hbm4b:s0+s6] =	stream.strided.scatter [tilespmem:s4], [sflag:$0x3], $0xA000, s8, s6, $0x38;
	[tilespmem:$0x1BD00] =	vst v63  }
0x339: {  	_ =	swait.ge [sflag:s9], $0xA000  }
0x33a: {  	s0 =	sld [smem:$0x7F0]  }
0x33b: {  	[sflag:s9] =	ssyncset.done $0x0  }
0x33c: {  	[sflag:s9] =	ssyncadd.s32 $0xFFFF6000  }
0x33d: {  	[tilespmem:s4], [sflag:$0x1] =	stream.indirect.gather [hbm4b:s22+s5], $0x40, s0, s5, $0xb8;
	[tilespmem:$0x1BD00] =	vst v63  }
0x33e: {  	_ =	swait.ge [sflag:s11], $0xA000  }
0x33f: {  	s0 =	sld [smem:$0x7C1]  }
0x340: {  	[sflag:s11] =	ssyncset.done $0x0  }
0x341: {  	[sflag:s11] =	ssyncadd.s32 $0xFFFF6000  }
0x342: {  	[hbm4b:s0+s6] =	stream.strided.scatter [tilespmem:s3], [sflag:$0x4], $0xA000, s8, s6, $0x38;
	[tilespmem:$0x1BD00] =	vst v63  }
0x343: {  	_ =	swait.ge [sflag:s10], $0xA000  }
0x344: {  	s0 =	sld [smem:$0x7F1]  }
0x345: {  	[sflag:s10] =	ssyncset.done $0x0  }
0x346: {  	[sflag:s10] =	ssyncadd.s32 $0xFFFF6000  }
0x347: {  	[tilespmem:s3], [sflag:$0x2] =	stream.indirect.gather [hbm4b:s22+s5], $0x40, s0, s5, $0xb8;
	[tilespmem:$0x1BD00] =	vst v63  }
0x348: {  	_ =	swait.ge [sflag:s7], $0xA000  }
0x349: {  	s0 =	sld [smem:$0x7C2]  }
0x34a: {  	[sflag:s7] =	ssyncset.done $0x0  }
0x34b: {  	[sflag:s7] =	ssyncadd.s32 $0xFFFF6000  }
0x34c: {  	[hbm4b:s0+s6] =	stream.strided.scatter [tilespmem:s4], [sflag:$0x3], $0xA000, s8, s6, $0x38;
	[tilespmem:$0x1BD00] =	vst v63  }
0x34d: {  	_ =	swait.ge [sflag:s9], $0xA000  }
0x34e: {  	s0 =	sld [smem:$0x7F2]  }
0x34f: {  	[sflag:s9] =	ssyncset.done $0x0  }
0x350: {  	[sflag:s9] =	ssyncadd.s32 $0xFFFF6000  }
0x351: {  	[tilespmem:s4], [sflag:$0x1] =	stream.indirect.gather [hbm4b:s22+s5], $0x40, s0, s5, $0xb8;
	[tilespmem:$0x1BD00] =	vst v63  }
0x352: {  	_ =	swait.ge [sflag:s11], $0xA000  }
0x353: {  	s0 =	sld [smem:$0x7C3]  }
0x354: {  	[sflag:s11] =	ssyncset.done $0x0  }
0x355: {  	[sflag:s11] =	ssyncadd.s32 $0xFFFF6000  }
0x356: {  	[hbm4b:s0+s6] =	stream.strided.scatter [tilespmem:s3], [sflag:$0x4], $0xA000, s8, s6, $0x38;
	[tilespmem:$0x1BD00] =	vst v63  }
0x357: {  	_ =	swait.ge [sflag:s10], $0xA000  }
0x358: {  	s0 =	sld [smem:$0x7F3]  }
0x359: {  	[sflag:s10] =	ssyncset.done $0x0  }
0x35a: {  	[sflag:s10] =	ssyncadd.s32 $0xFFFF6000  }
0x35b: {  	[tilespmem:s3], [sflag:$0x2] =	stream.indirect.gather [hbm4b:s22+s5], $0x40, s0, s5, $0xb8;
	[tilespmem:$0x1BD00] =	vst v63  }
0x35c: {  	_ =	swait.ge [sflag:s7], $0xA000  }
0x35d: {  	s0 =	sld [smem:$0x7C4]  }
0x35e: {  	[sflag:s7] =	ssyncset.done $0x0  }
0x35f: {  	[sflag:s7] =	ssyncadd.s32 $0xFFFF6000  }
0x360: {  	[hbm4b:s0+s6] =	stream.strided.scatter [tilespmem:s4], [sflag:$0x3], $0xA000, s8, s6, $0x38;
	[tilespmem:$0x1BD00] =	vst v63  }
0x361: {  	_ =	swait.ge [sflag:s9], $0xA000  }
0x362: {  	[sflag:s9] =	ssyncset.done $0x0  }
0x363: {  	[sflag:s9] =	ssyncadd.s32 $0xFFFF6000  }
0x364: {  	[tilespmem:s4], [sflag:$0x1] =	stream.indirect.gather [hbm4b:s15+s5], $0x40, s23, s5, $0xb8;
	[tilespmem:$0x1BD00] =	vst v63  }
0x365: {  	_ =	swait.ge [sflag:s11], $0xA000  }
0x366: {  	s0 =	sld [smem:$0x7C5]  }
0x367: {  	[sflag:s11] =	ssyncset.done $0x0  }
0x368: {  	[sflag:s11] =	ssyncadd.s32 $0xFFFF6000  }
0x369: {  	[hbm4b:s0+s6] =	stream.strided.scatter [tilespmem:s3], [sflag:$0x4], $0xA000, s8, s6, $0x38;
	[tilespmem:$0x1BD00] =	vst v63  }
0x36a: {  	_ =	swait.ge [sflag:s10], $0xA000  }
0x36b: {  	s0 =	sld [smem:$0x7F4]  }
0x36c: {  	[sflag:s10] =	ssyncset.done $0x0  }
0x36d: {  	[sflag:s10] =	ssyncadd.s32 $0xFFFF6000  }
0x36e: {  	[tilespmem:s3], [sflag:$0x2] =	stream.indirect.gather [hbm4b:s15+s5], $0x40, s0, s5, $0xb8;
	[tilespmem:$0x1BD00] =	vst v63  }
0x36f: {  	_ =	swait.ge [sflag:s7], $0xA000  }
0x370: {  	s0 =	sld [smem:$0x7C6]  }
0x371: {  	[sflag:s7] =	ssyncset.done $0x0  }
0x372: {  	[sflag:s7] =	ssyncadd.s32 $0xFFFF6000  }
0x373: {  	[hbm4b:s0+s6] =	stream.strided.scatter [tilespmem:s4], [sflag:$0x3], $0xA000, s8, s6, $0x38;
	[tilespmem:$0x1BD00] =	vst v63  }
0x374: {  	_ =	swait.ge [sflag:s9], $0xA000  }
0x375: {  	s0 =	sld [smem:$0x7F5]  }
0x376: {  	[sflag:s9] =	ssyncset.done $0x0  }
0x377: {  	[sflag:s9] =	ssyncadd.s32 $0xFFFF6000  }
0x378: {  	[tilespmem:s4], [sflag:$0x1] =	stream.indirect.gather [hbm4b:s15+s5], $0x40, s0, s5, $0xb8;
	[tilespmem:$0x1BD00] =	vst v63  }
0x379: {  	_ =	swait.ge [sflag:s11], $0xA000  }
0x37a: {  	s0 =	sld [smem:$0x7C7]  }
0x37b: {  	[sflag:s11] =	ssyncset.done $0x0  }
0x37c: {  	[sflag:s11] =	ssyncadd.s32 $0xFFFF6000  }
0x37d: {  	[hbm4b:s0+s6] =	stream.strided.scatter [tilespmem:s3], [sflag:$0x4], $0xA000, s8, s6, $0x38;
	[tilespmem:$0x1BD00] =	vst v63  }
0x37e: {  	_ =	swait.ge [sflag:s10], $0xA000  }
0x37f: {  	s0 =	sld [smem:$0x7F6]  }
0x380: {  	[sflag:s10] =	ssyncset.done $0x0  }
0x381: {  	[sflag:s10] =	ssyncadd.s32 $0xFFFF6000  }
0x382: {  	[tilespmem:s3], [sflag:$0x2] =	stream.indirect.gather [hbm4b:s15+s5], $0x40, s0, s5, $0xb8;
	[tilespmem:$0x1BD00] =	vst v63  }
0x383: {  	_ =	swait.ge [sflag:s7], $0xA000  }
0x384: {  	s0 =	sld [smem:$0x7C8]  }
0x385: {  	[sflag:s7] =	ssyncset.done $0x0  }
0x386: {  	[sflag:s7] =	ssyncadd.s32 $0xFFFF6000  }
0x387: {  	[hbm4b:s0+s6] =	stream.strided.scatter [tilespmem:s4], [sflag:$0x3], $0xA000, s8, s6, $0x38;
	[tilespmem:$0x1BD00] =	vst v63  }
0x388: {  	_ =	swait.ge [sflag:s9], $0xA000  }
0x389: {  	s0 =	sld [smem:$0x7F7]  }
0x38a: {  	[sflag:s9] =	ssyncset.done $0x0  }
0x38b: {  	[sflag:s9] =	ssyncadd.s32 $0xFFFF6000  }
0x38c: {  	[tilespmem:s4], [sflag:$0x1] =	stream.indirect.gather [hbm4b:s15+s5], $0x40, s0, s5, $0xb8;
	[tilespmem:$0x1BD00] =	vst v63  }
0x38d: {  	_ =	swait.ge [sflag:s11], $0xA000  }
0x38e: {  	s0 =	sld [smem:$0x7C9]  }
0x38f: {  	[sflag:s11] =	ssyncset.done $0x0  }
0x390: {  	[sflag:s11] =	ssyncadd.s32 $0xFFFF6000  }
0x391: {  	[hbm4b:s0+s6] =	stream.strided.scatter [tilespmem:s3], [sflag:$0x4], $0xA000, s8, s6, $0x38;
	[tilespmem:$0x1BD00] =	vst v63  }
0x392: {  	_ =	swait.ge [sflag:s10], $0xA000  }
0x393: {  	s0 =	sld [smem:$0x7F8]  }
0x394: {  	[sflag:s10] =	ssyncset.done $0x0  }
0x395: {  	[sflag:s10] =	ssyncadd.s32 $0xFFFF6000  }
0x396: {  	[tilespmem:s3], [sflag:$0x2] =	stream.indirect.gather [hbm4b:s15+s5], $0x40, s0, s5, $0xb8;
	[tilespmem:$0x1BD00] =	vst v63  }
0x397: {  	_ =	swait.ge [sflag:s7], $0xA000  }
0x398: {  	s0 =	sld [smem:$0x7CA]  }
0x399: {  	[sflag:s7] =	ssyncset.done $0x0  }
0x39a: {  	[sflag:s7] =	ssyncadd.s32 $0xFFFF6000  }
0x39b: {  	[hbm4b:s0+s6] =	stream.strided.scatter [tilespmem:s4], [sflag:$0x3], $0xA000, s8, s6, $0x38;
	[tilespmem:$0x1BD00] =	vst v63  }
0x39c: {  	_ =	swait.ge [sflag:s9], $0xA000  }
0x39d: {  	s0 =	sld [smem:$0x7F9]  }
0x39e: {  	[sflag:s9] =	ssyncset.done $0x0  }
0x39f: {  	[sflag:s9] =	ssyncadd.s32 $0xFFFF6000  }
0x3a0: {  	[tilespmem:s4], [sflag:$0x1] =	stream.indirect.gather [hbm4b:s15+s5], $0x40, s0, s5, $0xb8;
	[tilespmem:$0x1BD00] =	vst v63  }
0x3a1: {  	_ =	swait.ge [sflag:s11], $0xA000  }
0x3a2: {  	s0 =	sld [smem:$0x7CB]  }
0x3a3: {  	[sflag:s11] =	ssyncset.done $0x0  }
0x3a4: {  	[sflag:s11] =	ssyncadd.s32 $0xFFFF6000  }
0x3a5: {  	[hbm4b:s0+s6] =	stream.strided.scatter [tilespmem:s3], [sflag:$0x4], $0xA000, s8, s6, $0x38;
	[tilespmem:$0x1BD00] =	vst v63  }
0x3a6: {  	_ =	swait.ge [sflag:s10], $0xA000  }
0x3a7: {  	s0 =	sld [smem:$0x7FA]  }
0x3a8: {  	[sflag:s10] =	ssyncset.done $0x0  }
0x3a9: {  	[sflag:s10] =	ssyncadd.s32 $0xFFFF6000  }
0x3aa: {  	[tilespmem:s3], [sflag:$0x2] =	stream.indirect.gather [hbm4b:s15+s5], $0x40, s0, s5, $0xb8;
	[tilespmem:$0x1BD00] =	vst v63  }
0x3ab: {  	_ =	swait.ge [sflag:s7], $0xA000  }
0x3ac: {  	s0 =	sld [smem:$0x7CC]  }
0x3ad: {  	[sflag:s7] =	ssyncset.done $0x0  }
0x3ae: {  	[sflag:s7] =	ssyncadd.s32 $0xFFFF6000  }
0x3af: {  	[hbm4b:s0+s6] =	stream.strided.scatter [tilespmem:s4], [sflag:$0x3], $0xA000, s8, s6, $0x38;
	[tilespmem:$0x1BD00] =	vst v63  }
0x3b0: {  	_ =	swait.ge [sflag:s9], $0xA000  }
0x3b1: {  	s0 =	sld [smem:$0x7FB]  }
0x3b2: {  	[sflag:s9] =	ssyncset.done $0x0  }
0x3b3: {  	[sflag:s9] =	ssyncadd.s32 $0xFFFF6000  }
0x3b4: {  	[tilespmem:s4], [sflag:$0x1] =	stream.indirect.gather [hbm4b:s15+s5], $0x40, s0, s5, $0xb8;
	[tilespmem:$0x1BD00] =	vst v63  }
0x3b5: {  	_ =	swait.ge [sflag:s11], $0xA000  }
0x3b6: {  	s0 =	sld [smem:$0x7CD]  }
0x3b7: {  	[sflag:s11] =	ssyncset.done $0x0  }
0x3b8: {  	[sflag:s11] =	ssyncadd.s32 $0xFFFF6000  }
0x3b9: {  	[hbm4b:s0+s6] =	stream.strided.scatter [tilespmem:s3], [sflag:$0x4], $0xA000, s8, s6, $0x38;
	[tilespmem:$0x1BD00] =	vst v63  }
0x3ba: {  	_ =	swait.ge [sflag:s10], $0xA000  }
0x3bb: {  	s0 =	sld [smem:$0x7FC]  }
0x3bc: {  	[sflag:s10] =	ssyncset.done $0x0  }
0x3bd: {  	[sflag:s10] =	ssyncadd.s32 $0xFFFF6000  }
0x3be: {  	[tilespmem:s3], [sflag:$0x2] =	stream.indirect.gather [hbm4b:s15+s5], $0x40, s0, s5, $0xb8;
	[tilespmem:$0x1BD00] =	vst v63  }
0x3bf: {  	_ =	swait.ge [sflag:s7], $0xA000  }
0x3c0: {  	s0 =	sld [smem:$0x7CE]  }
0x3c1: {  	[sflag:s7] =	ssyncset.done $0x0  }
0x3c2: {  	[sflag:s7] =	ssyncadd.s32 $0xFFFF6000  }
0x3c3: {  	[hbm4b:s0+s6] =	stream.strided.scatter [tilespmem:s4], [sflag:$0x3], $0xA000, s8, s6, $0x38;
	[tilespmem:$0x1BD00] =	vst v63  }
0x3c4: {  	_ =	swait.ge [sflag:s9], $0xA000  }
0x3c5: {  	[sflag:s9] =	ssyncset.done $0x0  }
0x3c6: {  	[sflag:s9] =	ssyncadd.s32 $0xFFFF6000  }
0x3c7: {  	[tilespmem:s4], [sflag:$0x1] =	stream.indirect.gather [hbm4b:s2+s5], $0x40, s19, s5, $0xb8;
	[tilespmem:$0x1BD00] =	vst v63  }
0x3c8: {  	_ =	swait.ge [sflag:s11], $0xA000  }
0x3c9: {  	s0 =	sld [smem:$0x7CF]  }
0x3ca: {  	[sflag:s11] =	ssyncset.done $0x0  }
0x3cb: {  	[sflag:s11] =	ssyncadd.s32 $0xFFFF6000  }
0x3cc: {  	[hbm4b:s0+s6] =	stream.strided.scatter [tilespmem:s3], [sflag:$0x4], $0xA000, s8, s6, $0x38;
	[tilespmem:$0x1BD00] =	vst v63  }
0x3cd: {  	_ =	swait.ge [sflag:s10], $0xA000  }
0x3ce: {  	s0 =	sld [smem:$0x7FD]  }
0x3cf: {  	[sflag:s10] =	ssyncset.done $0x0  }
0x3d0: {  	[sflag:s10] =	ssyncadd.s32 $0xFFFF6000  }
0x3d1: {  	[tilespmem:s3], [sflag:$0x2] =	stream.indirect.gather [hbm4b:s2+s5], $0x40, s0, s5, $0xb8;
	[tilespmem:$0x1BD00] =	vst v63  }
0x3d2: {  	_ =	swait.ge [sflag:s7], $0xA000  }
0x3d3: {  	s0 =	sld [smem:$0x7D0]  }
0x3d4: {  	[sflag:s7] =	ssyncset.done $0x0  }
0x3d5: {  	[sflag:s7] =	ssyncadd.s32 $0xFFFF6000  }
0x3d6: {  	[hbm4b:s0+s6] =	stream.strided.scatter [tilespmem:s4], [sflag:$0x3], $0xA000, s8, s6, $0x38;
	[tilespmem:$0x1BD00] =	vst v63  }
0x3d7: {  	_ =	swait.ge [sflag:s9], $0xA000  }
0x3d8: {  	[sflag:s9] =	ssyncset.done $0x0  }
0x3d9: {  	[sflag:s9] =	ssyncadd.s32 $0xFFFF6000  }
0x3da: {  	[tilespmem:s4], [sflag:$0x1] =	stream.indirect.gather [hbm4b:s2+s5], $0x40, s21, s5, $0xb8;
	[tilespmem:$0x1BD00] =	vst v63  }
0x3db: {  	_ =	swait.ge [sflag:s11], $0xA000  }
0x3dc: {  	s0 =	sld [smem:$0x7D1]  }
0x3dd: {  	[sflag:s11] =	ssyncset.done $0x0  }
0x3de: {  	[sflag:s11] =	ssyncadd.s32 $0xFFFF6000  }
0x3df: {  	[hbm4b:s0+s6] =	stream.strided.scatter [tilespmem:s3], [sflag:$0x4], $0xA000, s8, s6, $0x38;
	[tilespmem:$0x1BD00] =	vst v63  }
0x3e0: {  	_ =	swait.ge [sflag:s10], $0xA000  }
0x3e1: {  	[sflag:s10] =	ssyncset.done $0x0  }
0x3e2: {  	[sflag:s10] =	ssyncadd.s32 $0xFFFF6000  }
0x3e3: {  	[tilespmem:s3], [sflag:$0x2] =	stream.indirect.gather [hbm4b:s2+s5], $0x40, s20, s5, $0xb8;
	[tilespmem:$0x1BD00] =	vst v63  }
0x3e4: {  	_ =	swait.ge [sflag:s7], $0xA000  }
0x3e5: {  	s0 =	sld [smem:$0x7D2]  }
0x3e6: {  	[sflag:s7] =	ssyncset.done $0x0  }
0x3e7: {  	[sflag:s7] =	ssyncadd.s32 $0xFFFF6000  }
0x3e8: {  	[hbm4b:s0+s6] =	stream.strided.scatter [tilespmem:s4], [sflag:$0x3], $0xA000, s8, s6, $0x38;
	[tilespmem:$0x1BD00] =	vst v63  }
0x3e9: {  	_ =	swait.ge [sflag:s9], $0xA000  }
0x3ea: {  	[sflag:s9] =	ssyncset.done $0x0  }
0x3eb: {  	[sflag:s9] =	ssyncadd.s32 $0xFFFF6000  }
0x3ec: {  	[tilespmem:s4], [sflag:$0x1] =	stream.indirect.gather [hbm4b:s2+s5], $0x40, s18, s5, $0xb8;
	[tilespmem:$0x1BD00] =	vst v63  }
0x3ed: {  	_ =	swait.ge [sflag:s11], $0xA000  }
0x3ee: {  	s0 =	sld [smem:$0x7D3]  }
0x3ef: {  	[sflag:s11] =	ssyncset.done $0x0  }
0x3f0: {  	[sflag:s11] =	ssyncadd.s32 $0xFFFF6000  }
0x3f1: {  	[hbm4b:s0+s6] =	stream.strided.scatter [tilespmem:s3], [sflag:$0x4], $0xA000, s8, s6, $0x38;
	[tilespmem:$0x1BD00] =	vst v63  }
0x3f2: {  	_ =	swait.ge [sflag:s10], $0xA000  }
0x3f3: {  	[sflag:s10] =	ssyncset.done $0x0  }
0x3f4: {  	[sflag:s10] =	ssyncadd.s32 $0xFFFF6000  }
0x3f5: {  	[tilespmem:s3], [sflag:$0x2] =	stream.indirect.gather [hbm4b:s2+s5], $0x40, s17, s5, $0xb8;
	[tilespmem:$0x1BD00] =	vst v63  }
0x3f6: {  	_ =	swait.ge [sflag:s7], $0xA000  }
0x3f7: {  	s0 =	sld [smem:$0x7D4]  }
0x3f8: {  	[sflag:s7] =	ssyncset.done $0x0  }
0x3f9: {  	[sflag:s7] =	ssyncadd.s32 $0xFFFF6000  }
0x3fa: {  	[hbm4b:s0+s6] =	stream.strided.scatter [tilespmem:s4], [sflag:$0x3], $0xA000, s8, s6, $0x38;
	[tilespmem:$0x1BD00] =	vst v63  }
0x3fb: {  	_ =	swait.ge [sflag:s9], $0xA000  }
0x3fc: {  	[sflag:s9] =	ssyncset.done $0x0  }
0x3fd: {  	[sflag:s9] =	ssyncadd.s32 $0xFFFF6000  }
0x3fe: {  	[tilespmem:s4], [sflag:$0x1] =	stream.indirect.gather [hbm4b:s2+s5], $0x40, s16, s5, $0xb8;
	[tilespmem:$0x1BD00] =	vst v63  }
0x3ff: {  	_ =	swait.ge [sflag:s11], $0xA000  }
0x400: {  	s0 =	sld [smem:$0x7D5]  }
0x401: {  	[sflag:s11] =	ssyncset.done $0x0  }
0x402: {  	[sflag:s11] =	ssyncadd.s32 $0xFFFF6000  }
0x403: {  	[hbm4b:s0+s6] =	stream.strided.scatter [tilespmem:s3], [sflag:$0x4], $0xA000, s8, s6, $0x38;
	[tilespmem:$0x1BD00] =	vst v63  }
0x404: {  	_ =	swait.ge [sflag:s10], $0xA000  }
0x405: {  	[sflag:s10] =	ssyncset.done $0x0  }
0x406: {  	[sflag:s10] =	ssyncadd.s32 $0xFFFF6000  }
0x407: {  	[tilespmem:s3], [sflag:$0x2] =	stream.indirect.gather [hbm4b:s2+s5], $0x40, s14, s5, $0xb8;
	[tilespmem:$0x1BD00] =	vst v63  }
0x408: {  	_ =	swait.ge [sflag:s7], $0xA000  }
0x409: {  	s0 =	sld [smem:$0x7D6]  }
0x40a: {  	[sflag:s7] =	ssyncset.done $0x0  }
0x40b: {  	[sflag:s7] =	ssyncadd.s32 $0xFFFF6000  }
0x40c: {  	[hbm4b:s0+s6] =	stream.strided.scatter [tilespmem:s4], [sflag:$0x3], $0xA000, s8, s6, $0x38;
	[tilespmem:$0x1BD00] =	vst v63  }
0x40d: {  	_ =	swait.ge [sflag:s9], $0xA000  }
0x40e: {  	[sflag:s9] =	ssyncset.done $0x0  }
0x40f: {  	[sflag:s9] =	ssyncadd.s32 $0xFFFF6000  }
0x410: {  	[tilespmem:s4], [sflag:$0x1] =	stream.indirect.gather [hbm4b:s2+s5], $0x40, s13, s5, $0xb8;
	[tilespmem:$0x1BD00] =	vst v63  }
0x411: {  	_ =	swait.ge [sflag:s11], $0xA000  }
0x412: {  	s0 =	sld [smem:$0x7D7]  }
0x413: {  	[sflag:s11] =	ssyncset.done $0x0  }
0x414: {  	[sflag:s11] =	ssyncadd.s32 $0xFFFF6000  }
0x415: {  	[hbm4b:s0+s6] =	stream.strided.scatter [tilespmem:s3], [sflag:$0x4], $0xA000, s8, s6, $0x38;
	[tilespmem:$0x1BD00] =	vst v63  }
0x416: {  	_ =	swait.ge [sflag:s10], $0xA000  }
0x417: {  	[sflag:s10] =	ssyncset.done $0x0  }
0x418: {  	[sflag:s10] =	ssyncadd.s32 $0xFFFF6000  }
0x419: {  	[tilespmem:s3], [sflag:$0x2] =	stream.indirect.gather [hbm4b:s2+s5], $0x40, s12, s5, $0xb8;
	[tilespmem:$0x1BD00] =	vst v63  }
0x41a: {  	_ =	swait.ge [sflag:s7], $0xA000  }
0x41b: {  	s0 =	sld [smem:$0x7D8]  }
0x41c: {  	[sflag:s7] =	ssyncset.done $0x0  }
0x41d: {  	[sflag:s7] =	ssyncadd.s32 $0xFFFF6000  }
0x41e: {  	[hbm4b:s0+s6] =	stream.strided.scatter [tilespmem:s4], [sflag:$0x3], $0xA000, s8, s6, $0x38;
	[tilespmem:$0x1BD00] =	vst v63  }
0x41f: {  	_ =	swait.ge [sflag:s11], $0xA000  }
0x420: {  	s0 =	sld [smem:$0x7D9]  }
0x421: {  	[sflag:s11] =	ssyncset.done $0x0  }
0x422: {  	p1 =	sne.s32 s1, $0x1;
	[sflag:s11] =	ssyncadd.s32 $0xFFFF6000  }
0x423: {  	[hbm4b:s0+s6] =	stream.strided.scatter [tilespmem:s3], [sflag:$0x4], $0xA000, s8, s6, $0x38;
	[tilespmem:$0x1BD00] =	vst v63  }
.Ltmp2:
0x424: {  	_ =	swait.ge [sflag:s9], $0xA000;
	(pc) =	sbr.rel @p1 .LBB2_2-.Ltmp2, $4  }
0x425: {  	[sflag:s9] =	ssyncset.done $0x0  }
0x426: {  	[sflag:s9] =	ssyncadd.s32 $0xFFFF6000  }
0x427: {  	_ =	swait.ge [sflag:s10], $0xA000  }
0x428: {  	s1 =	sadd.s32 $0xFFFFFFFF, s1;
	s0 =	rddreg [dreg:$0x3];
	[sflag:s10] =	ssyncset.done $0x0  }
.LBB2_3:
0x429: {  	[sflag:s10] =	ssyncadd.s32 @p0 $0xFFFF6000  }
0x42a: {  	[tilespmem:s26], [sflag:$0x5] =	stream.linear.gather [hbm4b:s0+s26], $0x1900, $0x38;
	[tilespmem:$0x1BD00] =	vst v63  }
0x42b: {  	_ =	swait.ge [sflag:s31], $0x1900  }
0x42c: {  	[sflag:s31] =	ssyncset.done $0x0  }
0x42d: {  	s1 =	rddreg [dreg:$0x4];
	[sflag:s31] =	ssyncadd.s32 $0xFFFFE700  }
0x42e: {  	[tilespmem:s30], [sflag:$0x5] =	stream.linear.gather [hbm4b:s1+s26], $0x1900, $0x38;
	[tilespmem:$0x1BD00] =	vst v63  }
0x42f: {  	_ =	swait.ge [sflag:s31], $0x1900  }
0x430: {  	[sflag:s31] =	ssyncset.done $0x0  }
0x431: {  	s1 =	rddreg [dreg:$0x5];
	[sflag:s31] =	ssyncadd.s32 $0xFFFFE700  }
0x432: {  	[tilespmem:s25], [sflag:$0x5] =	stream.linear.gather [hbm4b:s1+s26], $0x1900, $0x38;
	[tilespmem:$0x1BD00] =	vst v63  }
0x433: {  	_ =	swait.ge [sflag:s31], $0x1900  }
0x434: {  	[sflag:s31] =	ssyncset.done $0x0  }
0x435: {  	s1 =	rddreg [dreg:$0x6];
	[sflag:s31] =	ssyncadd.s32 $0xFFFFE700  }
0x436: {  	[tilespmem:s23], [sflag:$0x5] =	stream.linear.gather [hbm4b:s1+s26], $0x1900, $0x38;
	[tilespmem:$0x1BD00] =	vst v63  }
0x437: {  	_ =	swait.ge [sflag:s31], $0x1900  }
0x438: {  	[sflag:s31] =	ssyncset.done $0x0  }
0x439: {  	s1 =	rddreg [dreg:$0x7];
	[sflag:s31] =	ssyncadd.s32 $0xFFFFE700  }
0x43a: {  	[tilespmem:s19], [sflag:$0x5] =	stream.linear.gather [hbm4b:s1+s26], $0x1900, $0x38;
	[tilespmem:$0x1BD00] =	vst v63  }
0x43b: {  	_ =	swait.ge [sflag:s31], $0x1900  }
0x43c: {  	[sflag:s31] =	ssyncset.done $0x0  }
0x43d: {  	[sflag:s31] =	ssyncadd.s32 $0xFFFFE700  }
0x43e: {  	[tilespmem:s4], [sflag:$0x1] =	stream.indirect.gather [hbm4b:s29+s5], $0x40, s26, s5, $0xb8;
	[tilespmem:$0x1BD00] =	vst v63  }
0x43f: {  	_ = 	snop  }
0x440: {  	[tilespmem:s3], [sflag:$0x2] =	stream.indirect.gather [hbm4b:s29+s5], $0x40, s5, s5, $0xb8;
	[tilespmem:$0x1BD00] =	vst v63  }
0x441: {  	_ =	swait.ge [sflag:s7], $0xA000  }
0x442: {  	[sflag:s7] =	ssyncset.done $0x0  }
0x443: {  	[sflag:s7] =	ssyncadd.s32 $0xFFFF6000  }
0x444: {  	[hbm4b:s28+s6] =	stream.strided.scatter [tilespmem:s4], [sflag:$0x3], $0xA000, s8, s6, $0x38;
	[tilespmem:$0x1BD00] =	vst v63  }
0x445: {  	_ =	swait.ge [sflag:s9], $0xA000  }
0x446: {  	s31 =	sld [smem:$0x7DA]  }
0x447: {  	[sflag:s9] =	ssyncset.done $0x0  }
0x448: {  	[sflag:s9] =	ssyncadd.s32 $0xFFFF6000  }
0x449: {  	[tilespmem:s4], [sflag:$0x1] =	stream.indirect.gather [hbm4b:s29+s5], $0x40, s31, s5, $0xb8;
	[tilespmem:$0x1BD00] =	vst v63  }
0x44a: {  	_ =	swait.ge [sflag:s11], $0xA000  }
0x44b: {  	[sflag:s11] =	ssyncset.done $0x0  }
0x44c: {  	s1 =	rddreg [dreg:$0x8];
	[sflag:s11] =	ssyncadd.s32 $0xFFFF6000  }
0x44d: {  	[hbm4b:s1+s6] =	stream.strided.scatter [tilespmem:s3], [sflag:$0x4], $0xA000, s8, s6, $0x38;
	[tilespmem:$0x1BD00] =	vst v63  }
0x44e: {  	_ =	swait.ge [sflag:s10], $0xA000  }
0x44f: {  	s26 =	sld [smem:$0x7DB]  }
0x450: {  	[sflag:s10] =	ssyncset.done $0x0  }
0x451: {  	[sflag:s10] =	ssyncadd.s32 $0xFFFF6000  }
0x452: {  	[tilespmem:s3], [sflag:$0x2] =	stream.indirect.gather [hbm4b:s29+s5], $0x40, s26, s5, $0xb8;
	[tilespmem:$0x1BD00] =	vst v63  }
0x453: {  	_ =	swait.ge [sflag:s7], $0xA000  }
0x454: {  	[sflag:s7] =	ssyncset.done $0x0  }
0x455: {  	s28 =	rddreg [dreg:$0x9];
	[sflag:s7] =	ssyncadd.s32 $0xFFFF6000  }
0x456: {  	[hbm4b:s28+s6] =	stream.strided.scatter [tilespmem:s4], [sflag:$0x3], $0xA000, s8, s6, $0x38;
	[tilespmem:$0x1BD00] =	vst v63  }
0x457: {  	_ =	swait.ge [sflag:s9], $0xA000  }
0x458: {  	s31 =	sld [smem:$0x7DC]  }
0x459: {  	[sflag:s9] =	ssyncset.done $0x0  }
0x45a: {  	[sflag:s9] =	ssyncadd.s32 $0xFFFF6000  }
0x45b: {  	[tilespmem:s4], [sflag:$0x1] =	stream.indirect.gather [hbm4b:s29+s5], $0x40, s31, s5, $0xb8;
	[tilespmem:$0x1BD00] =	vst v63  }
0x45c: {  	_ =	swait.ge [sflag:s11], $0xA000  }
0x45d: {  	[sflag:s11] =	ssyncset.done $0x0  }
0x45e: {  	s1 =	rddreg [dreg:$0xa];
	[sflag:s11] =	ssyncadd.s32 $0xFFFF6000  }
0x45f: {  	[hbm4b:s1+s6] =	stream.strided.scatter [tilespmem:s3], [sflag:$0x4], $0xA000, s8, s6, $0x38;
	[tilespmem:$0x1BD00] =	vst v63  }
0x460: {  	_ =	swait.ge [sflag:s10], $0xA000  }
0x461: {  	s26 =	sld [smem:$0x7DD]  }
0x462: {  	[sflag:s10] =	ssyncset.done $0x0  }
0x463: {  	[sflag:s10] =	ssyncadd.s32 $0xFFFF6000  }
0x464: {  	[tilespmem:s3], [sflag:$0x2] =	stream.indirect.gather [hbm4b:s29+s5], $0x40, s26, s5, $0xb8;
	[tilespmem:$0x1BD00] =	vst v63  }
0x465: {  	_ =	swait.ge [sflag:s7], $0xA000  }
0x466: {  	[sflag:s7] =	ssyncset.done $0x0  }
0x467: {  	s28 =	rddreg [dreg:$0xb];
	[sflag:s7] =	ssyncadd.s32 $0xFFFF6000  }
0x468: {  	[hbm4b:s28+s6] =	stream.strided.scatter [tilespmem:s4], [sflag:$0x3], $0xA000, s8, s6, $0x38;
	[tilespmem:$0x1BD00] =	vst v63  }
0x469: {  	_ =	swait.ge [sflag:s9], $0xA000  }
0x46a: {  	s31 =	sld [smem:$0x7DE]  }
0x46b: {  	[sflag:s9] =	ssyncset.done $0x0  }
0x46c: {  	[sflag:s9] =	ssyncadd.s32 $0xFFFF6000  }
0x46d: {  	[tilespmem:s4], [sflag:$0x1] =	stream.indirect.gather [hbm4b:s29+s5], $0x40, s31, s5, $0xb8;
	[tilespmem:$0x1BD00] =	vst v63  }
0x46e: {  	_ =	swait.ge [sflag:s11], $0xA000  }
0x46f: {  	[sflag:s11] =	ssyncset.done $0x0  }
0x470: {  	s1 =	rddreg [dreg:$0xc];
	[sflag:s11] =	ssyncadd.s32 $0xFFFF6000  }
0x471: {  	[hbm4b:s1+s6] =	stream.strided.scatter [tilespmem:s3], [sflag:$0x4], $0xA000, s8, s6, $0x38;
	[tilespmem:$0x1BD00] =	vst v63  }
0x472: {  	_ =	swait.ge [sflag:s10], $0xA000  }
0x473: {  	s26 =	sld [smem:$0x7DF]  }
0x474: {  	[sflag:s10] =	ssyncset.done $0x0  }
0x475: {  	[sflag:s10] =	ssyncadd.s32 $0xFFFF6000  }
0x476: {  	[tilespmem:s3], [sflag:$0x2] =	stream.indirect.gather [hbm4b:s29+s5], $0x40, s26, s5, $0xb8;
	[tilespmem:$0x1BD00] =	vst v63  }
0x477: {  	_ =	swait.ge [sflag:s7], $0xA000  }
0x478: {  	[sflag:s7] =	ssyncset.done $0x0  }
0x479: {  	s28 =	rddreg [dreg:$0xd];
	[sflag:s7] =	ssyncadd.s32 $0xFFFF6000  }
0x47a: {  	[hbm4b:s28+s6] =	stream.strided.scatter [tilespmem:s4], [sflag:$0x3], $0xA000, s8, s6, $0x38;
	[tilespmem:$0x1BD00] =	vst v63  }
0x47b: {  	_ =	swait.ge [sflag:s9], $0xA000  }
0x47c: {  	s31 =	sld [smem:$0x7E0]  }
0x47d: {  	[sflag:s9] =	ssyncset.done $0x0  }
0x47e: {  	[sflag:s9] =	ssyncadd.s32 $0xFFFF6000  }
0x47f: {  	[tilespmem:s4], [sflag:$0x1] =	stream.indirect.gather [hbm4b:s29+s5], $0x40, s31, s5, $0xb8;
	[tilespmem:$0x1BD00] =	vst v63  }
0x480: {  	_ =	swait.ge [sflag:s11], $0xA000  }
0x481: {  	[sflag:s11] =	ssyncset.done $0x0  }
0x482: {  	s1 =	rddreg [dreg:$0xe];
	[sflag:s11] =	ssyncadd.s32 $0xFFFF6000  }
0x483: {  	[hbm4b:s1+s6] =	stream.strided.scatter [tilespmem:s3], [sflag:$0x4], $0xA000, s8, s6, $0x38;
	[tilespmem:$0x1BD00] =	vst v63  }
0x484: {  	_ =	swait.ge [sflag:s10], $0xA000  }
0x485: {  	s26 =	sld [smem:$0x7E1]  }
0x486: {  	[sflag:s10] =	ssyncset.done $0x0  }
0x487: {  	[sflag:s10] =	ssyncadd.s32 $0xFFFF6000  }
0x488: {  	[tilespmem:s3], [sflag:$0x2] =	stream.indirect.gather [hbm4b:s29+s5], $0x40, s26, s5, $0xb8;
	[tilespmem:$0x1BD00] =	vst v63  }
0x489: {  	_ =	swait.ge [sflag:s7], $0xA000  }
0x48a: {  	[sflag:s7] =	ssyncset.done $0x0  }
0x48b: {  	s28 =	rddreg [dreg:$0xf];
	[sflag:s7] =	ssyncadd.s32 $0xFFFF6000  }
0x48c: {  	[hbm4b:s28+s6] =	stream.strided.scatter [tilespmem:s4], [sflag:$0x3], $0xA000, s8, s6, $0x38;
	[tilespmem:$0x1BD00] =	vst v63  }
0x48d: {  	_ =	swait.ge [sflag:s9], $0xA000  }
0x48e: {  	[sflag:s9] =	ssyncset.done $0x0  }
0x48f: {  	[sflag:s9] =	ssyncadd.s32 $0xFFFF6000  }
0x490: {  	[tilespmem:s4], [sflag:$0x1] =	stream.indirect.gather [hbm4b:s24+s5], $0x40, s30, s5, $0xb8;
	[tilespmem:$0x1BD00] =	vst v63  }
0x491: {  	_ =	swait.ge [sflag:s11], $0xA000  }
0x492: {  	[sflag:s11] =	ssyncset.done $0x0  }
0x493: {  	s29 =	rddreg [dreg:$0x10];
	[sflag:s11] =	ssyncadd.s32 $0xFFFF6000  }
0x494: {  	[hbm4b:s29+s6] =	stream.strided.scatter [tilespmem:s3], [sflag:$0x4], $0xA000, s8, s6, $0x38;
	[tilespmem:$0x1BD00] =	vst v63  }
0x495: {  	_ =	swait.ge [sflag:s10], $0xA000  }
0x496: {  	s30 =	sld [smem:$0x7E2]  }
0x497: {  	[sflag:s10] =	ssyncset.done $0x0  }
0x498: {  	[sflag:s10] =	ssyncadd.s32 $0xFFFF6000  }
0x499: {  	[tilespmem:s3], [sflag:$0x2] =	stream.indirect.gather [hbm4b:s24+s5], $0x40, s30, s5, $0xb8;
	[tilespmem:$0x1BD00] =	vst v63  }
0x49a: {  	_ =	swait.ge [sflag:s7], $0xA000  }
0x49b: {  	[sflag:s7] =	ssyncset.done $0x0  }
0x49c: {  	s31 =	rddreg [dreg:$0x11];
	[sflag:s7] =	ssyncadd.s32 $0xFFFF6000  }
0x49d: {  	[hbm4b:s31+s6] =	stream.strided.scatter [tilespmem:s4], [sflag:$0x3], $0xA000, s8, s6, $0x38;
	[tilespmem:$0x1BD00] =	vst v63  }
0x49e: {  	_ =	swait.ge [sflag:s9], $0xA000  }
0x49f: {  	s1 =	sld [smem:$0x7E3]  }
0x4a0: {  	[sflag:s9] =	ssyncset.done $0x0  }
0x4a1: {  	[sflag:s9] =	ssyncadd.s32 $0xFFFF6000  }
0x4a2: {  	[tilespmem:s4], [sflag:$0x1] =	stream.indirect.gather [hbm4b:s24+s5], $0x40, s1, s5, $0xb8;
	[tilespmem:$0x1BD00] =	vst v63  }
0x4a3: {  	_ =	swait.ge [sflag:s11], $0xA000  }
0x4a4: {  	[sflag:s11] =	ssyncset.done $0x0  }
0x4a5: {  	s26 =	rddreg [dreg:$0x12];
	[sflag:s11] =	ssyncadd.s32 $0xFFFF6000  }
0x4a6: {  	[hbm4b:s26+s6] =	stream.strided.scatter [tilespmem:s3], [sflag:$0x4], $0xA000, s8, s6, $0x38;
	[tilespmem:$0x1BD00] =	vst v63  }
0x4a7: {  	_ =	swait.ge [sflag:s10], $0xA000  }
0x4a8: {  	s28 =	sld [smem:$0x7E4]  }
0x4a9: {  	[sflag:s10] =	ssyncset.done $0x0  }
0x4aa: {  	[sflag:s10] =	ssyncadd.s32 $0xFFFF6000  }
0x4ab: {  	[tilespmem:s3], [sflag:$0x2] =	stream.indirect.gather [hbm4b:s24+s5], $0x40, s28, s5, $0xb8;
	[tilespmem:$0x1BD00] =	vst v63  }
0x4ac: {  	_ =	swait.ge [sflag:s7], $0xA000  }
0x4ad: {  	[sflag:s7] =	ssyncset.done $0x0  }
0x4ae: {  	s29 =	rddreg [dreg:$0x13];
	[sflag:s7] =	ssyncadd.s32 $0xFFFF6000  }
0x4af: {  	[hbm4b:s29+s6] =	stream.strided.scatter [tilespmem:s4], [sflag:$0x3], $0xA000, s8, s6, $0x38;
	[tilespmem:$0x1BD00] =	vst v63  }
0x4b0: {  	_ =	swait.ge [sflag:s9], $0xA000  }
0x4b1: {  	s30 =	sld [smem:$0x7E5]  }
0x4b2: {  	[sflag:s9] =	ssyncset.done $0x0  }
0x4b3: {  	[sflag:s9] =	ssyncadd.s32 $0xFFFF6000  }
0x4b4: {  	[tilespmem:s4], [sflag:$0x1] =	stream.indirect.gather [hbm4b:s24+s5], $0x40, s30, s5, $0xb8;
	[tilespmem:$0x1BD00] =	vst v63  }
0x4b5: {  	_ =	swait.ge [sflag:s11], $0xA000  }
0x4b6: {  	[sflag:s11] =	ssyncset.done $0x0  }
0x4b7: {  	s31 =	rddreg [dreg:$0x14];
	[sflag:s11] =	ssyncadd.s32 $0xFFFF6000  }
0x4b8: {  	[hbm4b:s31+s6] =	stream.strided.scatter [tilespmem:s3], [sflag:$0x4], $0xA000, s8, s6, $0x38;
	[tilespmem:$0x1BD00] =	vst v63  }
0x4b9: {  	_ =	swait.ge [sflag:s10], $0xA000  }
0x4ba: {  	s1 =	sld [smem:$0x7E6]  }
0x4bb: {  	[sflag:s10] =	ssyncset.done $0x0  }
0x4bc: {  	[sflag:s10] =	ssyncadd.s32 $0xFFFF6000  }
0x4bd: {  	[tilespmem:s3], [sflag:$0x2] =	stream.indirect.gather [hbm4b:s24+s5], $0x40, s1, s5, $0xb8;
	[tilespmem:$0x1BD00] =	vst v63  }
0x4be: {  	_ =	swait.ge [sflag:s7], $0xA000  }
0x4bf: {  	[sflag:s7] =	ssyncset.done $0x0  }
0x4c0: {  	s26 =	rddreg [dreg:$0x15];
	[sflag:s7] =	ssyncadd.s32 $0xFFFF6000  }
0x4c1: {  	[hbm4b:s26+s6] =	stream.strided.scatter [tilespmem:s4], [sflag:$0x3], $0xA000, s8, s6, $0x38;
	[tilespmem:$0x1BD00] =	vst v63  }
0x4c2: {  	_ =	swait.ge [sflag:s9], $0xA000  }
0x4c3: {  	s28 =	sld [smem:$0x7E7]  }
0x4c4: {  	[sflag:s9] =	ssyncset.done $0x0  }
0x4c5: {  	[sflag:s9] =	ssyncadd.s32 $0xFFFF6000  }
0x4c6: {  	[tilespmem:s4], [sflag:$0x1] =	stream.indirect.gather [hbm4b:s24+s5], $0x40, s28, s5, $0xb8;
	[tilespmem:$0x1BD00] =	vst v63  }
0x4c7: {  	_ =	swait.ge [sflag:s11], $0xA000  }
0x4c8: {  	[sflag:s11] =	ssyncset.done $0x0  }
0x4c9: {  	s29 =	rddreg [dreg:$0x16];
	[sflag:s11] =	ssyncadd.s32 $0xFFFF6000  }
0x4ca: {  	[hbm4b:s29+s6] =	stream.strided.scatter [tilespmem:s3], [sflag:$0x4], $0xA000, s8, s6, $0x38;
	[tilespmem:$0x1BD00] =	vst v63  }
0x4cb: {  	_ =	swait.ge [sflag:s10], $0xA000  }
0x4cc: {  	s30 =	sld [smem:$0x7E8]  }
0x4cd: {  	[sflag:s10] =	ssyncset.done $0x0  }
0x4ce: {  	[sflag:s10] =	ssyncadd.s32 $0xFFFF6000  }
0x4cf: {  	[tilespmem:s3], [sflag:$0x2] =	stream.indirect.gather [hbm4b:s24+s5], $0x40, s30, s5, $0xb8;
	[tilespmem:$0x1BD00] =	vst v63  }
0x4d0: {  	_ =	swait.ge [sflag:s7], $0xA000  }
0x4d1: {  	[sflag:s7] =	ssyncset.done $0x0  }
0x4d2: {  	s31 =	rddreg [dreg:$0x17];
	[sflag:s7] =	ssyncadd.s32 $0xFFFF6000  }
0x4d3: {  	[hbm4b:s31+s6] =	stream.strided.scatter [tilespmem:s4], [sflag:$0x3], $0xA000, s8, s6, $0x38;
	[tilespmem:$0x1BD00] =	vst v63  }
0x4d4: {  	_ =	swait.ge [sflag:s9], $0xA000  }
0x4d5: {  	s1 =	sld [smem:$0x7E9]  }
0x4d6: {  	[sflag:s9] =	ssyncset.done $0x0  }
0x4d7: {  	[sflag:s9] =	ssyncadd.s32 $0xFFFF6000  }
0x4d8: {  	[tilespmem:s4], [sflag:$0x1] =	stream.indirect.gather [hbm4b:s24+s5], $0x40, s1, s5, $0xb8;
	[tilespmem:$0x1BD00] =	vst v63  }
0x4d9: {  	_ =	swait.ge [sflag:s11], $0xA000  }
0x4da: {  	[sflag:s11] =	ssyncset.done $0x0  }
0x4db: {  	s26 =	rddreg [dreg:$0x18];
	[sflag:s11] =	ssyncadd.s32 $0xFFFF6000  }
0x4dc: {  	[hbm4b:s26+s6] =	stream.strided.scatter [tilespmem:s3], [sflag:$0x4], $0xA000, s8, s6, $0x38;
	[tilespmem:$0x1BD00] =	vst v63  }
0x4dd: {  	_ =	swait.ge [sflag:s10], $0xA000  }
0x4de: {  	s28 =	sld [smem:$0x7EA]  }
0x4df: {  	[sflag:s10] =	ssyncset.done $0x0  }
0x4e0: {  	[sflag:s10] =	ssyncadd.s32 $0xFFFF6000  }
0x4e1: {  	[tilespmem:s3], [sflag:$0x2] =	stream.indirect.gather [hbm4b:s24+s5], $0x40, s28, s5, $0xb8;
	[tilespmem:$0x1BD00] =	vst v63  }
0x4e2: {  	_ =	swait.ge [sflag:s7], $0xA000  }
0x4e3: {  	[sflag:s7] =	ssyncset.done $0x0  }
0x4e4: {  	s29 =	rddreg [dreg:$0x19];
	[sflag:s7] =	ssyncadd.s32 $0xFFFF6000  }
0x4e5: {  	[hbm4b:s29+s6] =	stream.strided.scatter [tilespmem:s4], [sflag:$0x3], $0xA000, s8, s6, $0x38;
	[tilespmem:$0x1BD00] =	vst v63  }
0x4e6: {  	_ =	swait.ge [sflag:s9], $0xA000  }
0x4e7: {  	[sflag:s9] =	ssyncset.done $0x0  }
0x4e8: {  	[sflag:s9] =	ssyncadd.s32 $0xFFFF6000  }
0x4e9: {  	[tilespmem:s4], [sflag:$0x1] =	stream.indirect.gather [hbm4b:s22+s5], $0x40, s25, s5, $0xb8;
	[tilespmem:$0x1BD00] =	vst v63  }
0x4ea: {  	_ =	swait.ge [sflag:s11], $0xA000  }
0x4eb: {  	[sflag:s11] =	ssyncset.done $0x0  }
0x4ec: {  	s30 =	rddreg [dreg:$0x1a];
	[sflag:s11] =	ssyncadd.s32 $0xFFFF6000  }
0x4ed: {  	[hbm4b:s30+s6] =	stream.strided.scatter [tilespmem:s3], [sflag:$0x4], $0xA000, s8, s6, $0x38;
	[tilespmem:$0x1BD00] =	vst v63  }
0x4ee: {  	_ =	swait.ge [sflag:s10], $0xA000  }
0x4ef: {  	s31 =	sld [smem:$0x7EB]  }
0x4f0: {  	[sflag:s10] =	ssyncset.done $0x0  }
0x4f1: {  	[sflag:s10] =	ssyncadd.s32 $0xFFFF6000  }
0x4f2: {  	[tilespmem:s3], [sflag:$0x2] =	stream.indirect.gather [hbm4b:s22+s5], $0x40, s31, s5, $0xb8;
	[tilespmem:$0x1BD00] =	vst v63  }
0x4f3: {  	_ =	swait.ge [sflag:s7], $0xA000  }
0x4f4: {  	[sflag:s7] =	ssyncset.done $0x0  }
0x4f5: {  	s1 =	rddreg [dreg:$0x1b];
	[sflag:s7] =	ssyncadd.s32 $0xFFFF6000  }
0x4f6: {  	[hbm4b:s1+s6] =	stream.strided.scatter [tilespmem:s4], [sflag:$0x3], $0xA000, s8, s6, $0x38;
	[tilespmem:$0x1BD00] =	vst v63  }
0x4f7: {  	_ =	swait.ge [sflag:s9], $0xA000  }
0x4f8: {  	s24 =	sld [smem:$0x7EC]  }
0x4f9: {  	[sflag:s9] =	ssyncset.done $0x0  }
0x4fa: {  	[sflag:s9] =	ssyncadd.s32 $0xFFFF6000  }
0x4fb: {  	[tilespmem:s4], [sflag:$0x1] =	stream.indirect.gather [hbm4b:s22+s5], $0x40, s24, s5, $0xb8;
	[tilespmem:$0x1BD00] =	vst v63  }
0x4fc: {  	_ =	swait.ge [sflag:s11], $0xA000  }
0x4fd: {  	[sflag:s11] =	ssyncset.done $0x0  }
0x4fe: {  	s25 =	rddreg [dreg:$0x1c];
	[sflag:s11] =	ssyncadd.s32 $0xFFFF6000  }
0x4ff: {  	[hbm4b:s25+s6] =	stream.strided.scatter [tilespmem:s3], [sflag:$0x4], $0xA000, s8, s6, $0x38;
	[tilespmem:$0x1BD00] =	vst v63  }
0x500: {  	_ =	swait.ge [sflag:s10], $0xA000  }
0x501: {  	s26 =	sld [smem:$0x7ED]  }
0x502: {  	[sflag:s10] =	ssyncset.done $0x0  }
0x503: {  	[sflag:s10] =	ssyncadd.s32 $0xFFFF6000  }
0x504: {  	[tilespmem:s3], [sflag:$0x2] =	stream.indirect.gather [hbm4b:s22+s5], $0x40, s26, s5, $0xb8;
	[tilespmem:$0x1BD00] =	vst v63  }
0x505: {  	_ =	swait.ge [sflag:s7], $0xA000  }
0x506: {  	[sflag:s7] =	ssyncset.done $0x0  }
0x507: {  	s28 =	rddreg [dreg:$0x1d];
	[sflag:s7] =	ssyncadd.s32 $0xFFFF6000  }
0x508: {  	[hbm4b:s28+s6] =	stream.strided.scatter [tilespmem:s4], [sflag:$0x3], $0xA000, s8, s6, $0x38;
	[tilespmem:$0x1BD00] =	vst v63  }
0x509: {  	_ =	swait.ge [sflag:s9], $0xA000  }
0x50a: {  	s29 =	sld [smem:$0x7EE]  }
0x50b: {  	[sflag:s9] =	ssyncset.done $0x0  }
0x50c: {  	[sflag:s9] =	ssyncadd.s32 $0xFFFF6000  }
0x50d: {  	[tilespmem:s4], [sflag:$0x1] =	stream.indirect.gather [hbm4b:s22+s5], $0x40, s29, s5, $0xb8;
	[tilespmem:$0x1BD00] =	vst v63  }
0x50e: {  	_ =	swait.ge [sflag:s11], $0xA000  }
0x50f: {  	[sflag:s11] =	ssyncset.done $0x0  }
0x510: {  	s30 =	rddreg [dreg:$0x1e];
	[sflag:s11] =	ssyncadd.s32 $0xFFFF6000  }
0x511: {  	[hbm4b:s30+s6] =	stream.strided.scatter [tilespmem:s3], [sflag:$0x4], $0xA000, s8, s6, $0x38;
	[tilespmem:$0x1BD00] =	vst v63  }
0x512: {  	_ =	swait.ge [sflag:s10], $0xA000  }
0x513: {  	s31 =	sld [smem:$0x7EF]  }
0x514: {  	[sflag:s10] =	ssyncset.done $0x0  }
0x515: {  	[sflag:s10] =	ssyncadd.s32 $0xFFFF6000  }
0x516: {  	[tilespmem:s3], [sflag:$0x2] =	stream.indirect.gather [hbm4b:s22+s5], $0x40, s31, s5, $0xb8;
	[tilespmem:$0x1BD00] =	vst v63  }
0x517: {  	_ =	swait.ge [sflag:s7], $0xA000  }
0x518: {  	[sflag:s7] =	ssyncset.done $0x0  }
0x519: {  	s1 =	rddreg [dreg:$0x1f];
	[sflag:s7] =	ssyncadd.s32 $0xFFFF6000  }
0x51a: {  	[hbm4b:s1+s6] =	stream.strided.scatter [tilespmem:s4], [sflag:$0x3], $0xA000, s8, s6, $0x38;
	[tilespmem:$0x1BD00] =	vst v63  }
0x51b: {  	_ =	swait.ge [sflag:s9], $0xA000  }
0x51c: {  	s24 =	sld [smem:$0x7F0]  }
0x51d: {  	[sflag:s9] =	ssyncset.done $0x0  }
0x51e: {  	[sflag:s9] =	ssyncadd.s32 $0xFFFF6000  }
0x51f: {  	[tilespmem:s4], [sflag:$0x1] =	stream.indirect.gather [hbm4b:s22+s5], $0x40, s24, s5, $0xb8;
	[tilespmem:$0x1BD00] =	vst v63  }
0x520: {  	_ =	swait.ge [sflag:s11], $0xA000  }
0x521: {  	s25 =	sld [smem:$0x7C1]  }
0x522: {  	[sflag:s11] =	ssyncset.done $0x0  }
0x523: {  	[sflag:s11] =	ssyncadd.s32 $0xFFFF6000  }
0x524: {  	[hbm4b:s25+s6] =	stream.strided.scatter [tilespmem:s3], [sflag:$0x4], $0xA000, s8, s6, $0x38;
	[tilespmem:$0x1BD00] =	vst v63  }
0x525: {  	_ =	swait.ge [sflag:s10], $0xA000  }
0x526: {  	s26 =	sld [smem:$0x7F1]  }
0x527: {  	[sflag:s10] =	ssyncset.done $0x0  }
0x528: {  	[sflag:s10] =	ssyncadd.s32 $0xFFFF6000  }
0x529: {  	[tilespmem:s3], [sflag:$0x2] =	stream.indirect.gather [hbm4b:s22+s5], $0x40, s26, s5, $0xb8;
	[tilespmem:$0x1BD00] =	vst v63  }
0x52a: {  	_ =	swait.ge [sflag:s7], $0xA000  }
0x52b: {  	s28 =	sld [smem:$0x7C2]  }
0x52c: {  	[sflag:s7] =	ssyncset.done $0x0  }
0x52d: {  	[sflag:s7] =	ssyncadd.s32 $0xFFFF6000  }
0x52e: {  	[hbm4b:s28+s6] =	stream.strided.scatter [tilespmem:s4], [sflag:$0x3], $0xA000, s8, s6, $0x38;
	[tilespmem:$0x1BD00] =	vst v63  }
0x52f: {  	_ =	swait.ge [sflag:s9], $0xA000  }
0x530: {  	s29 =	sld [smem:$0x7F2]  }
0x531: {  	[sflag:s9] =	ssyncset.done $0x0  }
0x532: {  	[sflag:s9] =	ssyncadd.s32 $0xFFFF6000  }
0x533: {  	[tilespmem:s4], [sflag:$0x1] =	stream.indirect.gather [hbm4b:s22+s5], $0x40, s29, s5, $0xb8;
	[tilespmem:$0x1BD00] =	vst v63  }
0x534: {  	_ =	swait.ge [sflag:s11], $0xA000  }
0x535: {  	s30 =	sld [smem:$0x7C3]  }
0x536: {  	[sflag:s11] =	ssyncset.done $0x0  }
0x537: {  	[sflag:s11] =	ssyncadd.s32 $0xFFFF6000  }
0x538: {  	[hbm4b:s30+s6] =	stream.strided.scatter [tilespmem:s3], [sflag:$0x4], $0xA000, s8, s6, $0x38;
	[tilespmem:$0x1BD00] =	vst v63  }
0x539: {  	_ =	swait.ge [sflag:s10], $0xA000  }
0x53a: {  	s31 =	sld [smem:$0x7F3]  }
0x53b: {  	[sflag:s10] =	ssyncset.done $0x0  }
0x53c: {  	[sflag:s10] =	ssyncadd.s32 $0xFFFF6000  }
0x53d: {  	[tilespmem:s3], [sflag:$0x2] =	stream.indirect.gather [hbm4b:s22+s5], $0x40, s31, s5, $0xb8;
	[tilespmem:$0x1BD00] =	vst v63  }
0x53e: {  	_ =	swait.ge [sflag:s7], $0xA000  }
0x53f: {  	s1 =	sld [smem:$0x7C4]  }
0x540: {  	[sflag:s7] =	ssyncset.done $0x0  }
0x541: {  	[sflag:s7] =	ssyncadd.s32 $0xFFFF6000  }
0x542: {  	[hbm4b:s1+s6] =	stream.strided.scatter [tilespmem:s4], [sflag:$0x3], $0xA000, s8, s6, $0x38;
	[tilespmem:$0x1BD00] =	vst v63  }
0x543: {  	_ =	swait.ge [sflag:s9], $0xA000  }
0x544: {  	[sflag:s9] =	ssyncset.done $0x0  }
0x545: {  	[sflag:s9] =	ssyncadd.s32 $0xFFFF6000  }
0x546: {  	[tilespmem:s4], [sflag:$0x1] =	stream.indirect.gather [hbm4b:s15+s5], $0x40, s23, s5, $0xb8;
	[tilespmem:$0x1BD00] =	vst v63  }
0x547: {  	_ =	swait.ge [sflag:s11], $0xA000  }
0x548: {  	s22 =	sld [smem:$0x7C5]  }
0x549: {  	[sflag:s11] =	ssyncset.done $0x0  }
0x54a: {  	[sflag:s11] =	ssyncadd.s32 $0xFFFF6000  }
0x54b: {  	[hbm4b:s22+s6] =	stream.strided.scatter [tilespmem:s3], [sflag:$0x4], $0xA000, s8, s6, $0x38;
	[tilespmem:$0x1BD00] =	vst v63  }
0x54c: {  	_ =	swait.ge [sflag:s10], $0xA000  }
0x54d: {  	s23 =	sld [smem:$0x7F4]  }
0x54e: {  	[sflag:s10] =	ssyncset.done $0x0  }
0x54f: {  	[sflag:s10] =	ssyncadd.s32 $0xFFFF6000  }
0x550: {  	[tilespmem:s3], [sflag:$0x2] =	stream.indirect.gather [hbm4b:s15+s5], $0x40, s23, s5, $0xb8;
	[tilespmem:$0x1BD00] =	vst v63  }
0x551: {  	_ =	swait.ge [sflag:s7], $0xA000  }
0x552: {  	s24 =	sld [smem:$0x7C6]  }
0x553: {  	[sflag:s7] =	ssyncset.done $0x0  }
0x554: {  	[sflag:s7] =	ssyncadd.s32 $0xFFFF6000  }
0x555: {  	[hbm4b:s24+s6] =	stream.strided.scatter [tilespmem:s4], [sflag:$0x3], $0xA000, s8, s6, $0x38;
	[tilespmem:$0x1BD00] =	vst v63  }
0x556: {  	_ =	swait.ge [sflag:s9], $0xA000  }
0x557: {  	s25 =	sld [smem:$0x7F5]  }
0x558: {  	[sflag:s9] =	ssyncset.done $0x0  }
0x559: {  	[sflag:s9] =	ssyncadd.s32 $0xFFFF6000  }
0x55a: {  	[tilespmem:s4], [sflag:$0x1] =	stream.indirect.gather [hbm4b:s15+s5], $0x40, s25, s5, $0xb8;
	[tilespmem:$0x1BD00] =	vst v63  }
0x55b: {  	_ =	swait.ge [sflag:s11], $0xA000  }
0x55c: {  	s26 =	sld [smem:$0x7C7]  }
0x55d: {  	[sflag:s11] =	ssyncset.done $0x0  }
0x55e: {  	[sflag:s11] =	ssyncadd.s32 $0xFFFF6000  }
0x55f: {  	[hbm4b:s26+s6] =	stream.strided.scatter [tilespmem:s3], [sflag:$0x4], $0xA000, s8, s6, $0x38;
	[tilespmem:$0x1BD00] =	vst v63  }
0x560: {  	_ =	swait.ge [sflag:s10], $0xA000  }
0x561: {  	s28 =	sld [smem:$0x7F6]  }
0x562: {  	[sflag:s10] =	ssyncset.done $0x0  }
0x563: {  	[sflag:s10] =	ssyncadd.s32 $0xFFFF6000  }
0x564: {  	[tilespmem:s3], [sflag:$0x2] =	stream.indirect.gather [hbm4b:s15+s5], $0x40, s28, s5, $0xb8;
	[tilespmem:$0x1BD00] =	vst v63  }
0x565: {  	_ =	swait.ge [sflag:s7], $0xA000  }
0x566: {  	s29 =	sld [smem:$0x7C8]  }
0x567: {  	[sflag:s7] =	ssyncset.done $0x0  }
0x568: {  	[sflag:s7] =	ssyncadd.s32 $0xFFFF6000  }
0x569: {  	[hbm4b:s29+s6] =	stream.strided.scatter [tilespmem:s4], [sflag:$0x3], $0xA000, s8, s6, $0x38;
	[tilespmem:$0x1BD00] =	vst v63  }
0x56a: {  	_ =	swait.ge [sflag:s9], $0xA000  }
0x56b: {  	s30 =	sld [smem:$0x7F7]  }
0x56c: {  	[sflag:s9] =	ssyncset.done $0x0  }
0x56d: {  	[sflag:s9] =	ssyncadd.s32 $0xFFFF6000  }
0x56e: {  	[tilespmem:s4], [sflag:$0x1] =	stream.indirect.gather [hbm4b:s15+s5], $0x40, s30, s5, $0xb8;
	[tilespmem:$0x1BD00] =	vst v63  }
0x56f: {  	_ =	swait.ge [sflag:s11], $0xA000  }
0x570: {  	s31 =	sld [smem:$0x7C9]  }
0x571: {  	[sflag:s11] =	ssyncset.done $0x0  }
0x572: {  	[sflag:s11] =	ssyncadd.s32 $0xFFFF6000  }
0x573: {  	[hbm4b:s31+s6] =	stream.strided.scatter [tilespmem:s3], [sflag:$0x4], $0xA000, s8, s6, $0x38;
	[tilespmem:$0x1BD00] =	vst v63  }
0x574: {  	_ =	swait.ge [sflag:s10], $0xA000  }
0x575: {  	s1 =	sld [smem:$0x7F8]  }
0x576: {  	[sflag:s10] =	ssyncset.done $0x0  }
0x577: {  	[sflag:s10] =	ssyncadd.s32 $0xFFFF6000  }
0x578: {  	[tilespmem:s3], [sflag:$0x2] =	stream.indirect.gather [hbm4b:s15+s5], $0x40, s1, s5, $0xb8;
	[tilespmem:$0x1BD00] =	vst v63  }
0x579: {  	_ =	swait.ge [sflag:s7], $0xA000  }
0x57a: {  	s22 =	sld [smem:$0x7CA]  }
0x57b: {  	[sflag:s7] =	ssyncset.done $0x0  }
0x57c: {  	[sflag:s7] =	ssyncadd.s32 $0xFFFF6000  }
0x57d: {  	[hbm4b:s22+s6] =	stream.strided.scatter [tilespmem:s4], [sflag:$0x3], $0xA000, s8, s6, $0x38;
	[tilespmem:$0x1BD00] =	vst v63  }
0x57e: {  	_ =	swait.ge [sflag:s9], $0xA000  }
0x57f: {  	s23 =	sld [smem:$0x7F9]  }
0x580: {  	[sflag:s9] =	ssyncset.done $0x0  }
0x581: {  	[sflag:s9] =	ssyncadd.s32 $0xFFFF6000  }
0x582: {  	[tilespmem:s4], [sflag:$0x1] =	stream.indirect.gather [hbm4b:s15+s5], $0x40, s23, s5, $0xb8;
	[tilespmem:$0x1BD00] =	vst v63  }
0x583: {  	_ =	swait.ge [sflag:s11], $0xA000  }
0x584: {  	s24 =	sld [smem:$0x7CB]  }
0x585: {  	[sflag:s11] =	ssyncset.done $0x0  }
0x586: {  	[sflag:s11] =	ssyncadd.s32 $0xFFFF6000  }
0x587: {  	[hbm4b:s24+s6] =	stream.strided.scatter [tilespmem:s3], [sflag:$0x4], $0xA000, s8, s6, $0x38;
	[tilespmem:$0x1BD00] =	vst v63  }
0x588: {  	_ =	swait.ge [sflag:s10], $0xA000  }
0x589: {  	s25 =	sld [smem:$0x7FA]  }
0x58a: {  	[sflag:s10] =	ssyncset.done $0x0  }
0x58b: {  	[sflag:s10] =	ssyncadd.s32 $0xFFFF6000  }
0x58c: {  	[tilespmem:s3], [sflag:$0x2] =	stream.indirect.gather [hbm4b:s15+s5], $0x40, s25, s5, $0xb8;
	[tilespmem:$0x1BD00] =	vst v63  }
0x58d: {  	_ =	swait.ge [sflag:s7], $0xA000  }
0x58e: {  	s26 =	sld [smem:$0x7CC]  }
0x58f: {  	[sflag:s7] =	ssyncset.done $0x0  }
0x590: {  	[sflag:s7] =	ssyncadd.s32 $0xFFFF6000  }
0x591: {  	[hbm4b:s26+s6] =	stream.strided.scatter [tilespmem:s4], [sflag:$0x3], $0xA000, s8, s6, $0x38;
	[tilespmem:$0x1BD00] =	vst v63  }
0x592: {  	_ =	swait.ge [sflag:s9], $0xA000  }
0x593: {  	s28 =	sld [smem:$0x7FB]  }
0x594: {  	[sflag:s9] =	ssyncset.done $0x0  }
0x595: {  	[sflag:s9] =	ssyncadd.s32 $0xFFFF6000  }
0x596: {  	[tilespmem:s4], [sflag:$0x1] =	stream.indirect.gather [hbm4b:s15+s5], $0x40, s28, s5, $0xb8;
	[tilespmem:$0x1BD00] =	vst v63  }
0x597: {  	_ =	swait.ge [sflag:s11], $0xA000  }
0x598: {  	s29 =	sld [smem:$0x7CD]  }
0x599: {  	[sflag:s11] =	ssyncset.done $0x0  }
0x59a: {  	[sflag:s11] =	ssyncadd.s32 $0xFFFF6000  }
0x59b: {  	[hbm4b:s29+s6] =	stream.strided.scatter [tilespmem:s3], [sflag:$0x4], $0xA000, s8, s6, $0x38;
	[tilespmem:$0x1BD00] =	vst v63  }
0x59c: {  	_ =	swait.ge [sflag:s10], $0xA000  }
0x59d: {  	s30 =	sld [smem:$0x7FC]  }
0x59e: {  	[sflag:s10] =	ssyncset.done $0x0  }
0x59f: {  	[sflag:s10] =	ssyncadd.s32 $0xFFFF6000  }
0x5a0: {  	[tilespmem:s3], [sflag:$0x2] =	stream.indirect.gather [hbm4b:s15+s5], $0x40, s30, s5, $0xb8;
	[tilespmem:$0x1BD00] =	vst v63  }
0x5a1: {  	_ =	swait.ge [sflag:s7], $0xA000  }
0x5a2: {  	s31 =	sld [smem:$0x7CE]  }
0x5a3: {  	[sflag:s7] =	ssyncset.done $0x0  }
0x5a4: {  	[sflag:s7] =	ssyncadd.s32 $0xFFFF6000  }
0x5a5: {  	[hbm4b:s31+s6] =	stream.strided.scatter [tilespmem:s4], [sflag:$0x3], $0xA000, s8, s6, $0x38;
	[tilespmem:$0x1BD00] =	vst v63  }
0x5a6: {  	_ =	swait.ge [sflag:s9], $0xA000  }
0x5a7: {  	[sflag:s9] =	ssyncset.done $0x0  }
0x5a8: {  	[sflag:s9] =	ssyncadd.s32 $0xFFFF6000  }
0x5a9: {  	[tilespmem:s4], [sflag:$0x1] =	stream.indirect.gather [hbm4b:s2+s5], $0x40, s19, s5, $0xb8;
	[tilespmem:$0x1BD00] =	vst v63  }
0x5aa: {  	_ =	swait.ge [sflag:s11], $0xA000  }
0x5ab: {  	s1 =	sld [smem:$0x7CF]  }
0x5ac: {  	[sflag:s11] =	ssyncset.done $0x0  }
0x5ad: {  	[sflag:s11] =	ssyncadd.s32 $0xFFFF6000  }
0x5ae: {  	[hbm4b:s1+s6] =	stream.strided.scatter [tilespmem:s3], [sflag:$0x4], $0xA000, s8, s6, $0x38;
	[tilespmem:$0x1BD00] =	vst v63  }
0x5af: {  	_ =	swait.ge [sflag:s10], $0xA000  }
0x5b0: {  	s15 =	sld [smem:$0x7FD]  }
0x5b1: {  	[sflag:s10] =	ssyncset.done $0x0  }
0x5b2: {  	[sflag:s10] =	ssyncadd.s32 $0xFFFF6000  }
0x5b3: {  	[tilespmem:s3], [sflag:$0x2] =	stream.indirect.gather [hbm4b:s2+s5], $0x40, s15, s5, $0xb8;
	[tilespmem:$0x1BD00] =	vst v63  }
0x5b4: {  	_ =	swait.ge [sflag:s7], $0xA000  }
0x5b5: {  	s19 =	sld [smem:$0x7D0]  }
0x5b6: {  	[sflag:s7] =	ssyncset.done $0x0  }
0x5b7: {  	[sflag:s7] =	ssyncadd.s32 $0xFFFF6000  }
0x5b8: {  	[hbm4b:s19+s6] =	stream.strided.scatter [tilespmem:s4], [sflag:$0x3], $0xA000, s8, s6, $0x38;
	[tilespmem:$0x1BD00] =	vst v63  }
0x5b9: {  	_ =	swait.ge [sflag:s9], $0xA000  }
0x5ba: {  	[sflag:s9] =	ssyncset.done $0x0  }
0x5bb: {  	[sflag:s9] =	ssyncadd.s32 $0xFFFF6000  }
0x5bc: {  	[tilespmem:s4], [sflag:$0x1] =	stream.indirect.gather [hbm4b:s2+s5], $0x40, s21, s5, $0xb8;
	[tilespmem:$0x1BD00] =	vst v63  }
0x5bd: {  	_ =	swait.ge [sflag:s11], $0xA000  }
0x5be: {  	s21 =	sld [smem:$0x7D1]  }
0x5bf: {  	[sflag:s11] =	ssyncset.done $0x0  }
0x5c0: {  	[sflag:s11] =	ssyncadd.s32 $0xFFFF6000  }
0x5c1: {  	[hbm4b:s21+s6] =	stream.strided.scatter [tilespmem:s3], [sflag:$0x4], $0xA000, s8, s6, $0x38;
	[tilespmem:$0x1BD00] =	vst v63  }
0x5c2: {  	_ =	swait.ge [sflag:s10], $0xA000  }
0x5c3: {  	[sflag:s10] =	ssyncset.done $0x0  }
0x5c4: {  	[sflag:s10] =	ssyncadd.s32 $0xFFFF6000  }
0x5c5: {  	[tilespmem:s3], [sflag:$0x2] =	stream.indirect.gather [hbm4b:s2+s5], $0x40, s20, s5, $0xb8;
	[tilespmem:$0x1BD00] =	vst v63  }
0x5c6: {  	_ =	swait.ge [sflag:s7], $0xA000  }
0x5c7: {  	s22 =	sld [smem:$0x7D2]  }
0x5c8: {  	[sflag:s7] =	ssyncset.done $0x0  }
0x5c9: {  	[sflag:s7] =	ssyncadd.s32 $0xFFFF6000  }
0x5ca: {  	[hbm4b:s22+s6] =	stream.strided.scatter [tilespmem:s4], [sflag:$0x3], $0xA000, s8, s6, $0x38;
	[tilespmem:$0x1BD00] =	vst v63  }
0x5cb: {  	_ =	swait.ge [sflag:s9], $0xA000  }
0x5cc: {  	[sflag:s9] =	ssyncset.done $0x0  }
0x5cd: {  	[sflag:s9] =	ssyncadd.s32 $0xFFFF6000  }
0x5ce: {  	[tilespmem:s4], [sflag:$0x1] =	stream.indirect.gather [hbm4b:s2+s5], $0x40, s18, s5, $0xb8;
	[tilespmem:$0x1BD00] =	vst v63  }
0x5cf: {  	_ =	swait.ge [sflag:s11], $0xA000  }
0x5d0: {  	s23 =	sld [smem:$0x7D3]  }
0x5d1: {  	[sflag:s11] =	ssyncset.done $0x0  }
0x5d2: {  	[sflag:s11] =	ssyncadd.s32 $0xFFFF6000  }
0x5d3: {  	[hbm4b:s23+s6] =	stream.strided.scatter [tilespmem:s3], [sflag:$0x4], $0xA000, s8, s6, $0x38;
	[tilespmem:$0x1BD00] =	vst v63  }
0x5d4: {  	_ =	swait.ge [sflag:s10], $0xA000  }
0x5d5: {  	[sflag:s10] =	ssyncset.done $0x0  }
0x5d6: {  	[sflag:s10] =	ssyncadd.s32 $0xFFFF6000  }
0x5d7: {  	[tilespmem:s3], [sflag:$0x2] =	stream.indirect.gather [hbm4b:s2+s5], $0x40, s17, s5, $0xb8;
	[tilespmem:$0x1BD00] =	vst v63  }
0x5d8: {  	_ =	swait.ge [sflag:s7], $0xA000  }
0x5d9: {  	s24 =	sld [smem:$0x7D4]  }
0x5da: {  	[sflag:s7] =	ssyncset.done $0x0  }
0x5db: {  	[sflag:s7] =	ssyncadd.s32 $0xFFFF6000  }
0x5dc: {  	[hbm4b:s24+s6] =	stream.strided.scatter [tilespmem:s4], [sflag:$0x3], $0xA000, s8, s6, $0x38;
	[tilespmem:$0x1BD00] =	vst v63  }
0x5dd: {  	_ =	swait.ge [sflag:s9], $0xA000  }
0x5de: {  	[sflag:s9] =	ssyncset.done $0x0  }
0x5df: {  	[sflag:s9] =	ssyncadd.s32 $0xFFFF6000  }
0x5e0: {  	[tilespmem:s4], [sflag:$0x1] =	stream.indirect.gather [hbm4b:s2+s5], $0x40, s16, s5, $0xb8;
	[tilespmem:$0x1BD00] =	vst v63  }
0x5e1: {  	_ =	swait.ge [sflag:s11], $0xA000  }
0x5e2: {  	s25 =	sld [smem:$0x7D5]  }
0x5e3: {  	[sflag:s11] =	ssyncset.done $0x0  }
0x5e4: {  	[sflag:s11] =	ssyncadd.s32 $0xFFFF6000  }
0x5e5: {  	[hbm4b:s25+s6] =	stream.strided.scatter [tilespmem:s3], [sflag:$0x4], $0xA000, s8, s6, $0x38;
	[tilespmem:$0x1BD00] =	vst v63  }
0x5e6: {  	_ =	swait.ge [sflag:s10], $0xA000  }
0x5e7: {  	[sflag:s10] =	ssyncset.done $0x0  }
0x5e8: {  	[sflag:s10] =	ssyncadd.s32 $0xFFFF6000  }
0x5e9: {  	[tilespmem:s3], [sflag:$0x2] =	stream.indirect.gather [hbm4b:s2+s5], $0x40, s14, s5, $0xb8;
	[tilespmem:$0x1BD00] =	vst v63  }
0x5ea: {  	_ =	swait.ge [sflag:s7], $0xA000  }
0x5eb: {  	s26 =	sld [smem:$0x7D6]  }
0x5ec: {  	[sflag:s7] =	ssyncset.done $0x0  }
0x5ed: {  	[sflag:s7] =	ssyncadd.s32 $0xFFFF6000  }
0x5ee: {  	[hbm4b:s26+s6] =	stream.strided.scatter [tilespmem:s4], [sflag:$0x3], $0xA000, s8, s6, $0x38;
	[tilespmem:$0x1BD00] =	vst v63  }
0x5ef: {  	_ =	swait.ge [sflag:s9], $0xA000  }
0x5f0: {  	[sflag:s9] =	ssyncset.done $0x0  }
0x5f1: {  	[sflag:s9] =	ssyncadd.s32 $0xFFFF6000  }
0x5f2: {  	[tilespmem:s4], [sflag:$0x1] =	stream.indirect.gather [hbm4b:s2+s5], $0x40, s13, s5, $0xb8;
	[tilespmem:$0x1BD00] =	vst v63  }
0x5f3: {  	_ =	swait.ge [sflag:s11], $0xA000  }
0x5f4: {  	s28 =	sld [smem:$0x7D7]  }
0x5f5: {  	[sflag:s11] =	ssyncset.done $0x0  }
0x5f6: {  	[sflag:s11] =	ssyncadd.s32 $0xFFFF6000  }
0x5f7: {  	[hbm4b:s28+s6] =	stream.strided.scatter [tilespmem:s3], [sflag:$0x4], $0xA000, s8, s6, $0x38;
	[tilespmem:$0x1BD00] =	vst v63  }
0x5f8: {  	_ =	swait.ge [sflag:s10], $0xA000  }
0x5f9: {  	[sflag:s10] =	ssyncset.done $0x0  }
0x5fa: {  	[sflag:s10] =	ssyncadd.s32 $0xFFFF6000  }
0x5fb: {  	[tilespmem:s3], [sflag:$0x2] =	stream.indirect.gather [hbm4b:s2+s5], $0x40, s12, s5, $0xb8;
	[tilespmem:$0x1BD00] =	vst v63  }
0x5fc: {  	_ =	swait.ge [sflag:s7], $0xA000  }
0x5fd: {  	s29 =	sld [smem:$0x7D8]  }
0x5fe: {  	[sflag:s7] =	ssyncset.done $0x0  }
0x5ff: {  	[sflag:s7] =	ssyncadd.s32 $0xFFFF6000  }
0x600: {  	[hbm4b:s29+s6] =	stream.strided.scatter [tilespmem:s4], [sflag:$0x3], $0xA000, s8, s6, $0x38;
	[tilespmem:$0x1BD00] =	vst v63  }
0x601: {  	_ =	swait.ge [sflag:s11], $0xA000  }
0x602: {  	s30 =	sld [smem:$0x7D9]  }
0x603: {  	[sflag:s11] =	ssyncset.done $0x0  }
0x604: {  	[sflag:s11] =	ssyncadd.s32 $0xFFFF6000  }
0x605: {  	[hbm4b:s30+s6] =	stream.strided.scatter [tilespmem:s3], [sflag:$0x4], $0xA000, s8, s6, $0x38;
	[tilespmem:$0x1BD00] =	vst v63  }
0x606: {  	_ =	swait.ge [sflag:s9], $0xA000  }
0x607: {  	[sflag:s9] =	ssyncset.done $0x0  }
0x608: {  	[sflag:s9] =	ssyncadd.s32 $0xFFFF6000  }
0x609: {  	_ =	swait.ge [sflag:s10], $0xA000  }
0x60a: {  	[sflag:s10] =	ssyncset.done $0x0  }
0x60b: {  	[sflag:s10] =	ssyncadd.s32 $0xFFFF6000  }
0x60c: {  	_ =	sfence.sel $0x180000  }
0x60d: {  	[bflag:$0x0] =	sbarrier.arrive $0xFFFF  }
0x60e: {  	_ =	strace $0x90000047  }
0x60f: {  	s31 =	stileid.u32;
	[bflag:$0x2] =	sbarrier.arrive $0xFFFF  }
0x610: {  	p0 =	sne.s32 s31, $0x0;
	s0 =	rddreg [dreg:$0x2]  }
0x611: {  	s0 =	sadd.s32 @!p0 $0x100000, s0  }
0x612: {  	[sflag:s0] =	ssyncadd.tile.s32 @!p0 $0x1;
	_ =	shalt  }
.Lfunc_end2:
_tile_overlayer_lowered:
.L_overlay_start_2:
0x613: {  	(tag) =	ssettag $0x2  }
0x614: {  	s0 =	rddreg [dreg:$0x0];
	s2 =	stileid.u32  }
0x615: {  	s1 =	rddreg [dreg:$0x1];
	p0 =	sne.s32 s2, $0x0  }
0x616: {  	s3 =	rddreg [dreg:$0x2];
	[bflag:$0x3] =	sbarrier.arrive $0xFFFF;
	s2 =	simm.s32 @!p0 $0x1C05  }
0x617: {  	[timem:s3], [sflag:s2] =	dma.local @!p0 [hbm:s0], s1  }
0x618: {  	s0 =	simm.s32 @!p0 $0x5  }
0x619: {  	_ =	swait.ge @!p0 [sflag:s0], s1  }
0x61a: {  	s1 =	ssub.s32 @!p0 $0x0, s1;
	[sflag:s0] =	ssyncset.done @!p0 $0x0  }
0x61b: {  	[sflag:s0] =	ssyncadd.s32 @!p0 s1  }
0x61c: {  	[bflag:$0x3] =	sbarrier.arrive $0xFFFF  }
0x61d: {  	_ =	shalt  }

// kernel: sparse-core-data-format-call.cloned.1.call-start
scs
called_computation_lowered:
.L_overlay_start_0:
0x0: {  	s2 =	sld [smem:$0x3FD9]  }
0x1: {  	s3 =	sld [smem:$0x3FFE];
	_ =	sdelay $0x1  }
0x2: {  	s1 =	srdreg.scid  }
0x3: {  	s0 =	sand.u32 $0x1, s1  }
0x4: {  	s18 =	sshll.u32 s0, $0xA;
	s2 =	sadd.s32 s3, s2  }
0x5: {  	s2 =	sadd.s32 s2, s18  }
0x6: {  	[smem:$0x3FC2] =	sst s2  }
0x7: {  	_ = 	snop  }
0x8: {  	s2 =	sld [smem:$0x3FD0];
	(tm) =	ssettm $0x1  }
0x9: {  	s19 =	sld [smem:$0x3FFB];
	_ =	sdelay $0x3  }
0xa: {  	_ =	strace s19  }
0xb: {  	s3 =	sld [smem:$0x3FFC];
	_ =	sdelay $0x3  }
0xc: {  	_ =	strace s3  }
0xd: {  	s3 =	sld [smem:$0x3FFD];
	_ =	sdelay $0x3  }
0xe: {  	_ =	strace s3  }
0xf: {  	_ =	strace $0x8FFFFFFF  }
0x10: {  	s20 =	sld [smem:$0x3FDB];
	_ =	sdelay $0x1  }
0x11: {  	s4 =	simm.s32 $_scs_section_size  }
0x12: {  	s5 =	simm.s32 $_size__tile_overlayer_lowered;
	s6 =	simm.s32 $_tile_overlayer_lowered  }
0x13: {  	s23 =	simm.s32 $0x1BFF;
	s22 =	sshll.u32 s6, $0x1;
	s3 =	sadd.s32 s4, s20  }
0x14: {  	s7 =	simm.s32 $0x0;
	s21 =	sshll.u32 s5, $0x1;
	s5 =	sadd.s32 s22, s3  }
0x15: {  	[timem:s7], [sflag:s23] =	dma.local [hbm:s5], s21  }
0x16: {  	_ =	swait.ge [sflag:s23], s21  }
0x17: {  	s4 =	ssub.s32 $0x0, s21;
	[sflag:s23] =	ssyncset.done $0x0  }
0x18: {  	[sflag:s23] =	ssyncadd.s32 s4;
	_ =	sdelay $0x1  }
0x19: {  	s24 =	simm.s32 $0x1B8B  }
0x1a: {  	_ =	swait.ge [sflag:s24], $0x1  }
0x1b: {  	[sflag:s24] =	ssyncset.done $0x0  }
0x1c: {  	s26 =	simm.s32 $0x1B8E;
	s25 =	sld [smem:$0x3FFE];
	[sflag:s24] =	ssyncadd.s32 $0xFFFFFFFF  }
0x1d: {  	s27 =	simm.s32 $execute0_lowered;
	[smem:$0x3FD2] =	sst s26  }
0x1e: {  	s5 =	sshll.u32 s27, $0x1;
	_ =	strace $0x80000049;
	[dreg:$0x1] =	wrdreg $0xFFFFFFFF  }
0x1f: {  	s28 =	simm.s32 $_size_execute0_lowered;
	s3 =	sadd.s32 s3, s5;
	[dreg:$0x0] =	wrdreg $0x0  }
0x20: {  	s5 =	sshll.u32 s28, $0x1;
	[dreg:$0x2] =	wrdreg s3  }
0x21: {  	[dreg:$0x3] =	wrdreg s5  }
0x22: {  	[dreg:$0x4] =	wrdreg $0xC0  }
0x23: {  	_ =	task [dreg:s7], $0x5FFFF  }
0x24: {  	[dreg:$0x1] =	wrdreg $0xFFFFFFFF  }
0x25: {  	[dreg:$0x0] =	wrdreg $0x60  }
0x26: {  	[dreg:$0x2] =	wrdreg s25  }
0x27: {  	[dreg:$0x3] =	wrdreg s2  }
0x28: {  	[dreg:$0x4] =	wrdreg $0x9  }
0x29: {  	_ =	task.clear_ibuf [dreg:s7], $0x5FFFF;
	_ =	strace $0x90000049  }
0x2a: {  	s29 =	simm.s32 $0x9;
	_ =	strace $0x8000004B  }
0x2b: {  	_ =	swait.ge [sflag:s29], $0x1  }
0x2c: {  	[sflag:s29] =	ssyncadd.s32 $0xFFFFFFFF  }
0x2d: {  	_ =	strace $0x9000004B  }
0x2e: {  	_ =	sfence  }
0x2f: {  	s30 =	sld [smem:$0x0];
	_ =	sdelay $0x2  }
0x30: {  	s31 =	sshll.u32 s1, $0xD;
	s1 =	sshrl.u32 s1, $0x2  }
0x31: {  	s3 =	sand.u32 $0x4000, s31;
	s1 =	sadd.s32 s1, s30  }
0x32: {  	s0 =	sor.u32 s3, s0;
	s1 =	sshll.u32 s1, $0x11  }
0x33: {  	s0 =	sor.u32 s1, s0  }
0x34: {  	s0 =	sadd.s32 $0x8F2B, s0  }
0x35: {  	[sflag:s0] =	ssyncadd.remote.s32 $0x1  }
0x36: {  	_ =	sfence.sel $0xFFFF  }
0x37: {  	[dreg:$0x0] =	wrdreg $0xFFFFFFFF;
	(pc) =	sbr.abs _section_cstart, $3  }
0x38: {  	[dreg:$0x1] =	wrdreg $0xFFFFFFFF  }
0x39: {  	_ =	task.clear_ibuf [dreg:s7], $0x2FFFF;
	_ =	strace $0x9FFFFFFF  }
0x3a: {  	(tm) =	ssettm $0x7FFFFFFF  }
0x3b: {  	_ =	shalt  }
tec
execute0_lowered:
.L_overlay_start_1:
0x0: {  	(tag) =	ssettag $0x1  }
0x1: {  	s0 =	srdreg.scid  }
0x2: {  	s1 =	sshll.u32 s0, $0x4  }
0x3: {  	s6 =	rddreg [dreg:$0x0];
	s0 =	stileid.u32;
	s1 =	sand.u32 $0x10, s1  }
0x4: {  	s3 =	rddreg [dreg:$0x1];
	s1 =	sor.u32 s0, s1  }
0x5: {  	s5 =	simm.s32 $0x1;
	s31 =	simm.s32 $0x2;
	s2 =	sshll.u32 s1, $0x7  }
0x6: {  	s13 =	simm.s32 $0x0;
	s8 =	simm.s32 $0x8000;
	s4 =	ssub.s32 $0x1000, s2  }
0x7: {  	s14 =	simm.s32 $0x0;
	s15 =	simm.s32 $0x0;
	s30 =	sand.u32 $0xF80, s4  }
0x8: {  	s9 =	simm.s32 $0x0;
	s11 =	simm.s32 $0x0;
	p0 =	sne.s32 s30, $0x0  }
.Ltmp0:
0x9: {  	s7 =	sshrl.u32 s4, $0xC;
	s5 =	simm.s32 @!p0 $0x0;
	(pc) =	sbr.rel .LBB1_1-.Ltmp0, $4  }
0xa: {  	s12 =	simm.s32 $0x0;
	s1 =	rddreg [dreg:$0x2];
	s5 =	sadd.s32 s5, s7  }
0xb: {  	_ =	strace $0x8000004A;
	s4 =	simm.s32 $0x1;
	s5 =	smul.u32 $0xFA, s5  }
0xc: {  	s6 =	sadd.s32 $0x4000, s6;
	s10 =	smov.u32 s2;
	[sflag:s4] =	ssyncpa.u1 $0x0  }
0xd: {  	[sflag:s31] =	ssyncpa.u1 $0x0;
	p0 =	por $0x0, $0x0;
	s7 =	sor.u32 $0x1, s5  }
.LBB1_4:
0xe: {  	s15 =	smul.u32 $0x28000, s15  }
0xf: {  	s18 =	sshll.u32 s14, $0x3;
	s19 =	sand.u32 $0x78, s14;
	s30 =	sand.u32 $0x7E00, s14  }
0x10: {  	s13 =	sshll.u32 s13, $0xF;
	s18 =	sand.u32 $0xC00, s18;
	s15 =	sadd.s32 s3, s15  }
0x11: {  	[tilespmem:s17+$0x810 ss:$0x81] =	vst.msk $0xffff, v2;
	s31 =	sand.u32 $0x7, s14;
	s18 =	sor.u32 s19, s18;
	s15 =	sadd.s32 s30, s15  }
0x12: {  	[tilespmem:s17+$0x1020 ss:$0x81] =	vst.msk $0xffff, v0;
	s14 =	sshll.u32 s31, $0x12;
	s18 =	sshrl.u32 s18, $0x3;
	s13 =	sadd.s32 s13, s15  }
0x13: {  	[tilespmem:s17+$0x0 ss:$0x81] =	vst.msk $0xffff, v1;
	s14 =	sor.u32 $0x400, s14;
	s13 =	sadd.s32 s18, s13  }
0x14: {  	[hbm4b:s13+s14] =	stream.strided.scatter [tilespmem:s16], [sflag:$0x2], $0x2000, s8, s14, $0x20;
	[tilespmem:$0x8080] =	vst v63  }
.LBB1_5:
0x15: {  	s16 =	sadd.s32 $0x1, s9  }
0x16: {  	s13 =	sadd.s32 $0x1000, s10;
	s17 =	smov.u32 s10;
	p2 =	sgt.s32 s16, $0x4  }
0x17: {  	s17 =	smov.u32 @p2 s13  }
0x18: {  	s13 =	simm.s32 $0x1;
	p3 =	sgt.s32 s17, $0xFFF  }
0x19: {  	s13 =	simm.s32 @!p3 $0x0  }
0x1a: {  	s19 =	sadd.s32 s13, s11  }
0x1b: {  	s16 =	simm.s32 @p2 $0x0;
	p2 =	sgt.s32 s19, $0x31  }
0x1c: {  	p1 =	slt.u32 s12, $0x2;
	s19 =	simm.s32 @p2 $0x0;
	p2 =	sne.s32 s12, s7  }
.Ltmp1:
0x1d: {  	s18 =	simm.s32 @!p1 $0x2;
	(pc) =	sbr.rel @!p2 .LBB1_6-.Ltmp1, $4  }
0x1e: {  	s14 =	smov.u32 s10;
	s15 =	smov.u32 s11;
	_ =	swait.ge @!p1 [sflag:s18], $0x2000  }
0x1f: {  	p0 =	por !p0, !p0;
	[sflag:s18] =	ssyncset.done @!p1 $0x0;
	s17 =	smov.u32 @p3 s2  }
0x20: {  	[sflag:s18] =	ssyncadd.s32 @!p1 $0xFFFFE000;
	s13 =	smov.u32 s9;
	s9 =	smov.u32 s16  }
0x21: {  	s10 =	smov.u32 s17;
	s12 =	sadd.s32 $0x1, s12;
	s11 =	smov.u32 s19  }
.LBB1_1:
0x22: {  	p1 =	sge.u32 s12, s5;
	s31 =	sadd.s32 $0xFFFFFFFF, s12  }
0x23: {  	s16 =	sxor.u32 @!p1 $0xFFFFFFFF, s12;
	s17 =	sshll.u32 @!p1 s11, $0x13;
	s18 =	sshll.u32 @!p1 s10, $0x7  }
0x24: {  	s19 =	sshll.u32 @!p1 s9, $0x4;
	s16 =	sshll.u32 @!p1 s16, $0xD;
	s17 =	sadd.s32 @!p1 s6, s17  }
0x25: {  	s19 =	sand.u32 @!p1 $0x70, s19;
	s16 =	sand.u32 @!p1 $0x2000, s16;
	s17 =	sadd.s32 @!p1 s18, s17  }
0x26: {  	s18 =	simm.s32 @!p1 $0x40;
	s17 =	sadd.s32 @!p1 s19, s17;
	s19 =	simm.s32 @!p1 $0x400  }
0x27: {  	[tilespmem:s16], [sflag:$0x1] =	stream.strided.gather @!p1 [hbm4b:s17+s18], $0x2000, s19, s18, $0x38;
	[tilespmem:$0x8080] =	vst v63  }
0x28: {  	p1 =	sge.u32 s31, s5  }
.Ltmp2:
0x29: {  	_ = 	snop;
	(pc) =	sbr.rel @p1 .LBB1_5-.Ltmp2, $1  }
0x2a: {  	_ =	sdelay $0x3  }
0x2b: {  	s16 =	simm.s32 $0x1  }
0x2c: {  	_ =	swait.ge [sflag:s4], $0x2000;
	s16 =	simm.s32 @!p0 $0x0  }
0x2d: {  	[sflag:s4] =	ssyncset.done $0x0;
	s17 =	sshll.u32 s16, $0xD  }
0x2e: {  	[sflag:s4] =	ssyncadd.s32 $0xFFFFE000;
	s20 =	sor.u32 $0x20, s17  }
0x2f: {  	s16 =	smul.u32 $0x8100, s16;
	v3 =	vld [tilespmem:s20+$0x10]  }
0x30: {  	s30 =	sand.u32 $0x1, s12;
	v2 =	vld [tilespmem:s20+$0xFFFFFFF0]  }
0x31: {  	s17 =	smul.u32 $0x8100, s30;
	s16 =	sshrl.u32 s16, $0x2;
	v0 =	vld [tilespmem:s20+$0x0]  }
0x32: {  	v1 =	vld [tilespmem:s20+$0xFFFFFFE0];
	s18 =	sor.u32 $0x4000, s16  }
0x33: {  	s31 =	sshrl.u32 s17, $0x2;
	s17 =	sadd.s32 $0x0, s18  }
0x34: {  	s19 =	simm.s32 $0x4;
	s20 =	sadd.s32 $0x40, s20;
	s16 =	sor.u32 $0x4000, s31;
	[tilespmem:s17+$0x1830 ss:$0x81] =	vst.msk $0xffff, v3  }
.LBB1_3:
0x35: {  	v3 =	vld [tilespmem:s20+$0x10];
	p1 =	sne.s32 s19, $0x1FC;
	[tilespmem:s17+$0x810 ss:$0x81] =	vst.msk $0xffff, v2;
	s21 =	smov.u32 s19;
	s19 =	sadd.s32 $0x4, s19  }
.Ltmp3:
0x36: {  	v2 =	vld [tilespmem:s20+$0xFFFFFFF0];
	[tilespmem:s17+$0x1020 ss:$0x81] =	vst.msk $0xffff, v0;
	(pc) =	sbr.rel @p1 .LBB1_3-.Ltmp3, $4  }
0x37: {  	v0 =	vld [tilespmem:s20+$0x0];
	[tilespmem:s17+$0x0 ss:$0x81] =	vst.msk $0xffff, v1  }
0x38: {  	s17 =	sshra.s32 s21, $0x2;
	v1 =	vld [tilespmem:s20+$0xFFFFFFE0]  }
0x39: {  	s17 =	sadd.s32 s17, s18  }
0x3a: {  	s20 =	sadd.s32 $0x40, s20;
	[tilespmem:s17+$0x1830 ss:$0x81] =	vst.msk $0xffff, v3  }
.Ltmp4:
0x3b: {  	_ = 	snop;
	(pc) =	sbr.rel .LBB1_4-.Ltmp4, $1  }
0x3c: {  	_ =	sdelay $0x3  }
.LBB1_6:
0x3d: {  	_ =	sfence.sel $0x180000  }
0x3e: {  	s2 =	simm.s32 $0x1;
	[bflag:$0x0] =	sbarrier.arrive $0xFFFF  }
0x3f: {  	s31 =	simm.s32 $0x2;
	[sflag:s2] =	ssyncpa.u1 $0x1  }
0x40: {  	[sflag:s31] =	ssyncpa.u1 $0x1  }
0x41: {  	p0 =	sne.s32 s0, $0x0;
	_ =	strace $0x9000004A  }
0x42: {  	s0 =	sadd.s32 @!p0 $0x100000, s1;
	[bflag:$0x2] =	sbarrier.arrive $0xFFFF  }
0x43: {  	[sflag:s0] =	ssyncadd.tile.s32 @!p0 $0x1;
	_ =	shalt  }
.Lfunc_end1:
_tile_overlayer_lowered:
.L_overlay_start_2:
0x44: {  	(tag) =	ssettag $0x2  }
0x45: {  	s0 =	rddreg [dreg:$0x0];
	s2 =	stileid.u32  }
0x46: {  	s1 =	rddreg [dreg:$0x1];
	p0 =	sne.s32 s2, $0x0  }
0x47: {  	s3 =	rddreg [dreg:$0x2];
	[bflag:$0x3] =	sbarrier.arrive $0xFFFF;
	s2 =	simm.s32 @!p0 $0x1C01  }
0x48: {  	[timem:s3], [sflag:s2] =	dma.local @!p0 [hbm:s0], s1  }
0x49: {  	s0 =	simm.s32 @!p0 $0x1  }
0x4a: {  	_ =	swait.ge @!p0 [sflag:s0], s1  }
0x4b: {  	s1 =	ssub.s32 @!p0 $0x0, s1;
	[sflag:s0] =	ssyncset.done @!p0 $0x0  }
0x4c: {  	[sflag:s0] =	ssyncadd.s32 @!p0 s1  }
0x4d: {  	[bflag:$0x3] =	sbarrier.arrive $0xFFFF  }
0x4e: {  	_ =	shalt  }

</sc_bundles>
